<compile_context>
chip_gen: v7x
topology: tpu7x:2x2x1
jax: 0.10.2.dev20260603
libtpu: 0.0.44.dev20260713+nightly
codegen_flags: <defaults>
</compile_context>

<pallas_src>
import functools

import jax
import jax.numpy as jnp
from jax import lax
from jax.experimental import pallas as pl
from jax.experimental.pallas import tpu as pltpu
from jax.experimental.pallas import tpu_sc as plsc

N = 10000
E = 320000
B = 64
N_PAD = 10240
DUMMY = 10000
NT = 32
EPT = E // NT
NB_E = 79
EPT_P = NB_E * 128
SEG_PAD = 80
CNT_PAD = 128
F32 = jnp.float32
I32 = jnp.int32

_mesh = functools.partial(
    plsc.VectorSubcoreMesh, core_axis_name="c", subcore_axis_name="s",
    num_cores=2, num_subcores=16)


@functools.cache
def _deg_kernel():
    @functools.partial(
        pl.kernel,
        out_type=(jax.ShapeDtypeStruct((2 * N_PAD,), F32),
                  jax.ShapeDtypeStruct((2 * CNT_PAD,), F32)),
        mesh=_mesh(),
        scratch_types=dict(
            dstv=pltpu.VMEM((NB_E, 128), I32),
            bidx=pltpu.VMEM((3, 128), I32),
            ones=pltpu.VMEM((128,), F32),
            dbuf=pltpu.VMEM((640,), F32),
            degacc=pltpu.VMEM_SHARED((N_PAD,), F32),
            cacc=pltpu.VMEM_SHARED((CNT_PAD,), F32),
        ),
    )
    def deg_k(dst_hbm, bcnt_hbm, zeros1d, degf, countsf,
              dstv, bidx, ones, dbuf, degacc, cacc):
        c = lax.axis_index("c")
        s = lax.axis_index("s")
        w = c * 16 + s
        one16 = jnp.ones((16,), F32)

        def fill_ones(i, _):
            ones[pl.ds(i * 16, 16)] = one16
            return 0
        lax.fori_loop(0, 8, fill_ones, 0)

        pltpu.sync_copy(zeros1d, degacc.at[pl.ds(s * 640, 640)])

        @pl.when(s == 0)
        def _():
            pltpu.sync_copy(zeros1d.at[pl.ds(0, CNT_PAD)], cacc)

        pltpu.sync_copy(dst_hbm.at[w], dstv)
        pltpu.sync_copy(bcnt_hbm.at[w], bidx)
        plsc.subcore_barrier()

        def edge_step(j, _):
            pltpu.sync_copy(ones, degacc.at[dstv.at[j]], add=True)
            return 0
        lax.fori_loop(0, NB_E, edge_step, 0)

        def cnt_step(j, _):
            pltpu.sync_copy(ones, cacc.at[bidx.at[j]], add=True)
            return 0
        lax.fori_loop(0, 3, cnt_step, 0)

        plsc.subcore_barrier()
        pltpu.sync_copy(degacc.at[pl.ds(s * 640, 640)], dbuf)
        pltpu.sync_copy(dbuf, degf.at[pl.ds(c * N_PAD + s * 640, 640)])

        @pl.when(s == 0)
        def _():
            pltpu.sync_copy(cacc, dbuf.at[pl.ds(0, CNT_PAD)])
            pltpu.sync_copy(dbuf.at[pl.ds(0, CNT_PAD)],
                            countsf.at[pl.ds(c * CNT_PAD, CNT_PAD)])

    return deg_k


@functools.cache
def _agg_kernel():
    @functools.partial(
        pl.kernel,
        out_type=jax.ShapeDtypeStruct((2 * N_PAD, 128), F32),
        mesh=_mesh(),
        scratch_types=dict(
            srcv=pltpu.VMEM((NB_E, 128), I32),
            dstv=pltpu.VMEM((NB_E, 128), I32),
            gbuf=pltpu.VMEM((128, 128), F32),
            acc=pltpu.VMEM_SHARED((N_PAD, 128), F32),
        ),
    )
    def agg_k(table, src_hbm, dst_hbm, zeros2d, out, srcv, dstv, gbuf, acc):
        c = lax.axis_index("c")
        s = lax.axis_index("s")
        pltpu.sync_copy(zeros2d, acc.at[pl.ds(s * 640, 640)])
        plsc.subcore_barrier()
        for ep in range(2):
            w = ep * 16 + s
            pltpu.sync_copy(dst_hbm.at[w], dstv)
            pltpu.sync_copy(src_hbm.at[c * NT + w], srcv)

            def edge_step(j, _):
                pltpu.sync_copy(table.at[srcv.at[j]], gbuf)
                pltpu.sync_copy(gbuf, acc.at[dstv.at[j]], add=True)
                return 0
            lax.fori_loop(0, NB_E, edge_step, 0)
        plsc.subcore_barrier()
        for q in range(5):
            pltpu.sync_copy(acc.at[pl.ds(s * 640 + q * 128, 128)], gbuf)
            pltpu.sync_copy(
                gbuf, out.at[pl.ds(c * N_PAD + s * 640 + q * 128, 128)])

    return agg_k


@functools.cache
def _pool_kernel():
    @functools.partial(
        pl.kernel,
        out_type=(jax.ShapeDtypeStruct((NT * SEG_PAD * 512,), F32),
                  jax.ShapeDtypeStruct((NT * SEG_PAD * 512,), F32)),
        mesh=_mesh(),
        compiler_params=pltpu.CompilerParams(needs_layout_passes=False),
        scratch_types=dict(
            bvm=pltpu.VMEM((640,), I32),
            rowbuf=pltpu.VMEM((32, 512), F32),
            sumacc=pltpu.VMEM((SEG_PAD * 512,), F32),
            maxacc=pltpu.VMEM((SEG_PAD * 512,), F32),
        ),
    )
    def pool_k(h3, s3, bp1d, sumpf, maxpf, bvm, rowbuf, sumacc, maxacc):
        c = lax.axis_index("c")
        s = lax.axis_index("s")
        pltpu.sync_copy(bp1d.at[s], bvm)
        z16 = jnp.zeros((16,), F32)

        def zrow(r, _):
            sumacc[pl.ds(r * 16, 16)] = z16
            maxacc[pl.ds(r * 16, 16)] = z16
            return 0
        lax.fori_loop(0, SEG_PAD * 32, zrow, 0)

        lane = lax.iota(I32, 16)

        def branch(tbl):
            def qstep(q, _q):
                pltpu.sync_copy(tbl.at[pl.ds(s * 640 + q * 32, 32)],
                                rowbuf)

                def grp(t, _):
                    segv = bvm[pl.ds(q * 32 + t * 16, 16)]

                    def row(j, _2):
                        r = t * 16 + j
                        splat = segv[jnp.full((16,), 0, I32) + j]
                        base = splat * 512 + lane
                        for k in range(32):
                            idxv = base + (k * 16)
                            val = rowbuf[r, pl.ds(k * 16, 16)]
                            cs = plsc.load_gather(sumacc, [idxv])
                            plsc.store_scatter(sumacc, [idxv], cs + val)
                            cm = plsc.load_gather(maxacc, [idxv])
                            plsc.store_scatter(maxacc, [idxv],
                                               jnp.maximum(cm, val))
                        return 0
                    lax.fori_loop(0, 16, row, 0)
                    return 0
                lax.fori_loop(0, 2, grp, 0)
                return 0
            lax.fori_loop(0, 20, qstep, 0)

        @pl.when(c == 0)
        def _():
            branch(h3)

        @pl.when(c == 1)
        def _():
            branch(s3)

        off = (c * 16 + s) * (SEG_PAD * 512)
        pltpu.sync_copy(sumacc, sumpf.at[pl.ds(off, SEG_PAD * 512)])
        pltpu.sync_copy(maxacc, maxpf.at[pl.ds(off, SEG_PAD * 512)])

    return pool_k


def _prep_body(x_ref, sf_ref, d0_ref, d1_ref, xp_ref, dinv_ref):
    deg = d0_ref[...] + d1_ref[...] + 1.0
    dv = lax.rsqrt(deg)
    dinv_ref[...] = dv
    xp_ref[0] = dv * x_ref[...]
    xp_ref[1] = dv * sf_ref[...]


@functools.cache
def _prep_call():
    bn = 640
    grid = N_PAD // bn
    return pl.pallas_call(
        _prep_body,
        grid=(grid,),
        in_specs=[
            pl.BlockSpec((bn, 128), lambda i: (i, 0)),
            pl.BlockSpec((bn, 128), lambda i: (i, 0)),
            pl.BlockSpec((bn, 1), lambda i: (i, 0)),
            pl.BlockSpec((bn, 1), lambda i: (i, 0)),
        ],
        out_specs=[
            pl.BlockSpec((2, bn, 128), lambda i: (0, i, 0)),
            pl.BlockSpec((bn, 1), lambda i: (i, 0)),
        ],
        out_shape=[
            jax.ShapeDtypeStruct((2, N_PAD, 128), F32),
            jax.ShapeDtypeStruct((N_PAD, 1), F32),
        ],
    )


@functools.cache
def _layer_call(cb, f_out, scale_out):
    bn = 640
    grid = N_PAD // bn
    ko = f_out // 128

    def body(*refs):
        g_refs = refs[:cb]
        xp_ref, dinv_ref, wh_ref, ws_ref, bh_ref, bs_ref = refs[cb:cb + 6]
        out_refs = refs[cb + 6:]
        dv = dinv_ref[...]
        gh = jnp.concatenate([g_refs[k][0] for k in range(cb)], axis=1)
        gs = jnp.concatenate([g_refs[k][1] for k in range(cb)], axis=1)
        xh = jnp.concatenate([xp_ref[2 * k] for k in range(cb)], axis=1)
        xs = jnp.concatenate([xp_ref[2 * k + 1] for k in range(cb)], axis=1)
        uh = dv * (gh + xh)
        us = dv * (gs + xs)
        h = jax.nn.relu(jnp.dot(uh, wh_ref[...],
                                preferred_element_type=F32) + bh_ref[...])
        sb = jax.nn.relu(jnp.dot(us, ws_ref[...],
                                 preferred_element_type=F32) + bs_ref[...])
        if scale_out:
            h = dv * h
            sb = dv * sb
            o = out_refs[0]
            for k in range(ko):
                o[2 * k] = h[:, k * 128:(k + 1) * 128]
                o[2 * k + 1] = sb[:, k * 128:(k + 1) * 128]
        else:
            out_refs[0][...] = h
            out_refs[1][...] = sb

    if scale_out:
        out_specs = [pl.BlockSpec((2 * ko, bn, 128), lambda i: (0, i, 0))]
        out_shape = [jax.ShapeDtypeStruct((2 * ko, N_PAD, 128), F32)]
    else:
        out_specs = [pl.BlockSpec((bn, f_out), lambda i: (i, 0))] * 2
        out_shape = [jax.ShapeDtypeStruct((N_PAD, f_out), F32)] * 2

    return pl.pallas_call(
        body,
        grid=(grid,),
        in_specs=[pl.BlockSpec((2, bn, 128), lambda i: (0, i, 0))] * cb + [
            pl.BlockSpec((2 * cb, bn, 128), lambda i: (0, i, 0)),
            pl.BlockSpec((bn, 1), lambda i: (i, 0)),
            pl.BlockSpec((cb * 128, f_out), lambda i: (0, 0)),
            pl.BlockSpec((cb * 128, f_out), lambda i: (0, 0)),
            pl.BlockSpec((1, f_out), lambda i: (0, 0)),
            pl.BlockSpec((1, f_out), lambda i: (0, 0)),
        ],
        out_specs=out_specs,
        out_shape=out_shape,
    )


def _head_body(sump_h, sump_s, maxp_h, maxp_s, c0, c1,
               wg1, bg1, wg2, bg2, ws1, bs1, ws2, bs2,
               wf1, bf1, wf2, bf2, wo, bo, out):
    cnt = jnp.maximum(c0[:B] + c1[:B], 1.0)
    sum_h = jnp.sum(sump_h[...], axis=0)
    sum_s = jnp.sum(sump_s[...], axis=0)
    max_h = jnp.max(maxp_h[...], axis=0)
    max_s = jnp.max(maxp_s[...], axis=0)
    gin = jnp.concatenate([sum_h[:B] / cnt, max_h[:B]], axis=1)
    sin = jnp.concatenate([sum_s[:B] / cnt, max_s[:B]], axis=1)

    hi = lax.Precision.HIGHEST

    def mlp(z, w1, b1, w2, b2):
        z = jax.nn.relu(jnp.dot(z, w1[...], precision=hi,
                                preferred_element_type=F32) + b1[...])
        return jax.nn.relu(jnp.dot(z, w2[...], precision=hi,
                                   preferred_element_type=F32) + b2[...])

    g = mlp(gin, wg1, bg1, wg2, bg2)
    s = mlp(sin, ws1, bs1, ws2, bs2)
    z = jnp.concatenate([g, s], axis=1)
    z = mlp(z, wf1, bf1, wf2, bf2)
    out[...] = jnp.dot(z, wo[...], precision=hi,
                       preferred_element_type=F32) + bo[...]


@functools.cache
def _head_call():
    return pl.pallas_call(
        _head_body,
        out_shape=jax.ShapeDtypeStruct((B, 1), F32),
    )


def kernel(x, edge_index, edge_attr, batch, solvent_fingerprint,
           W1, b1, W2, b2, W3, b3, Wg1, bg1, Wg2, bg2,
           Ws1, bs1, Ws2, bs2, Ws3, bs3, Wsf1, bsf1, Wsf2, bsf2,
           Wf1, bf1, Wf2, bf2, Wo, bo):
    src = edge_index[0].astype(I32)
    dst = edge_index[1].astype(I32)
    pad_e = EPT_P - EPT
    src_t = jnp.pad(src.reshape(NT, EPT), ((0, 0), (0, pad_e)))
    dst_t = jnp.pad(dst.reshape(NT, EPT), ((0, 0), (0, pad_e)),
                    constant_values=DUMMY).reshape(NT, NB_E, 128)
    src2 = jnp.stack([src_t, src_t + N_PAD])
    src12 = src2.reshape(2 * NT, NB_E, 128)
    src3b = (src2 + 2 * N_PAD).reshape(2 * NT, NB_E, 128)

    bp = jnp.concatenate(
        [batch.astype(I32), jnp.full((N_PAD - N,), B, I32)])
    bp1d = bp.reshape(16, 640)
    bcnt = jnp.concatenate(
        [bp.reshape(NT, 320), jnp.full((NT, 64), B, I32)],
        axis=1).reshape(NT, 3, 128)

    zeros1d = jnp.zeros((640,), F32)
    zeros2d = jnp.zeros((640, 128), F32)

    degf, countsf = _deg_kernel()(dst_t, bcnt, zeros1d)
    deg0 = degf[:N_PAD].reshape(N_PAD, 1)
    deg1 = degf[N_PAD:].reshape(N_PAD, 1)
    c0 = countsf[:SEG_PAD].reshape(SEG_PAD, 1)
    c1 = countsf[CNT_PAD:CNT_PAD + SEG_PAD].reshape(SEG_PAD, 1)

    x_p = jnp.pad(x, ((0, N_PAD - N), (0, 0)))
    sf_p = jnp.pad(solvent_fingerprint, ((0, N_PAD - N), (0, 0)))
    xp12, dinv = _prep_call()(x_p, sf_p, deg0, deg1)
    xp_flat = xp12.reshape(2 * N_PAD, 128)

    agg = _agg_kernel()
    g1 = agg(xp_flat, src12, dst_t, zeros2d).reshape(2, N_PAD, 128)
    (xp2,) = _layer_call(1, 128, True)(
        g1, xp12, dinv, W1, Ws1, b1.reshape(1, -1), bs1.reshape(1, -1))
    g2 = agg(xp2.reshape(2 * N_PAD, 128), src12, dst_t,
             zeros2d).reshape(2, N_PAD, 128)
    (xp3,) = _layer_call(1, 256, True)(
        g2, xp2, dinv, W2, Ws2, b2.reshape(1, -1), bs2.reshape(1, -1))
    xp3_flat = xp3.reshape(4 * N_PAD, 128)
    g3a = agg(xp3_flat, src12, dst_t, zeros2d).reshape(2, N_PAD, 128)
    g3b = agg(xp3_flat, src3b, dst_t, zeros2d).reshape(2, N_PAD, 128)
    h3, s3 = _layer_call(2, 512, False)(
        g3a, g3b, xp3, dinv, W3, Ws3, b3.reshape(1, -1), bs3.reshape(1, -1))

    sumpf, maxpf = _pool_kernel()(h3, s3, bp1d)
    half = 16 * SEG_PAD * 512
    sump_h = sumpf[:half].reshape(16, SEG_PAD, 512)
    sump_s = sumpf[half:].reshape(16, SEG_PAD, 512)
    maxp_h = maxpf[:half].reshape(16, SEG_PAD, 512)
    maxp_s = maxpf[half:].reshape(16, SEG_PAD, 512)
    out = _head_call()(
        sump_h, sump_s, maxp_h, maxp_s,
        c0, c1,
        Wg1, bg1.reshape(1, -1), Wg2, bg2.reshape(1, -1),
        Wsf1, bsf1.reshape(1, -1), Wsf2, bsf2.reshape(1, -1),
        Wf1, bf1.reshape(1, -1), Wf2, bf2.reshape(1, -1),
        Wo, bo.reshape(1, -1))
    return out

# --- scband reference (transcript-rebuilt; emitter-appended) ---
"""Pipeline reference for scband-gcnnet-solvent-graph-66391604462259 (READ-ONLY COPY).

The authoritative reference and input builder live on the scoring server;
editing this copy changes nothing except your own understanding.
"""

import jax, jax.numpy as jnp
import numpy as np

N = 10000
E = 320000
NF = 128
SF = 128
B = 64
OUT = 1


def _w(k, fan_in, fan_out):
    return jax.random.normal(k, (fan_in, fan_out), jnp.float32) * (1.0 / np.sqrt(fan_in))


def setup_inputs(seed: int = 0):
    key = jax.random.key(seed)
    ks = jax.random.split(key, 40)
    inp = {}
    inp['x'] = jax.random.normal(ks[0], (N, NF), jnp.float32)
    inp['edge_index'] = jax.random.randint(ks[1], (2, E), 0, N)
    inp['edge_attr'] = jax.random.normal(ks[2], (E, 16), jnp.float32)
    inp['batch'] = jnp.sort(jax.random.randint(ks[3], (N,), 0, B))
    inp['solvent_fingerprint'] = jax.random.normal(ks[4], (N, SF), jnp.float32)
    dims = [('W1', NF, NF), ('W2', NF, 2 * NF), ('W3', 2 * NF, 4 * NF),
            ('Wg1', 2 * 4 * NF, 1024), ('Wg2', 1024, 128),
            ('Ws1', SF, SF), ('Ws2', SF, 2 * SF), ('Ws3', 2 * SF, 4 * SF),
            ('Wsf1', 2 * 4 * SF, 1024), ('Wsf2', 1024, 128),
            ('Wf1', 256, 1024), ('Wf2', 1024, 512), ('Wo', 512, OUT)]
    i = 5
    for name, fi, fo in dims:
        inp[name] = _w(ks[i], fi, fo)
        inp['b' + name[1:]] = jnp.zeros((fo,), jnp.float32)
        i += 1
    return inp


def _gcn(x, src, dst, norm, W, b):
    h = x @ W
    out = jax.ops.segment_sum(norm[:, None] * h[src], dst, num_segments=N)
    return out + b


def _pool(x, batch):
    counts = jax.ops.segment_sum(jnp.ones((x.shape[0],), jnp.float32), batch, num_segments=B)
    mean = jax.ops.segment_sum(x, batch, num_segments=B) / jnp.maximum(counts, 1.0)[:, None]
    mx = jax.ops.segment_max(x, batch, num_segments=B)
    mx = jnp.where(counts[:, None] > 0, mx, 0.0)
    return jnp.concatenate([mean, mx], axis=1)


def reference(x, edge_index, edge_attr, batch, solvent_fingerprint,
              W1, b1, W2, b2, W3, b3, Wg1, bg1, Wg2, bg2,
              Ws1, bs1, Ws2, bs2, Ws3, bs3, Wsf1, bsf1, Wsf2, bsf2,
              Wf1, bf1, Wf2, bf2, Wo, bo):
    # GCN normalization with self-loops (PyG gcn_norm, eval mode so dropout is identity)
    src = jnp.concatenate([edge_index[0], jnp.arange(N, dtype=edge_index.dtype)])
    dst = jnp.concatenate([edge_index[1], jnp.arange(N, dtype=edge_index.dtype)])
    deg = jax.ops.segment_sum(jnp.ones_like(dst, dtype=jnp.float32), dst, num_segments=N)
    dinv = jnp.where(deg > 0, 1.0 / jnp.sqrt(deg), 0.0)
    norm = dinv[src] * dinv[dst]

    h = jax.nn.relu(_gcn(x, src, dst, norm, W1, b1))
    h = jax.nn.relu(_gcn(h, src, dst, norm, W2, b2))
    h = jax.nn.relu(_gcn(h, src, dst, norm, W3, b3))
    g = _pool(h, batch)
    g = jax.nn.relu(g @ Wg1 + bg1)
    g = jax.nn.relu(g @ Wg2 + bg2)

    s = jax.nn.relu(_gcn(solvent_fingerprint, src, dst, norm, Ws1, bs1))
    s = jax.nn.relu(_gcn(s, src, dst, norm, Ws2, bs2))
    s = jax.nn.relu(_gcn(s, src, dst, norm, Ws3, bs3))
    sp = _pool(s, batch)
    sp = jax.nn.relu(sp @ Wsf1 + bsf1)
    sp = jax.nn.relu(sp @ Wsf2 + bsf2)

    z = jnp.concatenate([g, sp], axis=1)
    z = jax.nn.relu(z @ Wf1 + bf1)
    z = jax.nn.relu(z @ Wf2 + bf2)
    return z @ Wo + bo

if __name__ == "__main__":
    import jax
    _d = setup_inputs()
    print(jax.jit(kernel)(*tuple(_d.values())))

</pallas_src>

<mosaic_0001>
#map = affine_map<(d0, d1) -> (0, 0)>
#map1 = affine_map<(d0, d1) -> (0, 0, 0)>
module attributes {stable_mosaic.version = 14 : i64} {
  func.func @agg_k(%arg0: i32, %arg1: i32, %arg2: memref<20480x128xf32, #tpu.memory_space<hbm>>, %arg3: memref<64x79x128xi32, #tpu.memory_space<hbm>>, %arg4: memref<32x79x128xi32, #tpu.memory_space<hbm>>, %arg5: memref<640x128xf32, #tpu.memory_space<hbm>>, %arg6: memref<20480x128xf32, #tpu.memory_space<hbm>>, %arg7: memref<10240x128xf32, #tpu.memory_space<vmem_shared>>, %arg8: memref<79x128xi32, #tpu.memory_space<vmem>>, %arg9: memref<128x128xf32, #tpu.memory_space<vmem>>, %arg10: memref<79x128xi32, #tpu.memory_space<vmem>>) attributes {dimension_semantics = [#tpu.dimension_semantics<core_parallel>, #tpu.dimension_semantics<subcore_parallel>], iteration_bounds = array<i64: 2, 16>, scalar_prefetch = 0 : i64, scratch_operands = 4 : i64, tpu.core_type = #tpu.core_type<sc_vector_subcore>, window_params = [{transform_indices = #map}, {transform_indices = #map1}, {transform_indices = #map1}, {transform_indices = #map}, {transform_indices = #map}]} {
    %mul3A = arith.constant 640 : i32
    %mul3A_0 = arith.muli %arg1, %mul3A : i32
    "tpu.region"() ({
      %run_scoped3A = tpu.sem_alloc : memref<!tpu.dma_semaphore, #tpu.memory_space<semaphore_mem>>
      %dma_start3A = arith.constant 0 : i32
      %dma_start3A_79 = tpu.memref_slice %arg7[%mul3A_0, %dma_start3A] : memref<10240x128xf32, #tpu.memory_space<vmem_shared>> -> memref<640x128xf32, #tpu.memory_space<vmem_shared>>
      tpu.enqueue_dma source(%arg5 : memref<640x128xf32, #tpu.memory_space<hbm>>) target(%dma_start3A_79 : memref<640x128xf32, #tpu.memory_space<vmem_shared>>) target_semaphore(%run_scoped3A : memref<!tpu.dma_semaphore, #tpu.memory_space<semaphore_mem>>)
      %dma_wait3A = arith.constant 0 : i32
      %dma_wait3A_80 = tpu.memref_slice %arg7[%mul3A_0, %dma_wait3A] : memref<10240x128xf32, #tpu.memory_space<vmem_shared>> -> memref<640x128xf32, #tpu.memory_space<vmem_shared>>
      tpu.wait_dma2 semaphore(%run_scoped3A : memref<!tpu.dma_semaphore, #tpu.memory_space<semaphore_mem>>) src(%arg5 : memref<640x128xf32, #tpu.memory_space<hbm>>) dst(%dma_wait3A_80 : memref<640x128xf32, #tpu.memory_space<vmem_shared>>)
      tpu.yield
    }) : () -> ()
    %barrier3A = arith.constant 0 : index
    tpu.barrier barrier_id(%barrier3A)
    %add3A = arith.constant 0 : i32
    %add3A_1 = arith.addi %add3A, %arg1 : i32
    "tpu.region"() ({
      %run_scoped3A = tpu.sem_alloc : memref<!tpu.dma_semaphore, #tpu.memory_space<semaphore_mem>>
      %dma_start3A = arith.constant 0 : i32
      %dma_start3A_79 = arith.constant 0 : i32
      %dma_start3A_80 = tpu.memref_slice %arg4[%add3A_1, %dma_start3A, %dma_start3A_79] : memref<32x79x128xi32, #tpu.memory_space<hbm>> -> memref<1x79x128xi32, #tpu.memory_space<hbm>>
      %dma_start3A_81 = tpu.memref_squeeze %dma_start3A_80 : memref<1x79x128xi32, #tpu.memory_space<hbm>> -> memref<79x128xi32, #tpu.memory_space<hbm>>
      %dma_start3A_82 = arith.constant 0 : i32
      %dma_start3A_83 = arith.constant 0 : i32
      %dma_start3A_84 = tpu.memref_slice %arg4[%add3A_1, %dma_start3A_82, %dma_start3A_83] : memref<32x79x128xi32, #tpu.memory_space<hbm>> -> memref<1x79x128xi32, #tpu.memory_space<hbm>>
      %dma_start3A_85 = tpu.memref_squeeze %dma_start3A_84 : memref<1x79x128xi32, #tpu.memory_space<hbm>> -> memref<79x128xi32, #tpu.memory_space<hbm>>
      tpu.enqueue_dma source(%dma_start3A_85 : memref<79x128xi32, #tpu.memory_space<hbm>>) target(%arg8 : memref<79x128xi32, #tpu.memory_space<vmem>>) target_semaphore(%run_scoped3A : memref<!tpu.dma_semaphore, #tpu.memory_space<semaphore_mem>>)
      %dma_wait3A = arith.constant 0 : i32
      %dma_wait3A_86 = arith.constant 0 : i32
      %dma_wait3A_87 = tpu.memref_slice %arg4[%add3A_1, %dma_wait3A, %dma_wait3A_86] : memref<32x79x128xi32, #tpu.memory_space<hbm>> -> memref<1x79x128xi32, #tpu.memory_space<hbm>>
      %dma_wait3A_88 = tpu.memref_squeeze %dma_wait3A_87 : memref<1x79x128xi32, #tpu.memory_space<hbm>> -> memref<79x128xi32, #tpu.memory_space<hbm>>
      %dma_wait3A_89 = arith.constant 0 : i32
      %dma_wait3A_90 = arith.constant 0 : i32
      %dma_wait3A_91 = tpu.memref_slice %arg4[%add3A_1, %dma_wait3A_89, %dma_wait3A_90] : memref<32x79x128xi32, #tpu.memory_space<hbm>> -> memref<1x79x128xi32, #tpu.memory_space<hbm>>
      %dma_wait3A_92 = tpu.memref_squeeze %dma_wait3A_91 : memref<1x79x128xi32, #tpu.memory_space<hbm>> -> memref<79x128xi32, #tpu.memory_space<hbm>>
      tpu.wait_dma2 semaphore(%run_scoped3A : memref<!tpu.dma_semaphore, #tpu.memory_space<semaphore_mem>>) src(%dma_wait3A_92 : memref<79x128xi32, #tpu.memory_space<hbm>>) dst(%arg8 : memref<79x128xi32, #tpu.memory_space<vmem>>)
      tpu.yield
    }) : () -> ()
    %mul3A_2 = arith.constant 32 : i32
    %mul3A_3 = arith.muli %arg0, %mul3A_2 : i32
    %add3A_4 = arith.addi %mul3A_3, %add3A_1 : i32
    "tpu.region"() ({
      %run_scoped3A = tpu.sem_alloc : memref<!tpu.dma_semaphore, #tpu.memory_space<semaphore_mem>>
      %dma_start3A = arith.constant 0 : i32
      %dma_start3A_79 = arith.constant 0 : i32
      %dma_start3A_80 = tpu.memref_slice %arg3[%add3A_4, %dma_start3A, %dma_start3A_79] : memref<64x79x128xi32, #tpu.memory_space<hbm>> -> memref<1x79x128xi32, #tpu.memory_space<hbm>>
      %dma_start3A_81 = tpu.memref_squeeze %dma_start3A_80 : memref<1x79x128xi32, #tpu.memory_space<hbm>> -> memref<79x128xi32, #tpu.memory_space<hbm>>
      %dma_start3A_82 = arith.constant 0 : i32
      %dma_start3A_83 = arith.constant 0 : i32
      %dma_start3A_84 = tpu.memref_slice %arg3[%add3A_4, %dma_start3A_82, %dma_start3A_83] : memref<64x79x128xi32, #tpu.memory_space<hbm>> -> memref<1x79x128xi32, #tpu.memory_space<hbm>>
      %dma_start3A_85 = tpu.memref_squeeze %dma_start3A_84 : memref<1x79x128xi32, #tpu.memory_space<hbm>> -> memref<79x128xi32, #tpu.memory_space<hbm>>
      tpu.enqueue_dma source(%dma_start3A_85 : memref<79x128xi32, #tpu.memory_space<hbm>>) target(%arg10 : memref<79x128xi32, #tpu.memory_space<vmem>>) target_semaphore(%run_scoped3A : memref<!tpu.dma_semaphore, #tpu.memory_space<semaphore_mem>>)
      %dma_wait3A = arith.constant 0 : i32
      %dma_wait3A_86 = arith.constant 0 : i32
      %dma_wait3A_87 = tpu.memref_slice %arg3[%add3A_4, %dma_wait3A, %dma_wait3A_86] : memref<64x79x128xi32, #tpu.memory_space<hbm>> -> memref<1x79x128xi32, #tpu.memory_space<hbm>>
      %dma_wait3A_88 = tpu.memref_squeeze %dma_wait3A_87 : memref<1x79x128xi32, #tpu.memory_space<hbm>> -> memref<79x128xi32, #tpu.memory_space<hbm>>
      %dma_wait3A_89 = arith.constant 0 : i32
      %dma_wait3A_90 = arith.constant 0 : i32
      %dma_wait3A_91 = tpu.memref_slice %arg3[%add3A_4, %dma_wait3A_89, %dma_wait3A_90] : memref<64x79x128xi32, #tpu.memory_space<hbm>> -> memref<1x79x128xi32, #tpu.memory_space<hbm>>
      %dma_wait3A_92 = tpu.memref_squeeze %dma_wait3A_91 : memref<1x79x128xi32, #tpu.memory_space<hbm>> -> memref<79x128xi32, #tpu.memory_space<hbm>>
      tpu.wait_dma2 semaphore(%run_scoped3A : memref<!tpu.dma_semaphore, #tpu.memory_space<semaphore_mem>>) src(%dma_wait3A_92 : memref<79x128xi32, #tpu.memory_space<hbm>>) dst(%arg10 : memref<79x128xi32, #tpu.memory_space<vmem>>)
      tpu.yield
    }) : () -> ()
    %scan3A = arith.constant 0 : i32
    %scan3A_5 = arith.constant 0 : i32
    %scan3A_6 = arith.constant 79 : i32
    %scan3A_7 = arith.addi %scan3A_5, %scan3A_6 : i32
    %scan3A_8 = arith.constant 1 : i32
    %scan3A_9 = scf.for %scan3A_79 = %scan3A_5 to %scan3A_7 step %scan3A_8 iter_args(%scan3A_80 = %scan3A) -> (i32)  : i32 {
      "tpu.region"() ({
        %run_scoped3A = tpu.sem_alloc : memref<!tpu.dma_semaphore, #tpu.memory_space<semaphore_mem>>
        %dma_start3A = arith.constant 0 : i32
        %dma_start3A_82 = tpu.memref_slice %arg10[%scan3A_79, %dma_start3A] : memref<79x128xi32, #tpu.memory_space<vmem>> -> memref<1x128xi32, #tpu.memory_space<vmem>>
        %dma_start3A_83 = tpu.memref_squeeze %dma_start3A_82 : memref<1x128xi32, #tpu.memory_space<vmem>> -> memref<128xi32, #tpu.memory_space<vmem>>
        %dma_start3A_84 = arith.constant 0 : i32
        %dma_start3A_85 = arith.constant 0 : i32
        %dma_start3A_86 = tpu.memref_slice %arg2[%dma_start3A_84, %dma_start3A_85] : memref<20480x128xf32, #tpu.memory_space<hbm>> -> memref<20480x128xf32, #tpu.memory_space<hbm>>
        tpu.enqueue_indirect_dma source(%dma_start3A_86 : memref<20480x128xf32, #tpu.memory_space<hbm>>) target(%arg9 : memref<128x128xf32, #tpu.memory_space<vmem>>) offsets(%dma_start3A_83 : memref<128xi32, #tpu.memory_space<vmem>>) semaphore(%run_scoped3A : memref<!tpu.dma_semaphore, #tpu.memory_space<semaphore_mem>>)
        %dma_wait3A = arith.constant 0 : i32
        %dma_wait3A_87 = tpu.memref_slice %arg10[%scan3A_79, %dma_wait3A] : memref<79x128xi32, #tpu.memory_space<vmem>> -> memref<1x128xi32, #tpu.memory_space<vmem>>
        %dma_wait3A_88 = tpu.memref_squeeze %dma_wait3A_87 : memref<1x128xi32, #tpu.memory_space<vmem>> -> memref<128xi32, #tpu.memory_space<vmem>>
        %dma_wait3A_89 = arith.constant 0 : i32
        %dma_wait3A_90 = arith.constant 0 : i32
        %dma_wait3A_91 = tpu.memref_slice %arg2[%dma_wait3A_89, %dma_wait3A_90] : memref<20480x128xf32, #tpu.memory_space<hbm>> -> memref<20480x128xf32, #tpu.memory_space<hbm>>
        tpu.wait_indirect_dma semaphore(%run_scoped3A : memref<!tpu.dma_semaphore, #tpu.memory_space<semaphore_mem>>) src(%dma_wait3A_91 : memref<20480x128xf32, #tpu.memory_space<hbm>>) dst(%arg9 : memref<128x128xf32, #tpu.memory_space<vmem>>)
        tpu.yield
      }) : () -> ()
      "tpu.region"() ({
        %run_scoped3A = tpu.sem_alloc : memref<!tpu.dma_semaphore, #tpu.memory_space<semaphore_mem>>
        %dma_start3A = arith.constant 0 : i32
        %dma_start3A_82 = tpu.memref_slice %arg8[%scan3A_79, %dma_start3A] : memref<79x128xi32, #tpu.memory_space<vmem>> -> memref<1x128xi32, #tpu.memory_space<vmem>>
        %dma_start3A_83 = tpu.memref_squeeze %dma_start3A_82 : memref<1x128xi32, #tpu.memory_space<vmem>> -> memref<128xi32, #tpu.memory_space<vmem>>
        %dma_start3A_84 = arith.constant 0 : i32
        %dma_start3A_85 = arith.constant 0 : i32
        %dma_start3A_86 = tpu.memref_slice %arg7[%dma_start3A_84, %dma_start3A_85] : memref<10240x128xf32, #tpu.memory_space<vmem_shared>> -> memref<10240x128xf32, #tpu.memory_space<vmem_shared>>
        tpu.enqueue_indirect_dma source(%arg9 : memref<128x128xf32, #tpu.memory_space<vmem>>) target(%dma_start3A_86 : memref<10240x128xf32, #tpu.memory_space<vmem_shared>>) offsets(%dma_start3A_83 : memref<128xi32, #tpu.memory_space<vmem>>) semaphore(%run_scoped3A : memref<!tpu.dma_semaphore, #tpu.memory_space<semaphore_mem>>) {add = true}
        %dma_wait3A = arith.constant 0 : i32
        %dma_wait3A_87 = tpu.memref_slice %arg8[%scan3A_79, %dma_wait3A] : memref<79x128xi32, #tpu.memory_space<vmem>> -> memref<1x128xi32, #tpu.memory_space<vmem>>
        %dma_wait3A_88 = tpu.memref_squeeze %dma_wait3A_87 : memref<1x128xi32, #tpu.memory_space<vmem>> -> memref<128xi32, #tpu.memory_space<vmem>>
        %dma_wait3A_89 = arith.constant 0 : i32
        %dma_wait3A_90 = arith.constant 0 : i32
        %dma_wait3A_91 = tpu.memref_slice %arg7[%dma_wait3A_89, %dma_wait3A_90] : memref<10240x128xf32, #tpu.memory_space<vmem_shared>> -> memref<10240x128xf32, #tpu.memory_space<vmem_shared>>
        tpu.wait_indirect_dma semaphore(%run_scoped3A : memref<!tpu.dma_semaphore, #tpu.memory_space<semaphore_mem>>) src(%arg9 : memref<128x128xf32, #tpu.memory_space<vmem>>) dst(%dma_wait3A_91 : memref<10240x128xf32, #tpu.memory_space<vmem_shared>>)
        tpu.yield
      }) : () -> ()
      %scan3A_81 = arith.constant 0 : i32
      scf.yield %scan3A_81 : i32
    }
    %scan3A_10 = arith.constant 79 : i32
    %add3A_11 = arith.constant 16 : i32
    %add3A_12 = arith.addi %add3A_11, %arg1 : i32
    "tpu.region"() ({
      %run_scoped3A = tpu.sem_alloc : memref<!tpu.dma_semaphore, #tpu.memory_space<semaphore_mem>>
      %dma_start3A = arith.constant 0 : i32
      %dma_start3A_79 = arith.constant 0 : i32
      %dma_start3A_80 = tpu.memref_slice %arg4[%add3A_12, %dma_start3A, %dma_start3A_79] : memref<32x79x128xi32, #tpu.memory_space<hbm>> -> memref<1x79x128xi32, #tpu.memory_space<hbm>>
      %dma_start3A_81 = tpu.memref_squeeze %dma_start3A_80 : memref<1x79x128xi32, #tpu.memory_space<hbm>> -> memref<79x128xi32, #tpu.memory_space<hbm>>
      %dma_start3A_82 = arith.constant 0 : i32
      %dma_start3A_83 = arith.constant 0 : i32
      %dma_start3A_84 = tpu.memref_slice %arg4[%add3A_12, %dma_start3A_82, %dma_start3A_83] : memref<32x79x128xi32, #tpu.memory_space<hbm>> -> memref<1x79x128xi32, #tpu.memory_space<hbm>>
      %dma_start3A_85 = tpu.memref_squeeze %dma_start3A_84 : memref<1x79x128xi32, #tpu.memory_space<hbm>> -> memref<79x128xi32, #tpu.memory_space<hbm>>
      tpu.enqueue_dma source(%dma_start3A_85 : memref<79x128xi32, #tpu.memory_space<hbm>>) target(%arg8 : memref<79x128xi32, #tpu.memory_space<vmem>>) target_semaphore(%run_scoped3A : memref<!tpu.dma_semaphore, #tpu.memory_space<semaphore_mem>>)
      %dma_wait3A = arith.constant 0 : i32
      %dma_wait3A_86 = arith.constant 0 : i32
      %dma_wait3A_87 = tpu.memref_slice %arg4[%add3A_12, %dma_wait3A, %dma_wait3A_86] : memref<32x79x128xi32, #tpu.memory_space<hbm>> -> memref<1x79x128xi32, #tpu.memory_space<hbm>>
      %dma_wait3A_88 = tpu.memref_squeeze %dma_wait3A_87 : memref<1x79x128xi32, #tpu.memory_space<hbm>> -> memref<79x128xi32, #tpu.memory_space<hbm>>
      %dma_wait3A_89 = arith.constant 0 : i32
      %dma_wait3A_90 = arith.constant 0 : i32
      %dma_wait3A_91 = tpu.memref_slice %arg4[%add3A_12, %dma_wait3A_89, %dma_wait3A_90] : memref<32x79x128xi32, #tpu.memory_space<hbm>> -> memref<1x79x128xi32, #tpu.memory_space<hbm>>
      %dma_wait3A_92 = tpu.memref_squeeze %dma_wait3A_91 : memref<1x79x128xi32, #tpu.memory_space<hbm>> -> memref<79x128xi32, #tpu.memory_space<hbm>>
      tpu.wait_dma2 semaphore(%run_scoped3A : memref<!tpu.dma_semaphore, #tpu.memory_space<semaphore_mem>>) src(%dma_wait3A_92 : memref<79x128xi32, #tpu.memory_space<hbm>>) dst(%arg8 : memref<79x128xi32, #tpu.memory_space<vmem>>)
      tpu.yield
    }) : () -> ()
    %mul3A_13 = arith.constant 32 : i32
    %mul3A_14 = arith.muli %arg0, %mul3A_13 : i32
    %add3A_15 = arith.addi %mul3A_14, %add3A_12 : i32
    "tpu.region"() ({
      %run_scoped3A = tpu.sem_alloc : memref<!tpu.dma_semaphore, #tpu.memory_space<semaphore_mem>>
      %dma_start3A = arith.constant 0 : i32
      %dma_start3A_79 = arith.constant 0 : i32
      %dma_start3A_80 = tpu.memref_slice %arg3[%add3A_15, %dma_start3A, %dma_start3A_79] : memref<64x79x128xi32, #tpu.memory_space<hbm>> -> memref<1x79x128xi32, #tpu.memory_space<hbm>>
      %dma_start3A_81 = tpu.memref_squeeze %dma_start3A_80 : memref<1x79x128xi32, #tpu.memory_space<hbm>> -> memref<79x128xi32, #tpu.memory_space<hbm>>
      %dma_start3A_82 = arith.constant 0 : i32
      %dma_start3A_83 = arith.constant 0 : i32
      %dma_start3A_84 = tpu.memref_slice %arg3[%add3A_15, %dma_start3A_82, %dma_start3A_83] : memref<64x79x128xi32, #tpu.memory_space<hbm>> -> memref<1x79x128xi32, #tpu.memory_space<hbm>>
      %dma_start3A_85 = tpu.memref_squeeze %dma_start3A_84 : memref<1x79x128xi32, #tpu.memory_space<hbm>> -> memref<79x128xi32, #tpu.memory_space<hbm>>
      tpu.enqueue_dma source(%dma_start3A_85 : memref<79x128xi32, #tpu.memory_space<hbm>>) target(%arg10 : memref<79x128xi32, #tpu.memory_space<vmem>>) target_semaphore(%run_scoped3A : memref<!tpu.dma_semaphore, #tpu.memory_space<semaphore_mem>>)
      %dma_wait3A = arith.constant 0 : i32
      %dma_wait3A_86 = arith.constant 0 : i32
      %dma_wait3A_87 = tpu.memref_slice %arg3[%add3A_15, %dma_wait3A, %dma_wait3A_86] : memref<64x79x128xi32, #tpu.memory_space<hbm>> -> memref<1x79x128xi32, #tpu.memory_space<hbm>>
      %dma_wait3A_88 = tpu.memref_squeeze %dma_wait3A_87 : memref<1x79x128xi32, #tpu.memory_space<hbm>> -> memref<79x128xi32, #tpu.memory_space<hbm>>
      %dma_wait3A_89 = arith.constant 0 : i32
      %dma_wait3A_90 = arith.constant 0 : i32
      %dma_wait3A_91 = tpu.memref_slice %arg3[%add3A_15, %dma_wait3A_89, %dma_wait3A_90] : memref<64x79x128xi32, #tpu.memory_space<hbm>> -> memref<1x79x128xi32, #tpu.memory_space<hbm>>
      %dma_wait3A_92 = tpu.memref_squeeze %dma_wait3A_91 : memref<1x79x128xi32, #tpu.memory_space<hbm>> -> memref<79x128xi32, #tpu.memory_space<hbm>>
      tpu.wait_dma2 semaphore(%run_scoped3A : memref<!tpu.dma_semaphore, #tpu.memory_space<semaphore_mem>>) src(%dma_wait3A_92 : memref<79x128xi32, #tpu.memory_space<hbm>>) dst(%arg10 : memref<79x128xi32, #tpu.memory_space<vmem>>)
      tpu.yield
    }) : () -> ()
    %scan3A_16 = arith.constant 0 : i32
    %scan3A_17 = arith.constant 0 : i32
    %scan3A_18 = arith.constant 79 : i32
    %scan3A_19 = arith.addi %scan3A_17, %scan3A_18 : i32
    %scan3A_20 = arith.constant 1 : i32
    %scan3A_21 = scf.for %scan3A_79 = %scan3A_17 to %scan3A_19 step %scan3A_20 iter_args(%scan3A_80 = %scan3A_16) -> (i32)  : i32 {
      "tpu.region"() ({
        %run_scoped3A = tpu.sem_alloc : memref<!tpu.dma_semaphore, #tpu.memory_space<semaphore_mem>>
        %dma_start3A = arith.constant 0 : i32
        %dma_start3A_82 = tpu.memref_slice %arg10[%scan3A_79, %dma_start3A] : memref<79x128xi32, #tpu.memory_space<vmem>> -> memref<1x128xi32, #tpu.memory_space<vmem>>
        %dma_start3A_83 = tpu.memref_squeeze %dma_start3A_82 : memref<1x128xi32, #tpu.memory_space<vmem>> -> memref<128xi32, #tpu.memory_space<vmem>>
        %dma_start3A_84 = arith.constant 0 : i32
        %dma_start3A_85 = arith.constant 0 : i32
        %dma_start3A_86 = tpu.memref_slice %arg2[%dma_start3A_84, %dma_start3A_85] : memref<20480x128xf32, #tpu.memory_space<hbm>> -> memref<20480x128xf32, #tpu.memory_space<hbm>>
        tpu.enqueue_indirect_dma source(%dma_start3A_86 : memref<20480x128xf32, #tpu.memory_space<hbm>>) target(%arg9 : memref<128x128xf32, #tpu.memory_space<vmem>>) offsets(%dma_start3A_83 : memref<128xi32, #tpu.memory_space<vmem>>) semaphore(%run_scoped3A : memref<!tpu.dma_semaphore, #tpu.memory_space<semaphore_mem>>)
        %dma_wait3A = arith.constant 0 : i32
        %dma_wait3A_87 = tpu.memref_slice %arg10[%scan3A_79, %dma_wait3A] : memref<79x128xi32, #tpu.memory_space<vmem>> -> memref<1x128xi32, #tpu.memory_space<vmem>>
        %dma_wait3A_88 = tpu.memref_squeeze %dma_wait3A_87 : memref<1x128xi32, #tpu.memory_space<vmem>> -> memref<128xi32, #tpu.memory_space<vmem>>
        %dma_wait3A_89 = arith.constant 0 : i32
        %dma_wait3A_90 = arith.constant 0 : i32
        %dma_wait3A_91 = tpu.memref_slice %arg2[%dma_wait3A_89, %dma_wait3A_90] : memref<20480x128xf32, #tpu.memory_space<hbm>> -> memref<20480x128xf32, #tpu.memory_space<hbm>>
        tpu.wait_indirect_dma semaphore(%run_scoped3A : memref<!tpu.dma_semaphore, #tpu.memory_space<semaphore_mem>>) src(%dma_wait3A_91 : memref<20480x128xf32, #tpu.memory_space<hbm>>) dst(%arg9 : memref<128x128xf32, #tpu.memory_space<vmem>>)
        tpu.yield
      }) : () -> ()
      "tpu.region"() ({
        %run_scoped3A = tpu.sem_alloc : memref<!tpu.dma_semaphore, #tpu.memory_space<semaphore_mem>>
        %dma_start3A = arith.constant 0 : i32
        %dma_start3A_82 = tpu.memref_slice %arg8[%scan3A_79, %dma_start3A] : memref<79x128xi32, #tpu.memory_space<vmem>> -> memref<1x128xi32, #tpu.memory_space<vmem>>
        %dma_start3A_83 = tpu.memref_squeeze %dma_start3A_82 : memref<1x128xi32, #tpu.memory_space<vmem>> -> memref<128xi32, #tpu.memory_space<vmem>>
        %dma_start3A_84 = arith.constant 0 : i32
        %dma_start3A_85 = arith.constant 0 : i32
        %dma_start3A_86 = tpu.memref_slice %arg7[%dma_start3A_84, %dma_start3A_85] : memref<10240x128xf32, #tpu.memory_space<vmem_shared>> -> memref<10240x128xf32, #tpu.memory_space<vmem_shared>>
        tpu.enqueue_indirect_dma source(%arg9 : memref<128x128xf32, #tpu.memory_space<vmem>>) target(%dma_start3A_86 : memref<10240x128xf32, #tpu.memory_space<vmem_shared>>) offsets(%dma_start3A_83 : memref<128xi32, #tpu.memory_space<vmem>>) semaphore(%run_scoped3A : memref<!tpu.dma_semaphore, #tpu.memory_space<semaphore_mem>>) {add = true}
        %dma_wait3A = arith.constant 0 : i32
        %dma_wait3A_87 = tpu.memref_slice %arg8[%scan3A_79, %dma_wait3A] : memref<79x128xi32, #tpu.memory_space<vmem>> -> memref<1x128xi32, #tpu.memory_space<vmem>>
        %dma_wait3A_88 = tpu.memref_squeeze %dma_wait3A_87 : memref<1x128xi32, #tpu.memory_space<vmem>> -> memref<128xi32, #tpu.memory_space<vmem>>
        %dma_wait3A_89 = arith.constant 0 : i32
        %dma_wait3A_90 = arith.constant 0 : i32
        %dma_wait3A_91 = tpu.memref_slice %arg7[%dma_wait3A_89, %dma_wait3A_90] : memref<10240x128xf32, #tpu.memory_space<vmem_shared>> -> memref<10240x128xf32, #tpu.memory_space<vmem_shared>>
        tpu.wait_indirect_dma semaphore(%run_scoped3A : memref<!tpu.dma_semaphore, #tpu.memory_space<semaphore_mem>>) src(%arg9 : memref<128x128xf32, #tpu.memory_space<vmem>>) dst(%dma_wait3A_91 : memref<10240x128xf32, #tpu.memory_space<vmem_shared>>)
        tpu.yield
      }) : () -> ()
      %scan3A_81 = arith.constant 0 : i32
      scf.yield %scan3A_81 : i32
    }
    %scan3A_22 = arith.constant 79 : i32
    %barrier3A_23 = arith.constant 0 : index
    tpu.barrier barrier_id(%barrier3A_23)
    %mul3A_24 = arith.constant 640 : i32
    %mul3A_25 = arith.muli %arg1, %mul3A_24 : i32
    %add3A_26 = arith.constant 0 : i32
    %add3A_27 = arith.addi %mul3A_25, %add3A_26 : i32
    "tpu.region"() ({
      %run_scoped3A = tpu.sem_alloc : memref<!tpu.dma_semaphore, #tpu.memory_space<semaphore_mem>>
      %dma_start3A = arith.constant 0 : i32
      %dma_start3A_79 = tpu.memref_slice %arg7[%add3A_27, %dma_start3A] : memref<10240x128xf32, #tpu.memory_space<vmem_shared>> -> memref<128x128xf32, #tpu.memory_space<vmem_shared>>
      %dma_start3A_80 = arith.constant 0 : i32
      %dma_start3A_81 = tpu.memref_slice %arg7[%add3A_27, %dma_start3A_80] : memref<10240x128xf32, #tpu.memory_space<vmem_shared>> -> memref<128x128xf32, #tpu.memory_space<vmem_shared>>
      tpu.enqueue_dma source(%dma_start3A_81 : memref<128x128xf32, #tpu.memory_space<vmem_shared>>) target(%arg9 : memref<128x128xf32, #tpu.memory_space<vmem>>) target_semaphore(%run_scoped3A : memref<!tpu.dma_semaphore, #tpu.memory_space<semaphore_mem>>)
      %dma_wait3A = arith.constant 0 : i32
      %dma_wait3A_82 = tpu.memref_slice %arg7[%add3A_27, %dma_wait3A] : memref<10240x128xf32, #tpu.memory_space<vmem_shared>> -> memref<128x128xf32, #tpu.memory_space<vmem_shared>>
      %dma_wait3A_83 = arith.constant 0 : i32
      %dma_wait3A_84 = tpu.memref_slice %arg7[%add3A_27, %dma_wait3A_83] : memref<10240x128xf32, #tpu.memory_space<vmem_shared>> -> memref<128x128xf32, #tpu.memory_space<vmem_shared>>
      tpu.wait_dma2 semaphore(%run_scoped3A : memref<!tpu.dma_semaphore, #tpu.memory_space<semaphore_mem>>) src(%dma_wait3A_84 : memref<128x128xf32, #tpu.memory_space<vmem_shared>>) dst(%arg9 : memref<128x128xf32, #tpu.memory_space<vmem>>)
      tpu.yield
    }) : () -> ()
    %mul3A_28 = arith.constant 10240 : i32
    %mul3A_29 = arith.muli %arg0, %mul3A_28 : i32
    %mul3A_30 = arith.constant 640 : i32
    %mul3A_31 = arith.muli %arg1, %mul3A_30 : i32
    %add3A_32 = arith.addi %mul3A_29, %mul3A_31 : i32
    %add3A_33 = arith.constant 0 : i32
    %add3A_34 = arith.addi %add3A_32, %add3A_33 : i32
    "tpu.region"() ({
      %run_scoped3A = tpu.sem_alloc : memref<!tpu.dma_semaphore, #tpu.memory_space<semaphore_mem>>
      %dma_start3A = arith.constant 0 : i32
      %dma_start3A_79 = tpu.memref_slice %arg6[%add3A_34, %dma_start3A] : memref<20480x128xf32, #tpu.memory_space<hbm>> -> memref<128x128xf32, #tpu.memory_space<hbm>>
      %dma_start3A_80 = arith.constant 0 : i32
      %dma_start3A_81 = tpu.memref_slice %arg6[%add3A_34, %dma_start3A_80] : memref<20480x128xf32, #tpu.memory_space<hbm>> -> memref<128x128xf32, #tpu.memory_space<hbm>>
      tpu.enqueue_dma source(%arg9 : memref<128x128xf32, #tpu.memory_space<vmem>>) target(%dma_start3A_81 : memref<128x128xf32, #tpu.memory_space<hbm>>) target_semaphore(%run_scoped3A : memref<!tpu.dma_semaphore, #tpu.memory_space<semaphore_mem>>)
      %dma_wait3A = arith.constant 0 : i32
      %dma_wait3A_82 = tpu.memref_slice %arg6[%add3A_34, %dma_wait3A] : memref<20480x128xf32, #tpu.memory_space<hbm>> -> memref<128x128xf32, #tpu.memory_space<hbm>>
      %dma_wait3A_83 = arith.constant 0 : i32
      %dma_wait3A_84 = tpu.memref_slice %arg6[%add3A_34, %dma_wait3A_83] : memref<20480x128xf32, #tpu.memory_space<hbm>> -> memref<128x128xf32, #tpu.memory_space<hbm>>
      tpu.wait_dma2 semaphore(%run_scoped3A : memref<!tpu.dma_semaphore, #tpu.memory_space<semaphore_mem>>) src(%arg9 : memref<128x128xf32, #tpu.memory_space<vmem>>) dst(%dma_wait3A_84 : memref<128x128xf32, #tpu.memory_space<hbm>>)
      tpu.yield
    }) : () -> ()
    %mul3A_35 = arith.constant 640 : i32
    %mul3A_36 = arith.muli %arg1, %mul3A_35 : i32
    %add3A_37 = arith.constant 128 : i32
    %add3A_38 = arith.addi %mul3A_36, %add3A_37 : i32
    "tpu.region"() ({
      %run_scoped3A = tpu.sem_alloc : memref<!tpu.dma_semaphore, #tpu.memory_space<semaphore_mem>>
      %dma_start3A = arith.constant 0 : i32
      %dma_start3A_79 = tpu.memref_slice %arg7[%add3A_38, %dma_start3A] : memref<10240x128xf32, #tpu.memory_space<vmem_shared>> -> memref<128x128xf32, #tpu.memory_space<vmem_shared>>
      %dma_start3A_80 = arith.constant 0 : i32
      %dma_start3A_81 = tpu.memref_slice %arg7[%add3A_38, %dma_start3A_80] : memref<10240x128xf32, #tpu.memory_space<vmem_shared>> -> memref<128x128xf32, #tpu.memory_space<vmem_shared>>
      tpu.enqueue_dma source(%dma_start3A_81 : memref<128x128xf32, #tpu.memory_space<vmem_shared>>) target(%arg9 : memref<128x128xf32, #tpu.memory_space<vmem>>) target_semaphore(%run_scoped3A : memref<!tpu.dma_semaphore, #tpu.memory_space<semaphore_mem>>)
      %dma_wait3A = arith.constant 0 : i32
      %dma_wait3A_82 = tpu.memref_slice %arg7[%add3A_38, %dma_wait3A] : memref<10240x128xf32, #tpu.memory_space<vmem_shared>> -> memref<128x128xf32, #tpu.memory_space<vmem_shared>>
      %dma_wait3A_83 = arith.constant 0 : i32
      %dma_wait3A_84 = tpu.memref_slice %arg7[%add3A_38, %dma_wait3A_83] : memref<10240x128xf32, #tpu.memory_space<vmem_shared>> -> memref<128x128xf32, #tpu.memory_space<vmem_shared>>
      tpu.wait_dma2 semaphore(%run_scoped3A : memref<!tpu.dma_semaphore, #tpu.memory_space<semaphore_mem>>) src(%dma_wait3A_84 : memref<128x128xf32, #tpu.memory_space<vmem_shared>>) dst(%arg9 : memref<128x128xf32, #tpu.memory_space<vmem>>)
      tpu.yield
    }) : () -> ()
    %mul3A_39 = arith.constant 10240 : i32
    %mul3A_40 = arith.muli %arg0, %mul3A_39 : i32
    %mul3A_41 = arith.constant 640 : i32
    %mul3A_42 = arith.muli %arg1, %mul3A_41 : i32
    %add3A_43 = arith.addi %mul3A_40, %mul3A_42 : i32
    %add3A_44 = arith.constant 128 : i32
    %add3A_45 = arith.addi %add3A_43, %add3A_44 : i32
    "tpu.region"() ({
      %run_scoped3A = tpu.sem_alloc : memref<!tpu.dma_semaphore, #tpu.memory_space<semaphore_mem>>
      %dma_start3A = arith.constant 0 : i32
      %dma_start3A_79 = tpu.memref_slice %arg6[%add3A_45, %dma_start3A] : memref<20480x128xf32, #tpu.memory_space<hbm>> -> memref<128x128xf32, #tpu.memory_space<hbm>>
      %dma_start3A_80 = arith.constant 0 : i32
      %dma_start3A_81 = tpu.memref_slice %arg6[%add3A_45, %dma_start3A_80] : memref<20480x128xf32, #tpu.memory_space<hbm>> -> memref<128x128xf32, #tpu.memory_space<hbm>>
      tpu.enqueue_dma source(%arg9 : memref<128x128xf32, #tpu.memory_space<vmem>>) target(%dma_start3A_81 : memref<128x128xf32, #tpu.memory_space<hbm>>) target_semaphore(%run_scoped3A : memref<!tpu.dma_semaphore, #tpu.memory_space<semaphore_mem>>)
      %dma_wait3A = arith.constant 0 : i32
      %dma_wait3A_82 = tpu.memref_slice %arg6[%add3A_45, %dma_wait3A] : memref<20480x128xf32, #tpu.memory_space<hbm>> -> memref<128x128xf32, #tpu.memory_space<hbm>>
      %dma_wait3A_83 = arith.constant 0 : i32
      %dma_wait3A_84 = tpu.memref_slice %arg6[%add3A_45, %dma_wait3A_83] : memref<20480x128xf32, #tpu.memory_space<hbm>> -> memref<128x128xf32, #tpu.memory_space<hbm>>
      tpu.wait_dma2 semaphore(%run_scoped3A : memref<!tpu.dma_semaphore, #tpu.memory_space<semaphore_mem>>) src(%arg9 : memref<128x128xf32, #tpu.memory_space<vmem>>) dst(%dma_wait3A_84 : memref<128x128xf32, #tpu.memory_space<hbm>>)
      tpu.yield
    }) : () -> ()
    %mul3A_46 = arith.constant 640 : i32
    %mul3A_47 = arith.muli %arg1, %mul3A_46 : i32
    %add3A_48 = arith.constant 256 : i32
    %add3A_49 = arith.addi %mul3A_47, %add3A_48 : i32
    "tpu.region"() ({
      %run_scoped3A = tpu.sem_alloc : memref<!tpu.dma_semaphore, #tpu.memory_space<semaphore_mem>>
      %dma_start3A = arith.constant 0 : i32
      %dma_start3A_79 = tpu.memref_slice %arg7[%add3A_49, %dma_start3A] : memref<10240x128xf32, #tpu.memory_space<vmem_shared>> -> memref<128x128xf32, #tpu.memory_space<vmem_shared>>
      %dma_start3A_80 = arith.constant 0 : i32
      %dma_start3A_81 = tpu.memref_slice %arg7[%add3A_49, %dma_start3A_80] : memref<10240x128xf32, #tpu.memory_space<vmem_shared>> -> memref<128x128xf32, #tpu.memory_space<vmem_shared>>
      tpu.enqueue_dma source(%dma_start3A_81 : memref<128x128xf32, #tpu.memory_space<vmem_shared>>) target(%arg9 : memref<128x128xf32, #tpu.memory_space<vmem>>) target_semaphore(%run_scoped3A : memref<!tpu.dma_semaphore, #tpu.memory_space<semaphore_mem>>)
      %dma_wait3A = arith.constant 0 : i32
      %dma_wait3A_82 = tpu.memref_slice %arg7[%add3A_49, %dma_wait3A] : memref<10240x128xf32, #tpu.memory_space<vmem_shared>> -> memref<128x128xf32, #tpu.memory_space<vmem_shared>>
      %dma_wait3A_83 = arith.constant 0 : i32
      %dma_wait3A_84 = tpu.memref_slice %arg7[%add3A_49, %dma_wait3A_83] : memref<10240x128xf32, #tpu.memory_space<vmem_shared>> -> memref<128x128xf32, #tpu.memory_space<vmem_shared>>
      tpu.wait_dma2 semaphore(%run_scoped3A : memref<!tpu.dma_semaphore, #tpu.memory_space<semaphore_mem>>) src(%dma_wait3A_84 : memref<128x128xf32, #tpu.memory_space<vmem_shared>>) dst(%arg9 : memref<128x128xf32, #tpu.memory_space<vmem>>)
      tpu.yield
    }) : () -> ()
    %mul3A_50 = arith.constant 10240 : i32
    %mul3A_51 = arith.muli %arg0, %mul3A_50 : i32
    %mul3A_52 = arith.constant 640 : i32
    %mul3A_53 = arith.muli %arg1, %mul3A_52 : i32
    %add3A_54 = arith.addi %mul3A_51, %mul3A_53 : i32
    %add3A_55 = arith.constant 256 : i32
    %add3A_56 = arith.addi %add3A_54, %add3A_55 : i32
    "tpu.region"() ({
      %run_scoped3A = tpu.sem_alloc : memref<!tpu.dma_semaphore, #tpu.memory_space<semaphore_mem>>
      %dma_start3A = arith.constant 0 : i32
      %dma_start3A_79 = tpu.memref_slice %arg6[%add3A_56, %dma_start3A] : memref<20480x128xf32, #tpu.memory_space<hbm>> -> memref<128x128xf32, #tpu.memory_space<hbm>>
      %dma_start3A_80 = arith.constant 0 : i32
      %dma_start3A_81 = tpu.memref_slice %arg6[%add3A_56, %dma_start3A_80] : memref<20480x128xf32, #tpu.memory_space<hbm>> -> memref<128x128xf32, #tpu.memory_space<hbm>>
      tpu.enqueue_dma source(%arg9 : memref<128x128xf32, #tpu.memory_space<vmem>>) target(%dma_start3A_81 : memref<128x128xf32, #tpu.memory_space<hbm>>) target_semaphore(%run_scoped3A : memref<!tpu.dma_semaphore, #tpu.memory_space<semaphore_mem>>)
      %dma_wait3A = arith.constant 0 : i32
      %dma_wait3A_82 = tpu.memref_slice %arg6[%add3A_56, %dma_wait3A] : memref<20480x128xf32, #tpu.memory_space<hbm>> -> memref<128x128xf32, #tpu.memory_space<hbm>>
      %dma_wait3A_83 = arith.constant 0 : i32
      %dma_wait3A_84 = tpu.memref_slice %arg6[%add3A_56, %dma_wait3A_83] : memref<20480x128xf32, #tpu.memory_space<hbm>> -> memref<128x128xf32, #tpu.memory_space<hbm>>
      tpu.wait_dma2 semaphore(%run_scoped3A : memref<!tpu.dma_semaphore, #tpu.memory_space<semaphore_mem>>) src(%arg9 : memref<128x128xf32, #tpu.memory_space<vmem>>) dst(%dma_wait3A_84 : memref<128x128xf32, #tpu.memory_space<hbm>>)
      tpu.yield
    }) : () -> ()
    %mul3A_57 = arith.constant 640 : i32
    %mul3A_58 = arith.muli %arg1, %mul3A_57 : i32
    %add3A_59 = arith.constant 384 : i32
    %add3A_60 = arith.addi %mul3A_58, %add3A_59 : i32
    "tpu.region"() ({
      %run_scoped3A = tpu.sem_alloc : memref<!tpu.dma_semaphore, #tpu.memory_space<semaphore_mem>>
      %dma_start3A = arith.constant 0 : i32
      %dma_start3A_79 = tpu.memref_slice %arg7[%add3A_60, %dma_start3A] : memref<10240x128xf32, #tpu.memory_space<vmem_shared>> -> memref<128x128xf32, #tpu.memory_space<vmem_shared>>
      %dma_start3A_80 = arith.constant 0 : i32
      %dma_start3A_81 = tpu.memref_slice %arg7[%add3A_60, %dma_start3A_80] : memref<10240x128xf32, #tpu.memory_space<vmem_shared>> -> memref<128x128xf32, #tpu.memory_space<vmem_shared>>
      tpu.enqueue_dma source(%dma_start3A_81 : memref<128x128xf32, #tpu.memory_space<vmem_shared>>) target(%arg9 : memref<128x128xf32, #tpu.memory_space<vmem>>) target_semaphore(%run_scoped3A : memref<!tpu.dma_semaphore, #tpu.memory_space<semaphore_mem>>)
      %dma_wait3A = arith.constant 0 : i32
      %dma_wait3A_82 = tpu.memref_slice %arg7[%add3A_60, %dma_wait3A] : memref<10240x128xf32, #tpu.memory_space<vmem_shared>> -> memref<128x128xf32, #tpu.memory_space<vmem_shared>>
      %dma_wait3A_83 = arith.constant 0 : i32
      %dma_wait3A_84 = tpu.memref_slice %arg7[%add3A_60, %dma_wait3A_83] : memref<10240x128xf32, #tpu.memory_space<vmem_shared>> -> memref<128x128xf32, #tpu.memory_space<vmem_shared>>
      tpu.wait_dma2 semaphore(%run_scoped3A : memref<!tpu.dma_semaphore, #tpu.memory_space<semaphore_mem>>) src(%dma_wait3A_84 : memref<128x128xf32, #tpu.memory_space<vmem_shared>>) dst(%arg9 : memref<128x128xf32, #tpu.memory_space<vmem>>)
      tpu.yield
    }) : () -> ()
    %mul3A_61 = arith.constant 10240 : i32
    %mul3A_62 = arith.muli %arg0, %mul3A_61 : i32
    %mul3A_63 = arith.constant 640 : i32
    %mul3A_64 = arith.muli %arg1, %mul3A_63 : i32
    %add3A_65 = arith.addi %mul3A_62, %mul3A_64 : i32
    %add3A_66 = arith.constant 384 : i32
    %add3A_67 = arith.addi %add3A_65, %add3A_66 : i32
    "tpu.region"() ({
      %run_scoped3A = tpu.sem_alloc : memref<!tpu.dma_semaphore, #tpu.memory_space<semaphore_mem>>
      %dma_start3A = arith.constant 0 : i32
      %dma_start3A_79 = tpu.memref_slice %arg6[%add3A_67, %dma_start3A] : memref<20480x128xf32, #tpu.memory_space<hbm>> -> memref<128x128xf32, #tpu.memory_space<hbm>>
      %dma_start3A_80 = arith.constant 0 : i32
      %dma_start3A_81 = tpu.memref_slice %arg6[%add3A_67, %dma_start3A_80] : memref<20480x128xf32, #tpu.memory_space<hbm>> -> memref<128x128xf32, #tpu.memory_space<hbm>>
      tpu.enqueue_dma source(%arg9 : memref<128x128xf32, #tpu.memory_space<vmem>>) target(%dma_start3A_81 : memref<128x128xf32, #tpu.memory_space<hbm>>) target_semaphore(%run_scoped3A : memref<!tpu.dma_semaphore, #tpu.memory_space<semaphore_mem>>)
      %dma_wait3A = arith.constant 0 : i32
      %dma_wait3A_82 = tpu.memref_slice %arg6[%add3A_67, %dma_wait3A] : memref<20480x128xf32, #tpu.memory_space<hbm>> -> memref<128x128xf32, #tpu.memory_space<hbm>>
      %dma_wait3A_83 = arith.constant 0 : i32
      %dma_wait3A_84 = tpu.memref_slice %arg6[%add3A_67, %dma_wait3A_83] : memref<20480x128xf32, #tpu.memory_space<hbm>> -> memref<128x128xf32, #tpu.memory_space<hbm>>
      tpu.wait_dma2 semaphore(%run_scoped3A : memref<!tpu.dma_semaphore, #tpu.memory_space<semaphore_mem>>) src(%arg9 : memref<128x128xf32, #tpu.memory_space<vmem>>) dst(%dma_wait3A_84 : memref<128x128xf32, #tpu.memory_space<hbm>>)
      tpu.yield
    }) : () -> ()
    %mul3A_68 = arith.constant 640 : i32
    %mul3A_69 = arith.muli %arg1, %mul3A_68 : i32
    %add3A_70 = arith.constant 512 : i32
    %add3A_71 = arith.addi %mul3A_69, %add3A_70 : i32
    "tpu.region"() ({
      %run_scoped3A = tpu.sem_alloc : memref<!tpu.dma_semaphore, #tpu.memory_space<semaphore_mem>>
      %dma_start3A = arith.constant 0 : i32
      %dma_start3A_79 = tpu.memref_slice %arg7[%add3A_71, %dma_start3A] : memref<10240x128xf32, #tpu.memory_space<vmem_shared>> -> memref<128x128xf32, #tpu.memory_space<vmem_shared>>
      %dma_start3A_80 = arith.constant 0 : i32
      %dma_start3A_81 = tpu.memref_slice %arg7[%add3A_71, %dma_start3A_80] : memref<10240x128xf32, #tpu.memory_space<vmem_shared>> -> memref<128x128xf32, #tpu.memory_space<vmem_shared>>
      tpu.enqueue_dma source(%dma_start3A_81 : memref<128x128xf32, #tpu.memory_space<vmem_shared>>) target(%arg9 : memref<128x128xf32, #tpu.memory_space<vmem>>) target_semaphore(%run_scoped3A : memref<!tpu.dma_semaphore, #tpu.memory_space<semaphore_mem>>)
      %dma_wait3A = arith.constant 0 : i32
      %dma_wait3A_82 = tpu.memref_slice %arg7[%add3A_71, %dma_wait3A] : memref<10240x128xf32, #tpu.memory_space<vmem_shared>> -> memref<128x128xf32, #tpu.memory_space<vmem_shared>>
      %dma_wait3A_83 = arith.constant 0 : i32
      %dma_wait3A_84 = tpu.memref_slice %arg7[%add3A_71, %dma_wait3A_83] : memref<10240x128xf32, #tpu.memory_space<vmem_shared>> -> memref<128x128xf32, #tpu.memory_space<vmem_shared>>
      tpu.wait_dma2 semaphore(%run_scoped3A : memref<!tpu.dma_semaphore, #tpu.memory_space<semaphore_mem>>) src(%dma_wait3A_84 : memref<128x128xf32, #tpu.memory_space<vmem_shared>>) dst(%arg9 : memref<128x128xf32, #tpu.memory_space<vmem>>)
      tpu.yield
    }) : () -> ()
    %mul3A_72 = arith.constant 10240 : i32
    %mul3A_73 = arith.muli %arg0, %mul3A_72 : i32
    %mul3A_74 = arith.constant 640 : i32
    %mul3A_75 = arith.muli %arg1, %mul3A_74 : i32
    %add3A_76 = arith.addi %mul3A_73, %mul3A_75 : i32
    %add3A_77 = arith.constant 512 : i32
    %add3A_78 = arith.addi %add3A_76, %add3A_77 : i32
    "tpu.region"() ({
      %run_scoped3A = tpu.sem_alloc : memref<!tpu.dma_semaphore, #tpu.memory_space<semaphore_mem>>
      %dma_start3A = arith.constant 0 : i32
      %dma_start3A_79 = tpu.memref_slice %arg6[%add3A_78, %dma_start3A] : memref<20480x128xf32, #tpu.memory_space<hbm>> -> memref<128x128xf32, #tpu.memory_space<hbm>>
      %dma_start3A_80 = arith.constant 0 : i32
      %dma_start3A_81 = tpu.memref_slice %arg6[%add3A_78, %dma_start3A_80] : memref<20480x128xf32, #tpu.memory_space<hbm>> -> memref<128x128xf32, #tpu.memory_space<hbm>>
      tpu.enqueue_dma source(%arg9 : memref<128x128xf32, #tpu.memory_space<vmem>>) target(%dma_start3A_81 : memref<128x128xf32, #tpu.memory_space<hbm>>) target_semaphore(%run_scoped3A : memref<!tpu.dma_semaphore, #tpu.memory_space<semaphore_mem>>)
      %dma_wait3A = arith.constant 0 : i32
      %dma_wait3A_82 = tpu.memref_slice %arg6[%add3A_78, %dma_wait3A] : memref<20480x128xf32, #tpu.memory_space<hbm>> -> memref<128x128xf32, #tpu.memory_space<hbm>>
      %dma_wait3A_83 = arith.constant 0 : i32
      %dma_wait3A_84 = tpu.memref_slice %arg6[%add3A_78, %dma_wait3A_83] : memref<20480x128xf32, #tpu.memory_space<hbm>> -> memref<128x128xf32, #tpu.memory_space<hbm>>
      tpu.wait_dma2 semaphore(%run_scoped3A : memref<!tpu.dma_semaphore, #tpu.memory_space<semaphore_mem>>) src(%arg9 : memref<128x128xf32, #tpu.memory_space<vmem>>) dst(%dma_wait3A_84 : memref<128x128xf32, #tpu.memory_space<hbm>>)
      tpu.yield
    }) : () -> ()
    return
  }
}

#map = affine_map<(d0, d1) -> (0, 0, 0)>
#map1 = affine_map<(d0, d1) -> (0)>
module attributes {stable_mosaic.version = 14 : i64} {
  func.func @deg_k(%arg0: i32, %arg1: i32, %arg2: memref<32x79x128xi32, #tpu.memory_space<hbm>>, %arg3: memref<32x3x128xi32, #tpu.memory_space<hbm>>, %arg4: memref<640xf32, #tpu.memory_space<hbm>>, %arg5: memref<20480xf32, #tpu.memory_space<hbm>>, %arg6: memref<256xf32, #tpu.memory_space<hbm>>, %arg7: memref<3x128xi32, #tpu.memory_space<vmem>>, %arg8: memref<128xf32, #tpu.memory_space<vmem_shared>>, %arg9: memref<640xf32, #tpu.memory_space<vmem>>, %arg10: memref<10240xf32, #tpu.memory_space<vmem_shared>>, %arg11: memref<79x128xi32, #tpu.memory_space<vmem>>, %arg12: memref<128xf32, #tpu.memory_space<vmem>>) attributes {dimension_semantics = [#tpu.dimension_semantics<core_parallel>, #tpu.dimension_semantics<subcore_parallel>], iteration_bounds = array<i64: 2, 16>, scalar_prefetch = 0 : i64, scratch_operands = 6 : i64, tpu.core_type = #tpu.core_type<sc_vector_subcore>, window_params = [{transform_indices = #map}, {transform_indices = #map}, {transform_indices = #map1}, {transform_indices = #map1}, {transform_indices = #map1}]} {
    %mul3A = arith.constant 16 : i32
    %mul3A_0 = arith.muli %arg0, %mul3A : i32
    %add3A = arith.addi %mul3A_0, %arg1 : i32
    %broadcast_in_dim3A = arith.constant 1.000000e+00 : f32
    %broadcast_in_dim3A_1 = vector.broadcast %broadcast_in_dim3A : f32 to vector<16xf32>
    %scan3A = arith.constant 0 : i32
    %scan3A_2 = arith.constant 0 : i32
    %scan3A_3 = arith.constant 8 : i32
    %scan3A_4 = arith.addi %scan3A_2, %scan3A_3 : i32
    %scan3A_5 = arith.constant 1 : i32
    %scan3A_6 = scf.for %scan3A_39 = %scan3A_2 to %scan3A_4 step %scan3A_5 iter_args(%scan3A_40 = %scan3A) -> (i32)  : i32 {
      %mul3A_41 = arith.constant 16 : i32
      %mul3A_42 = arith.muli %scan3A_39, %mul3A_41 : i32
      %swap3A = arith.index_cast %mul3A_42 : i32 to index
      %swap3A_43 = tpu.vector_load %arg12[%swap3A] {strides = array<i32>} : memref<128xf32, #tpu.memory_space<vmem>>, vector<16xf32>,
      %swap3A_44 = vector.shape_cast %swap3A_43 : vector<16xf32> to vector<16xf32>
      %swap3A_45 = vector.shape_cast %broadcast_in_dim3A_1 : vector<16xf32> to vector<16xf32>
      tpu.vector_store %arg12[%swap3A], %swap3A_45 {strides = array<i32>} : memref<128xf32, #tpu.memory_space<vmem>>, vector<16xf32>,
      %scan3A_46 = arith.constant 0 : i32
      scf.yield %scan3A_46 : i32
    }
    %scan3A_7 = arith.constant 8 : i32
    %mul3A_8 = arith.constant 640 : i32
    %mul3A_9 = arith.muli %arg1, %mul3A_8 : i32
    "tpu.region"() ({
      %run_scoped3A = tpu.sem_alloc : memref<!tpu.dma_semaphore, #tpu.memory_space<semaphore_mem>>
      %dma_start3A = tpu.memref_slice %arg10[%mul3A_9] : memref<10240xf32, #tpu.memory_space<vmem_shared>> -> memref<640xf32, #tpu.memory_space<vmem_shared>>
      tpu.enqueue_dma source(%arg4 : memref<640xf32, #tpu.memory_space<hbm>>) target(%dma_start3A : memref<640xf32, #tpu.memory_space<vmem_shared>>) target_semaphore(%run_scoped3A : memref<!tpu.dma_semaphore, #tpu.memory_space<semaphore_mem>>)
      %dma_wait3A = tpu.memref_slice %arg10[%mul3A_9] : memref<10240xf32, #tpu.memory_space<vmem_shared>> -> memref<640xf32, #tpu.memory_space<vmem_shared>>
      tpu.wait_dma2 semaphore(%run_scoped3A : memref<!tpu.dma_semaphore, #tpu.memory_space<semaphore_mem>>) src(%arg4 : memref<640xf32, #tpu.memory_space<hbm>>) dst(%dma_wait3A : memref<640xf32, #tpu.memory_space<vmem_shared>>)
      tpu.yield
    }) : () -> ()
    %eq3A = arith.constant 0 : i32
    %eq3A_10 = arith.cmpi eq, %arg1, %eq3A : i32
    %convert_element_type3A = arith.extui %eq3A_10 : i1 to i32
    %cond3A = arith.constant 0 : i32
    %cond3A_11 = arith.cmpi ne, %convert_element_type3A, %cond3A : i32
    scf.if %cond3A_11 {
      "tpu.region"() ({
        %run_scoped3A = tpu.sem_alloc : memref<!tpu.dma_semaphore, #tpu.memory_space<semaphore_mem>>
        %dma_start3A = arith.constant 0 : i32
        %dma_start3A_39 = tpu.memref_slice %arg4[%dma_start3A] : memref<640xf32, #tpu.memory_space<hbm>> -> memref<128xf32, #tpu.memory_space<hbm>>
        tpu.enqueue_dma source(%dma_start3A_39 : memref<128xf32, #tpu.memory_space<hbm>>) target(%arg8 : memref<128xf32, #tpu.memory_space<vmem_shared>>) target_semaphore(%run_scoped3A : memref<!tpu.dma_semaphore, #tpu.memory_space<semaphore_mem>>)
        %dma_wait3A = arith.constant 0 : i32
        %dma_wait3A_40 = tpu.memref_slice %arg4[%dma_wait3A] : memref<640xf32, #tpu.memory_space<hbm>> -> memref<128xf32, #tpu.memory_space<hbm>>
        tpu.wait_dma2 semaphore(%run_scoped3A : memref<!tpu.dma_semaphore, #tpu.memory_space<semaphore_mem>>) src(%dma_wait3A_40 : memref<128xf32, #tpu.memory_space<hbm>>) dst(%arg8 : memref<128xf32, #tpu.memory_space<vmem_shared>>)
        tpu.yield
      }) : () -> ()
    } else {
    }
    "tpu.region"() ({
      %run_scoped3A = tpu.sem_alloc : memref<!tpu.dma_semaphore, #tpu.memory_space<semaphore_mem>>
      %dma_start3A = arith.constant 0 : i32
      %dma_start3A_39 = arith.constant 0 : i32
      %dma_start3A_40 = tpu.memref_slice %arg2[%add3A, %dma_start3A, %dma_start3A_39] : memref<32x79x128xi32, #tpu.memory_space<hbm>> -> memref<1x79x128xi32, #tpu.memory_space<hbm>>
      %dma_start3A_41 = tpu.memref_squeeze %dma_start3A_40 : memref<1x79x128xi32, #tpu.memory_space<hbm>> -> memref<79x128xi32, #tpu.memory_space<hbm>>
      %dma_start3A_42 = arith.constant 0 : i32
      %dma_start3A_43 = arith.constant 0 : i32
      %dma_start3A_44 = tpu.memref_slice %arg2[%add3A, %dma_start3A_42, %dma_start3A_43] : memref<32x79x128xi32, #tpu.memory_space<hbm>> -> memref<1x79x128xi32, #tpu.memory_space<hbm>>
      %dma_start3A_45 = tpu.memref_squeeze %dma_start3A_44 : memref<1x79x128xi32, #tpu.memory_space<hbm>> -> memref<79x128xi32, #tpu.memory_space<hbm>>
      tpu.enqueue_dma source(%dma_start3A_45 : memref<79x128xi32, #tpu.memory_space<hbm>>) target(%arg11 : memref<79x128xi32, #tpu.memory_space<vmem>>) target_semaphore(%run_scoped3A : memref<!tpu.dma_semaphore, #tpu.memory_space<semaphore_mem>>)
      %dma_wait3A = arith.constant 0 : i32
      %dma_wait3A_46 = arith.constant 0 : i32
      %dma_wait3A_47 = tpu.memref_slice %arg2[%add3A, %dma_wait3A, %dma_wait3A_46] : memref<32x79x128xi32, #tpu.memory_space<hbm>> -> memref<1x79x128xi32, #tpu.memory_space<hbm>>
      %dma_wait3A_48 = tpu.memref_squeeze %dma_wait3A_47 : memref<1x79x128xi32, #tpu.memory_space<hbm>> -> memref<79x128xi32, #tpu.memory_space<hbm>>
      %dma_wait3A_49 = arith.constant 0 : i32
      %dma_wait3A_50 = arith.constant 0 : i32
      %dma_wait3A_51 = tpu.memref_slice %arg2[%add3A, %dma_wait3A_49, %dma_wait3A_50] : memref<32x79x128xi32, #tpu.memory_space<hbm>> -> memref<1x79x128xi32, #tpu.memory_space<hbm>>
      %dma_wait3A_52 = tpu.memref_squeeze %dma_wait3A_51 : memref<1x79x128xi32, #tpu.memory_space<hbm>> -> memref<79x128xi32, #tpu.memory_space<hbm>>
      tpu.wait_dma2 semaphore(%run_scoped3A : memref<!tpu.dma_semaphore, #tpu.memory_space<semaphore_mem>>) src(%dma_wait3A_52 : memref<79x128xi32, #tpu.memory_space<hbm>>) dst(%arg11 : memref<79x128xi32, #tpu.memory_space<vmem>>)
      tpu.yield
    }) : () -> ()
    "tpu.region"() ({
      %run_scoped3A = tpu.sem_alloc : memref<!tpu.dma_semaphore, #tpu.memory_space<semaphore_mem>>
      %dma_start3A = arith.constant 0 : i32
      %dma_start3A_39 = arith.constant 0 : i32
      %dma_start3A_40 = tpu.memref_slice %arg3[%add3A, %dma_start3A, %dma_start3A_39] : memref<32x3x128xi32, #tpu.memory_space<hbm>> -> memref<1x3x128xi32, #tpu.memory_space<hbm>>
      %dma_start3A_41 = tpu.memref_squeeze %dma_start3A_40 : memref<1x3x128xi32, #tpu.memory_space<hbm>> -> memref<3x128xi32, #tpu.memory_space<hbm>>
      %dma_start3A_42 = arith.constant 0 : i32
      %dma_start3A_43 = arith.constant 0 : i32
      %dma_start3A_44 = tpu.memref_slice %arg3[%add3A, %dma_start3A_42, %dma_start3A_43] : memref<32x3x128xi32, #tpu.memory_space<hbm>> -> memref<1x3x128xi32, #tpu.memory_space<hbm>>
      %dma_start3A_45 = tpu.memref_squeeze %dma_start3A_44 : memref<1x3x128xi32, #tpu.memory_space<hbm>> -> memref<3x128xi32, #tpu.memory_space<hbm>>
      tpu.enqueue_dma source(%dma_start3A_45 : memref<3x128xi32, #tpu.memory_space<hbm>>) target(%arg7 : memref<3x128xi32, #tpu.memory_space<vmem>>) target_semaphore(%run_scoped3A : memref<!tpu.dma_semaphore, #tpu.memory_space<semaphore_mem>>)
      %dma_wait3A = arith.constant 0 : i32
      %dma_wait3A_46 = arith.constant 0 : i32
      %dma_wait3A_47 = tpu.memref_slice %arg3[%add3A, %dma_wait3A, %dma_wait3A_46] : memref<32x3x128xi32, #tpu.memory_space<hbm>> -> memref<1x3x128xi32, #tpu.memory_space<hbm>>
      %dma_wait3A_48 = tpu.memref_squeeze %dma_wait3A_47 : memref<1x3x128xi32, #tpu.memory_space<hbm>> -> memref<3x128xi32, #tpu.memory_space<hbm>>
      %dma_wait3A_49 = arith.constant 0 : i32
      %dma_wait3A_50 = arith.constant 0 : i32
      %dma_wait3A_51 = tpu.memref_slice %arg3[%add3A, %dma_wait3A_49, %dma_wait3A_50] : memref<32x3x128xi32, #tpu.memory_space<hbm>> -> memref<1x3x128xi32, #tpu.memory_space<hbm>>
      %dma_wait3A_52 = tpu.memref_squeeze %dma_wait3A_51 : memref<1x3x128xi32, #tpu.memory_space<hbm>> -> memref<3x128xi32, #tpu.memory_space<hbm>>
      tpu.wait_dma2 semaphore(%run_scoped3A : memref<!tpu.dma_semaphore, #tpu.memory_space<semaphore_mem>>) src(%dma_wait3A_52 : memref<3x128xi32, #tpu.memory_space<hbm>>) dst(%arg7 : memref<3x128xi32, #tpu.memory_space<vmem>>)
      tpu.yield
    }) : () -> ()
    %barrier3A = arith.constant 0 : index
    tpu.barrier barrier_id(%barrier3A)
    %scan3A_12 = arith.constant 0 : i32
    %scan3A_13 = arith.constant 0 : i32
    %scan3A_14 = arith.constant 79 : i32
    %scan3A_15 = arith.addi %scan3A_13, %scan3A_14 : i32
    %scan3A_16 = arith.constant 1 : i32
    %scan3A_17 = scf.for %scan3A_39 = %scan3A_13 to %scan3A_15 step %scan3A_16 iter_args(%scan3A_40 = %scan3A_12) -> (i32)  : i32 {
      "tpu.region"() ({
        %run_scoped3A = tpu.sem_alloc : memref<!tpu.dma_semaphore, #tpu.memory_space<semaphore_mem>>
        %dma_start3A = arith.constant 0 : i32
        %dma_start3A_42 = tpu.memref_slice %arg11[%scan3A_39, %dma_start3A] : memref<79x128xi32, #tpu.memory_space<vmem>> -> memref<1x128xi32, #tpu.memory_space<vmem>>
        %dma_start3A_43 = tpu.memref_squeeze %dma_start3A_42 : memref<1x128xi32, #tpu.memory_space<vmem>> -> memref<128xi32, #tpu.memory_space<vmem>>
        %dma_start3A_44 = arith.constant 0 : i32
        %dma_start3A_45 = tpu.memref_slice %arg10[%dma_start3A_44] : memref<10240xf32, #tpu.memory_space<vmem_shared>> -> memref<10240xf32, #tpu.memory_space<vmem_shared>>
        tpu.enqueue_indirect_dma source(%arg12 : memref<128xf32, #tpu.memory_space<vmem>>) target(%dma_start3A_45 : memref<10240xf32, #tpu.memory_space<vmem_shared>>) offsets(%dma_start3A_43 : memref<128xi32, #tpu.memory_space<vmem>>) semaphore(%run_scoped3A : memref<!tpu.dma_semaphore, #tpu.memory_space<semaphore_mem>>) {add = true}
        %dma_wait3A = arith.constant 0 : i32
        %dma_wait3A_46 = tpu.memref_slice %arg11[%scan3A_39, %dma_wait3A] : memref<79x128xi32, #tpu.memory_space<vmem>> -> memref<1x128xi32, #tpu.memory_space<vmem>>
        %dma_wait3A_47 = tpu.memref_squeeze %dma_wait3A_46 : memref<1x128xi32, #tpu.memory_space<vmem>> -> memref<128xi32, #tpu.memory_space<vmem>>
        %dma_wait3A_48 = arith.constant 0 : i32
        %dma_wait3A_49 = tpu.memref_slice %arg10[%dma_wait3A_48] : memref<10240xf32, #tpu.memory_space<vmem_shared>> -> memref<10240xf32, #tpu.memory_space<vmem_shared>>
        tpu.wait_indirect_dma semaphore(%run_scoped3A : memref<!tpu.dma_semaphore, #tpu.memory_space<semaphore_mem>>) src(%arg12 : memref<128xf32, #tpu.memory_space<vmem>>) dst(%dma_wait3A_49 : memref<10240xf32, #tpu.memory_space<vmem_shared>>)
        tpu.yield
      }) : () -> ()
      %scan3A_41 = arith.constant 0 : i32
      scf.yield %scan3A_41 : i32
    }
    %scan3A_18 = arith.constant 79 : i32
    %scan3A_19 = arith.constant 0 : i32
    %scan3A_20 = arith.constant 0 : i32
    %scan3A_21 = arith.constant 3 : i32
    %scan3A_22 = arith.addi %scan3A_20, %scan3A_21 : i32
    %scan3A_23 = arith.constant 1 : i32
    %scan3A_24 = scf.for %scan3A_39 = %scan3A_20 to %scan3A_22 step %scan3A_23 iter_args(%scan3A_40 = %scan3A_19) -> (i32)  : i32 {
      "tpu.region"() ({
        %run_scoped3A = tpu.sem_alloc : memref<!tpu.dma_semaphore, #tpu.memory_space<semaphore_mem>>
        %dma_start3A = arith.constant 0 : i32
        %dma_start3A_42 = tpu.memref_slice %arg7[%scan3A_39, %dma_start3A] : memref<3x128xi32, #tpu.memory_space<vmem>> -> memref<1x128xi32, #tpu.memory_space<vmem>>
        %dma_start3A_43 = tpu.memref_squeeze %dma_start3A_42 : memref<1x128xi32, #tpu.memory_space<vmem>> -> memref<128xi32, #tpu.memory_space<vmem>>
        %dma_start3A_44 = arith.constant 0 : i32
        %dma_start3A_45 = tpu.memref_slice %arg8[%dma_start3A_44] : memref<128xf32, #tpu.memory_space<vmem_shared>> -> memref<128xf32, #tpu.memory_space<vmem_shared>>
        tpu.enqueue_indirect_dma source(%arg12 : memref<128xf32, #tpu.memory_space<vmem>>) target(%dma_start3A_45 : memref<128xf32, #tpu.memory_space<vmem_shared>>) offsets(%dma_start3A_43 : memref<128xi32, #tpu.memory_space<vmem>>) semaphore(%run_scoped3A : memref<!tpu.dma_semaphore, #tpu.memory_space<semaphore_mem>>) {add = true}
        %dma_wait3A = arith.constant 0 : i32
        %dma_wait3A_46 = tpu.memref_slice %arg7[%scan3A_39, %dma_wait3A] : memref<3x128xi32, #tpu.memory_space<vmem>> -> memref<1x128xi32, #tpu.memory_space<vmem>>
        %dma_wait3A_47 = tpu.memref_squeeze %dma_wait3A_46 : memref<1x128xi32, #tpu.memory_space<vmem>> -> memref<128xi32, #tpu.memory_space<vmem>>
        %dma_wait3A_48 = arith.constant 0 : i32
        %dma_wait3A_49 = tpu.memref_slice %arg8[%dma_wait3A_48] : memref<128xf32, #tpu.memory_space<vmem_shared>> -> memref<128xf32, #tpu.memory_space<vmem_shared>>
        tpu.wait_indirect_dma semaphore(%run_scoped3A : memref<!tpu.dma_semaphore, #tpu.memory_space<semaphore_mem>>) src(%arg12 : memref<128xf32, #tpu.memory_space<vmem>>) dst(%dma_wait3A_49 : memref<128xf32, #tpu.memory_space<vmem_shared>>)
        tpu.yield
      }) : () -> ()
      %scan3A_41 = arith.constant 0 : i32
      scf.yield %scan3A_41 : i32
    }
    %scan3A_25 = arith.constant 3 : i32
    %barrier3A_26 = arith.constant 0 : index
    tpu.barrier barrier_id(%barrier3A_26)
    %mul3A_27 = arith.constant 640 : i32
    %mul3A_28 = arith.muli %arg1, %mul3A_27 : i32
    "tpu.region"() ({
      %run_scoped3A = tpu.sem_alloc : memref<!tpu.dma_semaphore, #tpu.memory_space<semaphore_mem>>
      %dma_start3A = tpu.memref_slice %arg10[%mul3A_28] : memref<10240xf32, #tpu.memory_space<vmem_shared>> -> memref<640xf32, #tpu.memory_space<vmem_shared>>
      %dma_start3A_39 = tpu.memref_slice %arg10[%mul3A_28] : memref<10240xf32, #tpu.memory_space<vmem_shared>> -> memref<640xf32, #tpu.memory_space<vmem_shared>>
      tpu.enqueue_dma source(%dma_start3A_39 : memref<640xf32, #tpu.memory_space<vmem_shared>>) target(%arg9 : memref<640xf32, #tpu.memory_space<vmem>>) target_semaphore(%run_scoped3A : memref<!tpu.dma_semaphore, #tpu.memory_space<semaphore_mem>>)
      %dma_wait3A = tpu.memref_slice %arg10[%mul3A_28] : memref<10240xf32, #tpu.memory_space<vmem_shared>> -> memref<640xf32, #tpu.memory_space<vmem_shared>>
      %dma_wait3A_40 = tpu.memref_slice %arg10[%mul3A_28] : memref<10240xf32, #tpu.memory_space<vmem_shared>> -> memref<640xf32, #tpu.memory_space<vmem_shared>>
      tpu.wait_dma2 semaphore(%run_scoped3A : memref<!tpu.dma_semaphore, #tpu.memory_space<semaphore_mem>>) src(%dma_wait3A_40 : memref<640xf32, #tpu.memory_space<vmem_shared>>) dst(%arg9 : memref<640xf32, #tpu.memory_space<vmem>>)
      tpu.yield
    }) : () -> ()
    %mul3A_29 = arith.constant 10240 : i32
    %mul3A_30 = arith.muli %arg0, %mul3A_29 : i32
    %mul3A_31 = arith.constant 640 : i32
    %mul3A_32 = arith.muli %arg1, %mul3A_31 : i32
    %add3A_33 = arith.addi %mul3A_30, %mul3A_32 : i32
    "tpu.region"() ({
      %run_scoped3A = tpu.sem_alloc : memref<!tpu.dma_semaphore, #tpu.memory_space<semaphore_mem>>
      %dma_start3A = tpu.memref_slice %arg5[%add3A_33] : memref<20480xf32, #tpu.memory_space<hbm>> -> memref<640xf32, #tpu.memory_space<hbm>>
      %dma_start3A_39 = tpu.memref_slice %arg5[%add3A_33] : memref<20480xf32, #tpu.memory_space<hbm>> -> memref<640xf32, #tpu.memory_space<hbm>>
      tpu.enqueue_dma source(%arg9 : memref<640xf32, #tpu.memory_space<vmem>>) target(%dma_start3A_39 : memref<640xf32, #tpu.memory_space<hbm>>) target_semaphore(%run_scoped3A : memref<!tpu.dma_semaphore, #tpu.memory_space<semaphore_mem>>)
      %dma_wait3A = tpu.memref_slice %arg5[%add3A_33] : memref<20480xf32, #tpu.memory_space<hbm>> -> memref<640xf32, #tpu.memory_space<hbm>>
      %dma_wait3A_40 = tpu.memref_slice %arg5[%add3A_33] : memref<20480xf32, #tpu.memory_space<hbm>> -> memref<640xf32, #tpu.memory_space<hbm>>
      tpu.wait_dma2 semaphore(%run_scoped3A : memref<!tpu.dma_semaphore, #tpu.memory_space<semaphore_mem>>) src(%arg9 : memref<640xf32, #tpu.memory_space<vmem>>) dst(%dma_wait3A_40 : memref<640xf32, #tpu.memory_space<hbm>>)
      tpu.yield
    }) : () -> ()
    %eq3A_34 = arith.constant 0 : i32
    %eq3A_35 = arith.cmpi eq, %arg1, %eq3A_34 : i32
    %convert_element_type3A_36 = arith.extui %eq3A_35 : i1 to i32
    %cond3A_37 = arith.constant 0 : i32
    %cond3A_38 = arith.cmpi ne, %convert_element_type3A_36, %cond3A_37 : i32
    scf.if %cond3A_38 {
      "tpu.region"() ({
        %run_scoped3A = tpu.sem_alloc : memref<!tpu.dma_semaphore, #tpu.memory_space<semaphore_mem>>
        %dma_start3A = arith.constant 0 : i32
        %dma_start3A_41 = tpu.memref_slice %arg9[%dma_start3A] : memref<640xf32, #tpu.memory_space<vmem>> -> memref<128xf32, #tpu.memory_space<vmem>>
        %dma_start3A_42 = arith.constant 0 : i32
        %dma_start3A_43 = tpu.memref_slice %arg9[%dma_start3A_42] : memref<640xf32, #tpu.memory_space<vmem>> -> memref<128xf32, #tpu.memory_space<vmem>>
        tpu.enqueue_dma source(%arg8 : memref<128xf32, #tpu.memory_space<vmem_shared>>) target(%dma_start3A_43 : memref<128xf32, #tpu.memory_space<vmem>>) target_semaphore(%run_scoped3A : memref<!tpu.dma_semaphore, #tpu.memory_space<semaphore_mem>>)
        %dma_wait3A = arith.constant 0 : i32
        %dma_wait3A_44 = tpu.memref_slice %arg9[%dma_wait3A] : memref<640xf32, #tpu.memory_space<vmem>> -> memref<128xf32, #tpu.memory_space<vmem>>
        %dma_wait3A_45 = arith.constant 0 : i32
        %dma_wait3A_46 = tpu.memref_slice %arg9[%dma_wait3A_45] : memref<640xf32, #tpu.memory_space<vmem>> -> memref<128xf32, #tpu.memory_space<vmem>>
        tpu.wait_dma2 semaphore(%run_scoped3A : memref<!tpu.dma_semaphore, #tpu.memory_space<semaphore_mem>>) src(%arg8 : memref<128xf32, #tpu.memory_space<vmem_shared>>) dst(%dma_wait3A_46 : memref<128xf32, #tpu.memory_space<vmem>>)
        tpu.yield
      }) : () -> ()
      %mul3A_39 = arith.constant 128 : i32
      %mul3A_40 = arith.muli %arg0, %mul3A_39 : i32
      "tpu.region"() ({
        %run_scoped3A = tpu.sem_alloc : memref<!tpu.dma_semaphore, #tpu.memory_space<semaphore_mem>>
        %dma_start3A = arith.constant 0 : i32
        %dma_start3A_41 = tpu.memref_slice %arg9[%dma_start3A] : memref<640xf32, #tpu.memory_space<vmem>> -> memref<128xf32, #tpu.memory_space<vmem>>
        %dma_start3A_42 = tpu.memref_slice %arg6[%mul3A_40] : memref<256xf32, #tpu.memory_space<hbm>> -> memref<128xf32, #tpu.memory_space<hbm>>
        %dma_start3A_43 = tpu.memref_slice %arg6[%mul3A_40] : memref<256xf32, #tpu.memory_space<hbm>> -> memref<128xf32, #tpu.memory_space<hbm>>
        %dma_start3A_44 = arith.constant 0 : i32
        %dma_start3A_45 = tpu.memref_slice %arg9[%dma_start3A_44] : memref<640xf32, #tpu.memory_space<vmem>> -> memref<128xf32, #tpu.memory_space<vmem>>
        tpu.enqueue_dma source(%dma_start3A_45 : memref<128xf32, #tpu.memory_space<vmem>>) target(%dma_start3A_43 : memref<128xf32, #tpu.memory_space<hbm>>) target_semaphore(%run_scoped3A : memref<!tpu.dma_semaphore, #tpu.memory_space<semaphore_mem>>)
        %dma_wait3A = arith.constant 0 : i32
        %dma_wait3A_46 = tpu.memref_slice %arg9[%dma_wait3A] : memref<640xf32, #tpu.memory_space<vmem>> -> memref<128xf32, #tpu.memory_space<vmem>>
        %dma_wait3A_47 = tpu.memref_slice %arg6[%mul3A_40] : memref<256xf32, #tpu.memory_space<hbm>> -> memref<128xf32, #tpu.memory_space<hbm>>
        %dma_wait3A_48 = tpu.memref_slice %arg6[%mul3A_40] : memref<256xf32, #tpu.memory_space<hbm>> -> memref<128xf32, #tpu.memory_space<hbm>>
        %dma_wait3A_49 = arith.constant 0 : i32
        %dma_wait3A_50 = tpu.memref_slice %arg9[%dma_wait3A_49] : memref<640xf32, #tpu.memory_space<vmem>> -> memref<128xf32, #tpu.memory_space<vmem>>
        tpu.wait_dma2 semaphore(%run_scoped3A : memref<!tpu.dma_semaphore, #tpu.memory_space<semaphore_mem>>) src(%dma_wait3A_50 : memref<128xf32, #tpu.memory_space<vmem>>) dst(%dma_wait3A_48 : memref<128xf32, #tpu.memory_space<hbm>>)
        tpu.yield
      }) : () -> ()
    } else {
    }
    return
  }
}

#map = affine_map<(d0, d1) -> (0, 0)>
#map1 = affine_map<(d0, d1) -> (0, 0, 0)>
module attributes {stable_mosaic.version = 14 : i64} {
  func.func @agg_k(%arg0: i32, %arg1: i32, %arg2: memref<20480x128xf32, #tpu.memory_space<hbm>>, %arg3: memref<64x79x128xi32, #tpu.memory_space<hbm>>, %arg4: memref<32x79x128xi32, #tpu.memory_space<hbm>>, %arg5: memref<640x128xf32, #tpu.memory_space<hbm>>, %arg6: memref<20480x128xf32, #tpu.memory_space<hbm>>, %arg7: memref<10240x128xf32, #tpu.memory_space<vmem_shared>>, %arg8: memref<79x128xi32, #tpu.memory_space<vmem>>, %arg9: memref<128x128xf32, #tpu.memory_space<vmem>>, %arg10: memref<79x128xi32, #tpu.memory_space<vmem>>) attributes {dimension_semantics = [#tpu.dimension_semantics<core_parallel>, #tpu.dimension_semantics<subcore_parallel>], iteration_bounds = array<i64: 2, 16>, scalar_prefetch = 0 : i64, scratch_operands = 4 : i64, tpu.core_type = #tpu.core_type<sc_vector_subcore>, window_params = [{transform_indices = #map}, {transform_indices = #map1}, {transform_indices = #map1}, {transform_indices = #map}, {transform_indices = #map}]} {
    %mul3A = arith.constant 640 : i32
    %mul3A_0 = arith.muli %arg1, %mul3A : i32
    "tpu.region"() ({
      %run_scoped3A = tpu.sem_alloc : memref<!tpu.dma_semaphore, #tpu.memory_space<semaphore_mem>>
      %dma_start3A = arith.constant 0 : i32
      %dma_start3A_79 = tpu.memref_slice %arg7[%mul3A_0, %dma_start3A] : memref<10240x128xf32, #tpu.memory_space<vmem_shared>> -> memref<640x128xf32, #tpu.memory_space<vmem_shared>>
      tpu.enqueue_dma source(%arg5 : memref<640x128xf32, #tpu.memory_space<hbm>>) target(%dma_start3A_79 : memref<640x128xf32, #tpu.memory_space<vmem_shared>>) target_semaphore(%run_scoped3A : memref<!tpu.dma_semaphore, #tpu.memory_space<semaphore_mem>>)
      %dma_wait3A = arith.constant 0 : i32
      %dma_wait3A_80 = tpu.memref_slice %arg7[%mul3A_0, %dma_wait3A] : memref<10240x128xf32, #tpu.memory_space<vmem_shared>> -> memref<640x128xf32, #tpu.memory_space<vmem_shared>>
      tpu.wait_dma2 semaphore(%run_scoped3A : memref<!tpu.dma_semaphore, #tpu.memory_space<semaphore_mem>>) src(%arg5 : memref<640x128xf32, #tpu.memory_space<hbm>>) dst(%dma_wait3A_80 : memref<640x128xf32, #tpu.memory_space<vmem_shared>>)
      tpu.yield
    }) : () -> ()
    %barrier3A = arith.constant 0 : index
    tpu.barrier barrier_id(%barrier3A)
    %add3A = arith.constant 0 : i32
    %add3A_1 = arith.addi %add3A, %arg1 : i32
    "tpu.region"() ({
      %run_scoped3A = tpu.sem_alloc : memref<!tpu.dma_semaphore, #tpu.memory_space<semaphore_mem>>
      %dma_start3A = arith.constant 0 : i32
      %dma_start3A_79 = arith.constant 0 : i32
      %dma_start3A_80 = tpu.memref_slice %arg4[%add3A_1, %dma_start3A, %dma_start3A_79] : memref<32x79x128xi32, #tpu.memory_space<hbm>> -> memref<1x79x128xi32, #tpu.memory_space<hbm>>
      %dma_start3A_81 = tpu.memref_squeeze %dma_start3A_80 : memref<1x79x128xi32, #tpu.memory_space<hbm>> -> memref<79x128xi32, #tpu.memory_space<hbm>>
      %dma_start3A_82 = arith.constant 0 : i32
      %dma_start3A_83 = arith.constant 0 : i32
      %dma_start3A_84 = tpu.memref_slice %arg4[%add3A_1, %dma_start3A_82, %dma_start3A_83] : memref<32x79x128xi32, #tpu.memory_space<hbm>> -> memref<1x79x128xi32, #tpu.memory_space<hbm>>
      %dma_start3A_85 = tpu.memref_squeeze %dma_start3A_84 : memref<1x79x128xi32, #tpu.memory_space<hbm>> -> memref<79x128xi32, #tpu.memory_space<hbm>>
      tpu.enqueue_dma source(%dma_start3A_85 : memref<79x128xi32, #tpu.memory_space<hbm>>) target(%arg8 : memref<79x128xi32, #tpu.memory_space<vmem>>) target_semaphore(%run_scoped3A : memref<!tpu.dma_semaphore, #tpu.memory_space<semaphore_mem>>)
      %dma_wait3A = arith.constant 0 : i32
      %dma_wait3A_86 = arith.constant 0 : i32
      %dma_wait3A_87 = tpu.memref_slice %arg4[%add3A_1, %dma_wait3A, %dma_wait3A_86] : memref<32x79x128xi32, #tpu.memory_space<hbm>> -> memref<1x79x128xi32, #tpu.memory_space<hbm>>
      %dma_wait3A_88 = tpu.memref_squeeze %dma_wait3A_87 : memref<1x79x128xi32, #tpu.memory_space<hbm>> -> memref<79x128xi32, #tpu.memory_space<hbm>>
      %dma_wait3A_89 = arith.constant 0 : i32
      %dma_wait3A_90 = arith.constant 0 : i32
      %dma_wait3A_91 = tpu.memref_slice %arg4[%add3A_1, %dma_wait3A_89, %dma_wait3A_90] : memref<32x79x128xi32, #tpu.memory_space<hbm>> -> memref<1x79x128xi32, #tpu.memory_space<hbm>>
      %dma_wait3A_92 = tpu.memref_squeeze %dma_wait3A_91 : memref<1x79x128xi32, #tpu.memory_space<hbm>> -> memref<79x128xi32, #tpu.memory_space<hbm>>
      tpu.wait_dma2 semaphore(%run_scoped3A : memref<!tpu.dma_semaphore, #tpu.memory_space<semaphore_mem>>) src(%dma_wait3A_92 : memref<79x128xi32, #tpu.memory_space<hbm>>) dst(%arg8 : memref<79x128xi32, #tpu.memory_space<vmem>>)
      tpu.yield
    }) : () -> ()
    %mul3A_2 = arith.constant 32 : i32
    %mul3A_3 = arith.muli %arg0, %mul3A_2 : i32
    %add3A_4 = arith.addi %mul3A_3, %add3A_1 : i32
    "tpu.region"() ({
      %run_scoped3A = tpu.sem_alloc : memref<!tpu.dma_semaphore, #tpu.memory_space<semaphore_mem>>
      %dma_start3A = arith.constant 0 : i32
      %dma_start3A_79 = arith.constant 0 : i32
      %dma_start3A_80 = tpu.memref_slice %arg3[%add3A_4, %dma_start3A, %dma_start3A_79] : memref<64x79x128xi32, #tpu.memory_space<hbm>> -> memref<1x79x128xi32, #tpu.memory_space<hbm>>
      %dma_start3A_81 = tpu.memref_squeeze %dma_start3A_80 : memref<1x79x128xi32, #tpu.memory_space<hbm>> -> memref<79x128xi32, #tpu.memory_space<hbm>>
      %dma_start3A_82 = arith.constant 0 : i32
      %dma_start3A_83 = arith.constant 0 : i32
      %dma_start3A_84 = tpu.memref_slice %arg3[%add3A_4, %dma_start3A_82, %dma_start3A_83] : memref<64x79x128xi32, #tpu.memory_space<hbm>> -> memref<1x79x128xi32, #tpu.memory_space<hbm>>
      %dma_start3A_85 = tpu.memref_squeeze %dma_start3A_84 : memref<1x79x128xi32, #tpu.memory_space<hbm>> -> memref<79x128xi32, #tpu.memory_space<hbm>>
      tpu.enqueue_dma source(%dma_start3A_85 : memref<79x128xi32, #tpu.memory_space<hbm>>) target(%arg10 : memref<79x128xi32, #tpu.memory_space<vmem>>) target_semaphore(%run_scoped3A : memref<!tpu.dma_semaphore, #tpu.memory_space<semaphore_mem>>)
      %dma_wait3A = arith.constant 0 : i32
      %dma_wait3A_86 = arith.constant 0 : i32
      %dma_wait3A_87 = tpu.memref_slice %arg3[%add3A_4, %dma_wait3A, %dma_wait3A_86] : memref<64x79x128xi32, #tpu.memory_space<hbm>> -> memref<1x79x128xi32, #tpu.memory_space<hbm>>
      %dma_wait3A_88 = tpu.memref_squeeze %dma_wait3A_87 : memref<1x79x128xi32, #tpu.memory_space<hbm>> -> memref<79x128xi32, #tpu.memory_space<hbm>>
      %dma_wait3A_89 = arith.constant 0 : i32
      %dma_wait3A_90 = arith.constant 0 : i32
      %dma_wait3A_91 = tpu.memref_slice %arg3[%add3A_4, %dma_wait3A_89, %dma_wait3A_90] : memref<64x79x128xi32, #tpu.memory_space<hbm>> -> memref<1x79x128xi32, #tpu.memory_space<hbm>>
      %dma_wait3A_92 = tpu.memref_squeeze %dma_wait3A_91 : memref<1x79x128xi32, #tpu.memory_space<hbm>> -> memref<79x128xi32, #tpu.memory_space<hbm>>
      tpu.wait_dma2 semaphore(%run_scoped3A : memref<!tpu.dma_semaphore, #tpu.memory_space<semaphore_mem>>) src(%dma_wait3A_92 : memref<79x128xi32, #tpu.memory_space<hbm>>) dst(%arg10 : memref<79x128xi32, #tpu.memory_space<vmem>>)
      tpu.yield
    }) : () -> ()
    %scan3A = arith.constant 0 : i32
    %scan3A_5 = arith.constant 0 : i32
    %scan3A_6 = arith.constant 79 : i32
    %scan3A_7 = arith.addi %scan3A_5, %scan3A_6 : i32
    %scan3A_8 = arith.constant 1 : i32
    %scan3A_9 = scf.for %scan3A_79 = %scan3A_5 to %scan3A_7 step %scan3A_8 iter_args(%scan3A_80 = %scan3A) -> (i32)  : i32 {
      "tpu.region"() ({
        %run_scoped3A = tpu.sem_alloc : memref<!tpu.dma_semaphore, #tpu.memory_space<semaphore_mem>>
        %dma_start3A = arith.constant 0 : i32
        %dma_start3A_82 = tpu.memref_slice %arg10[%scan3A_79, %dma_start3A] : memref<79x128xi32, #tpu.memory_space<vmem>> -> memref<1x128xi32, #tpu.memory_space<vmem>>
        %dma_start3A_83 = tpu.memref_squeeze %dma_start3A_82 : memref<1x128xi32, #tpu.memory_space<vmem>> -> memref<128xi32, #tpu.memory_space<vmem>>
        %dma_start3A_84 = arith.constant 0 : i32
        %dma_start3A_85 = arith.constant 0 : i32
        %dma_start3A_86 = tpu.memref_slice %arg2[%dma_start3A_84, %dma_start3A_85] : memref<20480x128xf32, #tpu.memory_space<hbm>> -> memref<20480x128xf32, #tpu.memory_space<hbm>>
        tpu.enqueue_indirect_dma source(%dma_start3A_86 : memref<20480x128xf32, #tpu.memory_space<hbm>>) target(%arg9 : memref<128x128xf32, #tpu.memory_space<vmem>>) offsets(%dma_start3A_83 : memref<128xi32, #tpu.memory_space<vmem>>) semaphore(%run_scoped3A : memref<!tpu.dma_semaphore, #tpu.memory_space<semaphore_mem>>)
        %dma_wait3A = arith.constant 0 : i32
        %dma_wait3A_87 = tpu.memref_slice %arg10[%scan3A_79, %dma_wait3A] : memref<79x128xi32, #tpu.memory_space<vmem>> -> memref<1x128xi32, #tpu.memory_space<vmem>>
        %dma_wait3A_88 = tpu.memref_squeeze %dma_wait3A_87 : memref<1x128xi32, #tpu.memory_space<vmem>> -> memref<128xi32, #tpu.memory_space<vmem>>
        %dma_wait3A_89 = arith.constant 0 : i32
        %dma_wait3A_90 = arith.constant 0 : i32
        %dma_wait3A_91 = tpu.memref_slice %arg2[%dma_wait3A_89, %dma_wait3A_90] : memref<20480x128xf32, #tpu.memory_space<hbm>> -> memref<20480x128xf32, #tpu.memory_space<hbm>>
        tpu.wait_indirect_dma semaphore(%run_scoped3A : memref<!tpu.dma_semaphore, #tpu.memory_space<semaphore_mem>>) src(%dma_wait3A_91 : memref<20480x128xf32, #tpu.memory_space<hbm>>) dst(%arg9 : memref<128x128xf32, #tpu.memory_space<vmem>>)
        tpu.yield
      }) : () -> ()
      "tpu.region"() ({
        %run_scoped3A = tpu.sem_alloc : memref<!tpu.dma_semaphore, #tpu.memory_space<semaphore_mem>>
        %dma_start3A = arith.constant 0 : i32
        %dma_start3A_82 = tpu.memref_slice %arg8[%scan3A_79, %dma_start3A] : memref<79x128xi32, #tpu.memory_space<vmem>> -> memref<1x128xi32, #tpu.memory_space<vmem>>
        %dma_start3A_83 = tpu.memref_squeeze %dma_start3A_82 : memref<1x128xi32, #tpu.memory_space<vmem>> -> memref<128xi32, #tpu.memory_space<vmem>>
        %dma_start3A_84 = arith.constant 0 : i32
        %dma_start3A_85 = arith.constant 0 : i32
        %dma_start3A_86 = tpu.memref_slice %arg7[%dma_start3A_84, %dma_start3A_85] : memref<10240x128xf32, #tpu.memory_space<vmem_shared>> -> memref<10240x128xf32, #tpu.memory_space<vmem_shared>>
        tpu.enqueue_indirect_dma source(%arg9 : memref<128x128xf32, #tpu.memory_space<vmem>>) target(%dma_start3A_86 : memref<10240x128xf32, #tpu.memory_space<vmem_shared>>) offsets(%dma_start3A_83 : memref<128xi32, #tpu.memory_space<vmem>>) semaphore(%run_scoped3A : memref<!tpu.dma_semaphore, #tpu.memory_space<semaphore_mem>>) {add = true}
        %dma_wait3A = arith.constant 0 : i32
        %dma_wait3A_87 = tpu.memref_slice %arg8[%scan3A_79, %dma_wait3A] : memref<79x128xi32, #tpu.memory_space<vmem>> -> memref<1x128xi32, #tpu.memory_space<vmem>>
        %dma_wait3A_88 = tpu.memref_squeeze %dma_wait3A_87 : memref<1x128xi32, #tpu.memory_space<vmem>> -> memref<128xi32, #tpu.memory_space<vmem>>
        %dma_wait3A_89 = arith.constant 0 : i32
        %dma_wait3A_90 = arith.constant 0 : i32
        %dma_wait3A_91 = tpu.memref_slice %arg7[%dma_wait3A_89, %dma_wait3A_90] : memref<10240x128xf32, #tpu.memory_space<vmem_shared>> -> memref<10240x128xf32, #tpu.memory_space<vmem_shared>>
        tpu.wait_indirect_dma semaphore(%run_scoped3A : memref<!tpu.dma_semaphore, #tpu.memory_space<semaphore_mem>>) src(%arg9 : memref<128x128xf32, #tpu.memory_space<vmem>>) dst(%dma_wait3A_91 : memref<10240x128xf32, #tpu.memory_space<vmem_shared>>)
        tpu.yield
      }) : () -> ()
      %scan3A_81 = arith.constant 0 : i32
      scf.yield %scan3A_81 : i32
    }
    %scan3A_10 = arith.constant 79 : i32
    %add3A_11 = arith.constant 16 : i32
    %add3A_12 = arith.addi %add3A_11, %arg1 : i32
    "tpu.region"() ({
      %run_scoped3A = tpu.sem_alloc : memref<!tpu.dma_semaphore, #tpu.memory_space<semaphore_mem>>
      %dma_start3A = arith.constant 0 : i32
      %dma_start3A_79 = arith.constant 0 : i32
      %dma_start3A_80 = tpu.memref_slice %arg4[%add3A_12, %dma_start3A, %dma_start3A_79] : memref<32x79x128xi32, #tpu.memory_space<hbm>> -> memref<1x79x128xi32, #tpu.memory_space<hbm>>
      %dma_start3A_81 = tpu.memref_squeeze %dma_start3A_80 : memref<1x79x128xi32, #tpu.memory_space<hbm>> -> memref<79x128xi32, #tpu.memory_space<hbm>>
      %dma_start3A_82 = arith.constant 0 : i32
      %dma_start3A_83 = arith.constant 0 : i32
      %dma_start3A_84 = tpu.memref_slice %arg4[%add3A_12, %dma_start3A_82, %dma_start3A_83] : memref<32x79x128xi32, #tpu.memory_space<hbm>> -> memref<1x79x128xi32, #tpu.memory_space<hbm>>
      %dma_start3A_85 = tpu.memref_squeeze %dma_start3A_84 : memref<1x79x128xi32, #tpu.memory_space<hbm>> -> memref<79x128xi32, #tpu.memory_space<hbm>>
      tpu.enqueue_dma source(%dma_start3A_85 : memref<79x128xi32, #tpu.memory_space<hbm>>) target(%arg8 : memref<79x128xi32, #tpu.memory_space<vmem>>) target_semaphore(%run_scoped3A : memref<!tpu.dma_semaphore, #tpu.memory_space<semaphore_mem>>)
      %dma_wait3A = arith.constant 0 : i32
      %dma_wait3A_86 = arith.constant 0 : i32
      %dma_wait3A_87 = tpu.memref_slice %arg4[%add3A_12, %dma_wait3A, %dma_wait3A_86] : memref<32x79x128xi32, #tpu.memory_space<hbm>> -> memref<1x79x128xi32, #tpu.memory_space<hbm>>
      %dma_wait3A_88 = tpu.memref_squeeze %dma_wait3A_87 : memref<1x79x128xi32, #tpu.memory_space<hbm>> -> memref<79x128xi32, #tpu.memory_space<hbm>>
      %dma_wait3A_89 = arith.constant 0 : i32
      %dma_wait3A_90 = arith.constant 0 : i32
      %dma_wait3A_91 = tpu.memref_slice %arg4[%add3A_12, %dma_wait3A_89, %dma_wait3A_90] : memref<32x79x128xi32, #tpu.memory_space<hbm>> -> memref<1x79x128xi32, #tpu.memory_space<hbm>>
      %dma_wait3A_92 = tpu.memref_squeeze %dma_wait3A_91 : memref<1x79x128xi32, #tpu.memory_space<hbm>> -> memref<79x128xi32, #tpu.memory_space<hbm>>
      tpu.wait_dma2 semaphore(%run_scoped3A : memref<!tpu.dma_semaphore, #tpu.memory_space<semaphore_mem>>) src(%dma_wait3A_92 : memref<79x128xi32, #tpu.memory_space<hbm>>) dst(%arg8 : memref<79x128xi32, #tpu.memory_space<vmem>>)
      tpu.yield
    }) : () -> ()
    %mul3A_13 = arith.constant 32 : i32
    %mul3A_14 = arith.muli %arg0, %mul3A_13 : i32
    %add3A_15 = arith.addi %mul3A_14, %add3A_12 : i32
    "tpu.region"() ({
      %run_scoped3A = tpu.sem_alloc : memref<!tpu.dma_semaphore, #tpu.memory_space<semaphore_mem>>
      %dma_start3A = arith.constant 0 : i32
      %dma_start3A_79 = arith.constant 0 : i32
      %dma_start3A_80 = tpu.memref_slice %arg3[%add3A_15, %dma_start3A, %dma_start3A_79] : memref<64x79x128xi32, #tpu.memory_space<hbm>> -> memref<1x79x128xi32, #tpu.memory_space<hbm>>
      %dma_start3A_81 = tpu.memref_squeeze %dma_start3A_80 : memref<1x79x128xi32, #tpu.memory_space<hbm>> -> memref<79x128xi32, #tpu.memory_space<hbm>>
      %dma_start3A_82 = arith.constant 0 : i32
      %dma_start3A_83 = arith.constant 0 : i32
      %dma_start3A_84 = tpu.memref_slice %arg3[%add3A_15, %dma_start3A_82, %dma_start3A_83] : memref<64x79x128xi32, #tpu.memory_space<hbm>> -> memref<1x79x128xi32, #tpu.memory_space<hbm>>
      %dma_start3A_85 = tpu.memref_squeeze %dma_start3A_84 : memref<1x79x128xi32, #tpu.memory_space<hbm>> -> memref<79x128xi32, #tpu.memory_space<hbm>>
      tpu.enqueue_dma source(%dma_start3A_85 : memref<79x128xi32, #tpu.memory_space<hbm>>) target(%arg10 : memref<79x128xi32, #tpu.memory_space<vmem>>) target_semaphore(%run_scoped3A : memref<!tpu.dma_semaphore, #tpu.memory_space<semaphore_mem>>)
      %dma_wait3A = arith.constant 0 : i32
      %dma_wait3A_86 = arith.constant 0 : i32
      %dma_wait3A_87 = tpu.memref_slice %arg3[%add3A_15, %dma_wait3A, %dma_wait3A_86] : memref<64x79x128xi32, #tpu.memory_space<hbm>> -> memref<1x79x128xi32, #tpu.memory_space<hbm>>
      %dma_wait3A_88 = tpu.memref_squeeze %dma_wait3A_87 : memref<1x79x128xi32, #tpu.memory_space<hbm>> -> memref<79x128xi32, #tpu.memory_space<hbm>>
      %dma_wait3A_89 = arith.constant 0 : i32
      %dma_wait3A_90 = arith.constant 0 : i32
      %dma_wait3A_91 = tpu.memref_slice %arg3[%add3A_15, %dma_wait3A_89, %dma_wait3A_90] : memref<64x79x128xi32, #tpu.memory_space<hbm>> -> memref<1x79x128xi32, #tpu.memory_space<hbm>>
      %dma_wait3A_92 = tpu.memref_squeeze %dma_wait3A_91 : memref<1x79x128xi32, #tpu.memory_space<hbm>> -> memref<79x128xi32, #tpu.memory_space<hbm>>
      tpu.wait_dma2 semaphore(%run_scoped3A : memref<!tpu.dma_semaphore, #tpu.memory_space<semaphore_mem>>) src(%dma_wait3A_92 : memref<79x128xi32, #tpu.memory_space<hbm>>) dst(%arg10 : memref<79x128xi32, #tpu.memory_space<vmem>>)
      tpu.yield
    }) : () -> ()
    %scan3A_16 = arith.constant 0 : i32
    %scan3A_17 = arith.constant 0 : i32
    %scan3A_18 = arith.constant 79 : i32
    %scan3A_19 = arith.addi %scan3A_17, %scan3A_18 : i32
    %scan3A_20 = arith.constant 1 : i32
    %scan3A_21 = scf.for %scan3A_79 = %scan3A_17 to %scan3A_19 step %scan3A_20 iter_args(%scan3A_80 = %scan3A_16) -> (i32)  : i32 {
      "tpu.region"() ({
        %run_scoped3A = tpu.sem_alloc : memref<!tpu.dma_semaphore, #tpu.memory_space<semaphore_mem>>
        %dma_start3A = arith.constant 0 : i32
        %dma_start3A_82 = tpu.memref_slice %arg10[%scan3A_79, %dma_start3A] : memref<79x128xi32, #tpu.memory_space<vmem>> -> memref<1x128xi32, #tpu.memory_space<vmem>>
        %dma_start3A_83 = tpu.memref_squeeze %dma_start3A_82 : memref<1x128xi32, #tpu.memory_space<vmem>> -> memref<128xi32, #tpu.memory_space<vmem>>
        %dma_start3A_84 = arith.constant 0 : i32
        %dma_start3A_85 = arith.constant 0 : i32
        %dma_start3A_86 = tpu.memref_slice %arg2[%dma_start3A_84, %dma_start3A_85] : memref<20480x128xf32, #tpu.memory_space<hbm>> -> memref<20480x128xf32, #tpu.memory_space<hbm>>
        tpu.enqueue_indirect_dma source(%dma_start3A_86 : memref<20480x128xf32, #tpu.memory_space<hbm>>) target(%arg9 : memref<128x128xf32, #tpu.memory_space<vmem>>) offsets(%dma_start3A_83 : memref<128xi32, #tpu.memory_space<vmem>>) semaphore(%run_scoped3A : memref<!tpu.dma_semaphore, #tpu.memory_space<semaphore_mem>>)
        %dma_wait3A = arith.constant 0 : i32
        %dma_wait3A_87 = tpu.memref_slice %arg10[%scan3A_79, %dma_wait3A] : memref<79x128xi32, #tpu.memory_space<vmem>> -> memref<1x128xi32, #tpu.memory_space<vmem>>
        %dma_wait3A_88 = tpu.memref_squeeze %dma_wait3A_87 : memref<1x128xi32, #tpu.memory_space<vmem>> -> memref<128xi32, #tpu.memory_space<vmem>>
        %dma_wait3A_89 = arith.constant 0 : i32
        %dma_wait3A_90 = arith.constant 0 : i32
        %dma_wait3A_91 = tpu.memref_slice %arg2[%dma_wait3A_89, %dma_wait3A_90] : memref<20480x128xf32, #tpu.memory_space<hbm>> -> memref<20480x128xf32, #tpu.memory_space<hbm>>
        tpu.wait_indirect_dma semaphore(%run_scoped3A : memref<!tpu.dma_semaphore, #tpu.memory_space<semaphore_mem>>) src(%dma_wait3A_91 : memref<20480x128xf32, #tpu.memory_space<hbm>>) dst(%arg9 : memref<128x128xf32, #tpu.memory_space<vmem>>)
        tpu.yield
      }) : () -> ()
      "tpu.region"() ({
        %run_scoped3A = tpu.sem_alloc : memref<!tpu.dma_semaphore, #tpu.memory_space<semaphore_mem>>
        %dma_start3A = arith.constant 0 : i32
        %dma_start3A_82 = tpu.memref_slice %arg8[%scan3A_79, %dma_start3A] : memref<79x128xi32, #tpu.memory_space<vmem>> -> memref<1x128xi32, #tpu.memory_space<vmem>>
        %dma_start3A_83 = tpu.memref_squeeze %dma_start3A_82 : memref<1x128xi32, #tpu.memory_space<vmem>> -> memref<128xi32, #tpu.memory_space<vmem>>
        %dma_start3A_84 = arith.constant 0 : i32
        %dma_start3A_85 = arith.constant 0 : i32
        %dma_start3A_86 = tpu.memref_slice %arg7[%dma_start3A_84, %dma_start3A_85] : memref<10240x128xf32, #tpu.memory_space<vmem_shared>> -> memref<10240x128xf32, #tpu.memory_space<vmem_shared>>
        tpu.enqueue_indirect_dma source(%arg9 : memref<128x128xf32, #tpu.memory_space<vmem>>) target(%dma_start3A_86 : memref<10240x128xf32, #tpu.memory_space<vmem_shared>>) offsets(%dma_start3A_83 : memref<128xi32, #tpu.memory_space<vmem>>) semaphore(%run_scoped3A : memref<!tpu.dma_semaphore, #tpu.memory_space<semaphore_mem>>) {add = true}
        %dma_wait3A = arith.constant 0 : i32
        %dma_wait3A_87 = tpu.memref_slice %arg8[%scan3A_79, %dma_wait3A] : memref<79x128xi32, #tpu.memory_space<vmem>> -> memref<1x128xi32, #tpu.memory_space<vmem>>
        %dma_wait3A_88 = tpu.memref_squeeze %dma_wait3A_87 : memref<1x128xi32, #tpu.memory_space<vmem>> -> memref<128xi32, #tpu.memory_space<vmem>>
        %dma_wait3A_89 = arith.constant 0 : i32
        %dma_wait3A_90 = arith.constant 0 : i32
        %dma_wait3A_91 = tpu.memref_slice %arg7[%dma_wait3A_89, %dma_wait3A_90] : memref<10240x128xf32, #tpu.memory_space<vmem_shared>> -> memref<10240x128xf32, #tpu.memory_space<vmem_shared>>
        tpu.wait_indirect_dma semaphore(%run_scoped3A : memref<!tpu.dma_semaphore, #tpu.memory_space<semaphore_mem>>) src(%arg9 : memref<128x128xf32, #tpu.memory_space<vmem>>) dst(%dma_wait3A_91 : memref<10240x128xf32, #tpu.memory_space<vmem_shared>>)
        tpu.yield
      }) : () -> ()
      %scan3A_81 = arith.constant 0 : i32
      scf.yield %scan3A_81 : i32
    }
    %scan3A_22 = arith.constant 79 : i32
    %barrier3A_23 = arith.constant 0 : index
    tpu.barrier barrier_id(%barrier3A_23)
    %mul3A_24 = arith.constant 640 : i32
    %mul3A_25 = arith.muli %arg1, %mul3A_24 : i32
    %add3A_26 = arith.constant 0 : i32
    %add3A_27 = arith.addi %mul3A_25, %add3A_26 : i32
    "tpu.region"() ({
      %run_scoped3A = tpu.sem_alloc : memref<!tpu.dma_semaphore, #tpu.memory_space<semaphore_mem>>
      %dma_start3A = arith.constant 0 : i32
      %dma_start3A_79 = tpu.memref_slice %arg7[%add3A_27, %dma_start3A] : memref<10240x128xf32, #tpu.memory_space<vmem_shared>> -> memref<128x128xf32, #tpu.memory_space<vmem_shared>>
      %dma_start3A_80 = arith.constant 0 : i32
      %dma_start3A_81 = tpu.memref_slice %arg7[%add3A_27, %dma_start3A_80] : memref<10240x128xf32, #tpu.memory_space<vmem_shared>> -> memref<128x128xf32, #tpu.memory_space<vmem_shared>>
      tpu.enqueue_dma source(%dma_start3A_81 : memref<128x128xf32, #tpu.memory_space<vmem_shared>>) target(%arg9 : memref<128x128xf32, #tpu.memory_space<vmem>>) target_semaphore(%run_scoped3A : memref<!tpu.dma_semaphore, #tpu.memory_space<semaphore_mem>>)
      %dma_wait3A = arith.constant 0 : i32
      %dma_wait3A_82 = tpu.memref_slice %arg7[%add3A_27, %dma_wait3A] : memref<10240x128xf32, #tpu.memory_space<vmem_shared>> -> memref<128x128xf32, #tpu.memory_space<vmem_shared>>
      %dma_wait3A_83 = arith.constant 0 : i32
      %dma_wait3A_84 = tpu.memref_slice %arg7[%add3A_27, %dma_wait3A_83] : memref<10240x128xf32, #tpu.memory_space<vmem_shared>> -> memref<128x128xf32, #tpu.memory_space<vmem_shared>>
      tpu.wait_dma2 semaphore(%run_scoped3A : memref<!tpu.dma_semaphore, #tpu.memory_space<semaphore_mem>>) src(%dma_wait3A_84 : memref<128x128xf32, #tpu.memory_space<vmem_shared>>) dst(%arg9 : memref<128x128xf32, #tpu.memory_space<vmem>>)
      tpu.yield
    }) : () -> ()
    %mul3A_28 = arith.constant 10240 : i32
    %mul3A_29 = arith.muli %arg0, %mul3A_28 : i32
    %mul3A_30 = arith.constant 640 : i32
    %mul3A_31 = arith.muli %arg1, %mul3A_30 : i32
    %add3A_32 = arith.addi %mul3A_29, %mul3A_31 : i32
    %add3A_33 = arith.constant 0 : i32
    %add3A_34 = arith.addi %add3A_32, %add3A_33 : i32
    "tpu.region"() ({
      %run_scoped3A = tpu.sem_alloc : memref<!tpu.dma_semaphore, #tpu.memory_space<semaphore_mem>>
      %dma_start3A = arith.constant 0 : i32
      %dma_start3A_79 = tpu.memref_slice %arg6[%add3A_34, %dma_start3A] : memref<20480x128xf32, #tpu.memory_space<hbm>> -> memref<128x128xf32, #tpu.memory_space<hbm>>
      %dma_start3A_80 = arith.constant 0 : i32
      %dma_start3A_81 = tpu.memref_slice %arg6[%add3A_34, %dma_start3A_80] : memref<20480x128xf32, #tpu.memory_space<hbm>> -> memref<128x128xf32, #tpu.memory_space<hbm>>
      tpu.enqueue_dma source(%arg9 : memref<128x128xf32, #tpu.memory_space<vmem>>) target(%dma_start3A_81 : memref<128x128xf32, #tpu.memory_space<hbm>>) target_semaphore(%run_scoped3A : memref<!tpu.dma_semaphore, #tpu.memory_space<semaphore_mem>>)
      %dma_wait3A = arith.constant 0 : i32
      %dma_wait3A_82 = tpu.memref_slice %arg6[%add3A_34, %dma_wait3A] : memref<20480x128xf32, #tpu.memory_space<hbm>> -> memref<128x128xf32, #tpu.memory_space<hbm>>
      %dma_wait3A_83 = arith.constant 0 : i32
      %dma_wait3A_84 = tpu.memref_slice %arg6[%add3A_34, %dma_wait3A_83] : memref<20480x128xf32, #tpu.memory_space<hbm>> -> memref<128x128xf32, #tpu.memory_space<hbm>>
      tpu.wait_dma2 semaphore(%run_scoped3A : memref<!tpu.dma_semaphore, #tpu.memory_space<semaphore_mem>>) src(%arg9 : memref<128x128xf32, #tpu.memory_space<vmem>>) dst(%dma_wait3A_84 : memref<128x128xf32, #tpu.memory_space<hbm>>)
      tpu.yield
    }) : () -> ()
    %mul3A_35 = arith.constant 640 : i32
    %mul3A_36 = arith.muli %arg1, %mul3A_35 : i32
    %add3A_37 = arith.constant 128 : i32
    %add3A_38 = arith.addi %mul3A_36, %add3A_37 : i32
    "tpu.region"() ({
      %run_scoped3A = tpu.sem_alloc : memref<!tpu.dma_semaphore, #tpu.memory_space<semaphore_mem>>
      %dma_start3A = arith.constant 0 : i32
      %dma_start3A_79 = tpu.memref_slice %arg7[%add3A_38, %dma_start3A] : memref<10240x128xf32, #tpu.memory_space<vmem_shared>> -> memref<128x128xf32, #tpu.memory_space<vmem_shared>>
      %dma_start3A_80 = arith.constant 0 : i32
      %dma_start3A_81 = tpu.memref_slice %arg7[%add3A_38, %dma_start3A_80] : memref<10240x128xf32, #tpu.memory_space<vmem_shared>> -> memref<128x128xf32, #tpu.memory_space<vmem_shared>>
      tpu.enqueue_dma source(%dma_start3A_81 : memref<128x128xf32, #tpu.memory_space<vmem_shared>>) target(%arg9 : memref<128x128xf32, #tpu.memory_space<vmem>>) target_semaphore(%run_scoped3A : memref<!tpu.dma_semaphore, #tpu.memory_space<semaphore_mem>>)
      %dma_wait3A = arith.constant 0 : i32
      %dma_wait3A_82 = tpu.memref_slice %arg7[%add3A_38, %dma_wait3A] : memref<10240x128xf32, #tpu.memory_space<vmem_shared>> -> memref<128x128xf32, #tpu.memory_space<vmem_shared>>
      %dma_wait3A_83 = arith.constant 0 : i32
      %dma_wait3A_84 = tpu.memref_slice %arg7[%add3A_38, %dma_wait3A_83] : memref<10240x128xf32, #tpu.memory_space<vmem_shared>> -> memref<128x128xf32, #tpu.memory_space<vmem_shared>>
      tpu.wait_dma2 semaphore(%run_scoped3A : memref<!tpu.dma_semaphore, #tpu.memory_space<semaphore_mem>>) src(%dma_wait3A_84 : memref<128x128xf32, #tpu.memory_space<vmem_shared>>) dst(%arg9 : memref<128x128xf32, #tpu.memory_space<vmem>>)
      tpu.yield
    }) : () -> ()
    %mul3A_39 = arith.constant 10240 : i32
    %mul3A_40 = arith.muli %arg0, %mul3A_39 : i32
    %mul3A_41 = arith.constant 640 : i32
    %mul3A_42 = arith.muli %arg1, %mul3A_41 : i32
    %add3A_43 = arith.addi %mul3A_40, %mul3A_42 : i32
    %add3A_44 = arith.constant 128 : i32
    %add3A_45 = arith.addi %add3A_43, %add3A_44 : i32
    "tpu.region"() ({
      %run_scoped3A = tpu.sem_alloc : memref<!tpu.dma_semaphore, #tpu.memory_space<semaphore_mem>>
      %dma_start3A = arith.constant 0 : i32
      %dma_start3A_79 = tpu.memref_slice %arg6[%add3A_45, %dma_start3A] : memref<20480x128xf32, #tpu.memory_space<hbm>> -> memref<128x128xf32, #tpu.memory_space<hbm>>
      %dma_start3A_80 = arith.constant 0 : i32
      %dma_start3A_81 = tpu.memref_slice %arg6[%add3A_45, %dma_start3A_80] : memref<20480x128xf32, #tpu.memory_space<hbm>> -> memref<128x128xf32, #tpu.memory_space<hbm>>
      tpu.enqueue_dma source(%arg9 : memref<128x128xf32, #tpu.memory_space<vmem>>) target(%dma_start3A_81 : memref<128x128xf32, #tpu.memory_space<hbm>>) target_semaphore(%run_scoped3A : memref<!tpu.dma_semaphore, #tpu.memory_space<semaphore_mem>>)
      %dma_wait3A = arith.constant 0 : i32
      %dma_wait3A_82 = tpu.memref_slice %arg6[%add3A_45, %dma_wait3A] : memref<20480x128xf32, #tpu.memory_space<hbm>> -> memref<128x128xf32, #tpu.memory_space<hbm>>
      %dma_wait3A_83 = arith.constant 0 : i32
      %dma_wait3A_84 = tpu.memref_slice %arg6[%add3A_45, %dma_wait3A_83] : memref<20480x128xf32, #tpu.memory_space<hbm>> -> memref<128x128xf32, #tpu.memory_space<hbm>>
      tpu.wait_dma2 semaphore(%run_scoped3A : memref<!tpu.dma_semaphore, #tpu.memory_space<semaphore_mem>>) src(%arg9 : memref<128x128xf32, #tpu.memory_space<vmem>>) dst(%dma_wait3A_84 : memref<128x128xf32, #tpu.memory_space<hbm>>)
      tpu.yield
    }) : () -> ()
    %mul3A_46 = arith.constant 640 : i32
    %mul3A_47 = arith.muli %arg1, %mul3A_46 : i32
    %add3A_48 = arith.constant 256 : i32
    %add3A_49 = arith.addi %mul3A_47, %add3A_48 : i32
    "tpu.region"() ({
      %run_scoped3A = tpu.sem_alloc : memref<!tpu.dma_semaphore, #tpu.memory_space<semaphore_mem>>
      %dma_start3A = arith.constant 0 : i32
      %dma_start3A_79 = tpu.memref_slice %arg7[%add3A_49, %dma_start3A] : memref<10240x128xf32, #tpu.memory_space<vmem_shared>> -> memref<128x128xf32, #tpu.memory_space<vmem_shared>>
      %dma_start3A_80 = arith.constant 0 : i32
      %dma_start3A_81 = tpu.memref_slice %arg7[%add3A_49, %dma_start3A_80] : memref<10240x128xf32, #tpu.memory_space<vmem_shared>> -> memref<128x128xf32, #tpu.memory_space<vmem_shared>>
      tpu.enqueue_dma source(%dma_start3A_81 : memref<128x128xf32, #tpu.memory_space<vmem_shared>>) target(%arg9 : memref<128x128xf32, #tpu.memory_space<vmem>>) target_semaphore(%run_scoped3A : memref<!tpu.dma_semaphore, #tpu.memory_space<semaphore_mem>>)
      %dma_wait3A = arith.constant 0 : i32
      %dma_wait3A_82 = tpu.memref_slice %arg7[%add3A_49, %dma_wait3A] : memref<10240x128xf32, #tpu.memory_space<vmem_shared>> -> memref<128x128xf32, #tpu.memory_space<vmem_shared>>
      %dma_wait3A_83 = arith.constant 0 : i32
      %dma_wait3A_84 = tpu.memref_slice %arg7[%add3A_49, %dma_wait3A_83] : memref<10240x128xf32, #tpu.memory_space<vmem_shared>> -> memref<128x128xf32, #tpu.memory_space<vmem_shared>>
      tpu.wait_dma2 semaphore(%run_scoped3A : memref<!tpu.dma_semaphore, #tpu.memory_space<semaphore_mem>>) src(%dma_wait3A_84 : memref<128x128xf32, #tpu.memory_space<vmem_shared>>) dst(%arg9 : memref<128x128xf32, #tpu.memory_space<vmem>>)
      tpu.yield
    }) : () -> ()
    %mul3A_50 = arith.constant 10240 : i32
    %mul3A_51 = arith.muli %arg0, %mul3A_50 : i32
    %mul3A_52 = arith.constant 640 : i32
    %mul3A_53 = arith.muli %arg1, %mul3A_52 : i32
    %add3A_54 = arith.addi %mul3A_51, %mul3A_53 : i32
    %add3A_55 = arith.constant 256 : i32
    %add3A_56 = arith.addi %add3A_54, %add3A_55 : i32
    "tpu.region"() ({
      %run_scoped3A = tpu.sem_alloc : memref<!tpu.dma_semaphore, #tpu.memory_space<semaphore_mem>>
      %dma_start3A = arith.constant 0 : i32
      %dma_start3A_79 = tpu.memref_slice %arg6[%add3A_56, %dma_start3A] : memref<20480x128xf32, #tpu.memory_space<hbm>> -> memref<128x128xf32, #tpu.memory_space<hbm>>
      %dma_start3A_80 = arith.constant 0 : i32
      %dma_start3A_81 = tpu.memref_slice %arg6[%add3A_56, %dma_start3A_80] : memref<20480x128xf32, #tpu.memory_space<hbm>> -> memref<128x128xf32, #tpu.memory_space<hbm>>
      tpu.enqueue_dma source(%arg9 : memref<128x128xf32, #tpu.memory_space<vmem>>) target(%dma_start3A_81 : memref<128x128xf32, #tpu.memory_space<hbm>>) target_semaphore(%run_scoped3A : memref<!tpu.dma_semaphore, #tpu.memory_space<semaphore_mem>>)
      %dma_wait3A = arith.constant 0 : i32
      %dma_wait3A_82 = tpu.memref_slice %arg6[%add3A_56, %dma_wait3A] : memref<20480x128xf32, #tpu.memory_space<hbm>> -> memref<128x128xf32, #tpu.memory_space<hbm>>
      %dma_wait3A_83 = arith.constant 0 : i32
      %dma_wait3A_84 = tpu.memref_slice %arg6[%add3A_56, %dma_wait3A_83] : memref<20480x128xf32, #tpu.memory_space<hbm>> -> memref<128x128xf32, #tpu.memory_space<hbm>>
      tpu.wait_dma2 semaphore(%run_scoped3A : memref<!tpu.dma_semaphore, #tpu.memory_space<semaphore_mem>>) src(%arg9 : memref<128x128xf32, #tpu.memory_space<vmem>>) dst(%dma_wait3A_84 : memref<128x128xf32, #tpu.memory_space<hbm>>)
      tpu.yield
    }) : () -> ()
    %mul3A_57 = arith.constant 640 : i32
    %mul3A_58 = arith.muli %arg1, %mul3A_57 : i32
    %add3A_59 = arith.constant 384 : i32
    %add3A_60 = arith.addi %mul3A_58, %add3A_59 : i32
    "tpu.region"() ({
      %run_scoped3A = tpu.sem_alloc : memref<!tpu.dma_semaphore, #tpu.memory_space<semaphore_mem>>
      %dma_start3A = arith.constant 0 : i32
      %dma_start3A_79 = tpu.memref_slice %arg7[%add3A_60, %dma_start3A] : memref<10240x128xf32, #tpu.memory_space<vmem_shared>> -> memref<128x128xf32, #tpu.memory_space<vmem_shared>>
      %dma_start3A_80 = arith.constant 0 : i32
      %dma_start3A_81 = tpu.memref_slice %arg7[%add3A_60, %dma_start3A_80] : memref<10240x128xf32, #tpu.memory_space<vmem_shared>> -> memref<128x128xf32, #tpu.memory_space<vmem_shared>>
      tpu.enqueue_dma source(%dma_start3A_81 : memref<128x128xf32, #tpu.memory_space<vmem_shared>>) target(%arg9 : memref<128x128xf32, #tpu.memory_space<vmem>>) target_semaphore(%run_scoped3A : memref<!tpu.dma_semaphore, #tpu.memory_space<semaphore_mem>>)
      %dma_wait3A = arith.constant 0 : i32
      %dma_wait3A_82 = tpu.memref_slice %arg7[%add3A_60, %dma_wait3A] : memref<10240x128xf32, #tpu.memory_space<vmem_shared>> -> memref<128x128xf32, #tpu.memory_space<vmem_shared>>
      %dma_wait3A_83 = arith.constant 0 : i32
      %dma_wait3A_84 = tpu.memref_slice %arg7[%add3A_60, %dma_wait3A_83] : memref<10240x128xf32, #tpu.memory_space<vmem_shared>> -> memref<128x128xf32, #tpu.memory_space<vmem_shared>>
      tpu.wait_dma2 semaphore(%run_scoped3A : memref<!tpu.dma_semaphore, #tpu.memory_space<semaphore_mem>>) src(%dma_wait3A_84 : memref<128x128xf32, #tpu.memory_space<vmem_shared>>) dst(%arg9 : memref<128x128xf32, #tpu.memory_space<vmem>>)
      tpu.yield
    }) : () -> ()
    %mul3A_61 = arith.constant 10240 : i32
    %mul3A_62 = arith.muli %arg0, %mul3A_61 : i32
    %mul3A_63 = arith.constant 640 : i32
    %mul3A_64 = arith.muli %arg1, %mul3A_63 : i32
    %add3A_65 = arith.addi %mul3A_62, %mul3A_64 : i32
    %add3A_66 = arith.constant 384 : i32
    %add3A_67 = arith.addi %add3A_65, %add3A_66 : i32
    "tpu.region"() ({
      %run_scoped3A = tpu.sem_alloc : memref<!tpu.dma_semaphore, #tpu.memory_space<semaphore_mem>>
      %dma_start3A = arith.constant 0 : i32
      %dma_start3A_79 = tpu.memref_slice %arg6[%add3A_67, %dma_start3A] : memref<20480x128xf32, #tpu.memory_space<hbm>> -> memref<128x128xf32, #tpu.memory_space<hbm>>
      %dma_start3A_80 = arith.constant 0 : i32
      %dma_start3A_81 = tpu.memref_slice %arg6[%add3A_67, %dma_start3A_80] : memref<20480x128xf32, #tpu.memory_space<hbm>> -> memref<128x128xf32, #tpu.memory_space<hbm>>
      tpu.enqueue_dma source(%arg9 : memref<128x128xf32, #tpu.memory_space<vmem>>) target(%dma_start3A_81 : memref<128x128xf32, #tpu.memory_space<hbm>>) target_semaphore(%run_scoped3A : memref<!tpu.dma_semaphore, #tpu.memory_space<semaphore_mem>>)
      %dma_wait3A = arith.constant 0 : i32
      %dma_wait3A_82 = tpu.memref_slice %arg6[%add3A_67, %dma_wait3A] : memref<20480x128xf32, #tpu.memory_space<hbm>> -> memref<128x128xf32, #tpu.memory_space<hbm>>
      %dma_wait3A_83 = arith.constant 0 : i32
      %dma_wait3A_84 = tpu.memref_slice %arg6[%add3A_67, %dma_wait3A_83] : memref<20480x128xf32, #tpu.memory_space<hbm>> -> memref<128x128xf32, #tpu.memory_space<hbm>>
      tpu.wait_dma2 semaphore(%run_scoped3A : memref<!tpu.dma_semaphore, #tpu.memory_space<semaphore_mem>>) src(%arg9 : memref<128x128xf32, #tpu.memory_space<vmem>>) dst(%dma_wait3A_84 : memref<128x128xf32, #tpu.memory_space<hbm>>)
      tpu.yield
    }) : () -> ()
    %mul3A_68 = arith.constant 640 : i32
    %mul3A_69 = arith.muli %arg1, %mul3A_68 : i32
    %add3A_70 = arith.constant 512 : i32
    %add3A_71 = arith.addi %mul3A_69, %add3A_70 : i32
    "tpu.region"() ({
      %run_scoped3A = tpu.sem_alloc : memref<!tpu.dma_semaphore, #tpu.memory_space<semaphore_mem>>
      %dma_start3A = arith.constant 0 : i32
      %dma_start3A_79 = tpu.memref_slice %arg7[%add3A_71, %dma_start3A] : memref<10240x128xf32, #tpu.memory_space<vmem_shared>> -> memref<128x128xf32, #tpu.memory_space<vmem_shared>>
      %dma_start3A_80 = arith.constant 0 : i32
      %dma_start3A_81 = tpu.memref_slice %arg7[%add3A_71, %dma_start3A_80] : memref<10240x128xf32, #tpu.memory_space<vmem_shared>> -> memref<128x128xf32, #tpu.memory_space<vmem_shared>>
      tpu.enqueue_dma source(%dma_start3A_81 : memref<128x128xf32, #tpu.memory_space<vmem_shared>>) target(%arg9 : memref<128x128xf32, #tpu.memory_space<vmem>>) target_semaphore(%run_scoped3A : memref<!tpu.dma_semaphore, #tpu.memory_space<semaphore_mem>>)
      %dma_wait3A = arith.constant 0 : i32
      %dma_wait3A_82 = tpu.memref_slice %arg7[%add3A_71, %dma_wait3A] : memref<10240x128xf32, #tpu.memory_space<vmem_shared>> -> memref<128x128xf32, #tpu.memory_space<vmem_shared>>
      %dma_wait3A_83 = arith.constant 0 : i32
      %dma_wait3A_84 = tpu.memref_slice %arg7[%add3A_71, %dma_wait3A_83] : memref<10240x128xf32, #tpu.memory_space<vmem_shared>> -> memref<128x128xf32, #tpu.memory_space<vmem_shared>>
      tpu.wait_dma2 semaphore(%run_scoped3A : memref<!tpu.dma_semaphore, #tpu.memory_space<semaphore_mem>>) src(%dma_wait3A_84 : memref<128x128xf32, #tpu.memory_space<vmem_shared>>) dst(%arg9 : memref<128x128xf32, #tpu.memory_space<vmem>>)
      tpu.yield
    }) : () -> ()
    %mul3A_72 = arith.constant 10240 : i32
    %mul3A_73 = arith.muli %arg0, %mul3A_72 : i32
    %mul3A_74 = arith.constant 640 : i32
    %mul3A_75 = arith.muli %arg1, %mul3A_74 : i32
    %add3A_76 = arith.addi %mul3A_73, %mul3A_75 : i32
    %add3A_77 = arith.constant 512 : i32
    %add3A_78 = arith.addi %add3A_76, %add3A_77 : i32
    "tpu.region"() ({
      %run_scoped3A = tpu.sem_alloc : memref<!tpu.dma_semaphore, #tpu.memory_space<semaphore_mem>>
      %dma_start3A = arith.constant 0 : i32
      %dma_start3A_79 = tpu.memref_slice %arg6[%add3A_78, %dma_start3A] : memref<20480x128xf32, #tpu.memory_space<hbm>> -> memref<128x128xf32, #tpu.memory_space<hbm>>
      %dma_start3A_80 = arith.constant 0 : i32
      %dma_start3A_81 = tpu.memref_slice %arg6[%add3A_78, %dma_start3A_80] : memref<20480x128xf32, #tpu.memory_space<hbm>> -> memref<128x128xf32, #tpu.memory_space<hbm>>
      tpu.enqueue_dma source(%arg9 : memref<128x128xf32, #tpu.memory_space<vmem>>) target(%dma_start3A_81 : memref<128x128xf32, #tpu.memory_space<hbm>>) target_semaphore(%run_scoped3A : memref<!tpu.dma_semaphore, #tpu.memory_space<semaphore_mem>>)
      %dma_wait3A = arith.constant 0 : i32
      %dma_wait3A_82 = tpu.memref_slice %arg6[%add3A_78, %dma_wait3A] : memref<20480x128xf32, #tpu.memory_space<hbm>> -> memref<128x128xf32, #tpu.memory_space<hbm>>
      %dma_wait3A_83 = arith.constant 0 : i32
      %dma_wait3A_84 = tpu.memref_slice %arg6[%add3A_78, %dma_wait3A_83] : memref<20480x128xf32, #tpu.memory_space<hbm>> -> memref<128x128xf32, #tpu.memory_space<hbm>>
      tpu.wait_dma2 semaphore(%run_scoped3A : memref<!tpu.dma_semaphore, #tpu.memory_space<semaphore_mem>>) src(%arg9 : memref<128x128xf32, #tpu.memory_space<vmem>>) dst(%dma_wait3A_84 : memref<128x128xf32, #tpu.memory_space<hbm>>)
      tpu.yield
    }) : () -> ()
    return
  }
}

#map = affine_map<(d0, d1) -> (0, 0)>
#map1 = affine_map<(d0, d1) -> (0, 0, 0)>
module attributes {stable_mosaic.version = 14 : i64} {
  func.func @agg_k(%arg0: i32, %arg1: i32, %arg2: memref<40960x128xf32, #tpu.memory_space<hbm>>, %arg3: memref<64x79x128xi32, #tpu.memory_space<hbm>>, %arg4: memref<32x79x128xi32, #tpu.memory_space<hbm>>, %arg5: memref<640x128xf32, #tpu.memory_space<hbm>>, %arg6: memref<20480x128xf32, #tpu.memory_space<hbm>>, %arg7: memref<10240x128xf32, #tpu.memory_space<vmem_shared>>, %arg8: memref<79x128xi32, #tpu.memory_space<vmem>>, %arg9: memref<128x128xf32, #tpu.memory_space<vmem>>, %arg10: memref<79x128xi32, #tpu.memory_space<vmem>>) attributes {dimension_semantics = [#tpu.dimension_semantics<core_parallel>, #tpu.dimension_semantics<subcore_parallel>], iteration_bounds = array<i64: 2, 16>, scalar_prefetch = 0 : i64, scratch_operands = 4 : i64, tpu.core_type = #tpu.core_type<sc_vector_subcore>, window_params = [{transform_indices = #map}, {transform_indices = #map1}, {transform_indices = #map1}, {transform_indices = #map}, {transform_indices = #map}]} {
    %mul3A = arith.constant 640 : i32
    %mul3A_0 = arith.muli %arg1, %mul3A : i32
    "tpu.region"() ({
      %run_scoped3A = tpu.sem_alloc : memref<!tpu.dma_semaphore, #tpu.memory_space<semaphore_mem>>
      %dma_start3A = arith.constant 0 : i32
      %dma_start3A_79 = tpu.memref_slice %arg7[%mul3A_0, %dma_start3A] : memref<10240x128xf32, #tpu.memory_space<vmem_shared>> -> memref<640x128xf32, #tpu.memory_space<vmem_shared>>
      tpu.enqueue_dma source(%arg5 : memref<640x128xf32, #tpu.memory_space<hbm>>) target(%dma_start3A_79 : memref<640x128xf32, #tpu.memory_space<vmem_shared>>) target_semaphore(%run_scoped3A : memref<!tpu.dma_semaphore, #tpu.memory_space<semaphore_mem>>)
      %dma_wait3A = arith.constant 0 : i32
      %dma_wait3A_80 = tpu.memref_slice %arg7[%mul3A_0, %dma_wait3A] : memref<10240x128xf32, #tpu.memory_space<vmem_shared>> -> memref<640x128xf32, #tpu.memory_space<vmem_shared>>
      tpu.wait_dma2 semaphore(%run_scoped3A : memref<!tpu.dma_semaphore, #tpu.memory_space<semaphore_mem>>) src(%arg5 : memref<640x128xf32, #tpu.memory_space<hbm>>) dst(%dma_wait3A_80 : memref<640x128xf32, #tpu.memory_space<vmem_shared>>)
      tpu.yield
    }) : () -> ()
    %barrier3A = arith.constant 0 : index
    tpu.barrier barrier_id(%barrier3A)
    %add3A = arith.constant 0 : i32
    %add3A_1 = arith.addi %add3A, %arg1 : i32
    "tpu.region"() ({
      %run_scoped3A = tpu.sem_alloc : memref<!tpu.dma_semaphore, #tpu.memory_space<semaphore_mem>>
      %dma_start3A = arith.constant 0 : i32
      %dma_start3A_79 = arith.constant 0 : i32
      %dma_start3A_80 = tpu.memref_slice %arg4[%add3A_1, %dma_start3A, %dma_start3A_79] : memref<32x79x128xi32, #tpu.memory_space<hbm>> -> memref<1x79x128xi32, #tpu.memory_space<hbm>>
      %dma_start3A_81 = tpu.memref_squeeze %dma_start3A_80 : memref<1x79x128xi32, #tpu.memory_space<hbm>> -> memref<79x128xi32, #tpu.memory_space<hbm>>
      %dma_start3A_82 = arith.constant 0 : i32
      %dma_start3A_83 = arith.constant 0 : i32
      %dma_start3A_84 = tpu.memref_slice %arg4[%add3A_1, %dma_start3A_82, %dma_start3A_83] : memref<32x79x128xi32, #tpu.memory_space<hbm>> -> memref<1x79x128xi32, #tpu.memory_space<hbm>>
      %dma_start3A_85 = tpu.memref_squeeze %dma_start3A_84 : memref<1x79x128xi32, #tpu.memory_space<hbm>> -> memref<79x128xi32, #tpu.memory_space<hbm>>
      tpu.enqueue_dma source(%dma_start3A_85 : memref<79x128xi32, #tpu.memory_space<hbm>>) target(%arg8 : memref<79x128xi32, #tpu.memory_space<vmem>>) target_semaphore(%run_scoped3A : memref<!tpu.dma_semaphore, #tpu.memory_space<semaphore_mem>>)
      %dma_wait3A = arith.constant 0 : i32
      %dma_wait3A_86 = arith.constant 0 : i32
      %dma_wait3A_87 = tpu.memref_slice %arg4[%add3A_1, %dma_wait3A, %dma_wait3A_86] : memref<32x79x128xi32, #tpu.memory_space<hbm>> -> memref<1x79x128xi32, #tpu.memory_space<hbm>>
      %dma_wait3A_88 = tpu.memref_squeeze %dma_wait3A_87 : memref<1x79x128xi32, #tpu.memory_space<hbm>> -> memref<79x128xi32, #tpu.memory_space<hbm>>
      %dma_wait3A_89 = arith.constant 0 : i32
      %dma_wait3A_90 = arith.constant 0 : i32
      %dma_wait3A_91 = tpu.memref_slice %arg4[%add3A_1, %dma_wait3A_89, %dma_wait3A_90] : memref<32x79x128xi32, #tpu.memory_space<hbm>> -> memref<1x79x128xi32, #tpu.memory_space<hbm>>
      %dma_wait3A_92 = tpu.memref_squeeze %dma_wait3A_91 : memref<1x79x128xi32, #tpu.memory_space<hbm>> -> memref<79x128xi32, #tpu.memory_space<hbm>>
      tpu.wait_dma2 semaphore(%run_scoped3A : memref<!tpu.dma_semaphore, #tpu.memory_space<semaphore_mem>>) src(%dma_wait3A_92 : memref<79x128xi32, #tpu.memory_space<hbm>>) dst(%arg8 : memref<79x128xi32, #tpu.memory_space<vmem>>)
      tpu.yield
    }) : () -> ()
    %mul3A_2 = arith.constant 32 : i32
    %mul3A_3 = arith.muli %arg0, %mul3A_2 : i32
    %add3A_4 = arith.addi %mul3A_3, %add3A_1 : i32
    "tpu.region"() ({
      %run_scoped3A = tpu.sem_alloc : memref<!tpu.dma_semaphore, #tpu.memory_space<semaphore_mem>>
      %dma_start3A = arith.constant 0 : i32
      %dma_start3A_79 = arith.constant 0 : i32
      %dma_start3A_80 = tpu.memref_slice %arg3[%add3A_4, %dma_start3A, %dma_start3A_79] : memref<64x79x128xi32, #tpu.memory_space<hbm>> -> memref<1x79x128xi32, #tpu.memory_space<hbm>>
      %dma_start3A_81 = tpu.memref_squeeze %dma_start3A_80 : memref<1x79x128xi32, #tpu.memory_space<hbm>> -> memref<79x128xi32, #tpu.memory_space<hbm>>
      %dma_start3A_82 = arith.constant 0 : i32
      %dma_start3A_83 = arith.constant 0 : i32
      %dma_start3A_84 = tpu.memref_slice %arg3[%add3A_4, %dma_start3A_82, %dma_start3A_83] : memref<64x79x128xi32, #tpu.memory_space<hbm>> -> memref<1x79x128xi32, #tpu.memory_space<hbm>>
      %dma_start3A_85 = tpu.memref_squeeze %dma_start3A_84 : memref<1x79x128xi32, #tpu.memory_space<hbm>> -> memref<79x128xi32, #tpu.memory_space<hbm>>
      tpu.enqueue_dma source(%dma_start3A_85 : memref<79x128xi32, #tpu.memory_space<hbm>>) target(%arg10 : memref<79x128xi32, #tpu.memory_space<vmem>>) target_semaphore(%run_scoped3A : memref<!tpu.dma_semaphore, #tpu.memory_space<semaphore_mem>>)
      %dma_wait3A = arith.constant 0 : i32
      %dma_wait3A_86 = arith.constant 0 : i32
      %dma_wait3A_87 = tpu.memref_slice %arg3[%add3A_4, %dma_wait3A, %dma_wait3A_86] : memref<64x79x128xi32, #tpu.memory_space<hbm>> -> memref<1x79x128xi32, #tpu.memory_space<hbm>>
      %dma_wait3A_88 = tpu.memref_squeeze %dma_wait3A_87 : memref<1x79x128xi32, #tpu.memory_space<hbm>> -> memref<79x128xi32, #tpu.memory_space<hbm>>
      %dma_wait3A_89 = arith.constant 0 : i32
      %dma_wait3A_90 = arith.constant 0 : i32
      %dma_wait3A_91 = tpu.memref_slice %arg3[%add3A_4, %dma_wait3A_89, %dma_wait3A_90] : memref<64x79x128xi32, #tpu.memory_space<hbm>> -> memref<1x79x128xi32, #tpu.memory_space<hbm>>
      %dma_wait3A_92 = tpu.memref_squeeze %dma_wait3A_91 : memref<1x79x128xi32, #tpu.memory_space<hbm>> -> memref<79x128xi32, #tpu.memory_space<hbm>>
      tpu.wait_dma2 semaphore(%run_scoped3A : memref<!tpu.dma_semaphore, #tpu.memory_space<semaphore_mem>>) src(%dma_wait3A_92 : memref<79x128xi32, #tpu.memory_space<hbm>>) dst(%arg10 : memref<79x128xi32, #tpu.memory_space<vmem>>)
      tpu.yield
    }) : () -> ()
    %scan3A = arith.constant 0 : i32
    %scan3A_5 = arith.constant 0 : i32
    %scan3A_6 = arith.constant 79 : i32
    %scan3A_7 = arith.addi %scan3A_5, %scan3A_6 : i32
    %scan3A_8 = arith.constant 1 : i32
    %scan3A_9 = scf.for %scan3A_79 = %scan3A_5 to %scan3A_7 step %scan3A_8 iter_args(%scan3A_80 = %scan3A) -> (i32)  : i32 {
      "tpu.region"() ({
        %run_scoped3A = tpu.sem_alloc : memref<!tpu.dma_semaphore, #tpu.memory_space<semaphore_mem>>
        %dma_start3A = arith.constant 0 : i32
        %dma_start3A_82 = tpu.memref_slice %arg10[%scan3A_79, %dma_start3A] : memref<79x128xi32, #tpu.memory_space<vmem>> -> memref<1x128xi32, #tpu.memory_space<vmem>>
        %dma_start3A_83 = tpu.memref_squeeze %dma_start3A_82 : memref<1x128xi32, #tpu.memory_space<vmem>> -> memref<128xi32, #tpu.memory_space<vmem>>
        %dma_start3A_84 = arith.constant 0 : i32
        %dma_start3A_85 = arith.constant 0 : i32
        %dma_start3A_86 = tpu.memref_slice %arg2[%dma_start3A_84, %dma_start3A_85] : memref<40960x128xf32, #tpu.memory_space<hbm>> -> memref<40960x128xf32, #tpu.memory_space<hbm>>
        tpu.enqueue_indirect_dma source(%dma_start3A_86 : memref<40960x128xf32, #tpu.memory_space<hbm>>) target(%arg9 : memref<128x128xf32, #tpu.memory_space<vmem>>) offsets(%dma_start3A_83 : memref<128xi32, #tpu.memory_space<vmem>>) semaphore(%run_scoped3A : memref<!tpu.dma_semaphore, #tpu.memory_space<semaphore_mem>>)
        %dma_wait3A = arith.constant 0 : i32
        %dma_wait3A_87 = tpu.memref_slice %arg10[%scan3A_79, %dma_wait3A] : memref<79x128xi32, #tpu.memory_space<vmem>> -> memref<1x128xi32, #tpu.memory_space<vmem>>
        %dma_wait3A_88 = tpu.memref_squeeze %dma_wait3A_87 : memref<1x128xi32, #tpu.memory_space<vmem>> -> memref<128xi32, #tpu.memory_space<vmem>>
        %dma_wait3A_89 = arith.constant 0 : i32
        %dma_wait3A_90 = arith.constant 0 : i32
        %dma_wait3A_91 = tpu.memref_slice %arg2[%dma_wait3A_89, %dma_wait3A_90] : memref<40960x128xf32, #tpu.memory_space<hbm>> -> memref<40960x128xf32, #tpu.memory_space<hbm>>
        tpu.wait_indirect_dma semaphore(%run_scoped3A : memref<!tpu.dma_semaphore, #tpu.memory_space<semaphore_mem>>) src(%dma_wait3A_91 : memref<40960x128xf32, #tpu.memory_space<hbm>>) dst(%arg9 : memref<128x128xf32, #tpu.memory_space<vmem>>)
        tpu.yield
      }) : () -> ()
      "tpu.region"() ({
        %run_scoped3A = tpu.sem_alloc : memref<!tpu.dma_semaphore, #tpu.memory_space<semaphore_mem>>
        %dma_start3A = arith.constant 0 : i32
        %dma_start3A_82 = tpu.memref_slice %arg8[%scan3A_79, %dma_start3A] : memref<79x128xi32, #tpu.memory_space<vmem>> -> memref<1x128xi32, #tpu.memory_space<vmem>>
        %dma_start3A_83 = tpu.memref_squeeze %dma_start3A_82 : memref<1x128xi32, #tpu.memory_space<vmem>> -> memref<128xi32, #tpu.memory_space<vmem>>
        %dma_start3A_84 = arith.constant 0 : i32
        %dma_start3A_85 = arith.constant 0 : i32
        %dma_start3A_86 = tpu.memref_slice %arg7[%dma_start3A_84, %dma_start3A_85] : memref<10240x128xf32, #tpu.memory_space<vmem_shared>> -> memref<10240x128xf32, #tpu.memory_space<vmem_shared>>
        tpu.enqueue_indirect_dma source(%arg9 : memref<128x128xf32, #tpu.memory_space<vmem>>) target(%dma_start3A_86 : memref<10240x128xf32, #tpu.memory_space<vmem_shared>>) offsets(%dma_start3A_83 : memref<128xi32, #tpu.memory_space<vmem>>) semaphore(%run_scoped3A : memref<!tpu.dma_semaphore, #tpu.memory_space<semaphore_mem>>) {add = true}
        %dma_wait3A = arith.constant 0 : i32
        %dma_wait3A_87 = tpu.memref_slice %arg8[%scan3A_79, %dma_wait3A] : memref<79x128xi32, #tpu.memory_space<vmem>> -> memref<1x128xi32, #tpu.memory_space<vmem>>
        %dma_wait3A_88 = tpu.memref_squeeze %dma_wait3A_87 : memref<1x128xi32, #tpu.memory_space<vmem>> -> memref<128xi32, #tpu.memory_space<vmem>>
        %dma_wait3A_89 = arith.constant 0 : i32
        %dma_wait3A_90 = arith.constant 0 : i32
        %dma_wait3A_91 = tpu.memref_slice %arg7[%dma_wait3A_89, %dma_wait3A_90] : memref<10240x128xf32, #tpu.memory_space<vmem_shared>> -> memref<10240x128xf32, #tpu.memory_space<vmem_shared>>
        tpu.wait_indirect_dma semaphore(%run_scoped3A : memref<!tpu.dma_semaphore, #tpu.memory_space<semaphore_mem>>) src(%arg9 : memref<128x128xf32, #tpu.memory_space<vmem>>) dst(%dma_wait3A_91 : memref<10240x128xf32, #tpu.memory_space<vmem_shared>>)
        tpu.yield
      }) : () -> ()
      %scan3A_81 = arith.constant 0 : i32
      scf.yield %scan3A_81 : i32
    }
    %scan3A_10 = arith.constant 79 : i32
    %add3A_11 = arith.constant 16 : i32
    %add3A_12 = arith.addi %add3A_11, %arg1 : i32
    "tpu.region"() ({
      %run_scoped3A = tpu.sem_alloc : memref<!tpu.dma_semaphore, #tpu.memory_space<semaphore_mem>>
      %dma_start3A = arith.constant 0 : i32
      %dma_start3A_79 = arith.constant 0 : i32
      %dma_start3A_80 = tpu.memref_slice %arg4[%add3A_12, %dma_start3A, %dma_start3A_79] : memref<32x79x128xi32, #tpu.memory_space<hbm>> -> memref<1x79x128xi32, #tpu.memory_space<hbm>>
      %dma_start3A_81 = tpu.memref_squeeze %dma_start3A_80 : memref<1x79x128xi32, #tpu.memory_space<hbm>> -> memref<79x128xi32, #tpu.memory_space<hbm>>
      %dma_start3A_82 = arith.constant 0 : i32
      %dma_start3A_83 = arith.constant 0 : i32
      %dma_start3A_84 = tpu.memref_slice %arg4[%add3A_12, %dma_start3A_82, %dma_start3A_83] : memref<32x79x128xi32, #tpu.memory_space<hbm>> -> memref<1x79x128xi32, #tpu.memory_space<hbm>>
      %dma_start3A_85 = tpu.memref_squeeze %dma_start3A_84 : memref<1x79x128xi32, #tpu.memory_space<hbm>> -> memref<79x128xi32, #tpu.memory_space<hbm>>
      tpu.enqueue_dma source(%dma_start3A_85 : memref<79x128xi32, #tpu.memory_space<hbm>>) target(%arg8 : memref<79x128xi32, #tpu.memory_space<vmem>>) target_semaphore(%run_scoped3A : memref<!tpu.dma_semaphore, #tpu.memory_space<semaphore_mem>>)
      %dma_wait3A = arith.constant 0 : i32
      %dma_wait3A_86 = arith.constant 0 : i32
      %dma_wait3A_87 = tpu.memref_slice %arg4[%add3A_12, %dma_wait3A, %dma_wait3A_86] : memref<32x79x128xi32, #tpu.memory_space<hbm>> -> memref<1x79x128xi32, #tpu.memory_space<hbm>>
      %dma_wait3A_88 = tpu.memref_squeeze %dma_wait3A_87 : memref<1x79x128xi32, #tpu.memory_space<hbm>> -> memref<79x128xi32, #tpu.memory_space<hbm>>
      %dma_wait3A_89 = arith.constant 0 : i32
      %dma_wait3A_90 = arith.constant 0 : i32
      %dma_wait3A_91 = tpu.memref_slice %arg4[%add3A_12, %dma_wait3A_89, %dma_wait3A_90] : memref<32x79x128xi32, #tpu.memory_space<hbm>> -> memref<1x79x128xi32, #tpu.memory_space<hbm>>
      %dma_wait3A_92 = tpu.memref_squeeze %dma_wait3A_91 : memref<1x79x128xi32, #tpu.memory_space<hbm>> -> memref<79x128xi32, #tpu.memory_space<hbm>>
      tpu.wait_dma2 semaphore(%run_scoped3A : memref<!tpu.dma_semaphore, #tpu.memory_space<semaphore_mem>>) src(%dma_wait3A_92 : memref<79x128xi32, #tpu.memory_space<hbm>>) dst(%arg8 : memref<79x128xi32, #tpu.memory_space<vmem>>)
      tpu.yield
    }) : () -> ()
    %mul3A_13 = arith.constant 32 : i32
    %mul3A_14 = arith.muli %arg0, %mul3A_13 : i32
    %add3A_15 = arith.addi %mul3A_14, %add3A_12 : i32
    "tpu.region"() ({
      %run_scoped3A = tpu.sem_alloc : memref<!tpu.dma_semaphore, #tpu.memory_space<semaphore_mem>>
      %dma_start3A = arith.constant 0 : i32
      %dma_start3A_79 = arith.constant 0 : i32
      %dma_start3A_80 = tpu.memref_slice %arg3[%add3A_15, %dma_start3A, %dma_start3A_79] : memref<64x79x128xi32, #tpu.memory_space<hbm>> -> memref<1x79x128xi32, #tpu.memory_space<hbm>>
      %dma_start3A_81 = tpu.memref_squeeze %dma_start3A_80 : memref<1x79x128xi32, #tpu.memory_space<hbm>> -> memref<79x128xi32, #tpu.memory_space<hbm>>
      %dma_start3A_82 = arith.constant 0 : i32
      %dma_start3A_83 = arith.constant 0 : i32
      %dma_start3A_84 = tpu.memref_slice %arg3[%add3A_15, %dma_start3A_82, %dma_start3A_83] : memref<64x79x128xi32, #tpu.memory_space<hbm>> -> memref<1x79x128xi32, #tpu.memory_space<hbm>>
      %dma_start3A_85 = tpu.memref_squeeze %dma_start3A_84 : memref<1x79x128xi32, #tpu.memory_space<hbm>> -> memref<79x128xi32, #tpu.memory_space<hbm>>
      tpu.enqueue_dma source(%dma_start3A_85 : memref<79x128xi32, #tpu.memory_space<hbm>>) target(%arg10 : memref<79x128xi32, #tpu.memory_space<vmem>>) target_semaphore(%run_scoped3A : memref<!tpu.dma_semaphore, #tpu.memory_space<semaphore_mem>>)
      %dma_wait3A = arith.constant 0 : i32
      %dma_wait3A_86 = arith.constant 0 : i32
      %dma_wait3A_87 = tpu.memref_slice %arg3[%add3A_15, %dma_wait3A, %dma_wait3A_86] : memref<64x79x128xi32, #tpu.memory_space<hbm>> -> memref<1x79x128xi32, #tpu.memory_space<hbm>>
      %dma_wait3A_88 = tpu.memref_squeeze %dma_wait3A_87 : memref<1x79x128xi32, #tpu.memory_space<hbm>> -> memref<79x128xi32, #tpu.memory_space<hbm>>
      %dma_wait3A_89 = arith.constant 0 : i32
      %dma_wait3A_90 = arith.constant 0 : i32
      %dma_wait3A_91 = tpu.memref_slice %arg3[%add3A_15, %dma_wait3A_89, %dma_wait3A_90] : memref<64x79x128xi32, #tpu.memory_space<hbm>> -> memref<1x79x128xi32, #tpu.memory_space<hbm>>
      %dma_wait3A_92 = tpu.memref_squeeze %dma_wait3A_91 : memref<1x79x128xi32, #tpu.memory_space<hbm>> -> memref<79x128xi32, #tpu.memory_space<hbm>>
      tpu.wait_dma2 semaphore(%run_scoped3A : memref<!tpu.dma_semaphore, #tpu.memory_space<semaphore_mem>>) src(%dma_wait3A_92 : memref<79x128xi32, #tpu.memory_space<hbm>>) dst(%arg10 : memref<79x128xi32, #tpu.memory_space<vmem>>)
      tpu.yield
    }) : () -> ()
    %scan3A_16 = arith.constant 0 : i32
    %scan3A_17 = arith.constant 0 : i32
    %scan3A_18 = arith.constant 79 : i32
    %scan3A_19 = arith.addi %scan3A_17, %scan3A_18 : i32
    %scan3A_20 = arith.constant 1 : i32
    %scan3A_21 = scf.for %scan3A_79 = %scan3A_17 to %scan3A_19 step %scan3A_20 iter_args(%scan3A_80 = %scan3A_16) -> (i32)  : i32 {
      "tpu.region"() ({
        %run_scoped3A = tpu.sem_alloc : memref<!tpu.dma_semaphore, #tpu.memory_space<semaphore_mem>>
        %dma_start3A = arith.constant 0 : i32
        %dma_start3A_82 = tpu.memref_slice %arg10[%scan3A_79, %dma_start3A] : memref<79x128xi32, #tpu.memory_space<vmem>> -> memref<1x128xi32, #tpu.memory_space<vmem>>
        %dma_start3A_83 = tpu.memref_squeeze %dma_start3A_82 : memref<1x128xi32, #tpu.memory_space<vmem>> -> memref<128xi32, #tpu.memory_space<vmem>>
        %dma_start3A_84 = arith.constant 0 : i32
        %dma_start3A_85 = arith.constant 0 : i32
        %dma_start3A_86 = tpu.memref_slice %arg2[%dma_start3A_84, %dma_start3A_85] : memref<40960x128xf32, #tpu.memory_space<hbm>> -> memref<40960x128xf32, #tpu.memory_space<hbm>>
        tpu.enqueue_indirect_dma source(%dma_start3A_86 : memref<40960x128xf32, #tpu.memory_space<hbm>>) target(%arg9 : memref<128x128xf32, #tpu.memory_space<vmem>>) offsets(%dma_start3A_83 : memref<128xi32, #tpu.memory_space<vmem>>) semaphore(%run_scoped3A : memref<!tpu.dma_semaphore, #tpu.memory_space<semaphore_mem>>)
        %dma_wait3A = arith.constant 0 : i32
        %dma_wait3A_87 = tpu.memref_slice %arg10[%scan3A_79, %dma_wait3A] : memref<79x128xi32, #tpu.memory_space<vmem>> -> memref<1x128xi32, #tpu.memory_space<vmem>>
        %dma_wait3A_88 = tpu.memref_squeeze %dma_wait3A_87 : memref<1x128xi32, #tpu.memory_space<vmem>> -> memref<128xi32, #tpu.memory_space<vmem>>
        %dma_wait3A_89 = arith.constant 0 : i32
        %dma_wait3A_90 = arith.constant 0 : i32
        %dma_wait3A_91 = tpu.memref_slice %arg2[%dma_wait3A_89, %dma_wait3A_90] : memref<40960x128xf32, #tpu.memory_space<hbm>> -> memref<40960x128xf32, #tpu.memory_space<hbm>>
        tpu.wait_indirect_dma semaphore(%run_scoped3A : memref<!tpu.dma_semaphore, #tpu.memory_space<semaphore_mem>>) src(%dma_wait3A_91 : memref<40960x128xf32, #tpu.memory_space<hbm>>) dst(%arg9 : memref<128x128xf32, #tpu.memory_space<vmem>>)
        tpu.yield
      }) : () -> ()
      "tpu.region"() ({
        %run_scoped3A = tpu.sem_alloc : memref<!tpu.dma_semaphore, #tpu.memory_space<semaphore_mem>>
        %dma_start3A = arith.constant 0 : i32
        %dma_start3A_82 = tpu.memref_slice %arg8[%scan3A_79, %dma_start3A] : memref<79x128xi32, #tpu.memory_space<vmem>> -> memref<1x128xi32, #tpu.memory_space<vmem>>
        %dma_start3A_83 = tpu.memref_squeeze %dma_start3A_82 : memref<1x128xi32, #tpu.memory_space<vmem>> -> memref<128xi32, #tpu.memory_space<vmem>>
        %dma_start3A_84 = arith.constant 0 : i32
        %dma_start3A_85 = arith.constant 0 : i32
        %dma_start3A_86 = tpu.memref_slice %arg7[%dma_start3A_84, %dma_start3A_85] : memref<10240x128xf32, #tpu.memory_space<vmem_shared>> -> memref<10240x128xf32, #tpu.memory_space<vmem_shared>>
        tpu.enqueue_indirect_dma source(%arg9 : memref<128x128xf32, #tpu.memory_space<vmem>>) target(%dma_start3A_86 : memref<10240x128xf32, #tpu.memory_space<vmem_shared>>) offsets(%dma_start3A_83 : memref<128xi32, #tpu.memory_space<vmem>>) semaphore(%run_scoped3A : memref<!tpu.dma_semaphore, #tpu.memory_space<semaphore_mem>>) {add = true}
        %dma_wait3A = arith.constant 0 : i32
        %dma_wait3A_87 = tpu.memref_slice %arg8[%scan3A_79, %dma_wait3A] : memref<79x128xi32, #tpu.memory_space<vmem>> -> memref<1x128xi32, #tpu.memory_space<vmem>>
        %dma_wait3A_88 = tpu.memref_squeeze %dma_wait3A_87 : memref<1x128xi32, #tpu.memory_space<vmem>> -> memref<128xi32, #tpu.memory_space<vmem>>
        %dma_wait3A_89 = arith.constant 0 : i32
        %dma_wait3A_90 = arith.constant 0 : i32
        %dma_wait3A_91 = tpu.memref_slice %arg7[%dma_wait3A_89, %dma_wait3A_90] : memref<10240x128xf32, #tpu.memory_space<vmem_shared>> -> memref<10240x128xf32, #tpu.memory_space<vmem_shared>>
        tpu.wait_indirect_dma semaphore(%run_scoped3A : memref<!tpu.dma_semaphore, #tpu.memory_space<semaphore_mem>>) src(%arg9 : memref<128x128xf32, #tpu.memory_space<vmem>>) dst(%dma_wait3A_91 : memref<10240x128xf32, #tpu.memory_space<vmem_shared>>)
        tpu.yield
      }) : () -> ()
      %scan3A_81 = arith.constant 0 : i32
      scf.yield %scan3A_81 : i32
    }
    %scan3A_22 = arith.constant 79 : i32
    %barrier3A_23 = arith.constant 0 : index
    tpu.barrier barrier_id(%barrier3A_23)
    %mul3A_24 = arith.constant 640 : i32
    %mul3A_25 = arith.muli %arg1, %mul3A_24 : i32
    %add3A_26 = arith.constant 0 : i32
    %add3A_27 = arith.addi %mul3A_25, %add3A_26 : i32
    "tpu.region"() ({
      %run_scoped3A = tpu.sem_alloc : memref<!tpu.dma_semaphore, #tpu.memory_space<semaphore_mem>>
      %dma_start3A = arith.constant 0 : i32
      %dma_start3A_79 = tpu.memref_slice %arg7[%add3A_27, %dma_start3A] : memref<10240x128xf32, #tpu.memory_space<vmem_shared>> -> memref<128x128xf32, #tpu.memory_space<vmem_shared>>
      %dma_start3A_80 = arith.constant 0 : i32
      %dma_start3A_81 = tpu.memref_slice %arg7[%add3A_27, %dma_start3A_80] : memref<10240x128xf32, #tpu.memory_space<vmem_shared>> -> memref<128x128xf32, #tpu.memory_space<vmem_shared>>
      tpu.enqueue_dma source(%dma_start3A_81 : memref<128x128xf32, #tpu.memory_space<vmem_shared>>) target(%arg9 : memref<128x128xf32, #tpu.memory_space<vmem>>) target_semaphore(%run_scoped3A : memref<!tpu.dma_semaphore, #tpu.memory_space<semaphore_mem>>)
      %dma_wait3A = arith.constant 0 : i32
      %dma_wait3A_82 = tpu.memref_slice %arg7[%add3A_27, %dma_wait3A] : memref<10240x128xf32, #tpu.memory_space<vmem_shared>> -> memref<128x128xf32, #tpu.memory_space<vmem_shared>>
      %dma_wait3A_83 = arith.constant 0 : i32
      %dma_wait3A_84 = tpu.memref_slice %arg7[%add3A_27, %dma_wait3A_83] : memref<10240x128xf32, #tpu.memory_space<vmem_shared>> -> memref<128x128xf32, #tpu.memory_space<vmem_shared>>
      tpu.wait_dma2 semaphore(%run_scoped3A : memref<!tpu.dma_semaphore, #tpu.memory_space<semaphore_mem>>) src(%dma_wait3A_84 : memref<128x128xf32, #tpu.memory_space<vmem_shared>>) dst(%arg9 : memref<128x128xf32, #tpu.memory_space<vmem>>)
      tpu.yield
    }) : () -> ()
    %mul3A_28 = arith.constant 10240 : i32
    %mul3A_29 = arith.muli %arg0, %mul3A_28 : i32
    %mul3A_30 = arith.constant 640 : i32
    %mul3A_31 = arith.muli %arg1, %mul3A_30 : i32
    %add3A_32 = arith.addi %mul3A_29, %mul3A_31 : i32
    %add3A_33 = arith.constant 0 : i32
    %add3A_34 = arith.addi %add3A_32, %add3A_33 : i32
    "tpu.region"() ({
      %run_scoped3A = tpu.sem_alloc : memref<!tpu.dma_semaphore, #tpu.memory_space<semaphore_mem>>
      %dma_start3A = arith.constant 0 : i32
      %dma_start3A_79 = tpu.memref_slice %arg6[%add3A_34, %dma_start3A] : memref<20480x128xf32, #tpu.memory_space<hbm>> -> memref<128x128xf32, #tpu.memory_space<hbm>>
      %dma_start3A_80 = arith.constant 0 : i32
      %dma_start3A_81 = tpu.memref_slice %arg6[%add3A_34, %dma_start3A_80] : memref<20480x128xf32, #tpu.memory_space<hbm>> -> memref<128x128xf32, #tpu.memory_space<hbm>>
      tpu.enqueue_dma source(%arg9 : memref<128x128xf32, #tpu.memory_space<vmem>>) target(%dma_start3A_81 : memref<128x128xf32, #tpu.memory_space<hbm>>) target_semaphore(%run_scoped3A : memref<!tpu.dma_semaphore, #tpu.memory_space<semaphore_mem>>)
      %dma_wait3A = arith.constant 0 : i32
      %dma_wait3A_82 = tpu.memref_slice %arg6[%add3A_34, %dma_wait3A] : memref<20480x128xf32, #tpu.memory_space<hbm>> -> memref<128x128xf32, #tpu.memory_space<hbm>>
      %dma_wait3A_83 = arith.constant 0 : i32
      %dma_wait3A_84 = tpu.memref_slice %arg6[%add3A_34, %dma_wait3A_83] : memref<20480x128xf32, #tpu.memory_space<hbm>> -> memref<128x128xf32, #tpu.memory_space<hbm>>
      tpu.wait_dma2 semaphore(%run_scoped3A : memref<!tpu.dma_semaphore, #tpu.memory_space<semaphore_mem>>) src(%arg9 : memref<128x128xf32, #tpu.memory_space<vmem>>) dst(%dma_wait3A_84 : memref<128x128xf32, #tpu.memory_space<hbm>>)
      tpu.yield
    }) : () -> ()
    %mul3A_35 = arith.constant 640 : i32
    %mul3A_36 = arith.muli %arg1, %mul3A_35 : i32
    %add3A_37 = arith.constant 128 : i32
    %add3A_38 = arith.addi %mul3A_36, %add3A_37 : i32
    "tpu.region"() ({
      %run_scoped3A = tpu.sem_alloc : memref<!tpu.dma_semaphore, #tpu.memory_space<semaphore_mem>>
      %dma_start3A = arith.constant 0 : i32
      %dma_start3A_79 = tpu.memref_slice %arg7[%add3A_38, %dma_start3A] : memref<10240x128xf32, #tpu.memory_space<vmem_shared>> -> memref<128x128xf32, #tpu.memory_space<vmem_shared>>
      %dma_start3A_80 = arith.constant 0 : i32
      %dma_start3A_81 = tpu.memref_slice %arg7[%add3A_38, %dma_start3A_80] : memref<10240x128xf32, #tpu.memory_space<vmem_shared>> -> memref<128x128xf32, #tpu.memory_space<vmem_shared>>
      tpu.enqueue_dma source(%dma_start3A_81 : memref<128x128xf32, #tpu.memory_space<vmem_shared>>) target(%arg9 : memref<128x128xf32, #tpu.memory_space<vmem>>) target_semaphore(%run_scoped3A : memref<!tpu.dma_semaphore, #tpu.memory_space<semaphore_mem>>)
      %dma_wait3A = arith.constant 0 : i32
      %dma_wait3A_82 = tpu.memref_slice %arg7[%add3A_38, %dma_wait3A] : memref<10240x128xf32, #tpu.memory_space<vmem_shared>> -> memref<128x128xf32, #tpu.memory_space<vmem_shared>>
      %dma_wait3A_83 = arith.constant 0 : i32
      %dma_wait3A_84 = tpu.memref_slice %arg7[%add3A_38, %dma_wait3A_83] : memref<10240x128xf32, #tpu.memory_space<vmem_shared>> -> memref<128x128xf32, #tpu.memory_space<vmem_shared>>
      tpu.wait_dma2 semaphore(%run_scoped3A : memref<!tpu.dma_semaphore, #tpu.memory_space<semaphore_mem>>) src(%dma_wait3A_84 : memref<128x128xf32, #tpu.memory_space<vmem_shared>>) dst(%arg9 : memref<128x128xf32, #tpu.memory_space<vmem>>)
      tpu.yield
    }) : () -> ()
    %mul3A_39 = arith.constant 10240 : i32
    %mul3A_40 = arith.muli %arg0, %mul3A_39 : i32
    %mul3A_41 = arith.constant 640 : i32
    %mul3A_42 = arith.muli %arg1, %mul3A_41 : i32
    %add3A_43 = arith.addi %mul3A_40, %mul3A_42 : i32
    %add3A_44 = arith.constant 128 : i32
    %add3A_45 = arith.addi %add3A_43, %add3A_44 : i32
    "tpu.region"() ({
      %run_scoped3A = tpu.sem_alloc : memref<!tpu.dma_semaphore, #tpu.memory_space<semaphore_mem>>
      %dma_start3A = arith.constant 0 : i32
      %dma_start3A_79 = tpu.memref_slice %arg6[%add3A_45, %dma_start3A] : memref<20480x128xf32, #tpu.memory_space<hbm>> -> memref<128x128xf32, #tpu.memory_space<hbm>>
      %dma_start3A_80 = arith.constant 0 : i32
      %dma_start3A_81 = tpu.memref_slice %arg6[%add3A_45, %dma_start3A_80] : memref<20480x128xf32, #tpu.memory_space<hbm>> -> memref<128x128xf32, #tpu.memory_space<hbm>>
      tpu.enqueue_dma source(%arg9 : memref<128x128xf32, #tpu.memory_space<vmem>>) target(%dma_start3A_81 : memref<128x128xf32, #tpu.memory_space<hbm>>) target_semaphore(%run_scoped3A : memref<!tpu.dma_semaphore, #tpu.memory_space<semaphore_mem>>)
      %dma_wait3A = arith.constant 0 : i32
      %dma_wait3A_82 = tpu.memref_slice %arg6[%add3A_45, %dma_wait3A] : memref<20480x128xf32, #tpu.memory_space<hbm>> -> memref<128x128xf32, #tpu.memory_space<hbm>>
      %dma_wait3A_83 = arith.constant 0 : i32
      %dma_wait3A_84 = tpu.memref_slice %arg6[%add3A_45, %dma_wait3A_83] : memref<20480x128xf32, #tpu.memory_space<hbm>> -> memref<128x128xf32, #tpu.memory_space<hbm>>
      tpu.wait_dma2 semaphore(%run_scoped3A : memref<!tpu.dma_semaphore, #tpu.memory_space<semaphore_mem>>) src(%arg9 : memref<128x128xf32, #tpu.memory_space<vmem>>) dst(%dma_wait3A_84 : memref<128x128xf32, #tpu.memory_space<hbm>>)
      tpu.yield
    }) : () -> ()
    %mul3A_46 = arith.constant 640 : i32
    %mul3A_47 = arith.muli %arg1, %mul3A_46 : i32
    %add3A_48 = arith.constant 256 : i32
    %add3A_49 = arith.addi %mul3A_47, %add3A_48 : i32
    "tpu.region"() ({
      %run_scoped3A = tpu.sem_alloc : memref<!tpu.dma_semaphore, #tpu.memory_space<semaphore_mem>>
      %dma_start3A = arith.constant 0 : i32
      %dma_start3A_79 = tpu.memref_slice %arg7[%add3A_49, %dma_start3A] : memref<10240x128xf32, #tpu.memory_space<vmem_shared>> -> memref<128x128xf32, #tpu.memory_space<vmem_shared>>
      %dma_start3A_80 = arith.constant 0 : i32
      %dma_start3A_81 = tpu.memref_slice %arg7[%add3A_49, %dma_start3A_80] : memref<10240x128xf32, #tpu.memory_space<vmem_shared>> -> memref<128x128xf32, #tpu.memory_space<vmem_shared>>
      tpu.enqueue_dma source(%dma_start3A_81 : memref<128x128xf32, #tpu.memory_space<vmem_shared>>) target(%arg9 : memref<128x128xf32, #tpu.memory_space<vmem>>) target_semaphore(%run_scoped3A : memref<!tpu.dma_semaphore, #tpu.memory_space<semaphore_mem>>)
      %dma_wait3A = arith.constant 0 : i32
      %dma_wait3A_82 = tpu.memref_slice %arg7[%add3A_49, %dma_wait3A] : memref<10240x128xf32, #tpu.memory_space<vmem_shared>> -> memref<128x128xf32, #tpu.memory_space<vmem_shared>>
      %dma_wait3A_83 = arith.constant 0 : i32
      %dma_wait3A_84 = tpu.memref_slice %arg7[%add3A_49, %dma_wait3A_83] : memref<10240x128xf32, #tpu.memory_space<vmem_shared>> -> memref<128x128xf32, #tpu.memory_space<vmem_shared>>
      tpu.wait_dma2 semaphore(%run_scoped3A : memref<!tpu.dma_semaphore, #tpu.memory_space<semaphore_mem>>) src(%dma_wait3A_84 : memref<128x128xf32, #tpu.memory_space<vmem_shared>>) dst(%arg9 : memref<128x128xf32, #tpu.memory_space<vmem>>)
      tpu.yield
    }) : () -> ()
    %mul3A_50 = arith.constant 10240 : i32
    %mul3A_51 = arith.muli %arg0, %mul3A_50 : i32
    %mul3A_52 = arith.constant 640 : i32
    %mul3A_53 = arith.muli %arg1, %mul3A_52 : i32
    %add3A_54 = arith.addi %mul3A_51, %mul3A_53 : i32
    %add3A_55 = arith.constant 256 : i32
    %add3A_56 = arith.addi %add3A_54, %add3A_55 : i32
    "tpu.region"() ({
      %run_scoped3A = tpu.sem_alloc : memref<!tpu.dma_semaphore, #tpu.memory_space<semaphore_mem>>
      %dma_start3A = arith.constant 0 : i32
      %dma_start3A_79 = tpu.memref_slice %arg6[%add3A_56, %dma_start3A] : memref<20480x128xf32, #tpu.memory_space<hbm>> -> memref<128x128xf32, #tpu.memory_space<hbm>>
      %dma_start3A_80 = arith.constant 0 : i32
      %dma_start3A_81 = tpu.memref_slice %arg6[%add3A_56, %dma_start3A_80] : memref<20480x128xf32, #tpu.memory_space<hbm>> -> memref<128x128xf32, #tpu.memory_space<hbm>>
      tpu.enqueue_dma source(%arg9 : memref<128x128xf32, #tpu.memory_space<vmem>>) target(%dma_start3A_81 : memref<128x128xf32, #tpu.memory_space<hbm>>) target_semaphore(%run_scoped3A : memref<!tpu.dma_semaphore, #tpu.memory_space<semaphore_mem>>)
      %dma_wait3A = arith.constant 0 : i32
      %dma_wait3A_82 = tpu.memref_slice %arg6[%add3A_56, %dma_wait3A] : memref<20480x128xf32, #tpu.memory_space<hbm>> -> memref<128x128xf32, #tpu.memory_space<hbm>>
      %dma_wait3A_83 = arith.constant 0 : i32
      %dma_wait3A_84 = tpu.memref_slice %arg6[%add3A_56, %dma_wait3A_83] : memref<20480x128xf32, #tpu.memory_space<hbm>> -> memref<128x128xf32, #tpu.memory_space<hbm>>
      tpu.wait_dma2 semaphore(%run_scoped3A : memref<!tpu.dma_semaphore, #tpu.memory_space<semaphore_mem>>) src(%arg9 : memref<128x128xf32, #tpu.memory_space<vmem>>) dst(%dma_wait3A_84 : memref<128x128xf32, #tpu.memory_space<hbm>>)
      tpu.yield
    }) : () -> ()
    %mul3A_57 = arith.constant 640 : i32
    %mul3A_58 = arith.muli %arg1, %mul3A_57 : i32
    %add3A_59 = arith.constant 384 : i32
    %add3A_60 = arith.addi %mul3A_58, %add3A_59 : i32
    "tpu.region"() ({
      %run_scoped3A = tpu.sem_alloc : memref<!tpu.dma_semaphore, #tpu.memory_space<semaphore_mem>>
      %dma_start3A = arith.constant 0 : i32
      %dma_start3A_79 = tpu.memref_slice %arg7[%add3A_60, %dma_start3A] : memref<10240x128xf32, #tpu.memory_space<vmem_shared>> -> memref<128x128xf32, #tpu.memory_space<vmem_shared>>
      %dma_start3A_80 = arith.constant 0 : i32
      %dma_start3A_81 = tpu.memref_slice %arg7[%add3A_60, %dma_start3A_80] : memref<10240x128xf32, #tpu.memory_space<vmem_shared>> -> memref<128x128xf32, #tpu.memory_space<vmem_shared>>
      tpu.enqueue_dma source(%dma_start3A_81 : memref<128x128xf32, #tpu.memory_space<vmem_shared>>) target(%arg9 : memref<128x128xf32, #tpu.memory_space<vmem>>) target_semaphore(%run_scoped3A : memref<!tpu.dma_semaphore, #tpu.memory_space<semaphore_mem>>)
      %dma_wait3A = arith.constant 0 : i32
      %dma_wait3A_82 = tpu.memref_slice %arg7[%add3A_60, %dma_wait3A] : memref<10240x128xf32, #tpu.memory_space<vmem_shared>> -> memref<128x128xf32, #tpu.memory_space<vmem_shared>>
      %dma_wait3A_83 = arith.constant 0 : i32
      %dma_wait3A_84 = tpu.memref_slice %arg7[%add3A_60, %dma_wait3A_83] : memref<10240x128xf32, #tpu.memory_space<vmem_shared>> -> memref<128x128xf32, #tpu.memory_space<vmem_shared>>
      tpu.wait_dma2 semaphore(%run_scoped3A : memref<!tpu.dma_semaphore, #tpu.memory_space<semaphore_mem>>) src(%dma_wait3A_84 : memref<128x128xf32, #tpu.memory_space<vmem_shared>>) dst(%arg9 : memref<128x128xf32, #tpu.memory_space<vmem>>)
      tpu.yield
    }) : () -> ()
    %mul3A_61 = arith.constant 10240 : i32
    %mul3A_62 = arith.muli %arg0, %mul3A_61 : i32
    %mul3A_63 = arith.constant 640 : i32
    %mul3A_64 = arith.muli %arg1, %mul3A_63 : i32
    %add3A_65 = arith.addi %mul3A_62, %mul3A_64 : i32
    %add3A_66 = arith.constant 384 : i32
    %add3A_67 = arith.addi %add3A_65, %add3A_66 : i32
    "tpu.region"() ({
      %run_scoped3A = tpu.sem_alloc : memref<!tpu.dma_semaphore, #tpu.memory_space<semaphore_mem>>
      %dma_start3A = arith.constant 0 : i32
      %dma_start3A_79 = tpu.memref_slice %arg6[%add3A_67, %dma_start3A] : memref<20480x128xf32, #tpu.memory_space<hbm>> -> memref<128x128xf32, #tpu.memory_space<hbm>>
      %dma_start3A_80 = arith.constant 0 : i32
      %dma_start3A_81 = tpu.memref_slice %arg6[%add3A_67, %dma_start3A_80] : memref<20480x128xf32, #tpu.memory_space<hbm>> -> memref<128x128xf32, #tpu.memory_space<hbm>>
      tpu.enqueue_dma source(%arg9 : memref<128x128xf32, #tpu.memory_space<vmem>>) target(%dma_start3A_81 : memref<128x128xf32, #tpu.memory_space<hbm>>) target_semaphore(%run_scoped3A : memref<!tpu.dma_semaphore, #tpu.memory_space<semaphore_mem>>)
      %dma_wait3A = arith.constant 0 : i32
      %dma_wait3A_82 = tpu.memref_slice %arg6[%add3A_67, %dma_wait3A] : memref<20480x128xf32, #tpu.memory_space<hbm>> -> memref<128x128xf32, #tpu.memory_space<hbm>>
      %dma_wait3A_83 = arith.constant 0 : i32
      %dma_wait3A_84 = tpu.memref_slice %arg6[%add3A_67, %dma_wait3A_83] : memref<20480x128xf32, #tpu.memory_space<hbm>> -> memref<128x128xf32, #tpu.memory_space<hbm>>
      tpu.wait_dma2 semaphore(%run_scoped3A : memref<!tpu.dma_semaphore, #tpu.memory_space<semaphore_mem>>) src(%arg9 : memref<128x128xf32, #tpu.memory_space<vmem>>) dst(%dma_wait3A_84 : memref<128x128xf32, #tpu.memory_space<hbm>>)
      tpu.yield
    }) : () -> ()
    %mul3A_68 = arith.constant 640 : i32
    %mul3A_69 = arith.muli %arg1, %mul3A_68 : i32
    %add3A_70 = arith.constant 512 : i32
    %add3A_71 = arith.addi %mul3A_69, %add3A_70 : i32
    "tpu.region"() ({
      %run_scoped3A = tpu.sem_alloc : memref<!tpu.dma_semaphore, #tpu.memory_space<semaphore_mem>>
      %dma_start3A = arith.constant 0 : i32
      %dma_start3A_79 = tpu.memref_slice %arg7[%add3A_71, %dma_start3A] : memref<10240x128xf32, #tpu.memory_space<vmem_shared>> -> memref<128x128xf32, #tpu.memory_space<vmem_shared>>
      %dma_start3A_80 = arith.constant 0 : i32
      %dma_start3A_81 = tpu.memref_slice %arg7[%add3A_71, %dma_start3A_80] : memref<10240x128xf32, #tpu.memory_space<vmem_shared>> -> memref<128x128xf32, #tpu.memory_space<vmem_shared>>
      tpu.enqueue_dma source(%dma_start3A_81 : memref<128x128xf32, #tpu.memory_space<vmem_shared>>) target(%arg9 : memref<128x128xf32, #tpu.memory_space<vmem>>) target_semaphore(%run_scoped3A : memref<!tpu.dma_semaphore, #tpu.memory_space<semaphore_mem>>)
      %dma_wait3A = arith.constant 0 : i32
      %dma_wait3A_82 = tpu.memref_slice %arg7[%add3A_71, %dma_wait3A] : memref<10240x128xf32, #tpu.memory_space<vmem_shared>> -> memref<128x128xf32, #tpu.memory_space<vmem_shared>>
      %dma_wait3A_83 = arith.constant 0 : i32
      %dma_wait3A_84 = tpu.memref_slice %arg7[%add3A_71, %dma_wait3A_83] : memref<10240x128xf32, #tpu.memory_space<vmem_shared>> -> memref<128x128xf32, #tpu.memory_space<vmem_shared>>
      tpu.wait_dma2 semaphore(%run_scoped3A : memref<!tpu.dma_semaphore, #tpu.memory_space<semaphore_mem>>) src(%dma_wait3A_84 : memref<128x128xf32, #tpu.memory_space<vmem_shared>>) dst(%arg9 : memref<128x128xf32, #tpu.memory_space<vmem>>)
      tpu.yield
    }) : () -> ()
    %mul3A_72 = arith.constant 10240 : i32
    %mul3A_73 = arith.muli %arg0, %mul3A_72 : i32
    %mul3A_74 = arith.constant 640 : i32
    %mul3A_75 = arith.muli %arg1, %mul3A_74 : i32
    %add3A_76 = arith.addi %mul3A_73, %mul3A_75 : i32
    %add3A_77 = arith.constant 512 : i32
    %add3A_78 = arith.addi %add3A_76, %add3A_77 : i32
    "tpu.region"() ({
      %run_scoped3A = tpu.sem_alloc : memref<!tpu.dma_semaphore, #tpu.memory_space<semaphore_mem>>
      %dma_start3A = arith.constant 0 : i32
      %dma_start3A_79 = tpu.memref_slice %arg6[%add3A_78, %dma_start3A] : memref<20480x128xf32, #tpu.memory_space<hbm>> -> memref<128x128xf32, #tpu.memory_space<hbm>>
      %dma_start3A_80 = arith.constant 0 : i32
      %dma_start3A_81 = tpu.memref_slice %arg6[%add3A_78, %dma_start3A_80] : memref<20480x128xf32, #tpu.memory_space<hbm>> -> memref<128x128xf32, #tpu.memory_space<hbm>>
      tpu.enqueue_dma source(%arg9 : memref<128x128xf32, #tpu.memory_space<vmem>>) target(%dma_start3A_81 : memref<128x128xf32, #tpu.memory_space<hbm>>) target_semaphore(%run_scoped3A : memref<!tpu.dma_semaphore, #tpu.memory_space<semaphore_mem>>)
      %dma_wait3A = arith.constant 0 : i32
      %dma_wait3A_82 = tpu.memref_slice %arg6[%add3A_78, %dma_wait3A] : memref<20480x128xf32, #tpu.memory_space<hbm>> -> memref<128x128xf32, #tpu.memory_space<hbm>>
      %dma_wait3A_83 = arith.constant 0 : i32
      %dma_wait3A_84 = tpu.memref_slice %arg6[%add3A_78, %dma_wait3A_83] : memref<20480x128xf32, #tpu.memory_space<hbm>> -> memref<128x128xf32, #tpu.memory_space<hbm>>
      tpu.wait_dma2 semaphore(%run_scoped3A : memref<!tpu.dma_semaphore, #tpu.memory_space<semaphore_mem>>) src(%arg9 : memref<128x128xf32, #tpu.memory_space<vmem>>) dst(%dma_wait3A_84 : memref<128x128xf32, #tpu.memory_space<hbm>>)
      tpu.yield
    }) : () -> ()
    return
  }
}

#map = affine_map<(d0, d1) -> (0, 0)>
#map1 = affine_map<(d0, d1) -> (0, 0, 0)>
module attributes {stable_mosaic.version = 14 : i64} {
  func.func @agg_k(%arg0: i32, %arg1: i32, %arg2: memref<40960x128xf32, #tpu.memory_space<hbm>>, %arg3: memref<64x79x128xi32, #tpu.memory_space<hbm>>, %arg4: memref<32x79x128xi32, #tpu.memory_space<hbm>>, %arg5: memref<640x128xf32, #tpu.memory_space<hbm>>, %arg6: memref<20480x128xf32, #tpu.memory_space<hbm>>, %arg7: memref<10240x128xf32, #tpu.memory_space<vmem_shared>>, %arg8: memref<79x128xi32, #tpu.memory_space<vmem>>, %arg9: memref<128x128xf32, #tpu.memory_space<vmem>>, %arg10: memref<79x128xi32, #tpu.memory_space<vmem>>) attributes {dimension_semantics = [#tpu.dimension_semantics<core_parallel>, #tpu.dimension_semantics<subcore_parallel>], iteration_bounds = array<i64: 2, 16>, scalar_prefetch = 0 : i64, scratch_operands = 4 : i64, tpu.core_type = #tpu.core_type<sc_vector_subcore>, window_params = [{transform_indices = #map}, {transform_indices = #map1}, {transform_indices = #map1}, {transform_indices = #map}, {transform_indices = #map}]} {
    %mul3A = arith.constant 640 : i32
    %mul3A_0 = arith.muli %arg1, %mul3A : i32
    "tpu.region"() ({
      %run_scoped3A = tpu.sem_alloc : memref<!tpu.dma_semaphore, #tpu.memory_space<semaphore_mem>>
      %dma_start3A = arith.constant 0 : i32
      %dma_start3A_79 = tpu.memref_slice %arg7[%mul3A_0, %dma_start3A] : memref<10240x128xf32, #tpu.memory_space<vmem_shared>> -> memref<640x128xf32, #tpu.memory_space<vmem_shared>>
      tpu.enqueue_dma source(%arg5 : memref<640x128xf32, #tpu.memory_space<hbm>>) target(%dma_start3A_79 : memref<640x128xf32, #tpu.memory_space<vmem_shared>>) target_semaphore(%run_scoped3A : memref<!tpu.dma_semaphore, #tpu.memory_space<semaphore_mem>>)
      %dma_wait3A = arith.constant 0 : i32
      %dma_wait3A_80 = tpu.memref_slice %arg7[%mul3A_0, %dma_wait3A] : memref<10240x128xf32, #tpu.memory_space<vmem_shared>> -> memref<640x128xf32, #tpu.memory_space<vmem_shared>>
      tpu.wait_dma2 semaphore(%run_scoped3A : memref<!tpu.dma_semaphore, #tpu.memory_space<semaphore_mem>>) src(%arg5 : memref<640x128xf32, #tpu.memory_space<hbm>>) dst(%dma_wait3A_80 : memref<640x128xf32, #tpu.memory_space<vmem_shared>>)
      tpu.yield
    }) : () -> ()
    %barrier3A = arith.constant 0 : index
    tpu.barrier barrier_id(%barrier3A)
    %add3A = arith.constant 0 : i32
    %add3A_1 = arith.addi %add3A, %arg1 : i32
    "tpu.region"() ({
      %run_scoped3A = tpu.sem_alloc : memref<!tpu.dma_semaphore, #tpu.memory_space<semaphore_mem>>
      %dma_start3A = arith.constant 0 : i32
      %dma_start3A_79 = arith.constant 0 : i32
      %dma_start3A_80 = tpu.memref_slice %arg4[%add3A_1, %dma_start3A, %dma_start3A_79] : memref<32x79x128xi32, #tpu.memory_space<hbm>> -> memref<1x79x128xi32, #tpu.memory_space<hbm>>
      %dma_start3A_81 = tpu.memref_squeeze %dma_start3A_80 : memref<1x79x128xi32, #tpu.memory_space<hbm>> -> memref<79x128xi32, #tpu.memory_space<hbm>>
      %dma_start3A_82 = arith.constant 0 : i32
      %dma_start3A_83 = arith.constant 0 : i32
      %dma_start3A_84 = tpu.memref_slice %arg4[%add3A_1, %dma_start3A_82, %dma_start3A_83] : memref<32x79x128xi32, #tpu.memory_space<hbm>> -> memref<1x79x128xi32, #tpu.memory_space<hbm>>
      %dma_start3A_85 = tpu.memref_squeeze %dma_start3A_84 : memref<1x79x128xi32, #tpu.memory_space<hbm>> -> memref<79x128xi32, #tpu.memory_space<hbm>>
      tpu.enqueue_dma source(%dma_start3A_85 : memref<79x128xi32, #tpu.memory_space<hbm>>) target(%arg8 : memref<79x128xi32, #tpu.memory_space<vmem>>) target_semaphore(%run_scoped3A : memref<!tpu.dma_semaphore, #tpu.memory_space<semaphore_mem>>)
      %dma_wait3A = arith.constant 0 : i32
      %dma_wait3A_86 = arith.constant 0 : i32
      %dma_wait3A_87 = tpu.memref_slice %arg4[%add3A_1, %dma_wait3A, %dma_wait3A_86] : memref<32x79x128xi32, #tpu.memory_space<hbm>> -> memref<1x79x128xi32, #tpu.memory_space<hbm>>
      %dma_wait3A_88 = tpu.memref_squeeze %dma_wait3A_87 : memref<1x79x128xi32, #tpu.memory_space<hbm>> -> memref<79x128xi32, #tpu.memory_space<hbm>>
      %dma_wait3A_89 = arith.constant 0 : i32
      %dma_wait3A_90 = arith.constant 0 : i32
      %dma_wait3A_91 = tpu.memref_slice %arg4[%add3A_1, %dma_wait3A_89, %dma_wait3A_90] : memref<32x79x128xi32, #tpu.memory_space<hbm>> -> memref<1x79x128xi32, #tpu.memory_space<hbm>>
      %dma_wait3A_92 = tpu.memref_squeeze %dma_wait3A_91 : memref<1x79x128xi32, #tpu.memory_space<hbm>> -> memref<79x128xi32, #tpu.memory_space<hbm>>
      tpu.wait_dma2 semaphore(%run_scoped3A : memref<!tpu.dma_semaphore, #tpu.memory_space<semaphore_mem>>) src(%dma_wait3A_92 : memref<79x128xi32, #tpu.memory_space<hbm>>) dst(%arg8 : memref<79x128xi32, #tpu.memory_space<vmem>>)
      tpu.yield
    }) : () -> ()
    %mul3A_2 = arith.constant 32 : i32
    %mul3A_3 = arith.muli %arg0, %mul3A_2 : i32
    %add3A_4 = arith.addi %mul3A_3, %add3A_1 : i32
    "tpu.region"() ({
      %run_scoped3A = tpu.sem_alloc : memref<!tpu.dma_semaphore, #tpu.memory_space<semaphore_mem>>
      %dma_start3A = arith.constant 0 : i32
      %dma_start3A_79 = arith.constant 0 : i32
      %dma_start3A_80 = tpu.memref_slice %arg3[%add3A_4, %dma_start3A, %dma_start3A_79] : memref<64x79x128xi32, #tpu.memory_space<hbm>> -> memref<1x79x128xi32, #tpu.memory_space<hbm>>
      %dma_start3A_81 = tpu.memref_squeeze %dma_start3A_80 : memref<1x79x128xi32, #tpu.memory_space<hbm>> -> memref<79x128xi32, #tpu.memory_space<hbm>>
      %dma_start3A_82 = arith.constant 0 : i32
      %dma_start3A_83 = arith.constant 0 : i32
      %dma_start3A_84 = tpu.memref_slice %arg3[%add3A_4, %dma_start3A_82, %dma_start3A_83] : memref<64x79x128xi32, #tpu.memory_space<hbm>> -> memref<1x79x128xi32, #tpu.memory_space<hbm>>
      %dma_start3A_85 = tpu.memref_squeeze %dma_start3A_84 : memref<1x79x128xi32, #tpu.memory_space<hbm>> -> memref<79x128xi32, #tpu.memory_space<hbm>>
      tpu.enqueue_dma source(%dma_start3A_85 : memref<79x128xi32, #tpu.memory_space<hbm>>) target(%arg10 : memref<79x128xi32, #tpu.memory_space<vmem>>) target_semaphore(%run_scoped3A : memref<!tpu.dma_semaphore, #tpu.memory_space<semaphore_mem>>)
      %dma_wait3A = arith.constant 0 : i32
      %dma_wait3A_86 = arith.constant 0 : i32
      %dma_wait3A_87 = tpu.memref_slice %arg3[%add3A_4, %dma_wait3A, %dma_wait3A_86] : memref<64x79x128xi32, #tpu.memory_space<hbm>> -> memref<1x79x128xi32, #tpu.memory_space<hbm>>
      %dma_wait3A_88 = tpu.memref_squeeze %dma_wait3A_87 : memref<1x79x128xi32, #tpu.memory_space<hbm>> -> memref<79x128xi32, #tpu.memory_space<hbm>>
      %dma_wait3A_89 = arith.constant 0 : i32
      %dma_wait3A_90 = arith.constant 0 : i32
      %dma_wait3A_91 = tpu.memref_slice %arg3[%add3A_4, %dma_wait3A_89, %dma_wait3A_90] : memref<64x79x128xi32, #tpu.memory_space<hbm>> -> memref<1x79x128xi32, #tpu.memory_space<hbm>>
      %dma_wait3A_92 = tpu.memref_squeeze %dma_wait3A_91 : memref<1x79x128xi32, #tpu.memory_space<hbm>> -> memref<79x128xi32, #tpu.memory_space<hbm>>
      tpu.wait_dma2 semaphore(%run_scoped3A : memref<!tpu.dma_semaphore, #tpu.memory_space<semaphore_mem>>) src(%dma_wait3A_92 : memref<79x128xi32, #tpu.memory_space<hbm>>) dst(%arg10 : memref<79x128xi32, #tpu.memory_space<vmem>>)
      tpu.yield
    }) : () -> ()
    %scan3A = arith.constant 0 : i32
    %scan3A_5 = arith.constant 0 : i32
    %scan3A_6 = arith.constant 79 : i32
    %scan3A_7 = arith.addi %scan3A_5, %scan3A_6 : i32
    %scan3A_8 = arith.constant 1 : i32
    %scan3A_9 = scf.for %scan3A_79 = %scan3A_5 to %scan3A_7 step %scan3A_8 iter_args(%scan3A_80 = %scan3A) -> (i32)  : i32 {
      "tpu.region"() ({
        %run_scoped3A = tpu.sem_alloc : memref<!tpu.dma_semaphore, #tpu.memory_space<semaphore_mem>>
        %dma_start3A = arith.constant 0 : i32
        %dma_start3A_82 = tpu.memref_slice %arg10[%scan3A_79, %dma_start3A] : memref<79x128xi32, #tpu.memory_space<vmem>> -> memref<1x128xi32, #tpu.memory_space<vmem>>
        %dma_start3A_83 = tpu.memref_squeeze %dma_start3A_82 : memref<1x128xi32, #tpu.memory_space<vmem>> -> memref<128xi32, #tpu.memory_space<vmem>>
        %dma_start3A_84 = arith.constant 0 : i32
        %dma_start3A_85 = arith.constant 0 : i32
        %dma_start3A_86 = tpu.memref_slice %arg2[%dma_start3A_84, %dma_start3A_85] : memref<40960x128xf32, #tpu.memory_space<hbm>> -> memref<40960x128xf32, #tpu.memory_space<hbm>>
        tpu.enqueue_indirect_dma source(%dma_start3A_86 : memref<40960x128xf32, #tpu.memory_space<hbm>>) target(%arg9 : memref<128x128xf32, #tpu.memory_space<vmem>>) offsets(%dma_start3A_83 : memref<128xi32, #tpu.memory_space<vmem>>) semaphore(%run_scoped3A : memref<!tpu.dma_semaphore, #tpu.memory_space<semaphore_mem>>)
        %dma_wait3A = arith.constant 0 : i32
        %dma_wait3A_87 = tpu.memref_slice %arg10[%scan3A_79, %dma_wait3A] : memref<79x128xi32, #tpu.memory_space<vmem>> -> memref<1x128xi32, #tpu.memory_space<vmem>>
        %dma_wait3A_88 = tpu.memref_squeeze %dma_wait3A_87 : memref<1x128xi32, #tpu.memory_space<vmem>> -> memref<128xi32, #tpu.memory_space<vmem>>
        %dma_wait3A_89 = arith.constant 0 : i32
        %dma_wait3A_90 = arith.constant 0 : i32
        %dma_wait3A_91 = tpu.memref_slice %arg2[%dma_wait3A_89, %dma_wait3A_90] : memref<40960x128xf32, #tpu.memory_space<hbm>> -> memref<40960x128xf32, #tpu.memory_space<hbm>>
        tpu.wait_indirect_dma semaphore(%run_scoped3A : memref<!tpu.dma_semaphore, #tpu.memory_space<semaphore_mem>>) src(%dma_wait3A_91 : memref<40960x128xf32, #tpu.memory_space<hbm>>) dst(%arg9 : memref<128x128xf32, #tpu.memory_space<vmem>>)
        tpu.yield
      }) : () -> ()
      "tpu.region"() ({
        %run_scoped3A = tpu.sem_alloc : memref<!tpu.dma_semaphore, #tpu.memory_space<semaphore_mem>>
        %dma_start3A = arith.constant 0 : i32
        %dma_start3A_82 = tpu.memref_slice %arg8[%scan3A_79, %dma_start3A] : memref<79x128xi32, #tpu.memory_space<vmem>> -> memref<1x128xi32, #tpu.memory_space<vmem>>
        %dma_start3A_83 = tpu.memref_squeeze %dma_start3A_82 : memref<1x128xi32, #tpu.memory_space<vmem>> -> memref<128xi32, #tpu.memory_space<vmem>>
        %dma_start3A_84 = arith.constant 0 : i32
        %dma_start3A_85 = arith.constant 0 : i32
        %dma_start3A_86 = tpu.memref_slice %arg7[%dma_start3A_84, %dma_start3A_85] : memref<10240x128xf32, #tpu.memory_space<vmem_shared>> -> memref<10240x128xf32, #tpu.memory_space<vmem_shared>>
        tpu.enqueue_indirect_dma source(%arg9 : memref<128x128xf32, #tpu.memory_space<vmem>>) target(%dma_start3A_86 : memref<10240x128xf32, #tpu.memory_space<vmem_shared>>) offsets(%dma_start3A_83 : memref<128xi32, #tpu.memory_space<vmem>>) semaphore(%run_scoped3A : memref<!tpu.dma_semaphore, #tpu.memory_space<semaphore_mem>>) {add = true}
        %dma_wait3A = arith.constant 0 : i32
        %dma_wait3A_87 = tpu.memref_slice %arg8[%scan3A_79, %dma_wait3A] : memref<79x128xi32, #tpu.memory_space<vmem>> -> memref<1x128xi32, #tpu.memory_space<vmem>>
        %dma_wait3A_88 = tpu.memref_squeeze %dma_wait3A_87 : memref<1x128xi32, #tpu.memory_space<vmem>> -> memref<128xi32, #tpu.memory_space<vmem>>
        %dma_wait3A_89 = arith.constant 0 : i32
        %dma_wait3A_90 = arith.constant 0 : i32
        %dma_wait3A_91 = tpu.memref_slice %arg7[%dma_wait3A_89, %dma_wait3A_90] : memref<10240x128xf32, #tpu.memory_space<vmem_shared>> -> memref<10240x128xf32, #tpu.memory_space<vmem_shared>>
        tpu.wait_indirect_dma semaphore(%run_scoped3A : memref<!tpu.dma_semaphore, #tpu.memory_space<semaphore_mem>>) src(%arg9 : memref<128x128xf32, #tpu.memory_space<vmem>>) dst(%dma_wait3A_91 : memref<10240x128xf32, #tpu.memory_space<vmem_shared>>)
        tpu.yield
      }) : () -> ()
      %scan3A_81 = arith.constant 0 : i32
      scf.yield %scan3A_81 : i32
    }
    %scan3A_10 = arith.constant 79 : i32
    %add3A_11 = arith.constant 16 : i32
    %add3A_12 = arith.addi %add3A_11, %arg1 : i32
    "tpu.region"() ({
      %run_scoped3A = tpu.sem_alloc : memref<!tpu.dma_semaphore, #tpu.memory_space<semaphore_mem>>
      %dma_start3A = arith.constant 0 : i32
      %dma_start3A_79 = arith.constant 0 : i32
      %dma_start3A_80 = tpu.memref_slice %arg4[%add3A_12, %dma_start3A, %dma_start3A_79] : memref<32x79x128xi32, #tpu.memory_space<hbm>> -> memref<1x79x128xi32, #tpu.memory_space<hbm>>
      %dma_start3A_81 = tpu.memref_squeeze %dma_start3A_80 : memref<1x79x128xi32, #tpu.memory_space<hbm>> -> memref<79x128xi32, #tpu.memory_space<hbm>>
      %dma_start3A_82 = arith.constant 0 : i32
      %dma_start3A_83 = arith.constant 0 : i32
      %dma_start3A_84 = tpu.memref_slice %arg4[%add3A_12, %dma_start3A_82, %dma_start3A_83] : memref<32x79x128xi32, #tpu.memory_space<hbm>> -> memref<1x79x128xi32, #tpu.memory_space<hbm>>
      %dma_start3A_85 = tpu.memref_squeeze %dma_start3A_84 : memref<1x79x128xi32, #tpu.memory_space<hbm>> -> memref<79x128xi32, #tpu.memory_space<hbm>>
      tpu.enqueue_dma source(%dma_start3A_85 : memref<79x128xi32, #tpu.memory_space<hbm>>) target(%arg8 : memref<79x128xi32, #tpu.memory_space<vmem>>) target_semaphore(%run_scoped3A : memref<!tpu.dma_semaphore, #tpu.memory_space<semaphore_mem>>)
      %dma_wait3A = arith.constant 0 : i32
      %dma_wait3A_86 = arith.constant 0 : i32
      %dma_wait3A_87 = tpu.memref_slice %arg4[%add3A_12, %dma_wait3A, %dma_wait3A_86] : memref<32x79x128xi32, #tpu.memory_space<hbm>> -> memref<1x79x128xi32, #tpu.memory_space<hbm>>
      %dma_wait3A_88 = tpu.memref_squeeze %dma_wait3A_87 : memref<1x79x128xi32, #tpu.memory_space<hbm>> -> memref<79x128xi32, #tpu.memory_space<hbm>>
      %dma_wait3A_89 = arith.constant 0 : i32
      %dma_wait3A_90 = arith.constant 0 : i32
      %dma_wait3A_91 = tpu.memref_slice %arg4[%add3A_12, %dma_wait3A_89, %dma_wait3A_90] : memref<32x79x128xi32, #tpu.memory_space<hbm>> -> memref<1x79x128xi32, #tpu.memory_space<hbm>>
      %dma_wait3A_92 = tpu.memref_squeeze %dma_wait3A_91 : memref<1x79x128xi32, #tpu.memory_space<hbm>> -> memref<79x128xi32, #tpu.memory_space<hbm>>
      tpu.wait_dma2 semaphore(%run_scoped3A : memref<!tpu.dma_semaphore, #tpu.memory_space<semaphore_mem>>) src(%dma_wait3A_92 : memref<79x128xi32, #tpu.memory_space<hbm>>) dst(%arg8 : memref<79x128xi32, #tpu.memory_space<vmem>>)
      tpu.yield
    }) : () -> ()
    %mul3A_13 = arith.constant 32 : i32
    %mul3A_14 = arith.muli %arg0, %mul3A_13 : i32
    %add3A_15 = arith.addi %mul3A_14, %add3A_12 : i32
    "tpu.region"() ({
      %run_scoped3A = tpu.sem_alloc : memref<!tpu.dma_semaphore, #tpu.memory_space<semaphore_mem>>
      %dma_start3A = arith.constant 0 : i32
      %dma_start3A_79 = arith.constant 0 : i32
      %dma_start3A_80 = tpu.memref_slice %arg3[%add3A_15, %dma_start3A, %dma_start3A_79] : memref<64x79x128xi32, #tpu.memory_space<hbm>> -> memref<1x79x128xi32, #tpu.memory_space<hbm>>
      %dma_start3A_81 = tpu.memref_squeeze %dma_start3A_80 : memref<1x79x128xi32, #tpu.memory_space<hbm>> -> memref<79x128xi32, #tpu.memory_space<hbm>>
      %dma_start3A_82 = arith.constant 0 : i32
      %dma_start3A_83 = arith.constant 0 : i32
      %dma_start3A_84 = tpu.memref_slice %arg3[%add3A_15, %dma_start3A_82, %dma_start3A_83] : memref<64x79x128xi32, #tpu.memory_space<hbm>> -> memref<1x79x128xi32, #tpu.memory_space<hbm>>
      %dma_start3A_85 = tpu.memref_squeeze %dma_start3A_84 : memref<1x79x128xi32, #tpu.memory_space<hbm>> -> memref<79x128xi32, #tpu.memory_space<hbm>>
      tpu.enqueue_dma source(%dma_start3A_85 : memref<79x128xi32, #tpu.memory_space<hbm>>) target(%arg10 : memref<79x128xi32, #tpu.memory_space<vmem>>) target_semaphore(%run_scoped3A : memref<!tpu.dma_semaphore, #tpu.memory_space<semaphore_mem>>)
      %dma_wait3A = arith.constant 0 : i32
      %dma_wait3A_86 = arith.constant 0 : i32
      %dma_wait3A_87 = tpu.memref_slice %arg3[%add3A_15, %dma_wait3A, %dma_wait3A_86] : memref<64x79x128xi32, #tpu.memory_space<hbm>> -> memref<1x79x128xi32, #tpu.memory_space<hbm>>
      %dma_wait3A_88 = tpu.memref_squeeze %dma_wait3A_87 : memref<1x79x128xi32, #tpu.memory_space<hbm>> -> memref<79x128xi32, #tpu.memory_space<hbm>>
      %dma_wait3A_89 = arith.constant 0 : i32
      %dma_wait3A_90 = arith.constant 0 : i32
      %dma_wait3A_91 = tpu.memref_slice %arg3[%add3A_15, %dma_wait3A_89, %dma_wait3A_90] : memref<64x79x128xi32, #tpu.memory_space<hbm>> -> memref<1x79x128xi32, #tpu.memory_space<hbm>>
      %dma_wait3A_92 = tpu.memref_squeeze %dma_wait3A_91 : memref<1x79x128xi32, #tpu.memory_space<hbm>> -> memref<79x128xi32, #tpu.memory_space<hbm>>
      tpu.wait_dma2 semaphore(%run_scoped3A : memref<!tpu.dma_semaphore, #tpu.memory_space<semaphore_mem>>) src(%dma_wait3A_92 : memref<79x128xi32, #tpu.memory_space<hbm>>) dst(%arg10 : memref<79x128xi32, #tpu.memory_space<vmem>>)
      tpu.yield
    }) : () -> ()
    %scan3A_16 = arith.constant 0 : i32
    %scan3A_17 = arith.constant 0 : i32
    %scan3A_18 = arith.constant 79 : i32
    %scan3A_19 = arith.addi %scan3A_17, %scan3A_18 : i32
    %scan3A_20 = arith.constant 1 : i32
    %scan3A_21 = scf.for %scan3A_79 = %scan3A_17 to %scan3A_19 step %scan3A_20 iter_args(%scan3A_80 = %scan3A_16) -> (i32)  : i32 {
      "tpu.region"() ({
        %run_scoped3A = tpu.sem_alloc : memref<!tpu.dma_semaphore, #tpu.memory_space<semaphore_mem>>
        %dma_start3A = arith.constant 0 : i32
        %dma_start3A_82 = tpu.memref_slice %arg10[%scan3A_79, %dma_start3A] : memref<79x128xi32, #tpu.memory_space<vmem>> -> memref<1x128xi32, #tpu.memory_space<vmem>>
        %dma_start3A_83 = tpu.memref_squeeze %dma_start3A_82 : memref<1x128xi32, #tpu.memory_space<vmem>> -> memref<128xi32, #tpu.memory_space<vmem>>
        %dma_start3A_84 = arith.constant 0 : i32
        %dma_start3A_85 = arith.constant 0 : i32
        %dma_start3A_86 = tpu.memref_slice %arg2[%dma_start3A_84, %dma_start3A_85] : memref<40960x128xf32, #tpu.memory_space<hbm>> -> memref<40960x128xf32, #tpu.memory_space<hbm>>
        tpu.enqueue_indirect_dma source(%dma_start3A_86 : memref<40960x128xf32, #tpu.memory_space<hbm>>) target(%arg9 : memref<128x128xf32, #tpu.memory_space<vmem>>) offsets(%dma_start3A_83 : memref<128xi32, #tpu.memory_space<vmem>>) semaphore(%run_scoped3A : memref<!tpu.dma_semaphore, #tpu.memory_space<semaphore_mem>>)
        %dma_wait3A = arith.constant 0 : i32
        %dma_wait3A_87 = tpu.memref_slice %arg10[%scan3A_79, %dma_wait3A] : memref<79x128xi32, #tpu.memory_space<vmem>> -> memref<1x128xi32, #tpu.memory_space<vmem>>
        %dma_wait3A_88 = tpu.memref_squeeze %dma_wait3A_87 : memref<1x128xi32, #tpu.memory_space<vmem>> -> memref<128xi32, #tpu.memory_space<vmem>>
        %dma_wait3A_89 = arith.constant 0 : i32
        %dma_wait3A_90 = arith.constant 0 : i32
        %dma_wait3A_91 = tpu.memref_slice %arg2[%dma_wait3A_89, %dma_wait3A_90] : memref<40960x128xf32, #tpu.memory_space<hbm>> -> memref<40960x128xf32, #tpu.memory_space<hbm>>
        tpu.wait_indirect_dma semaphore(%run_scoped3A : memref<!tpu.dma_semaphore, #tpu.memory_space<semaphore_mem>>) src(%dma_wait3A_91 : memref<40960x128xf32, #tpu.memory_space<hbm>>) dst(%arg9 : memref<128x128xf32, #tpu.memory_space<vmem>>)
        tpu.yield
      }) : () -> ()
      "tpu.region"() ({
        %run_scoped3A = tpu.sem_alloc : memref<!tpu.dma_semaphore, #tpu.memory_space<semaphore_mem>>
        %dma_start3A = arith.constant 0 : i32
        %dma_start3A_82 = tpu.memref_slice %arg8[%scan3A_79, %dma_start3A] : memref<79x128xi32, #tpu.memory_space<vmem>> -> memref<1x128xi32, #tpu.memory_space<vmem>>
        %dma_start3A_83 = tpu.memref_squeeze %dma_start3A_82 : memref<1x128xi32, #tpu.memory_space<vmem>> -> memref<128xi32, #tpu.memory_space<vmem>>
        %dma_start3A_84 = arith.constant 0 : i32
        %dma_start3A_85 = arith.constant 0 : i32
        %dma_start3A_86 = tpu.memref_slice %arg7[%dma_start3A_84, %dma_start3A_85] : memref<10240x128xf32, #tpu.memory_space<vmem_shared>> -> memref<10240x128xf32, #tpu.memory_space<vmem_shared>>
        tpu.enqueue_indirect_dma source(%arg9 : memref<128x128xf32, #tpu.memory_space<vmem>>) target(%dma_start3A_86 : memref<10240x128xf32, #tpu.memory_space<vmem_shared>>) offsets(%dma_start3A_83 : memref<128xi32, #tpu.memory_space<vmem>>) semaphore(%run_scoped3A : memref<!tpu.dma_semaphore, #tpu.memory_space<semaphore_mem>>) {add = true}
        %dma_wait3A = arith.constant 0 : i32
        %dma_wait3A_87 = tpu.memref_slice %arg8[%scan3A_79, %dma_wait3A] : memref<79x128xi32, #tpu.memory_space<vmem>> -> memref<1x128xi32, #tpu.memory_space<vmem>>
        %dma_wait3A_88 = tpu.memref_squeeze %dma_wait3A_87 : memref<1x128xi32, #tpu.memory_space<vmem>> -> memref<128xi32, #tpu.memory_space<vmem>>
        %dma_wait3A_89 = arith.constant 0 : i32
        %dma_wait3A_90 = arith.constant 0 : i32
        %dma_wait3A_91 = tpu.memref_slice %arg7[%dma_wait3A_89, %dma_wait3A_90] : memref<10240x128xf32, #tpu.memory_space<vmem_shared>> -> memref<10240x128xf32, #tpu.memory_space<vmem_shared>>
        tpu.wait_indirect_dma semaphore(%run_scoped3A : memref<!tpu.dma_semaphore, #tpu.memory_space<semaphore_mem>>) src(%arg9 : memref<128x128xf32, #tpu.memory_space<vmem>>) dst(%dma_wait3A_91 : memref<10240x128xf32, #tpu.memory_space<vmem_shared>>)
        tpu.yield
      }) : () -> ()
      %scan3A_81 = arith.constant 0 : i32
      scf.yield %scan3A_81 : i32
    }
    %scan3A_22 = arith.constant 79 : i32
    %barrier3A_23 = arith.constant 0 : index
    tpu.barrier barrier_id(%barrier3A_23)
    %mul3A_24 = arith.constant 640 : i32
    %mul3A_25 = arith.muli %arg1, %mul3A_24 : i32
    %add3A_26 = arith.constant 0 : i32
    %add3A_27 = arith.addi %mul3A_25, %add3A_26 : i32
    "tpu.region"() ({
      %run_scoped3A = tpu.sem_alloc : memref<!tpu.dma_semaphore, #tpu.memory_space<semaphore_mem>>
      %dma_start3A = arith.constant 0 : i32
      %dma_start3A_79 = tpu.memref_slice %arg7[%add3A_27, %dma_start3A] : memref<10240x128xf32, #tpu.memory_space<vmem_shared>> -> memref<128x128xf32, #tpu.memory_space<vmem_shared>>
      %dma_start3A_80 = arith.constant 0 : i32
      %dma_start3A_81 = tpu.memref_slice %arg7[%add3A_27, %dma_start3A_80] : memref<10240x128xf32, #tpu.memory_space<vmem_shared>> -> memref<128x128xf32, #tpu.memory_space<vmem_shared>>
      tpu.enqueue_dma source(%dma_start3A_81 : memref<128x128xf32, #tpu.memory_space<vmem_shared>>) target(%arg9 : memref<128x128xf32, #tpu.memory_space<vmem>>) target_semaphore(%run_scoped3A : memref<!tpu.dma_semaphore, #tpu.memory_space<semaphore_mem>>)
      %dma_wait3A = arith.constant 0 : i32
      %dma_wait3A_82 = tpu.memref_slice %arg7[%add3A_27, %dma_wait3A] : memref<10240x128xf32, #tpu.memory_space<vmem_shared>> -> memref<128x128xf32, #tpu.memory_space<vmem_shared>>
      %dma_wait3A_83 = arith.constant 0 : i32
      %dma_wait3A_84 = tpu.memref_slice %arg7[%add3A_27, %dma_wait3A_83] : memref<10240x128xf32, #tpu.memory_space<vmem_shared>> -> memref<128x128xf32, #tpu.memory_space<vmem_shared>>
      tpu.wait_dma2 semaphore(%run_scoped3A : memref<!tpu.dma_semaphore, #tpu.memory_space<semaphore_mem>>) src(%dma_wait3A_84 : memref<128x128xf32, #tpu.memory_space<vmem_shared>>) dst(%arg9 : memref<128x128xf32, #tpu.memory_space<vmem>>)
      tpu.yield
    }) : () -> ()
    %mul3A_28 = arith.constant 10240 : i32
    %mul3A_29 = arith.muli %arg0, %mul3A_28 : i32
    %mul3A_30 = arith.constant 640 : i32
    %mul3A_31 = arith.muli %arg1, %mul3A_30 : i32
    %add3A_32 = arith.addi %mul3A_29, %mul3A_31 : i32
    %add3A_33 = arith.constant 0 : i32
    %add3A_34 = arith.addi %add3A_32, %add3A_33 : i32
    "tpu.region"() ({
      %run_scoped3A = tpu.sem_alloc : memref<!tpu.dma_semaphore, #tpu.memory_space<semaphore_mem>>
      %dma_start3A = arith.constant 0 : i32
      %dma_start3A_79 = tpu.memref_slice %arg6[%add3A_34, %dma_start3A] : memref<20480x128xf32, #tpu.memory_space<hbm>> -> memref<128x128xf32, #tpu.memory_space<hbm>>
      %dma_start3A_80 = arith.constant 0 : i32
      %dma_start3A_81 = tpu.memref_slice %arg6[%add3A_34, %dma_start3A_80] : memref<20480x128xf32, #tpu.memory_space<hbm>> -> memref<128x128xf32, #tpu.memory_space<hbm>>
      tpu.enqueue_dma source(%arg9 : memref<128x128xf32, #tpu.memory_space<vmem>>) target(%dma_start3A_81 : memref<128x128xf32, #tpu.memory_space<hbm>>) target_semaphore(%run_scoped3A : memref<!tpu.dma_semaphore, #tpu.memory_space<semaphore_mem>>)
      %dma_wait3A = arith.constant 0 : i32
      %dma_wait3A_82 = tpu.memref_slice %arg6[%add3A_34, %dma_wait3A] : memref<20480x128xf32, #tpu.memory_space<hbm>> -> memref<128x128xf32, #tpu.memory_space<hbm>>
      %dma_wait3A_83 = arith.constant 0 : i32
      %dma_wait3A_84 = tpu.memref_slice %arg6[%add3A_34, %dma_wait3A_83] : memref<20480x128xf32, #tpu.memory_space<hbm>> -> memref<128x128xf32, #tpu.memory_space<hbm>>
      tpu.wait_dma2 semaphore(%run_scoped3A : memref<!tpu.dma_semaphore, #tpu.memory_space<semaphore_mem>>) src(%arg9 : memref<128x128xf32, #tpu.memory_space<vmem>>) dst(%dma_wait3A_84 : memref<128x128xf32, #tpu.memory_space<hbm>>)
      tpu.yield
    }) : () -> ()
    %mul3A_35 = arith.constant 640 : i32
    %mul3A_36 = arith.muli %arg1, %mul3A_35 : i32
    %add3A_37 = arith.constant 128 : i32
    %add3A_38 = arith.addi %mul3A_36, %add3A_37 : i32
    "tpu.region"() ({
      %run_scoped3A = tpu.sem_alloc : memref<!tpu.dma_semaphore, #tpu.memory_space<semaphore_mem>>
      %dma_start3A = arith.constant 0 : i32
      %dma_start3A_79 = tpu.memref_slice %arg7[%add3A_38, %dma_start3A] : memref<10240x128xf32, #tpu.memory_space<vmem_shared>> -> memref<128x128xf32, #tpu.memory_space<vmem_shared>>
      %dma_start3A_80 = arith.constant 0 : i32
      %dma_start3A_81 = tpu.memref_slice %arg7[%add3A_38, %dma_start3A_80] : memref<10240x128xf32, #tpu.memory_space<vmem_shared>> -> memref<128x128xf32, #tpu.memory_space<vmem_shared>>
      tpu.enqueue_dma source(%dma_start3A_81 : memref<128x128xf32, #tpu.memory_space<vmem_shared>>) target(%arg9 : memref<128x128xf32, #tpu.memory_space<vmem>>) target_semaphore(%run_scoped3A : memref<!tpu.dma_semaphore, #tpu.memory_space<semaphore_mem>>)
      %dma_wait3A = arith.constant 0 : i32
      %dma_wait3A_82 = tpu.memref_slice %arg7[%add3A_38, %dma_wait3A] : memref<10240x128xf32, #tpu.memory_space<vmem_shared>> -> memref<128x128xf32, #tpu.memory_space<vmem_shared>>
      %dma_wait3A_83 = arith.constant 0 : i32
      %dma_wait3A_84 = tpu.memref_slice %arg7[%add3A_38, %dma_wait3A_83] : memref<10240x128xf32, #tpu.memory_space<vmem_shared>> -> memref<128x128xf32, #tpu.memory_space<vmem_shared>>
      tpu.wait_dma2 semaphore(%run_scoped3A : memref<!tpu.dma_semaphore, #tpu.memory_space<semaphore_mem>>) src(%dma_wait3A_84 : memref<128x128xf32, #tpu.memory_space<vmem_shared>>) dst(%arg9 : memref<128x128xf32, #tpu.memory_space<vmem>>)
      tpu.yield
    }) : () -> ()
    %mul3A_39 = arith.constant 10240 : i32
    %mul3A_40 = arith.muli %arg0, %mul3A_39 : i32
    %mul3A_41 = arith.constant 640 : i32
    %mul3A_42 = arith.muli %arg1, %mul3A_41 : i32
    %add3A_43 = arith.addi %mul3A_40, %mul3A_42 : i32
    %add3A_44 = arith.constant 128 : i32
    %add3A_45 = arith.addi %add3A_43, %add3A_44 : i32
    "tpu.region"() ({
      %run_scoped3A = tpu.sem_alloc : memref<!tpu.dma_semaphore, #tpu.memory_space<semaphore_mem>>
      %dma_start3A = arith.constant 0 : i32
      %dma_start3A_79 = tpu.memref_slice %arg6[%add3A_45, %dma_start3A] : memref<20480x128xf32, #tpu.memory_space<hbm>> -> memref<128x128xf32, #tpu.memory_space<hbm>>
      %dma_start3A_80 = arith.constant 0 : i32
      %dma_start3A_81 = tpu.memref_slice %arg6[%add3A_45, %dma_start3A_80] : memref<20480x128xf32, #tpu.memory_space<hbm>> -> memref<128x128xf32, #tpu.memory_space<hbm>>
      tpu.enqueue_dma source(%arg9 : memref<128x128xf32, #tpu.memory_space<vmem>>) target(%dma_start3A_81 : memref<128x128xf32, #tpu.memory_space<hbm>>) target_semaphore(%run_scoped3A : memref<!tpu.dma_semaphore, #tpu.memory_space<semaphore_mem>>)
      %dma_wait3A = arith.constant 0 : i32
      %dma_wait3A_82 = tpu.memref_slice %arg6[%add3A_45, %dma_wait3A] : memref<20480x128xf32, #tpu.memory_space<hbm>> -> memref<128x128xf32, #tpu.memory_space<hbm>>
      %dma_wait3A_83 = arith.constant 0 : i32
      %dma_wait3A_84 = tpu.memref_slice %arg6[%add3A_45, %dma_wait3A_83] : memref<20480x128xf32, #tpu.memory_space<hbm>> -> memref<128x128xf32, #tpu.memory_space<hbm>>
      tpu.wait_dma2 semaphore(%run_scoped3A : memref<!tpu.dma_semaphore, #tpu.memory_space<semaphore_mem>>) src(%arg9 : memref<128x128xf32, #tpu.memory_space<vmem>>) dst(%dma_wait3A_84 : memref<128x128xf32, #tpu.memory_space<hbm>>)
      tpu.yield
    }) : () -> ()
    %mul3A_46 = arith.constant 640 : i32
    %mul3A_47 = arith.muli %arg1, %mul3A_46 : i32
    %add3A_48 = arith.constant 256 : i32
    %add3A_49 = arith.addi %mul3A_47, %add3A_48 : i32
    "tpu.region"() ({
      %run_scoped3A = tpu.sem_alloc : memref<!tpu.dma_semaphore, #tpu.memory_space<semaphore_mem>>
      %dma_start3A = arith.constant 0 : i32
      %dma_start3A_79 = tpu.memref_slice %arg7[%add3A_49, %dma_start3A] : memref<10240x128xf32, #tpu.memory_space<vmem_shared>> -> memref<128x128xf32, #tpu.memory_space<vmem_shared>>
      %dma_start3A_80 = arith.constant 0 : i32
      %dma_start3A_81 = tpu.memref_slice %arg7[%add3A_49, %dma_start3A_80] : memref<10240x128xf32, #tpu.memory_space<vmem_shared>> -> memref<128x128xf32, #tpu.memory_space<vmem_shared>>
      tpu.enqueue_dma source(%dma_start3A_81 : memref<128x128xf32, #tpu.memory_space<vmem_shared>>) target(%arg9 : memref<128x128xf32, #tpu.memory_space<vmem>>) target_semaphore(%run_scoped3A : memref<!tpu.dma_semaphore, #tpu.memory_space<semaphore_mem>>)
      %dma_wait3A = arith.constant 0 : i32
      %dma_wait3A_82 = tpu.memref_slice %arg7[%add3A_49, %dma_wait3A] : memref<10240x128xf32, #tpu.memory_space<vmem_shared>> -> memref<128x128xf32, #tpu.memory_space<vmem_shared>>
      %dma_wait3A_83 = arith.constant 0 : i32
      %dma_wait3A_84 = tpu.memref_slice %arg7[%add3A_49, %dma_wait3A_83] : memref<10240x128xf32, #tpu.memory_space<vmem_shared>> -> memref<128x128xf32, #tpu.memory_space<vmem_shared>>
      tpu.wait_dma2 semaphore(%run_scoped3A : memref<!tpu.dma_semaphore, #tpu.memory_space<semaphore_mem>>) src(%dma_wait3A_84 : memref<128x128xf32, #tpu.memory_space<vmem_shared>>) dst(%arg9 : memref<128x128xf32, #tpu.memory_space<vmem>>)
      tpu.yield
    }) : () -> ()
    %mul3A_50 = arith.constant 10240 : i32
    %mul3A_51 = arith.muli %arg0, %mul3A_50 : i32
    %mul3A_52 = arith.constant 640 : i32
    %mul3A_53 = arith.muli %arg1, %mul3A_52 : i32
    %add3A_54 = arith.addi %mul3A_51, %mul3A_53 : i32
    %add3A_55 = arith.constant 256 : i32
    %add3A_56 = arith.addi %add3A_54, %add3A_55 : i32
    "tpu.region"() ({
      %run_scoped3A = tpu.sem_alloc : memref<!tpu.dma_semaphore, #tpu.memory_space<semaphore_mem>>
      %dma_start3A = arith.constant 0 : i32
      %dma_start3A_79 = tpu.memref_slice %arg6[%add3A_56, %dma_start3A] : memref<20480x128xf32, #tpu.memory_space<hbm>> -> memref<128x128xf32, #tpu.memory_space<hbm>>
      %dma_start3A_80 = arith.constant 0 : i32
      %dma_start3A_81 = tpu.memref_slice %arg6[%add3A_56, %dma_start3A_80] : memref<20480x128xf32, #tpu.memory_space<hbm>> -> memref<128x128xf32, #tpu.memory_space<hbm>>
      tpu.enqueue_dma source(%arg9 : memref<128x128xf32, #tpu.memory_space<vmem>>) target(%dma_start3A_81 : memref<128x128xf32, #tpu.memory_space<hbm>>) target_semaphore(%run_scoped3A : memref<!tpu.dma_semaphore, #tpu.memory_space<semaphore_mem>>)
      %dma_wait3A = arith.constant 0 : i32
      %dma_wait3A_82 = tpu.memref_slice %arg6[%add3A_56, %dma_wait3A] : memref<20480x128xf32, #tpu.memory_space<hbm>> -> memref<128x128xf32, #tpu.memory_space<hbm>>
      %dma_wait3A_83 = arith.constant 0 : i32
      %dma_wait3A_84 = tpu.memref_slice %arg6[%add3A_56, %dma_wait3A_83] : memref<20480x128xf32, #tpu.memory_space<hbm>> -> memref<128x128xf32, #tpu.memory_space<hbm>>
      tpu.wait_dma2 semaphore(%run_scoped3A : memref<!tpu.dma_semaphore, #tpu.memory_space<semaphore_mem>>) src(%arg9 : memref<128x128xf32, #tpu.memory_space<vmem>>) dst(%dma_wait3A_84 : memref<128x128xf32, #tpu.memory_space<hbm>>)
      tpu.yield
    }) : () -> ()
    %mul3A_57 = arith.constant 640 : i32
    %mul3A_58 = arith.muli %arg1, %mul3A_57 : i32
    %add3A_59 = arith.constant 384 : i32
    %add3A_60 = arith.addi %mul3A_58, %add3A_59 : i32
    "tpu.region"() ({
      %run_scoped3A = tpu.sem_alloc : memref<!tpu.dma_semaphore, #tpu.memory_space<semaphore_mem>>
      %dma_start3A = arith.constant 0 : i32
      %dma_start3A_79 = tpu.memref_slice %arg7[%add3A_60, %dma_start3A] : memref<10240x128xf32, #tpu.memory_space<vmem_shared>> -> memref<128x128xf32, #tpu.memory_space<vmem_shared>>
      %dma_start3A_80 = arith.constant 0 : i32
      %dma_start3A_81 = tpu.memref_slice %arg7[%add3A_60, %dma_start3A_80] : memref<10240x128xf32, #tpu.memory_space<vmem_shared>> -> memref<128x128xf32, #tpu.memory_space<vmem_shared>>
      tpu.enqueue_dma source(%dma_start3A_81 : memref<128x128xf32, #tpu.memory_space<vmem_shared>>) target(%arg9 : memref<128x128xf32, #tpu.memory_space<vmem>>) target_semaphore(%run_scoped3A : memref<!tpu.dma_semaphore, #tpu.memory_space<semaphore_mem>>)
      %dma_wait3A = arith.constant 0 : i32
      %dma_wait3A_82 = tpu.memref_slice %arg7[%add3A_60, %dma_wait3A] : memref<10240x128xf32, #tpu.memory_space<vmem_shared>> -> memref<128x128xf32, #tpu.memory_space<vmem_shared>>
      %dma_wait3A_83 = arith.constant 0 : i32
      %dma_wait3A_84 = tpu.memref_slice %arg7[%add3A_60, %dma_wait3A_83] : memref<10240x128xf32, #tpu.memory_space<vmem_shared>> -> memref<128x128xf32, #tpu.memory_space<vmem_shared>>
      tpu.wait_dma2 semaphore(%run_scoped3A : memref<!tpu.dma_semaphore, #tpu.memory_space<semaphore_mem>>) src(%dma_wait3A_84 : memref<128x128xf32, #tpu.memory_space<vmem_shared>>) dst(%arg9 : memref<128x128xf32, #tpu.memory_space<vmem>>)
      tpu.yield
    }) : () -> ()
    %mul3A_61 = arith.constant 10240 : i32
    %mul3A_62 = arith.muli %arg0, %mul3A_61 : i32
    %mul3A_63 = arith.constant 640 : i32
    %mul3A_64 = arith.muli %arg1, %mul3A_63 : i32
    %add3A_65 = arith.addi %mul3A_62, %mul3A_64 : i32
    %add3A_66 = arith.constant 384 : i32
    %add3A_67 = arith.addi %add3A_65, %add3A_66 : i32
    "tpu.region"() ({
      %run_scoped3A = tpu.sem_alloc : memref<!tpu.dma_semaphore, #tpu.memory_space<semaphore_mem>>
      %dma_start3A = arith.constant 0 : i32
      %dma_start3A_79 = tpu.memref_slice %arg6[%add3A_67, %dma_start3A] : memref<20480x128xf32, #tpu.memory_space<hbm>> -> memref<128x128xf32, #tpu.memory_space<hbm>>
      %dma_start3A_80 = arith.constant 0 : i32
      %dma_start3A_81 = tpu.memref_slice %arg6[%add3A_67, %dma_start3A_80] : memref<20480x128xf32, #tpu.memory_space<hbm>> -> memref<128x128xf32, #tpu.memory_space<hbm>>
      tpu.enqueue_dma source(%arg9 : memref<128x128xf32, #tpu.memory_space<vmem>>) target(%dma_start3A_81 : memref<128x128xf32, #tpu.memory_space<hbm>>) target_semaphore(%run_scoped3A : memref<!tpu.dma_semaphore, #tpu.memory_space<semaphore_mem>>)
      %dma_wait3A = arith.constant 0 : i32
      %dma_wait3A_82 = tpu.memref_slice %arg6[%add3A_67, %dma_wait3A] : memref<20480x128xf32, #tpu.memory_space<hbm>> -> memref<128x128xf32, #tpu.memory_space<hbm>>
      %dma_wait3A_83 = arith.constant 0 : i32
      %dma_wait3A_84 = tpu.memref_slice %arg6[%add3A_67, %dma_wait3A_83] : memref<20480x128xf32, #tpu.memory_space<hbm>> -> memref<128x128xf32, #tpu.memory_space<hbm>>
      tpu.wait_dma2 semaphore(%run_scoped3A : memref<!tpu.dma_semaphore, #tpu.memory_space<semaphore_mem>>) src(%arg9 : memref<128x128xf32, #tpu.memory_space<vmem>>) dst(%dma_wait3A_84 : memref<128x128xf32, #tpu.memory_space<hbm>>)
      tpu.yield
    }) : () -> ()
    %mul3A_68 = arith.constant 640 : i32
    %mul3A_69 = arith.muli %arg1, %mul3A_68 : i32
    %add3A_70 = arith.constant 512 : i32
    %add3A_71 = arith.addi %mul3A_69, %add3A_70 : i32
    "tpu.region"() ({
      %run_scoped3A = tpu.sem_alloc : memref<!tpu.dma_semaphore, #tpu.memory_space<semaphore_mem>>
      %dma_start3A = arith.constant 0 : i32
      %dma_start3A_79 = tpu.memref_slice %arg7[%add3A_71, %dma_start3A] : memref<10240x128xf32, #tpu.memory_space<vmem_shared>> -> memref<128x128xf32, #tpu.memory_space<vmem_shared>>
      %dma_start3A_80 = arith.constant 0 : i32
      %dma_start3A_81 = tpu.memref_slice %arg7[%add3A_71, %dma_start3A_80] : memref<10240x128xf32, #tpu.memory_space<vmem_shared>> -> memref<128x128xf32, #tpu.memory_space<vmem_shared>>
      tpu.enqueue_dma source(%dma_start3A_81 : memref<128x128xf32, #tpu.memory_space<vmem_shared>>) target(%arg9 : memref<128x128xf32, #tpu.memory_space<vmem>>) target_semaphore(%run_scoped3A : memref<!tpu.dma_semaphore, #tpu.memory_space<semaphore_mem>>)
      %dma_wait3A = arith.constant 0 : i32
      %dma_wait3A_82 = tpu.memref_slice %arg7[%add3A_71, %dma_wait3A] : memref<10240x128xf32, #tpu.memory_space<vmem_shared>> -> memref<128x128xf32, #tpu.memory_space<vmem_shared>>
      %dma_wait3A_83 = arith.constant 0 : i32
      %dma_wait3A_84 = tpu.memref_slice %arg7[%add3A_71, %dma_wait3A_83] : memref<10240x128xf32, #tpu.memory_space<vmem_shared>> -> memref<128x128xf32, #tpu.memory_space<vmem_shared>>
      tpu.wait_dma2 semaphore(%run_scoped3A : memref<!tpu.dma_semaphore, #tpu.memory_space<semaphore_mem>>) src(%dma_wait3A_84 : memref<128x128xf32, #tpu.memory_space<vmem_shared>>) dst(%arg9 : memref<128x128xf32, #tpu.memory_space<vmem>>)
      tpu.yield
    }) : () -> ()
    %mul3A_72 = arith.constant 10240 : i32
    %mul3A_73 = arith.muli %arg0, %mul3A_72 : i32
    %mul3A_74 = arith.constant 640 : i32
    %mul3A_75 = arith.muli %arg1, %mul3A_74 : i32
    %add3A_76 = arith.addi %mul3A_73, %mul3A_75 : i32
    %add3A_77 = arith.constant 512 : i32
    %add3A_78 = arith.addi %add3A_76, %add3A_77 : i32
    "tpu.region"() ({
      %run_scoped3A = tpu.sem_alloc : memref<!tpu.dma_semaphore, #tpu.memory_space<semaphore_mem>>
      %dma_start3A = arith.constant 0 : i32
      %dma_start3A_79 = tpu.memref_slice %arg6[%add3A_78, %dma_start3A] : memref<20480x128xf32, #tpu.memory_space<hbm>> -> memref<128x128xf32, #tpu.memory_space<hbm>>
      %dma_start3A_80 = arith.constant 0 : i32
      %dma_start3A_81 = tpu.memref_slice %arg6[%add3A_78, %dma_start3A_80] : memref<20480x128xf32, #tpu.memory_space<hbm>> -> memref<128x128xf32, #tpu.memory_space<hbm>>
      tpu.enqueue_dma source(%arg9 : memref<128x128xf32, #tpu.memory_space<vmem>>) target(%dma_start3A_81 : memref<128x128xf32, #tpu.memory_space<hbm>>) target_semaphore(%run_scoped3A : memref<!tpu.dma_semaphore, #tpu.memory_space<semaphore_mem>>)
      %dma_wait3A = arith.constant 0 : i32
      %dma_wait3A_82 = tpu.memref_slice %arg6[%add3A_78, %dma_wait3A] : memref<20480x128xf32, #tpu.memory_space<hbm>> -> memref<128x128xf32, #tpu.memory_space<hbm>>
      %dma_wait3A_83 = arith.constant 0 : i32
      %dma_wait3A_84 = tpu.memref_slice %arg6[%add3A_78, %dma_wait3A_83] : memref<20480x128xf32, #tpu.memory_space<hbm>> -> memref<128x128xf32, #tpu.memory_space<hbm>>
      tpu.wait_dma2 semaphore(%run_scoped3A : memref<!tpu.dma_semaphore, #tpu.memory_space<semaphore_mem>>) src(%arg9 : memref<128x128xf32, #tpu.memory_space<vmem>>) dst(%dma_wait3A_84 : memref<128x128xf32, #tpu.memory_space<hbm>>)
      tpu.yield
    }) : () -> ()
    return
  }
}

#map = affine_map<(d0, d1) -> (0, 0)>
#map1 = affine_map<(d0, d1) -> (0)>
module attributes {stable_mosaic.version = 14 : i64} {
  func.func @pool_k(%arg0: i32, %arg1: i32, %arg2: memref<10240x512xf32, #tpu.memory_space<hbm>>, %arg3: memref<10240x512xf32, #tpu.memory_space<hbm>>, %arg4: memref<16x640xi32, #tpu.memory_space<hbm>>, %arg5: memref<1310720xf32, #tpu.memory_space<hbm>>, %arg6: memref<1310720xf32, #tpu.memory_space<hbm>>, %arg7: memref<640xi32, #tpu.memory_space<vmem>>, %arg8: memref<40960xf32, #tpu.memory_space<vmem>>, %arg9: memref<32x512xf32, #tpu.memory_space<vmem>>, %arg10: memref<40960xf32, #tpu.memory_space<vmem>>) attributes {dimension_semantics = [#tpu.dimension_semantics<core_parallel>, #tpu.dimension_semantics<subcore_parallel>], iteration_bounds = array<i64: 2, 16>, scalar_prefetch = 0 : i64, scratch_operands = 4 : i64, tpu.core_type = #tpu.core_type<sc_vector_subcore>, window_params = [{transform_indices = #map}, {transform_indices = #map}, {transform_indices = #map}, {transform_indices = #map1}, {transform_indices = #map1}]} {
    "tpu.region"() ({
      %run_scoped3A = tpu.sem_alloc : memref<!tpu.dma_semaphore, #tpu.memory_space<semaphore_mem>>
      %dma_start3A = arith.constant 0 : i32
      %dma_start3A_17 = tpu.memref_slice %arg4[%arg1, %dma_start3A] : memref<16x640xi32, #tpu.memory_space<hbm>> -> memref<1x640xi32, #tpu.memory_space<hbm>>
      %dma_start3A_18 = tpu.memref_squeeze %dma_start3A_17 : memref<1x640xi32, #tpu.memory_space<hbm>> -> memref<640xi32, #tpu.memory_space<hbm>>
      %dma_start3A_19 = arith.constant 0 : i32
      %dma_start3A_20 = tpu.memref_slice %arg4[%arg1, %dma_start3A_19] : memref<16x640xi32, #tpu.memory_space<hbm>> -> memref<1x640xi32, #tpu.memory_space<hbm>>
      %dma_start3A_21 = tpu.memref_squeeze %dma_start3A_20 : memref<1x640xi32, #tpu.memory_space<hbm>> -> memref<640xi32, #tpu.memory_space<hbm>>
      tpu.enqueue_dma source(%dma_start3A_21 : memref<640xi32, #tpu.memory_space<hbm>>) target(%arg7 : memref<640xi32, #tpu.memory_space<vmem>>) target_semaphore(%run_scoped3A : memref<!tpu.dma_semaphore, #tpu.memory_space<semaphore_mem>>)
      %dma_wait3A = arith.constant 0 : i32
      %dma_wait3A_22 = tpu.memref_slice %arg4[%arg1, %dma_wait3A] : memref<16x640xi32, #tpu.memory_space<hbm>> -> memref<1x640xi32, #tpu.memory_space<hbm>>
      %dma_wait3A_23 = tpu.memref_squeeze %dma_wait3A_22 : memref<1x640xi32, #tpu.memory_space<hbm>> -> memref<640xi32, #tpu.memory_space<hbm>>
      %dma_wait3A_24 = arith.constant 0 : i32
      %dma_wait3A_25 = tpu.memref_slice %arg4[%arg1, %dma_wait3A_24] : memref<16x640xi32, #tpu.memory_space<hbm>> -> memref<1x640xi32, #tpu.memory_space<hbm>>
      %dma_wait3A_26 = tpu.memref_squeeze %dma_wait3A_25 : memref<1x640xi32, #tpu.memory_space<hbm>> -> memref<640xi32, #tpu.memory_space<hbm>>
      tpu.wait_dma2 semaphore(%run_scoped3A : memref<!tpu.dma_semaphore, #tpu.memory_space<semaphore_mem>>) src(%dma_wait3A_26 : memref<640xi32, #tpu.memory_space<hbm>>) dst(%arg7 : memref<640xi32, #tpu.memory_space<vmem>>)
      tpu.yield
    }) : () -> ()
    %broadcast_in_dim3A = arith.constant 0.000000e+00 : f32
    %broadcast_in_dim3A_0 = vector.broadcast %broadcast_in_dim3A : f32 to vector<16xf32>
    %scan3A = arith.constant 0 : i32
    %scan3A_1 = arith.constant 0 : i32
    %scan3A_2 = arith.constant 2560 : i32
    %scan3A_3 = arith.addi %scan3A_1, %scan3A_2 : i32
    %scan3A_4 = arith.constant 1 : i32
    %scan3A_5 = scf.for %scan3A_17 = %scan3A_1 to %scan3A_3 step %scan3A_4 iter_args(%scan3A_18 = %scan3A) -> (i32)  : i32 {
      %mul3A_19 = arith.constant 16 : i32
      %mul3A_20 = arith.muli %scan3A_17, %mul3A_19 : i32
      %swap3A = arith.index_cast %mul3A_20 : i32 to index
      %swap3A_21 = tpu.vector_load %arg10[%swap3A] {strides = array<i32>} : memref<40960xf32, #tpu.memory_space<vmem>>, vector<16xf32>,
      tpu.vector_store %arg10[%swap3A], %broadcast_in_dim3A_0 {strides = array<i32>} : memref<40960xf32, #tpu.memory_space<vmem>>, vector<16xf32>,
      %mul3A_22 = arith.constant 16 : i32
      %mul3A_23 = arith.muli %scan3A_17, %mul3A_22 : i32
      %swap3A_24 = arith.index_cast %mul3A_23 : i32 to index
      %swap3A_25 = tpu.vector_load %arg8[%swap3A_24] {strides = array<i32>} : memref<40960xf32, #tpu.memory_space<vmem>>, vector<16xf32>,
      tpu.vector_store %arg8[%swap3A_24], %broadcast_in_dim3A_0 {strides = array<i32>} : memref<40960xf32, #tpu.memory_space<vmem>>, vector<16xf32>,
      %scan3A_26 = arith.constant 0 : i32
      scf.yield %scan3A_26 : i32
    }
    %scan3A_6 = arith.constant 2560 : i32
    %iota3A = tpu.iota {dimensions = array<i32: 0>} : vector<16xi32>
    %eq3A = arith.constant 0 : i32
    %eq3A_7 = arith.cmpi eq, %arg0, %eq3A : i32
    %convert_element_type3A = arith.extui %eq3A_7 : i1 to i32
    %cond3A = arith.constant 0 : i32
    %cond3A_8 = arith.cmpi ne, %convert_element_type3A, %cond3A : i32
    scf.if %cond3A_8 {
      %scan3A_17 = arith.constant 0 : i32
      %scan3A_18 = arith.constant 0 : i32
      %scan3A_19 = arith.constant 20 : i32
      %scan3A_20 = arith.addi %scan3A_18, %scan3A_19 : i32
      %scan3A_21 = arith.constant 1 : i32
      %scan3A_22 = scf.for %scan3A_24 = %scan3A_18 to %scan3A_20 step %scan3A_21 iter_args(%scan3A_25 = %scan3A_17) -> (i32)  : i32 {
        %mul3A_26 = arith.constant 640 : i32
        %mul3A_27 = arith.muli %arg1, %mul3A_26 : i32
        %mul3A_28 = arith.constant 32 : i32
        %mul3A_29 = arith.muli %scan3A_24, %mul3A_28 : i32
        %add3A_30 = arith.addi %mul3A_27, %mul3A_29 : i32
        "tpu.region"() ({
          %run_scoped3A = tpu.sem_alloc : memref<!tpu.dma_semaphore, #tpu.memory_space<semaphore_mem>>
          %dma_start3A = arith.constant 0 : i32
          %dma_start3A_39 = tpu.memref_slice %arg2[%add3A_30, %dma_start3A] : memref<10240x512xf32, #tpu.memory_space<hbm>> -> memref<32x512xf32, #tpu.memory_space<hbm>>
          %dma_start3A_40 = arith.constant 0 : i32
          %dma_start3A_41 = tpu.memref_slice %arg2[%add3A_30, %dma_start3A_40] : memref<10240x512xf32, #tpu.memory_space<hbm>> -> memref<32x512xf32, #tpu.memory_space<hbm>>
          tpu.enqueue_dma source(%dma_start3A_41 : memref<32x512xf32, #tpu.memory_space<hbm>>) target(%arg9 : memref<32x512xf32, #tpu.memory_space<vmem>>) target_semaphore(%run_scoped3A : memref<!tpu.dma_semaphore, #tpu.memory_space<semaphore_mem>>)
          %dma_wait3A = arith.constant 0 : i32
          %dma_wait3A_42 = tpu.memref_slice %arg2[%add3A_30, %dma_wait3A] : memref<10240x512xf32, #tpu.memory_space<hbm>> -> memref<32x512xf32, #tpu.memory_space<hbm>>
          %dma_wait3A_43 = arith.constant 0 : i32
          %dma_wait3A_44 = tpu.memref_slice %arg2[%add3A_30, %dma_wait3A_43] : memref<10240x512xf32, #tpu.memory_space<hbm>> -> memref<32x512xf32, #tpu.memory_space<hbm>>
          tpu.wait_dma2 semaphore(%run_scoped3A : memref<!tpu.dma_semaphore, #tpu.memory_space<semaphore_mem>>) src(%dma_wait3A_44 : memref<32x512xf32, #tpu.memory_space<hbm>>) dst(%arg9 : memref<32x512xf32, #tpu.memory_space<vmem>>)
          tpu.yield
        }) : () -> ()
        %scan3A_31 = arith.constant 0 : i32
        %scan3A_32 = arith.constant 0 : i32
        %scan3A_33 = arith.constant 2 : i32
        %scan3A_34 = arith.addi %scan3A_32, %scan3A_33 : i32
        %scan3A_35 = arith.constant 1 : i32
        %scan3A_36 = scf.for %scan3A_39 = %scan3A_32 to %scan3A_34 step %scan3A_35 iter_args(%scan3A_40 = %scan3A_31) -> (i32)  : i32 {
          %mul3A_41 = arith.constant 32 : i32
          %mul3A_42 = arith.muli %scan3A_24, %mul3A_41 : i32
          %mul3A_43 = arith.constant 16 : i32
          %mul3A_44 = arith.muli %scan3A_39, %mul3A_43 : i32
          %add3A_45 = arith.addi %mul3A_42, %mul3A_44 : i32
          %get3A = arith.index_cast %add3A_45 : i32 to index
          %get3A_46 = tpu.vector_load %arg7[%get3A] {strides = array<i32>} : memref<640xi32, #tpu.memory_space<vmem>>, vector<16xi32>,
          %scan3A_47 = arith.constant 0 : i32
          %scan3A_48 = arith.constant 0 : i32
          %scan3A_49 = arith.constant 16 : i32
          %scan3A_50 = arith.addi %scan3A_48, %scan3A_49 : i32
          %scan3A_51 = arith.constant 1 : i32
          %scan3A_52 = scf.for %scan3A_55 = %scan3A_48 to %scan3A_50 step %scan3A_51 iter_args(%scan3A_56 = %scan3A_47) -> (i32)  : i32 {
            %mul3A_57 = arith.constant 16 : i32
            %mul3A_58 = arith.muli %scan3A_39, %mul3A_57 : i32
            %add3A_59 = arith.addi %mul3A_58, %scan3A_55 : i32
            %broadcast_in_dim3A_60 = arith.constant 0 : i32
            %broadcast_in_dim3A_61 = vector.broadcast %broadcast_in_dim3A_60 : i32 to vector<16xi32>
            %add3A_62 = vector.broadcast %scan3A_55 : i32 to vector<16xi32>
            %add3A_63 = arith.addi %broadcast_in_dim3A_61, %add3A_62 : vector<16xi32>
            %lt3A = arith.constant 0 : i32
            %lt3A_64 = vector.broadcast %lt3A : i32 to vector<16xi32>
            %lt3A_65 = arith.cmpi slt, %add3A_63, %lt3A_64 : vector<16xi32>
            %add3A_66 = arith.constant 16 : i32
            %add3A_67 = vector.broadcast %add3A_66 : i32 to vector<16xi32>
            %add3A_68 = arith.addi %add3A_63, %add3A_67 : vector<16xi32>
            %select_n3A = arith.select %lt3A_65, %add3A_68, %add3A_63 : vector<16xi1>, vector<16xi32>
            %broadcast_in_dim3A_69 = vector.shape_cast %select_n3A : vector<16xi32> to vector<16x1xi32>
            %gather3A = vector.shape_cast %broadcast_in_dim3A_69 : vector<16x1xi32> to vector<16xi32>
            %gather3A_70 = tpu.dynamic_gather %get3A_46[%gather3A] in [0] : vector<16xi32>, vector<16xi32> -> vector<16xi32>
            %mul3A_71 = arith.constant 512 : i32
            %mul3A_72 = vector.broadcast %mul3A_71 : i32 to vector<16xi32>
            %mul3A_73 = arith.muli %gather3A_70, %mul3A_72 : vector<16xi32>
            %add3A_74 = arith.addi %mul3A_73, %iota3A : vector<16xi32>
            %add3A_75 = arith.constant 0 : i32
            %add3A_76 = vector.broadcast %add3A_75 : i32 to vector<16xi32>
            %add3A_77 = arith.addi %add3A_74, %add3A_76 : vector<16xi32>
            %get3A_78 = arith.index_cast %add3A_59 : i32 to index
            %get3A_79 = arith.constant 0 : index
            %get3A_80 = tpu.vector_load %arg9[%get3A_78, %get3A_79] {strides = array<i32>} : memref<32x512xf32, #tpu.memory_space<vmem>>, vector<16xf32>,
            %gather3A_81 = tpu.vector_load_idx %arg10[%add3A_77] : memref<40960xf32, #tpu.memory_space<vmem>>[vector<16xi32>], vector<16xf32>,
            %add3A_82 = arith.addf %gather3A_81, %get3A_80 : vector<16xf32>
            tpu.vector_store_idx %arg10[%add3A_77], %add3A_82 : memref<40960xf32, #tpu.memory_space<vmem>>[vector<16xi32>], vector<16xf32>,
            %gather3A_83 = tpu.vector_load_idx %arg8[%add3A_77] : memref<40960xf32, #tpu.memory_space<vmem>>[vector<16xi32>], vector<16xf32>,
            %max3A = arith.maximumf %gather3A_83, %get3A_80 : vector<16xf32>
            tpu.vector_store_idx %arg8[%add3A_77], %max3A : memref<40960xf32, #tpu.memory_space<vmem>>[vector<16xi32>], vector<16xf32>,
            %add3A_84 = arith.constant 16 : i32
            %add3A_85 = vector.broadcast %add3A_84 : i32 to vector<16xi32>
            %add3A_86 = arith.addi %add3A_74, %add3A_85 : vector<16xi32>
            %get3A_87 = arith.index_cast %add3A_59 : i32 to index
            %get3A_88 = arith.constant 16 : index
            %get3A_89 = tpu.vector_load %arg9[%get3A_87, %get3A_88] {strides = array<i32>} : memref<32x512xf32, #tpu.memory_space<vmem>>, vector<16xf32>,
            %gather3A_90 = tpu.vector_load_idx %arg10[%add3A_86] : memref<40960xf32, #tpu.memory_space<vmem>>[vector<16xi32>], vector<16xf32>,
            %add3A_91 = arith.addf %gather3A_90, %get3A_89 : vector<16xf32>
            tpu.vector_store_idx %arg10[%add3A_86], %add3A_91 : memref<40960xf32, #tpu.memory_space<vmem>>[vector<16xi32>], vector<16xf32>,
            %gather3A_92 = tpu.vector_load_idx %arg8[%add3A_86] : memref<40960xf32, #tpu.memory_space<vmem>>[vector<16xi32>], vector<16xf32>,
            %max3A_93 = arith.maximumf %gather3A_92, %get3A_89 : vector<16xf32>
            tpu.vector_store_idx %arg8[%add3A_86], %max3A_93 : memref<40960xf32, #tpu.memory_space<vmem>>[vector<16xi32>], vector<16xf32>,
            %add3A_94 = arith.constant 32 : i32
            %add3A_95 = vector.broadcast %add3A_94 : i32 to vector<16xi32>
            %add3A_96 = arith.addi %add3A_74, %add3A_95 : vector<16xi32>
            %get3A_97 = arith.index_cast %add3A_59 : i32 to index
            %get3A_98 = arith.constant 32 : index
            %get3A_99 = tpu.vector_load %arg9[%get3A_97, %get3A_98] {strides = array<i32>} : memref<32x512xf32, #tpu.memory_space<vmem>>, vector<16xf32>,
            %gather3A_100 = tpu.vector_load_idx %arg10[%add3A_96] : memref<40960xf32, #tpu.memory_space<vmem>>[vector<16xi32>], vector<16xf32>,
            %add3A_101 = arith.addf %gather3A_100, %get3A_99 : vector<16xf32>
            tpu.vector_store_idx %arg10[%add3A_96], %add3A_101 : memref<40960xf32, #tpu.memory_space<vmem>>[vector<16xi32>], vector<16xf32>,
            %gather3A_102 = tpu.vector_load_idx %arg8[%add3A_96] : memref<40960xf32, #tpu.memory_space<vmem>>[vector<16xi32>], vector<16xf32>,
            %max3A_103 = arith.maximumf %gather3A_102, %get3A_99 : vector<16xf32>
            tpu.vector_store_idx %arg8[%add3A_96], %max3A_103 : memref<40960xf32, #tpu.memory_space<vmem>>[vector<16xi32>], vector<16xf32>,
            %add3A_104 = arith.constant 48 : i32
            %add3A_105 = vector.broadcast %add3A_104 : i32 to vector<16xi32>
            %add3A_106 = arith.addi %add3A_74, %add3A_105 : vector<16xi32>
            %get3A_107 = arith.index_cast %add3A_59 : i32 to index
            %get3A_108 = arith.constant 48 : index
            %get3A_109 = tpu.vector_load %arg9[%get3A_107, %get3A_108] {strides = array<i32>} : memref<32x512xf32, #tpu.memory_space<vmem>>, vector<16xf32>,
            %gather3A_110 = tpu.vector_load_idx %arg10[%add3A_106] : memref<40960xf32, #tpu.memory_space<vmem>>[vector<16xi32>], vector<16xf32>,
            %add3A_111 = arith.addf %gather3A_110, %get3A_109 : vector<16xf32>
            tpu.vector_store_idx %arg10[%add3A_106], %add3A_111 : memref<40960xf32, #tpu.memory_space<vmem>>[vector<16xi32>], vector<16xf32>,
            %gather3A_112 = tpu.vector_load_idx %arg8[%add3A_106] : memref<40960xf32, #tpu.memory_space<vmem>>[vector<16xi32>], vector<16xf32>,
            %max3A_113 = arith.maximumf %gather3A_112, %get3A_109 : vector<16xf32>
            tpu.vector_store_idx %arg8[%add3A_106], %max3A_113 : memref<40960xf32, #tpu.memory_space<vmem>>[vector<16xi32>], vector<16xf32>,
            %add3A_114 = arith.constant 64 : i32
            %add3A_115 = vector.broadcast %add3A_114 : i32 to vector<16xi32>
            %add3A_116 = arith.addi %add3A_74, %add3A_115 : vector<16xi32>
            %get3A_117 = arith.index_cast %add3A_59 : i32 to index
            %get3A_118 = arith.constant 64 : index
            %get3A_119 = tpu.vector_load %arg9[%get3A_117, %get3A_118] {strides = array<i32>} : memref<32x512xf32, #tpu.memory_space<vmem>>, vector<16xf32>,
            %gather3A_120 = tpu.vector_load_idx %arg10[%add3A_116] : memref<40960xf32, #tpu.memory_space<vmem>>[vector<16xi32>], vector<16xf32>,
            %add3A_121 = arith.addf %gather3A_120, %get3A_119 : vector<16xf32>
            tpu.vector_store_idx %arg10[%add3A_116], %add3A_121 : memref<40960xf32, #tpu.memory_space<vmem>>[vector<16xi32>], vector<16xf32>,
            %gather3A_122 = tpu.vector_load_idx %arg8[%add3A_116] : memref<40960xf32, #tpu.memory_space<vmem>>[vector<16xi32>], vector<16xf32>,
            %max3A_123 = arith.maximumf %gather3A_122, %get3A_119 : vector<16xf32>
            tpu.vector_store_idx %arg8[%add3A_116], %max3A_123 : memref<40960xf32, #tpu.memory_space<vmem>>[vector<16xi32>], vector<16xf32>,
            %add3A_124 = arith.constant 80 : i32
            %add3A_125 = vector.broadcast %add3A_124 : i32 to vector<16xi32>
            %add3A_126 = arith.addi %add3A_74, %add3A_125 : vector<16xi32>
            %get3A_127 = arith.index_cast %add3A_59 : i32 to index
            %get3A_128 = arith.constant 80 : index
            %get3A_129 = tpu.vector_load %arg9[%get3A_127, %get3A_128] {strides = array<i32>} : memref<32x512xf32, #tpu.memory_space<vmem>>, vector<16xf32>,
            %gather3A_130 = tpu.vector_load_idx %arg10[%add3A_126] : memref<40960xf32, #tpu.memory_space<vmem>>[vector<16xi32>], vector<16xf32>,
            %add3A_131 = arith.addf %gather3A_130, %get3A_129 : vector<16xf32>
            tpu.vector_store_idx %arg10[%add3A_126], %add3A_131 : memref<40960xf32, #tpu.memory_space<vmem>>[vector<16xi32>], vector<16xf32>,
            %gather3A_132 = tpu.vector_load_idx %arg8[%add3A_126] : memref<40960xf32, #tpu.memory_space<vmem>>[vector<16xi32>], vector<16xf32>,
            %max3A_133 = arith.maximumf %gather3A_132, %get3A_129 : vector<16xf32>
            tpu.vector_store_idx %arg8[%add3A_126], %max3A_133 : memref<40960xf32, #tpu.memory_space<vmem>>[vector<16xi32>], vector<16xf32>,
            %add3A_134 = arith.constant 96 : i32
            %add3A_135 = vector.broadcast %add3A_134 : i32 to vector<16xi32>
            %add3A_136 = arith.addi %add3A_74, %add3A_135 : vector<16xi32>
            %get3A_137 = arith.index_cast %add3A_59 : i32 to index
            %get3A_138 = arith.constant 96 : index
            %get3A_139 = tpu.vector_load %arg9[%get3A_137, %get3A_138] {strides = array<i32>} : memref<32x512xf32, #tpu.memory_space<vmem>>, vector<16xf32>,
            %gather3A_140 = tpu.vector_load_idx %arg10[%add3A_136] : memref<40960xf32, #tpu.memory_space<vmem>>[vector<16xi32>], vector<16xf32>,
            %add3A_141 = arith.addf %gather3A_140, %get3A_139 : vector<16xf32>
            tpu.vector_store_idx %arg10[%add3A_136], %add3A_141 : memref<40960xf32, #tpu.memory_space<vmem>>[vector<16xi32>], vector<16xf32>,
            %gather3A_142 = tpu.vector_load_idx %arg8[%add3A_136] : memref<40960xf32, #tpu.memory_space<vmem>>[vector<16xi32>], vector<16xf32>,
            %max3A_143 = arith.maximumf %gather3A_142, %get3A_139 : vector<16xf32>
            tpu.vector_store_idx %arg8[%add3A_136], %max3A_143 : memref<40960xf32, #tpu.memory_space<vmem>>[vector<16xi32>], vector<16xf32>,
            %add3A_144 = arith.constant 112 : i32
            %add3A_145 = vector.broadcast %add3A_144 : i32 to vector<16xi32>
            %add3A_146 = arith.addi %add3A_74, %add3A_145 : vector<16xi32>
            %get3A_147 = arith.index_cast %add3A_59 : i32 to index
            %get3A_148 = arith.constant 112 : index
            %get3A_149 = tpu.vector_load %arg9[%get3A_147, %get3A_148] {strides = array<i32>} : memref<32x512xf32, #tpu.memory_space<vmem>>, vector<16xf32>,
            %gather3A_150 = tpu.vector_load_idx %arg10[%add3A_146] : memref<40960xf32, #tpu.memory_space<vmem>>[vector<16xi32>], vector<16xf32>,
            %add3A_151 = arith.addf %gather3A_150, %get3A_149 : vector<16xf32>
            tpu.vector_store_idx %arg10[%add3A_146], %add3A_151 : memref<40960xf32, #tpu.memory_space<vmem>>[vector<16xi32>], vector<16xf32>,
            %gather3A_152 = tpu.vector_load_idx %arg8[%add3A_146] : memref<40960xf32, #tpu.memory_space<vmem>>[vector<16xi32>], vector<16xf32>,
            %max3A_153 = arith.maximumf %gather3A_152, %get3A_149 : vector<16xf32>
            tpu.vector_store_idx %arg8[%add3A_146], %max3A_153 : memref<40960xf32, #tpu.memory_space<vmem>>[vector<16xi32>], vector<16xf32>,
            %add3A_154 = arith.constant 128 : i32
            %add3A_155 = vector.broadcast %add3A_154 : i32 to vector<16xi32>
            %add3A_156 = arith.addi %add3A_74, %add3A_155 : vector<16xi32>
            %get3A_157 = arith.index_cast %add3A_59 : i32 to index
            %get3A_158 = arith.constant 128 : index
            %get3A_159 = tpu.vector_load %arg9[%get3A_157, %get3A_158] {strides = array<i32>} : memref<32x512xf32, #tpu.memory_space<vmem>>, vector<16xf32>,
            %gather3A_160 = tpu.vector_load_idx %arg10[%add3A_156] : memref<40960xf32, #tpu.memory_space<vmem>>[vector<16xi32>], vector<16xf32>,
            %add3A_161 = arith.addf %gather3A_160, %get3A_159 : vector<16xf32>
            tpu.vector_store_idx %arg10[%add3A_156], %add3A_161 : memref<40960xf32, #tpu.memory_space<vmem>>[vector<16xi32>], vector<16xf32>,
            %gather3A_162 = tpu.vector_load_idx %arg8[%add3A_156] : memref<40960xf32, #tpu.memory_space<vmem>>[vector<16xi32>], vector<16xf32>,
            %max3A_163 = arith.maximumf %gather3A_162, %get3A_159 : vector<16xf32>
            tpu.vector_store_idx %arg8[%add3A_156], %max3A_163 : memref<40960xf32, #tpu.memory_space<vmem>>[vector<16xi32>], vector<16xf32>,
            %add3A_164 = arith.constant 144 : i32
            %add3A_165 = vector.broadcast %add3A_164 : i32 to vector<16xi32>
            %add3A_166 = arith.addi %add3A_74, %add3A_165 : vector<16xi32>
            %get3A_167 = arith.index_cast %add3A_59 : i32 to index
            %get3A_168 = arith.constant 144 : index
            %get3A_169 = tpu.vector_load %arg9[%get3A_167, %get3A_168] {strides = array<i32>} : memref<32x512xf32, #tpu.memory_space<vmem>>, vector<16xf32>,
            %gather3A_170 = tpu.vector_load_idx %arg10[%add3A_166] : memref<40960xf32, #tpu.memory_space<vmem>>[vector<16xi32>], vector<16xf32>,
            %add3A_171 = arith.addf %gather3A_170, %get3A_169 : vector<16xf32>
            tpu.vector_store_idx %arg10[%add3A_166], %add3A_171 : memref<40960xf32, #tpu.memory_space<vmem>>[vector<16xi32>], vector<16xf32>,
            %gather3A_172 = tpu.vector_load_idx %arg8[%add3A_166] : memref<40960xf32, #tpu.memory_space<vmem>>[vector<16xi32>], vector<16xf32>,
            %max3A_173 = arith.maximumf %gather3A_172, %get3A_169 : vector<16xf32>
            tpu.vector_store_idx %arg8[%add3A_166], %max3A_173 : memref<40960xf32, #tpu.memory_space<vmem>>[vector<16xi32>], vector<16xf32>,
            %add3A_174 = arith.constant 160 : i32
            %add3A_175 = vector.broadcast %add3A_174 : i32 to vector<16xi32>
            %add3A_176 = arith.addi %add3A_74, %add3A_175 : vector<16xi32>
            %get3A_177 = arith.index_cast %add3A_59 : i32 to index
            %get3A_178 = arith.constant 160 : index
            %get3A_179 = tpu.vector_load %arg9[%get3A_177, %get3A_178] {strides = array<i32>} : memref<32x512xf32, #tpu.memory_space<vmem>>, vector<16xf32>,
            %gather3A_180 = tpu.vector_load_idx %arg10[%add3A_176] : memref<40960xf32, #tpu.memory_space<vmem>>[vector<16xi32>], vector<16xf32>,
            %add3A_181 = arith.addf %gather3A_180, %get3A_179 : vector<16xf32>
            tpu.vector_store_idx %arg10[%add3A_176], %add3A_181 : memref<40960xf32, #tpu.memory_space<vmem>>[vector<16xi32>], vector<16xf32>,
            %gather3A_182 = tpu.vector_load_idx %arg8[%add3A_176] : memref<40960xf32, #tpu.memory_space<vmem>>[vector<16xi32>], vector<16xf32>,
            %max3A_183 = arith.maximumf %gather3A_182, %get3A_179 : vector<16xf32>
            tpu.vector_store_idx %arg8[%add3A_176], %max3A_183 : memref<40960xf32, #tpu.memory_space<vmem>>[vector<16xi32>], vector<16xf32>,
            %add3A_184 = arith.constant 176 : i32
            %add3A_185 = vector.broadcast %add3A_184 : i32 to vector<16xi32>
            %add3A_186 = arith.addi %add3A_74, %add3A_185 : vector<16xi32>
            %get3A_187 = arith.index_cast %add3A_59 : i32 to index
            %get3A_188 = arith.constant 176 : index
            %get3A_189 = tpu.vector_load %arg9[%get3A_187, %get3A_188] {strides = array<i32>} : memref<32x512xf32, #tpu.memory_space<vmem>>, vector<16xf32>,
            %gather3A_190 = tpu.vector_load_idx %arg10[%add3A_186] : memref<40960xf32, #tpu.memory_space<vmem>>[vector<16xi32>], vector<16xf32>,
            %add3A_191 = arith.addf %gather3A_190, %get3A_189 : vector<16xf32>
            tpu.vector_store_idx %arg10[%add3A_186], %add3A_191 : memref<40960xf32, #tpu.memory_space<vmem>>[vector<16xi32>], vector<16xf32>,
            %gather3A_192 = tpu.vector_load_idx %arg8[%add3A_186] : memref<40960xf32, #tpu.memory_space<vmem>>[vector<16xi32>], vector<16xf32>,
            %max3A_193 = arith.maximumf %gather3A_192, %get3A_189 : vector<16xf32>
            tpu.vector_store_idx %arg8[%add3A_186], %max3A_193 : memref<40960xf32, #tpu.memory_space<vmem>>[vector<16xi32>], vector<16xf32>,
            %add3A_194 = arith.constant 192 : i32
            %add3A_195 = vector.broadcast %add3A_194 : i32 to vector<16xi32>
            %add3A_196 = arith.addi %add3A_74, %add3A_195 : vector<16xi32>
            %get3A_197 = arith.index_cast %add3A_59 : i32 to index
            %get3A_198 = arith.constant 192 : index
            %get3A_199 = tpu.vector_load %arg9[%get3A_197, %get3A_198] {strides = array<i32>} : memref<32x512xf32, #tpu.memory_space<vmem>>, vector<16xf32>,
            %gather3A_200 = tpu.vector_load_idx %arg10[%add3A_196] : memref<40960xf32, #tpu.memory_space<vmem>>[vector<16xi32>], vector<16xf32>,
            %add3A_201 = arith.addf %gather3A_200, %get3A_199 : vector<16xf32>
            tpu.vector_store_idx %arg10[%add3A_196], %add3A_201 : memref<40960xf32, #tpu.memory_space<vmem>>[vector<16xi32>], vector<16xf32>,
            %gather3A_202 = tpu.vector_load_idx %arg8[%add3A_196] : memref<40960xf32, #tpu.memory_space<vmem>>[vector<16xi32>], vector<16xf32>,
            %max3A_203 = arith.maximumf %gather3A_202, %get3A_199 : vector<16xf32>
            tpu.vector_store_idx %arg8[%add3A_196], %max3A_203 : memref<40960xf32, #tpu.memory_space<vmem>>[vector<16xi32>], vector<16xf32>,
            %add3A_204 = arith.constant 208 : i32
            %add3A_205 = vector.broadcast %add3A_204 : i32 to vector<16xi32>
            %add3A_206 = arith.addi %add3A_74, %add3A_205 : vector<16xi32>
            %get3A_207 = arith.index_cast %add3A_59 : i32 to index
            %get3A_208 = arith.constant 208 : index
            %get3A_209 = tpu.vector_load %arg9[%get3A_207, %get3A_208] {strides = array<i32>} : memref<32x512xf32, #tpu.memory_space<vmem>>, vector<16xf32>,
            %gather3A_210 = tpu.vector_load_idx %arg10[%add3A_206] : memref<40960xf32, #tpu.memory_space<vmem>>[vector<16xi32>], vector<16xf32>,
            %add3A_211 = arith.addf %gather3A_210, %get3A_209 : vector<16xf32>
            tpu.vector_store_idx %arg10[%add3A_206], %add3A_211 : memref<40960xf32, #tpu.memory_space<vmem>>[vector<16xi32>], vector<16xf32>,
            %gather3A_212 = tpu.vector_load_idx %arg8[%add3A_206] : memref<40960xf32, #tpu.memory_space<vmem>>[vector<16xi32>], vector<16xf32>,
            %max3A_213 = arith.maximumf %gather3A_212, %get3A_209 : vector<16xf32>
            tpu.vector_store_idx %arg8[%add3A_206], %max3A_213 : memref<40960xf32, #tpu.memory_space<vmem>>[vector<16xi32>], vector<16xf32>,
            %add3A_214 = arith.constant 224 : i32
            %add3A_215 = vector.broadcast %add3A_214 : i32 to vector<16xi32>
            %add3A_216 = arith.addi %add3A_74, %add3A_215 : vector<16xi32>
            %get3A_217 = arith.index_cast %add3A_59 : i32 to index
            %get3A_218 = arith.constant 224 : index
            %get3A_219 = tpu.vector_load %arg9[%get3A_217, %get3A_218] {strides = array<i32>} : memref<32x512xf32, #tpu.memory_space<vmem>>, vector<16xf32>,
            %gather3A_220 = tpu.vector_load_idx %arg10[%add3A_216] : memref<40960xf32, #tpu.memory_space<vmem>>[vector<16xi32>], vector<16xf32>,
            %add3A_221 = arith.addf %gather3A_220, %get3A_219 : vector<16xf32>
            tpu.vector_store_idx %arg10[%add3A_216], %add3A_221 : memref<40960xf32, #tpu.memory_space<vmem>>[vector<16xi32>], vector<16xf32>,
            %gather3A_222 = tpu.vector_load_idx %arg8[%add3A_216] : memref<40960xf32, #tpu.memory_space<vmem>>[vector<16xi32>], vector<16xf32>,
            %max3A_223 = arith.maximumf %gather3A_222, %get3A_219 : vector<16xf32>
            tpu.vector_store_idx %arg8[%add3A_216], %max3A_223 : memref<40960xf32, #tpu.memory_space<vmem>>[vector<16xi32>], vector<16xf32>,
            %add3A_224 = arith.constant 240 : i32
            %add3A_225 = vector.broadcast %add3A_224 : i32 to vector<16xi32>
            %add3A_226 = arith.addi %add3A_74, %add3A_225 : vector<16xi32>
            %get3A_227 = arith.index_cast %add3A_59 : i32 to index
            %get3A_228 = arith.constant 240 : index
            %get3A_229 = tpu.vector_load %arg9[%get3A_227, %get3A_228] {strides = array<i32>} : memref<32x512xf32, #tpu.memory_space<vmem>>, vector<16xf32>,
            %gather3A_230 = tpu.vector_load_idx %arg10[%add3A_226] : memref<40960xf32, #tpu.memory_space<vmem>>[vector<16xi32>], vector<16xf32>,
            %add3A_231 = arith.addf %gather3A_230, %get3A_229 : vector<16xf32>
            tpu.vector_store_idx %arg10[%add3A_226], %add3A_231 : memref<40960xf32, #tpu.memory_space<vmem>>[vector<16xi32>], vector<16xf32>,
            %gather3A_232 = tpu.vector_load_idx %arg8[%add3A_226] : memref<40960xf32, #tpu.memory_space<vmem>>[vector<16xi32>], vector<16xf32>,
            %max3A_233 = arith.maximumf %gather3A_232, %get3A_229 : vector<16xf32>
            tpu.vector_store_idx %arg8[%add3A_226], %max3A_233 : memref<40960xf32, #tpu.memory_space<vmem>>[vector<16xi32>], vector<16xf32>,
            %add3A_234 = arith.constant 256 : i32
            %add3A_235 = vector.broadcast %add3A_234 : i32 to vector<16xi32>
            %add3A_236 = arith.addi %add3A_74, %add3A_235 : vector<16xi32>
            %get3A_237 = arith.index_cast %add3A_59 : i32 to index
            %get3A_238 = arith.constant 256 : index
            %get3A_239 = tpu.vector_load %arg9[%get3A_237, %get3A_238] {strides = array<i32>} : memref<32x512xf32, #tpu.memory_space<vmem>>, vector<16xf32>,
            %gather3A_240 = tpu.vector_load_idx %arg10[%add3A_236] : memref<40960xf32, #tpu.memory_space<vmem>>[vector<16xi32>], vector<16xf32>,
            %add3A_241 = arith.addf %gather3A_240, %get3A_239 : vector<16xf32>
            tpu.vector_store_idx %arg10[%add3A_236], %add3A_241 : memref<40960xf32, #tpu.memory_space<vmem>>[vector<16xi32>], vector<16xf32>,
            %gather3A_242 = tpu.vector_load_idx %arg8[%add3A_236] : memref<40960xf32, #tpu.memory_space<vmem>>[vector<16xi32>], vector<16xf32>,
            %max3A_243 = arith.maximumf %gather3A_242, %get3A_239 : vector<16xf32>
            tpu.vector_store_idx %arg8[%add3A_236], %max3A_243 : memref<40960xf32, #tpu.memory_space<vmem>>[vector<16xi32>], vector<16xf32>,
            %add3A_244 = arith.constant 272 : i32
            %add3A_245 = vector.broadcast %add3A_244 : i32 to vector<16xi32>
            %add3A_246 = arith.addi %add3A_74, %add3A_245 : vector<16xi32>
            %get3A_247 = arith.index_cast %add3A_59 : i32 to index
            %get3A_248 = arith.constant 272 : index
            %get3A_249 = tpu.vector_load %arg9[%get3A_247, %get3A_248] {strides = array<i32>} : memref<32x512xf32, #tpu.memory_space<vmem>>, vector<16xf32>,
            %gather3A_250 = tpu.vector_load_idx %arg10[%add3A_246] : memref<40960xf32, #tpu.memory_space<vmem>>[vector<16xi32>], vector<16xf32>,
            %add3A_251 = arith.addf %gather3A_250, %get3A_249 : vector<16xf32>
            tpu.vector_store_idx %arg10[%add3A_246], %add3A_251 : memref<40960xf32, #tpu.memory_space<vmem>>[vector<16xi32>], vector<16xf32>,
            %gather3A_252 = tpu.vector_load_idx %arg8[%add3A_246] : memref<40960xf32, #tpu.memory_space<vmem>>[vector<16xi32>], vector<16xf32>,
            %max3A_253 = arith.maximumf %gather3A_252, %get3A_249 : vector<16xf32>
            tpu.vector_store_idx %arg8[%add3A_246], %max3A_253 : memref<40960xf32, #tpu.memory_space<vmem>>[vector<16xi32>], vector<16xf32>,
            %add3A_254 = arith.constant 288 : i32
            %add3A_255 = vector.broadcast %add3A_254 : i32 to vector<16xi32>
            %add3A_256 = arith.addi %add3A_74, %add3A_255 : vector<16xi32>
            %get3A_257 = arith.index_cast %add3A_59 : i32 to index
            %get3A_258 = arith.constant 288 : index
            %get3A_259 = tpu.vector_load %arg9[%get3A_257, %get3A_258] {strides = array<i32>} : memref<32x512xf32, #tpu.memory_space<vmem>>, vector<16xf32>,
            %gather3A_260 = tpu.vector_load_idx %arg10[%add3A_256] : memref<40960xf32, #tpu.memory_space<vmem>>[vector<16xi32>], vector<16xf32>,
            %add3A_261 = arith.addf %gather3A_260, %get3A_259 : vector<16xf32>
            tpu.vector_store_idx %arg10[%add3A_256], %add3A_261 : memref<40960xf32, #tpu.memory_space<vmem>>[vector<16xi32>], vector<16xf32>,
            %gather3A_262 = tpu.vector_load_idx %arg8[%add3A_256] : memref<40960xf32, #tpu.memory_space<vmem>>[vector<16xi32>], vector<16xf32>,
            %max3A_263 = arith.maximumf %gather3A_262, %get3A_259 : vector<16xf32>
            tpu.vector_store_idx %arg8[%add3A_256], %max3A_263 : memref<40960xf32, #tpu.memory_space<vmem>>[vector<16xi32>], vector<16xf32>,
            %add3A_264 = arith.constant 304 : i32
            %add3A_265 = vector.broadcast %add3A_264 : i32 to vector<16xi32>
            %add3A_266 = arith.addi %add3A_74, %add3A_265 : vector<16xi32>
            %get3A_267 = arith.index_cast %add3A_59 : i32 to index
            %get3A_268 = arith.constant 304 : index
            %get3A_269 = tpu.vector_load %arg9[%get3A_267, %get3A_268] {strides = array<i32>} : memref<32x512xf32, #tpu.memory_space<vmem>>, vector<16xf32>,
            %gather3A_270 = tpu.vector_load_idx %arg10[%add3A_266] : memref<40960xf32, #tpu.memory_space<vmem>>[vector<16xi32>], vector<16xf32>,
            %add3A_271 = arith.addf %gather3A_270, %get3A_269 : vector<16xf32>
            tpu.vector_store_idx %arg10[%add3A_266], %add3A_271 : memref<40960xf32, #tpu.memory_space<vmem>>[vector<16xi32>], vector<16xf32>,
            %gather3A_272 = tpu.vector_load_idx %arg8[%add3A_266] : memref<40960xf32, #tpu.memory_space<vmem>>[vector<16xi32>], vector<16xf32>,
            %max3A_273 = arith.maximumf %gather3A_272, %get3A_269 : vector<16xf32>
            tpu.vector_store_idx %arg8[%add3A_266], %max3A_273 : memref<40960xf32, #tpu.memory_space<vmem>>[vector<16xi32>], vector<16xf32>,
            %add3A_274 = arith.constant 320 : i32
            %add3A_275 = vector.broadcast %add3A_274 : i32 to vector<16xi32>
            %add3A_276 = arith.addi %add3A_74, %add3A_275 : vector<16xi32>
            %get3A_277 = arith.index_cast %add3A_59 : i32 to index
            %get3A_278 = arith.constant 320 : index
            %get3A_279 = tpu.vector_load %arg9[%get3A_277, %get3A_278] {strides = array<i32>} : memref<32x512xf32, #tpu.memory_space<vmem>>, vector<16xf32>,
            %gather3A_280 = tpu.vector_load_idx %arg10[%add3A_276] : memref<40960xf32, #tpu.memory_space<vmem>>[vector<16xi32>], vector<16xf32>,
            %add3A_281 = arith.addf %gather3A_280, %get3A_279 : vector<16xf32>
            tpu.vector_store_idx %arg10[%add3A_276], %add3A_281 : memref<40960xf32, #tpu.memory_space<vmem>>[vector<16xi32>], vector<16xf32>,
            %gather3A_282 = tpu.vector_load_idx %arg8[%add3A_276] : memref<40960xf32, #tpu.memory_space<vmem>>[vector<16xi32>], vector<16xf32>,
            %max3A_283 = arith.maximumf %gather3A_282, %get3A_279 : vector<16xf32>
            tpu.vector_store_idx %arg8[%add3A_276], %max3A_283 : memref<40960xf32, #tpu.memory_space<vmem>>[vector<16xi32>], vector<16xf32>,
            %add3A_284 = arith.constant 336 : i32
            %add3A_285 = vector.broadcast %add3A_284 : i32 to vector<16xi32>
            %add3A_286 = arith.addi %add3A_74, %add3A_285 : vector<16xi32>
            %get3A_287 = arith.index_cast %add3A_59 : i32 to index
            %get3A_288 = arith.constant 336 : index
            %get3A_289 = tpu.vector_load %arg9[%get3A_287, %get3A_288] {strides = array<i32>} : memref<32x512xf32, #tpu.memory_space<vmem>>, vector<16xf32>,
            %gather3A_290 = tpu.vector_load_idx %arg10[%add3A_286] : memref<40960xf32, #tpu.memory_space<vmem>>[vector<16xi32>], vector<16xf32>,
            %add3A_291 = arith.addf %gather3A_290, %get3A_289 : vector<16xf32>
            tpu.vector_store_idx %arg10[%add3A_286], %add3A_291 : memref<40960xf32, #tpu.memory_space<vmem>>[vector<16xi32>], vector<16xf32>,
            %gather3A_292 = tpu.vector_load_idx %arg8[%add3A_286] : memref<40960xf32, #tpu.memory_space<vmem>>[vector<16xi32>], vector<16xf32>,
            %max3A_293 = arith.maximumf %gather3A_292, %get3A_289 : vector<16xf32>
            tpu.vector_store_idx %arg8[%add3A_286], %max3A_293 : memref<40960xf32, #tpu.memory_space<vmem>>[vector<16xi32>], vector<16xf32>,
            %add3A_294 = arith.constant 352 : i32
            %add3A_295 = vector.broadcast %add3A_294 : i32 to vector<16xi32>
            %add3A_296 = arith.addi %add3A_74, %add3A_295 : vector<16xi32>
            %get3A_297 = arith.index_cast %add3A_59 : i32 to index
            %get3A_298 = arith.constant 352 : index
            %get3A_299 = tpu.vector_load %arg9[%get3A_297, %get3A_298] {strides = array<i32>} : memref<32x512xf32, #tpu.memory_space<vmem>>, vector<16xf32>,
            %gather3A_300 = tpu.vector_load_idx %arg10[%add3A_296] : memref<40960xf32, #tpu.memory_space<vmem>>[vector<16xi32>], vector<16xf32>,
            %add3A_301 = arith.addf %gather3A_300, %get3A_299 : vector<16xf32>
            tpu.vector_store_idx %arg10[%add3A_296], %add3A_301 : memref<40960xf32, #tpu.memory_space<vmem>>[vector<16xi32>], vector<16xf32>,
            %gather3A_302 = tpu.vector_load_idx %arg8[%add3A_296] : memref<40960xf32, #tpu.memory_space<vmem>>[vector<16xi32>], vector<16xf32>,
            %max3A_303 = arith.maximumf %gather3A_302, %get3A_299 : vector<16xf32>
            tpu.vector_store_idx %arg8[%add3A_296], %max3A_303 : memref<40960xf32, #tpu.memory_space<vmem>>[vector<16xi32>], vector<16xf32>,
            %add3A_304 = arith.constant 368 : i32
            %add3A_305 = vector.broadcast %add3A_304 : i32 to vector<16xi32>
            %add3A_306 = arith.addi %add3A_74, %add3A_305 : vector<16xi32>
            %get3A_307 = arith.index_cast %add3A_59 : i32 to index
            %get3A_308 = arith.constant 368 : index
            %get3A_309 = tpu.vector_load %arg9[%get3A_307, %get3A_308] {strides = array<i32>} : memref<32x512xf32, #tpu.memory_space<vmem>>, vector<16xf32>,
            %gather3A_310 = tpu.vector_load_idx %arg10[%add3A_306] : memref<40960xf32, #tpu.memory_space<vmem>>[vector<16xi32>], vector<16xf32>,
            %add3A_311 = arith.addf %gather3A_310, %get3A_309 : vector<16xf32>
            tpu.vector_store_idx %arg10[%add3A_306], %add3A_311 : memref<40960xf32, #tpu.memory_space<vmem>>[vector<16xi32>], vector<16xf32>,
            %gather3A_312 = tpu.vector_load_idx %arg8[%add3A_306] : memref<40960xf32, #tpu.memory_space<vmem>>[vector<16xi32>], vector<16xf32>,
            %max3A_313 = arith.maximumf %gather3A_312, %get3A_309 : vector<16xf32>
            tpu.vector_store_idx %arg8[%add3A_306], %max3A_313 : memref<40960xf32, #tpu.memory_space<vmem>>[vector<16xi32>], vector<16xf32>,
            %add3A_314 = arith.constant 384 : i32
            %add3A_315 = vector.broadcast %add3A_314 : i32 to vector<16xi32>
            %add3A_316 = arith.addi %add3A_74, %add3A_315 : vector<16xi32>
            %get3A_317 = arith.index_cast %add3A_59 : i32 to index
            %get3A_318 = arith.constant 384 : index
            %get3A_319 = tpu.vector_load %arg9[%get3A_317, %get3A_318] {strides = array<i32>} : memref<32x512xf32, #tpu.memory_space<vmem>>, vector<16xf32>,
            %gather3A_320 = tpu.vector_load_idx %arg10[%add3A_316] : memref<40960xf32, #tpu.memory_space<vmem>>[vector<16xi32>], vector<16xf32>,
            %add3A_321 = arith.addf %gather3A_320, %get3A_319 : vector<16xf32>
            tpu.vector_store_idx %arg10[%add3A_316], %add3A_321 : memref<40960xf32, #tpu.memory_space<vmem>>[vector<16xi32>], vector<16xf32>,
            %gather3A_322 = tpu.vector_load_idx %arg8[%add3A_316] : memref<40960xf32, #tpu.memory_space<vmem>>[vector<16xi32>], vector<16xf32>,
            %max3A_323 = arith.maximumf %gather3A_322, %get3A_319 : vector<16xf32>
            tpu.vector_store_idx %arg8[%add3A_316], %max3A_323 : memref<40960xf32, #tpu.memory_space<vmem>>[vector<16xi32>], vector<16xf32>,
            %add3A_324 = arith.constant 400 : i32
            %add3A_325 = vector.broadcast %add3A_324 : i32 to vector<16xi32>
            %add3A_326 = arith.addi %add3A_74, %add3A_325 : vector<16xi32>
            %get3A_327 = arith.index_cast %add3A_59 : i32 to index
            %get3A_328 = arith.constant 400 : index
            %get3A_329 = tpu.vector_load %arg9[%get3A_327, %get3A_328] {strides = array<i32>} : memref<32x512xf32, #tpu.memory_space<vmem>>, vector<16xf32>,
            %gather3A_330 = tpu.vector_load_idx %arg10[%add3A_326] : memref<40960xf32, #tpu.memory_space<vmem>>[vector<16xi32>], vector<16xf32>,
            %add3A_331 = arith.addf %gather3A_330, %get3A_329 : vector<16xf32>
            tpu.vector_store_idx %arg10[%add3A_326], %add3A_331 : memref<40960xf32, #tpu.memory_space<vmem>>[vector<16xi32>], vector<16xf32>,
            %gather3A_332 = tpu.vector_load_idx %arg8[%add3A_326] : memref<40960xf32, #tpu.memory_space<vmem>>[vector<16xi32>], vector<16xf32>,
            %max3A_333 = arith.maximumf %gather3A_332, %get3A_329 : vector<16xf32>
            tpu.vector_store_idx %arg8[%add3A_326], %max3A_333 : memref<40960xf32, #tpu.memory_space<vmem>>[vector<16xi32>], vector<16xf32>,
            %add3A_334 = arith.constant 416 : i32
            %add3A_335 = vector.broadcast %add3A_334 : i32 to vector<16xi32>
            %add3A_336 = arith.addi %add3A_74, %add3A_335 : vector<16xi32>
            %get3A_337 = arith.index_cast %add3A_59 : i32 to index
            %get3A_338 = arith.constant 416 : index
            %get3A_339 = tpu.vector_load %arg9[%get3A_337, %get3A_338] {strides = array<i32>} : memref<32x512xf32, #tpu.memory_space<vmem>>, vector<16xf32>,
            %gather3A_340 = tpu.vector_load_idx %arg10[%add3A_336] : memref<40960xf32, #tpu.memory_space<vmem>>[vector<16xi32>], vector<16xf32>,
            %add3A_341 = arith.addf %gather3A_340, %get3A_339 : vector<16xf32>
            tpu.vector_store_idx %arg10[%add3A_336], %add3A_341 : memref<40960xf32, #tpu.memory_space<vmem>>[vector<16xi32>], vector<16xf32>,
            %gather3A_342 = tpu.vector_load_idx %arg8[%add3A_336] : memref<40960xf32, #tpu.memory_space<vmem>>[vector<16xi32>], vector<16xf32>,
            %max3A_343 = arith.maximumf %gather3A_342, %get3A_339 : vector<16xf32>
            tpu.vector_store_idx %arg8[%add3A_336], %max3A_343 : memref<40960xf32, #tpu.memory_space<vmem>>[vector<16xi32>], vector<16xf32>,
            %add3A_344 = arith.constant 432 : i32
            %add3A_345 = vector.broadcast %add3A_344 : i32 to vector<16xi32>
            %add3A_346 = arith.addi %add3A_74, %add3A_345 : vector<16xi32>
            %get3A_347 = arith.index_cast %add3A_59 : i32 to index
            %get3A_348 = arith.constant 432 : index
            %get3A_349 = tpu.vector_load %arg9[%get3A_347, %get3A_348] {strides = array<i32>} : memref<32x512xf32, #tpu.memory_space<vmem>>, vector<16xf32>,
            %gather3A_350 = tpu.vector_load_idx %arg10[%add3A_346] : memref<40960xf32, #tpu.memory_space<vmem>>[vector<16xi32>], vector<16xf32>,
            %add3A_351 = arith.addf %gather3A_350, %get3A_349 : vector<16xf32>
            tpu.vector_store_idx %arg10[%add3A_346], %add3A_351 : memref<40960xf32, #tpu.memory_space<vmem>>[vector<16xi32>], vector<16xf32>,
            %gather3A_352 = tpu.vector_load_idx %arg8[%add3A_346] : memref<40960xf32, #tpu.memory_space<vmem>>[vector<16xi32>], vector<16xf32>,
            %max3A_353 = arith.maximumf %gather3A_352, %get3A_349 : vector<16xf32>
            tpu.vector_store_idx %arg8[%add3A_346], %max3A_353 : memref<40960xf32, #tpu.memory_space<vmem>>[vector<16xi32>], vector<16xf32>,
            %add3A_354 = arith.constant 448 : i32
            %add3A_355 = vector.broadcast %add3A_354 : i32 to vector<16xi32>
            %add3A_356 = arith.addi %add3A_74, %add3A_355 : vector<16xi32>
            %get3A_357 = arith.index_cast %add3A_59 : i32 to index
            %get3A_358 = arith.constant 448 : index
            %get3A_359 = tpu.vector_load %arg9[%get3A_357, %get3A_358] {strides = array<i32>} : memref<32x512xf32, #tpu.memory_space<vmem>>, vector<16xf32>,
            %gather3A_360 = tpu.vector_load_idx %arg10[%add3A_356] : memref<40960xf32, #tpu.memory_space<vmem>>[vector<16xi32>], vector<16xf32>,
            %add3A_361 = arith.addf %gather3A_360, %get3A_359 : vector<16xf32>
            tpu.vector_store_idx %arg10[%add3A_356], %add3A_361 : memref<40960xf32, #tpu.memory_space<vmem>>[vector<16xi32>], vector<16xf32>,
            %gather3A_362 = tpu.vector_load_idx %arg8[%add3A_356] : memref<40960xf32, #tpu.memory_space<vmem>>[vector<16xi32>], vector<16xf32>,
            %max3A_363 = arith.maximumf %gather3A_362, %get3A_359 : vector<16xf32>
            tpu.vector_store_idx %arg8[%add3A_356], %max3A_363 : memref<40960xf32, #tpu.memory_space<vmem>>[vector<16xi32>], vector<16xf32>,
            %add3A_364 = arith.constant 464 : i32
            %add3A_365 = vector.broadcast %add3A_364 : i32 to vector<16xi32>
            %add3A_366 = arith.addi %add3A_74, %add3A_365 : vector<16xi32>
            %get3A_367 = arith.index_cast %add3A_59 : i32 to index
            %get3A_368 = arith.constant 464 : index
            %get3A_369 = tpu.vector_load %arg9[%get3A_367, %get3A_368] {strides = array<i32>} : memref<32x512xf32, #tpu.memory_space<vmem>>, vector<16xf32>,
            %gather3A_370 = tpu.vector_load_idx %arg10[%add3A_366] : memref<40960xf32, #tpu.memory_space<vmem>>[vector<16xi32>], vector<16xf32>,
            %add3A_371 = arith.addf %gather3A_370, %get3A_369 : vector<16xf32>
            tpu.vector_store_idx %arg10[%add3A_366], %add3A_371 : memref<40960xf32, #tpu.memory_space<vmem>>[vector<16xi32>], vector<16xf32>,
            %gather3A_372 = tpu.vector_load_idx %arg8[%add3A_366] : memref<40960xf32, #tpu.memory_space<vmem>>[vector<16xi32>], vector<16xf32>,
            %max3A_373 = arith.maximumf %gather3A_372, %get3A_369 : vector<16xf32>
            tpu.vector_store_idx %arg8[%add3A_366], %max3A_373 : memref<40960xf32, #tpu.memory_space<vmem>>[vector<16xi32>], vector<16xf32>,
            %add3A_374 = arith.constant 480 : i32
            %add3A_375 = vector.broadcast %add3A_374 : i32 to vector<16xi32>
            %add3A_376 = arith.addi %add3A_74, %add3A_375 : vector<16xi32>
            %get3A_377 = arith.index_cast %add3A_59 : i32 to index
            %get3A_378 = arith.constant 480 : index
            %get3A_379 = tpu.vector_load %arg9[%get3A_377, %get3A_378] {strides = array<i32>} : memref<32x512xf32, #tpu.memory_space<vmem>>, vector<16xf32>,
            %gather3A_380 = tpu.vector_load_idx %arg10[%add3A_376] : memref<40960xf32, #tpu.memory_space<vmem>>[vector<16xi32>], vector<16xf32>,
            %add3A_381 = arith.addf %gather3A_380, %get3A_379 : vector<16xf32>
            tpu.vector_store_idx %arg10[%add3A_376], %add3A_381 : memref<40960xf32, #tpu.memory_space<vmem>>[vector<16xi32>], vector<16xf32>,
            %gather3A_382 = tpu.vector_load_idx %arg8[%add3A_376] : memref<40960xf32, #tpu.memory_space<vmem>>[vector<16xi32>], vector<16xf32>,
            %max3A_383 = arith.maximumf %gather3A_382, %get3A_379 : vector<16xf32>
            tpu.vector_store_idx %arg8[%add3A_376], %max3A_383 : memref<40960xf32, #tpu.memory_space<vmem>>[vector<16xi32>], vector<16xf32>,
            %add3A_384 = arith.constant 496 : i32
            %add3A_385 = vector.broadcast %add3A_384 : i32 to vector<16xi32>
            %add3A_386 = arith.addi %add3A_74, %add3A_385 : vector<16xi32>
            %get3A_387 = arith.index_cast %add3A_59 : i32 to index
            %get3A_388 = arith.constant 496 : index
            %get3A_389 = tpu.vector_load %arg9[%get3A_387, %get3A_388] {strides = array<i32>} : memref<32x512xf32, #tpu.memory_space<vmem>>, vector<16xf32>,
            %gather3A_390 = tpu.vector_load_idx %arg10[%add3A_386] : memref<40960xf32, #tpu.memory_space<vmem>>[vector<16xi32>], vector<16xf32>,
            %add3A_391 = arith.addf %gather3A_390, %get3A_389 : vector<16xf32>
            tpu.vector_store_idx %arg10[%add3A_386], %add3A_391 : memref<40960xf32, #tpu.memory_space<vmem>>[vector<16xi32>], vector<16xf32>,
            %gather3A_392 = tpu.vector_load_idx %arg8[%add3A_386] : memref<40960xf32, #tpu.memory_space<vmem>>[vector<16xi32>], vector<16xf32>,
            %max3A_393 = arith.maximumf %gather3A_392, %get3A_389 : vector<16xf32>
            tpu.vector_store_idx %arg8[%add3A_386], %max3A_393 : memref<40960xf32, #tpu.memory_space<vmem>>[vector<16xi32>], vector<16xf32>,
            %scan3A_394 = arith.constant 0 : i32
            scf.yield %scan3A_394 : i32
          }
          %scan3A_53 = arith.constant 16 : i32
          %scan3A_54 = arith.constant 0 : i32
          scf.yield %scan3A_54 : i32
        }
        %scan3A_37 = arith.constant 2 : i32
        %scan3A_38 = arith.constant 0 : i32
        scf.yield %scan3A_38 : i32
      }
      %scan3A_23 = arith.constant 20 : i32
    } else {
    }
    %eq3A_9 = arith.constant 1 : i32
    %eq3A_10 = arith.cmpi eq, %arg0, %eq3A_9 : i32
    %convert_element_type3A_11 = arith.extui %eq3A_10 : i1 to i32
    %cond3A_12 = arith.constant 0 : i32
    %cond3A_13 = arith.cmpi ne, %convert_element_type3A_11, %cond3A_12 : i32
    scf.if %cond3A_13 {
      %scan3A_17 = arith.constant 0 : i32
      %scan3A_18 = arith.constant 0 : i32
      %scan3A_19 = arith.constant 20 : i32
      %scan3A_20 = arith.addi %scan3A_18, %scan3A_19 : i32
      %scan3A_21 = arith.constant 1 : i32
      %scan3A_22 = scf.for %scan3A_24 = %scan3A_18 to %scan3A_20 step %scan3A_21 iter_args(%scan3A_25 = %scan3A_17) -> (i32)  : i32 {
        %mul3A_26 = arith.constant 640 : i32
        %mul3A_27 = arith.muli %arg1, %mul3A_26 : i32
        %mul3A_28 = arith.constant 32 : i32
        %mul3A_29 = arith.muli %scan3A_24, %mul3A_28 : i32
        %add3A_30 = arith.addi %mul3A_27, %mul3A_29 : i32
        "tpu.region"() ({
          %run_scoped3A = tpu.sem_alloc : memref<!tpu.dma_semaphore, #tpu.memory_space<semaphore_mem>>
          %dma_start3A = arith.constant 0 : i32
          %dma_start3A_39 = tpu.memref_slice %arg3[%add3A_30, %dma_start3A] : memref<10240x512xf32, #tpu.memory_space<hbm>> -> memref<32x512xf32, #tpu.memory_space<hbm>>
          %dma_start3A_40 = arith.constant 0 : i32
          %dma_start3A_41 = tpu.memref_slice %arg3[%add3A_30, %dma_start3A_40] : memref<10240x512xf32, #tpu.memory_space<hbm>> -> memref<32x512xf32, #tpu.memory_space<hbm>>
          tpu.enqueue_dma source(%dma_start3A_41 : memref<32x512xf32, #tpu.memory_space<hbm>>) target(%arg9 : memref<32x512xf32, #tpu.memory_space<vmem>>) target_semaphore(%run_scoped3A : memref<!tpu.dma_semaphore, #tpu.memory_space<semaphore_mem>>)
          %dma_wait3A = arith.constant 0 : i32
          %dma_wait3A_42 = tpu.memref_slice %arg3[%add3A_30, %dma_wait3A] : memref<10240x512xf32, #tpu.memory_space<hbm>> -> memref<32x512xf32, #tpu.memory_space<hbm>>
          %dma_wait3A_43 = arith.constant 0 : i32
          %dma_wait3A_44 = tpu.memref_slice %arg3[%add3A_30, %dma_wait3A_43] : memref<10240x512xf32, #tpu.memory_space<hbm>> -> memref<32x512xf32, #tpu.memory_space<hbm>>
          tpu.wait_dma2 semaphore(%run_scoped3A : memref<!tpu.dma_semaphore, #tpu.memory_space<semaphore_mem>>) src(%dma_wait3A_44 : memref<32x512xf32, #tpu.memory_space<hbm>>) dst(%arg9 : memref<32x512xf32, #tpu.memory_space<vmem>>)
          tpu.yield
        }) : () -> ()
        %scan3A_31 = arith.constant 0 : i32
        %scan3A_32 = arith.constant 0 : i32
        %scan3A_33 = arith.constant 2 : i32
        %scan3A_34 = arith.addi %scan3A_32, %scan3A_33 : i32
        %scan3A_35 = arith.constant 1 : i32
        %scan3A_36 = scf.for %scan3A_39 = %scan3A_32 to %scan3A_34 step %scan3A_35 iter_args(%scan3A_40 = %scan3A_31) -> (i32)  : i32 {
          %mul3A_41 = arith.constant 32 : i32
          %mul3A_42 = arith.muli %scan3A_24, %mul3A_41 : i32
          %mul3A_43 = arith.constant 16 : i32
          %mul3A_44 = arith.muli %scan3A_39, %mul3A_43 : i32
          %add3A_45 = arith.addi %mul3A_42, %mul3A_44 : i32
          %get3A = arith.index_cast %add3A_45 : i32 to index
          %get3A_46 = tpu.vector_load %arg7[%get3A] {strides = array<i32>} : memref<640xi32, #tpu.memory_space<vmem>>, vector<16xi32>,
          %scan3A_47 = arith.constant 0 : i32
          %scan3A_48 = arith.constant 0 : i32
          %scan3A_49 = arith.constant 16 : i32
          %scan3A_50 = arith.addi %scan3A_48, %scan3A_49 : i32
          %scan3A_51 = arith.constant 1 : i32
          %scan3A_52 = scf.for %scan3A_55 = %scan3A_48 to %scan3A_50 step %scan3A_51 iter_args(%scan3A_56 = %scan3A_47) -> (i32)  : i32 {
            %mul3A_57 = arith.constant 16 : i32
            %mul3A_58 = arith.muli %scan3A_39, %mul3A_57 : i32
            %add3A_59 = arith.addi %mul3A_58, %scan3A_55 : i32
            %broadcast_in_dim3A_60 = arith.constant 0 : i32
            %broadcast_in_dim3A_61 = vector.broadcast %broadcast_in_dim3A_60 : i32 to vector<16xi32>
            %add3A_62 = vector.broadcast %scan3A_55 : i32 to vector<16xi32>
            %add3A_63 = arith.addi %broadcast_in_dim3A_61, %add3A_62 : vector<16xi32>
            %lt3A = arith.constant 0 : i32
            %lt3A_64 = vector.broadcast %lt3A : i32 to vector<16xi32>
            %lt3A_65 = arith.cmpi slt, %add3A_63, %lt3A_64 : vector<16xi32>
            %add3A_66 = arith.constant 16 : i32
            %add3A_67 = vector.broadcast %add3A_66 : i32 to vector<16xi32>
            %add3A_68 = arith.addi %add3A_63, %add3A_67 : vector<16xi32>
            %select_n3A = arith.select %lt3A_65, %add3A_68, %add3A_63 : vector<16xi1>, vector<16xi32>
            %broadcast_in_dim3A_69 = vector.shape_cast %select_n3A : vector<16xi32> to vector<16x1xi32>
            %gather3A = vector.shape_cast %broadcast_in_dim3A_69 : vector<16x1xi32> to vector<16xi32>
            %gather3A_70 = tpu.dynamic_gather %get3A_46[%gather3A] in [0] : vector<16xi32>, vector<16xi32> -> vector<16xi32>
            %mul3A_71 = arith.constant 512 : i32
            %mul3A_72 = vector.broadcast %mul3A_71 : i32 to vector<16xi32>
            %mul3A_73 = arith.muli %gather3A_70, %mul3A_72 : vector<16xi32>
            %add3A_74 = arith.addi %mul3A_73, %iota3A : vector<16xi32>
            %add3A_75 = arith.constant 0 : i32
            %add3A_76 = vector.broadcast %add3A_75 : i32 to vector<16xi32>
            %add3A_77 = arith.addi %add3A_74, %add3A_76 : vector<16xi32>
            %get3A_78 = arith.index_cast %add3A_59 : i32 to index
            %get3A_79 = arith.constant 0 : index
            %get3A_80 = tpu.vector_load %arg9[%get3A_78, %get3A_79] {strides = array<i32>} : memref<32x512xf32, #tpu.memory_space<vmem>>, vector<16xf32>,
            %gather3A_81 = tpu.vector_load_idx %arg10[%add3A_77] : memref<40960xf32, #tpu.memory_space<vmem>>[vector<16xi32>], vector<16xf32>,
            %add3A_82 = arith.addf %gather3A_81, %get3A_80 : vector<16xf32>
            tpu.vector_store_idx %arg10[%add3A_77], %add3A_82 : memref<40960xf32, #tpu.memory_space<vmem>>[vector<16xi32>], vector<16xf32>,
            %gather3A_83 = tpu.vector_load_idx %arg8[%add3A_77] : memref<40960xf32, #tpu.memory_space<vmem>>[vector<16xi32>], vector<16xf32>,
            %max3A = arith.maximumf %gather3A_83, %get3A_80 : vector<16xf32>
            tpu.vector_store_idx %arg8[%add3A_77], %max3A : memref<40960xf32, #tpu.memory_space<vmem>>[vector<16xi32>], vector<16xf32>,
            %add3A_84 = arith.constant 16 : i32
            %add3A_85 = vector.broadcast %add3A_84 : i32 to vector<16xi32>
            %add3A_86 = arith.addi %add3A_74, %add3A_85 : vector<16xi32>
            %get3A_87 = arith.index_cast %add3A_59 : i32 to index
            %get3A_88 = arith.constant 16 : index
            %get3A_89 = tpu.vector_load %arg9[%get3A_87, %get3A_88] {strides = array<i32>} : memref<32x512xf32, #tpu.memory_space<vmem>>, vector<16xf32>,
            %gather3A_90 = tpu.vector_load_idx %arg10[%add3A_86] : memref<40960xf32, #tpu.memory_space<vmem>>[vector<16xi32>], vector<16xf32>,
            %add3A_91 = arith.addf %gather3A_90, %get3A_89 : vector<16xf32>
            tpu.vector_store_idx %arg10[%add3A_86], %add3A_91 : memref<40960xf32, #tpu.memory_space<vmem>>[vector<16xi32>], vector<16xf32>,
            %gather3A_92 = tpu.vector_load_idx %arg8[%add3A_86] : memref<40960xf32, #tpu.memory_space<vmem>>[vector<16xi32>], vector<16xf32>,
            %max3A_93 = arith.maximumf %gather3A_92, %get3A_89 : vector<16xf32>
            tpu.vector_store_idx %arg8[%add3A_86], %max3A_93 : memref<40960xf32, #tpu.memory_space<vmem>>[vector<16xi32>], vector<16xf32>,
            %add3A_94 = arith.constant 32 : i32
            %add3A_95 = vector.broadcast %add3A_94 : i32 to vector<16xi32>
            %add3A_96 = arith.addi %add3A_74, %add3A_95 : vector<16xi32>
            %get3A_97 = arith.index_cast %add3A_59 : i32 to index
            %get3A_98 = arith.constant 32 : index
            %get3A_99 = tpu.vector_load %arg9[%get3A_97, %get3A_98] {strides = array<i32>} : memref<32x512xf32, #tpu.memory_space<vmem>>, vector<16xf32>,
            %gather3A_100 = tpu.vector_load_idx %arg10[%add3A_96] : memref<40960xf32, #tpu.memory_space<vmem>>[vector<16xi32>], vector<16xf32>,
            %add3A_101 = arith.addf %gather3A_100, %get3A_99 : vector<16xf32>
            tpu.vector_store_idx %arg10[%add3A_96], %add3A_101 : memref<40960xf32, #tpu.memory_space<vmem>>[vector<16xi32>], vector<16xf32>,
            %gather3A_102 = tpu.vector_load_idx %arg8[%add3A_96] : memref<40960xf32, #tpu.memory_space<vmem>>[vector<16xi32>], vector<16xf32>,
            %max3A_103 = arith.maximumf %gather3A_102, %get3A_99 : vector<16xf32>
            tpu.vector_store_idx %arg8[%add3A_96], %max3A_103 : memref<40960xf32, #tpu.memory_space<vmem>>[vector<16xi32>], vector<16xf32>,
            %add3A_104 = arith.constant 48 : i32
            %add3A_105 = vector.broadcast %add3A_104 : i32 to vector<16xi32>
            %add3A_106 = arith.addi %add3A_74, %add3A_105 : vector<16xi32>
            %get3A_107 = arith.index_cast %add3A_59 : i32 to index
            %get3A_108 = arith.constant 48 : index
            %get3A_109 = tpu.vector_load %arg9[%get3A_107, %get3A_108] {strides = array<i32>} : memref<32x512xf32, #tpu.memory_space<vmem>>, vector<16xf32>,
            %gather3A_110 = tpu.vector_load_idx %arg10[%add3A_106] : memref<40960xf32, #tpu.memory_space<vmem>>[vector<16xi32>], vector<16xf32>,
            %add3A_111 = arith.addf %gather3A_110, %get3A_109 : vector<16xf32>
            tpu.vector_store_idx %arg10[%add3A_106], %add3A_111 : memref<40960xf32, #tpu.memory_space<vmem>>[vector<16xi32>], vector<16xf32>,
            %gather3A_112 = tpu.vector_load_idx %arg8[%add3A_106] : memref<40960xf32, #tpu.memory_space<vmem>>[vector<16xi32>], vector<16xf32>,
            %max3A_113 = arith.maximumf %gather3A_112, %get3A_109 : vector<16xf32>
            tpu.vector_store_idx %arg8[%add3A_106], %max3A_113 : memref<40960xf32, #tpu.memory_space<vmem>>[vector<16xi32>], vector<16xf32>,
            %add3A_114 = arith.constant 64 : i32
            %add3A_115 = vector.broadcast %add3A_114 : i32 to vector<16xi32>
            %add3A_116 = arith.addi %add3A_74, %add3A_115 : vector<16xi32>
            %get3A_117 = arith.index_cast %add3A_59 : i32 to index
            %get3A_118 = arith.constant 64 : index
            %get3A_119 = tpu.vector_load %arg9[%get3A_117, %get3A_118] {strides = array<i32>} : memref<32x512xf32, #tpu.memory_space<vmem>>, vector<16xf32>,
            %gather3A_120 = tpu.vector_load_idx %arg10[%add3A_116] : memref<40960xf32, #tpu.memory_space<vmem>>[vector<16xi32>], vector<16xf32>,
            %add3A_121 = arith.addf %gather3A_120, %get3A_119 : vector<16xf32>
            tpu.vector_store_idx %arg10[%add3A_116], %add3A_121 : memref<40960xf32, #tpu.memory_space<vmem>>[vector<16xi32>], vector<16xf32>,
            %gather3A_122 = tpu.vector_load_idx %arg8[%add3A_116] : memref<40960xf32, #tpu.memory_space<vmem>>[vector<16xi32>], vector<16xf32>,
            %max3A_123 = arith.maximumf %gather3A_122, %get3A_119 : vector<16xf32>
            tpu.vector_store_idx %arg8[%add3A_116], %max3A_123 : memref<40960xf32, #tpu.memory_space<vmem>>[vector<16xi32>], vector<16xf32>,
            %add3A_124 = arith.constant 80 : i32
            %add3A_125 = vector.broadcast %add3A_124 : i32 to vector<16xi32>
            %add3A_126 = arith.addi %add3A_74, %add3A_125 : vector<16xi32>
            %get3A_127 = arith.index_cast %add3A_59 : i32 to index
            %get3A_128 = arith.constant 80 : index
            %get3A_129 = tpu.vector_load %arg9[%get3A_127, %get3A_128] {strides = array<i32>} : memref<32x512xf32, #tpu.memory_space<vmem>>, vector<16xf32>,
            %gather3A_130 = tpu.vector_load_idx %arg10[%add3A_126] : memref<40960xf32, #tpu.memory_space<vmem>>[vector<16xi32>], vector<16xf32>,
            %add3A_131 = arith.addf %gather3A_130, %get3A_129 : vector<16xf32>
            tpu.vector_store_idx %arg10[%add3A_126], %add3A_131 : memref<40960xf32, #tpu.memory_space<vmem>>[vector<16xi32>], vector<16xf32>,
            %gather3A_132 = tpu.vector_load_idx %arg8[%add3A_126] : memref<40960xf32, #tpu.memory_space<vmem>>[vector<16xi32>], vector<16xf32>,
            %max3A_133 = arith.maximumf %gather3A_132, %get3A_129 : vector<16xf32>
            tpu.vector_store_idx %arg8[%add3A_126], %max3A_133 : memref<40960xf32, #tpu.memory_space<vmem>>[vector<16xi32>], vector<16xf32>,
            %add3A_134 = arith.constant 96 : i32
            %add3A_135 = vector.broadcast %add3A_134 : i32 to vector<16xi32>
            %add3A_136 = arith.addi %add3A_74, %add3A_135 : vector<16xi32>
            %get3A_137 = arith.index_cast %add3A_59 : i32 to index
            %get3A_138 = arith.constant 96 : index
            %get3A_139 = tpu.vector_load %arg9[%get3A_137, %get3A_138] {strides = array<i32>} : memref<32x512xf32, #tpu.memory_space<vmem>>, vector<16xf32>,
            %gather3A_140 = tpu.vector_load_idx %arg10[%add3A_136] : memref<40960xf32, #tpu.memory_space<vmem>>[vector<16xi32>], vector<16xf32>,
            %add3A_141 = arith.addf %gather3A_140, %get3A_139 : vector<16xf32>
            tpu.vector_store_idx %arg10[%add3A_136], %add3A_141 : memref<40960xf32, #tpu.memory_space<vmem>>[vector<16xi32>], vector<16xf32>,
            %gather3A_142 = tpu.vector_load_idx %arg8[%add3A_136] : memref<40960xf32, #tpu.memory_space<vmem>>[vector<16xi32>], vector<16xf32>,
            %max3A_143 = arith.maximumf %gather3A_142, %get3A_139 : vector<16xf32>
            tpu.vector_store_idx %arg8[%add3A_136], %max3A_143 : memref<40960xf32, #tpu.memory_space<vmem>>[vector<16xi32>], vector<16xf32>,
            %add3A_144 = arith.constant 112 : i32
            %add3A_145 = vector.broadcast %add3A_144 : i32 to vector<16xi32>
            %add3A_146 = arith.addi %add3A_74, %add3A_145 : vector<16xi32>
            %get3A_147 = arith.index_cast %add3A_59 : i32 to index
            %get3A_148 = arith.constant 112 : index
            %get3A_149 = tpu.vector_load %arg9[%get3A_147, %get3A_148] {strides = array<i32>} : memref<32x512xf32, #tpu.memory_space<vmem>>, vector<16xf32>,
            %gather3A_150 = tpu.vector_load_idx %arg10[%add3A_146] : memref<40960xf32, #tpu.memory_space<vmem>>[vector<16xi32>], vector<16xf32>,
            %add3A_151 = arith.addf %gather3A_150, %get3A_149 : vector<16xf32>
            tpu.vector_store_idx %arg10[%add3A_146], %add3A_151 : memref<40960xf32, #tpu.memory_space<vmem>>[vector<16xi32>], vector<16xf32>,
            %gather3A_152 = tpu.vector_load_idx %arg8[%add3A_146] : memref<40960xf32, #tpu.memory_space<vmem>>[vector<16xi32>], vector<16xf32>,
            %max3A_153 = arith.maximumf %gather3A_152, %get3A_149 : vector<16xf32>
            tpu.vector_store_idx %arg8[%add3A_146], %max3A_153 : memref<40960xf32, #tpu.memory_space<vmem>>[vector<16xi32>], vector<16xf32>,
            %add3A_154 = arith.constant 128 : i32
            %add3A_155 = vector.broadcast %add3A_154 : i32 to vector<16xi32>
            %add3A_156 = arith.addi %add3A_74, %add3A_155 : vector<16xi32>
            %get3A_157 = arith.index_cast %add3A_59 : i32 to index
            %get3A_158 = arith.constant 128 : index
            %get3A_159 = tpu.vector_load %arg9[%get3A_157, %get3A_158] {strides = array<i32>} : memref<32x512xf32, #tpu.memory_space<vmem>>, vector<16xf32>,
            %gather3A_160 = tpu.vector_load_idx %arg10[%add3A_156] : memref<40960xf32, #tpu.memory_space<vmem>>[vector<16xi32>], vector<16xf32>,
            %add3A_161 = arith.addf %gather3A_160, %get3A_159 : vector<16xf32>
            tpu.vector_store_idx %arg10[%add3A_156], %add3A_161 : memref<40960xf32, #tpu.memory_space<vmem>>[vector<16xi32>], vector<16xf32>,
            %gather3A_162 = tpu.vector_load_idx %arg8[%add3A_156] : memref<40960xf32, #tpu.memory_space<vmem>>[vector<16xi32>], vector<16xf32>,
            %max3A_163 = arith.maximumf %gather3A_162, %get3A_159 : vector<16xf32>
            tpu.vector_store_idx %arg8[%add3A_156], %max3A_163 : memref<40960xf32, #tpu.memory_space<vmem>>[vector<16xi32>], vector<16xf32>,
            %add3A_164 = arith.constant 144 : i32
            %add3A_165 = vector.broadcast %add3A_164 : i32 to vector<16xi32>
            %add3A_166 = arith.addi %add3A_74, %add3A_165 : vector<16xi32>
            %get3A_167 = arith.index_cast %add3A_59 : i32 to index
            %get3A_168 = arith.constant 144 : index
            %get3A_169 = tpu.vector_load %arg9[%get3A_167, %get3A_168] {strides = array<i32>} : memref<32x512xf32, #tpu.memory_space<vmem>>, vector<16xf32>,
            %gather3A_170 = tpu.vector_load_idx %arg10[%add3A_166] : memref<40960xf32, #tpu.memory_space<vmem>>[vector<16xi32>], vector<16xf32>,
            %add3A_171 = arith.addf %gather3A_170, %get3A_169 : vector<16xf32>
            tpu.vector_store_idx %arg10[%add3A_166], %add3A_171 : memref<40960xf32, #tpu.memory_space<vmem>>[vector<16xi32>], vector<16xf32>,
            %gather3A_172 = tpu.vector_load_idx %arg8[%add3A_166] : memref<40960xf32, #tpu.memory_space<vmem>>[vector<16xi32>], vector<16xf32>,
            %max3A_173 = arith.maximumf %gather3A_172, %get3A_169 : vector<16xf32>
            tpu.vector_store_idx %arg8[%add3A_166], %max3A_173 : memref<40960xf32, #tpu.memory_space<vmem>>[vector<16xi32>], vector<16xf32>,
            %add3A_174 = arith.constant 160 : i32
            %add3A_175 = vector.broadcast %add3A_174 : i32 to vector<16xi32>
            %add3A_176 = arith.addi %add3A_74, %add3A_175 : vector<16xi32>
            %get3A_177 = arith.index_cast %add3A_59 : i32 to index
            %get3A_178 = arith.constant 160 : index
            %get3A_179 = tpu.vector_load %arg9[%get3A_177, %get3A_178] {strides = array<i32>} : memref<32x512xf32, #tpu.memory_space<vmem>>, vector<16xf32>,
            %gather3A_180 = tpu.vector_load_idx %arg10[%add3A_176] : memref<40960xf32, #tpu.memory_space<vmem>>[vector<16xi32>], vector<16xf32>,
            %add3A_181 = arith.addf %gather3A_180, %get3A_179 : vector<16xf32>
            tpu.vector_store_idx %arg10[%add3A_176], %add3A_181 : memref<40960xf32, #tpu.memory_space<vmem>>[vector<16xi32>], vector<16xf32>,
            %gather3A_182 = tpu.vector_load_idx %arg8[%add3A_176] : memref<40960xf32, #tpu.memory_space<vmem>>[vector<16xi32>], vector<16xf32>,
            %max3A_183 = arith.maximumf %gather3A_182, %get3A_179 : vector<16xf32>
            tpu.vector_store_idx %arg8[%add3A_176], %max3A_183 : memref<40960xf32, #tpu.memory_space<vmem>>[vector<16xi32>], vector<16xf32>,
            %add3A_184 = arith.constant 176 : i32
            %add3A_185 = vector.broadcast %add3A_184 : i32 to vector<16xi32>
            %add3A_186 = arith.addi %add3A_74, %add3A_185 : vector<16xi32>
            %get3A_187 = arith.index_cast %add3A_59 : i32 to index
            %get3A_188 = arith.constant 176 : index
            %get3A_189 = tpu.vector_load %arg9[%get3A_187, %get3A_188] {strides = array<i32>} : memref<32x512xf32, #tpu.memory_space<vmem>>, vector<16xf32>,
            %gather3A_190 = tpu.vector_load_idx %arg10[%add3A_186] : memref<40960xf32, #tpu.memory_space<vmem>>[vector<16xi32>], vector<16xf32>,
            %add3A_191 = arith.addf %gather3A_190, %get3A_189 : vector<16xf32>
            tpu.vector_store_idx %arg10[%add3A_186], %add3A_191 : memref<40960xf32, #tpu.memory_space<vmem>>[vector<16xi32>], vector<16xf32>,
            %gather3A_192 = tpu.vector_load_idx %arg8[%add3A_186] : memref<40960xf32, #tpu.memory_space<vmem>>[vector<16xi32>], vector<16xf32>,
            %max3A_193 = arith.maximumf %gather3A_192, %get3A_189 : vector<16xf32>
            tpu.vector_store_idx %arg8[%add3A_186], %max3A_193 : memref<40960xf32, #tpu.memory_space<vmem>>[vector<16xi32>], vector<16xf32>,
            %add3A_194 = arith.constant 192 : i32
            %add3A_195 = vector.broadcast %add3A_194 : i32 to vector<16xi32>
            %add3A_196 = arith.addi %add3A_74, %add3A_195 : vector<16xi32>
            %get3A_197 = arith.index_cast %add3A_59 : i32 to index
            %get3A_198 = arith.constant 192 : index
            %get3A_199 = tpu.vector_load %arg9[%get3A_197, %get3A_198] {strides = array<i32>} : memref<32x512xf32, #tpu.memory_space<vmem>>, vector<16xf32>,
            %gather3A_200 = tpu.vector_load_idx %arg10[%add3A_196] : memref<40960xf32, #tpu.memory_space<vmem>>[vector<16xi32>], vector<16xf32>,
            %add3A_201 = arith.addf %gather3A_200, %get3A_199 : vector<16xf32>
            tpu.vector_store_idx %arg10[%add3A_196], %add3A_201 : memref<40960xf32, #tpu.memory_space<vmem>>[vector<16xi32>], vector<16xf32>,
            %gather3A_202 = tpu.vector_load_idx %arg8[%add3A_196] : memref<40960xf32, #tpu.memory_space<vmem>>[vector<16xi32>], vector<16xf32>,
            %max3A_203 = arith.maximumf %gather3A_202, %get3A_199 : vector<16xf32>
            tpu.vector_store_idx %arg8[%add3A_196], %max3A_203 : memref<40960xf32, #tpu.memory_space<vmem>>[vector<16xi32>], vector<16xf32>,
            %add3A_204 = arith.constant 208 : i32
            %add3A_205 = vector.broadcast %add3A_204 : i32 to vector<16xi32>
            %add3A_206 = arith.addi %add3A_74, %add3A_205 : vector<16xi32>
            %get3A_207 = arith.index_cast %add3A_59 : i32 to index
            %get3A_208 = arith.constant 208 : index
            %get3A_209 = tpu.vector_load %arg9[%get3A_207, %get3A_208] {strides = array<i32>} : memref<32x512xf32, #tpu.memory_space<vmem>>, vector<16xf32>,
            %gather3A_210 = tpu.vector_load_idx %arg10[%add3A_206] : memref<40960xf32, #tpu.memory_space<vmem>>[vector<16xi32>], vector<16xf32>,
            %add3A_211 = arith.addf %gather3A_210, %get3A_209 : vector<16xf32>
            tpu.vector_store_idx %arg10[%add3A_206], %add3A_211 : memref<40960xf32, #tpu.memory_space<vmem>>[vector<16xi32>], vector<16xf32>,
            %gather3A_212 = tpu.vector_load_idx %arg8[%add3A_206] : memref<40960xf32, #tpu.memory_space<vmem>>[vector<16xi32>], vector<16xf32>,
            %max3A_213 = arith.maximumf %gather3A_212, %get3A_209 : vector<16xf32>
            tpu.vector_store_idx %arg8[%add3A_206], %max3A_213 : memref<40960xf32, #tpu.memory_space<vmem>>[vector<16xi32>], vector<16xf32>,
            %add3A_214 = arith.constant 224 : i32
            %add3A_215 = vector.broadcast %add3A_214 : i32 to vector<16xi32>
            %add3A_216 = arith.addi %add3A_74, %add3A_215 : vector<16xi32>
            %get3A_217 = arith.index_cast %add3A_59 : i32 to index
            %get3A_218 = arith.constant 224 : index
            %get3A_219 = tpu.vector_load %arg9[%get3A_217, %get3A_218] {strides = array<i32>} : memref<32x512xf32, #tpu.memory_space<vmem>>, vector<16xf32>,
            %gather3A_220 = tpu.vector_load_idx %arg10[%add3A_216] : memref<40960xf32, #tpu.memory_space<vmem>>[vector<16xi32>], vector<16xf32>,
            %add3A_221 = arith.addf %gather3A_220, %get3A_219 : vector<16xf32>
            tpu.vector_store_idx %arg10[%add3A_216], %add3A_221 : memref<40960xf32, #tpu.memory_space<vmem>>[vector<16xi32>], vector<16xf32>,
            %gather3A_222 = tpu.vector_load_idx %arg8[%add3A_216] : memref<40960xf32, #tpu.memory_space<vmem>>[vector<16xi32>], vector<16xf32>,
            %max3A_223 = arith.maximumf %gather3A_222, %get3A_219 : vector<16xf32>
            tpu.vector_store_idx %arg8[%add3A_216], %max3A_223 : memref<40960xf32, #tpu.memory_space<vmem>>[vector<16xi32>], vector<16xf32>,
            %add3A_224 = arith.constant 240 : i32
            %add3A_225 = vector.broadcast %add3A_224 : i32 to vector<16xi32>
            %add3A_226 = arith.addi %add3A_74, %add3A_225 : vector<16xi32>
            %get3A_227 = arith.index_cast %add3A_59 : i32 to index
            %get3A_228 = arith.constant 240 : index
            %get3A_229 = tpu.vector_load %arg9[%get3A_227, %get3A_228] {strides = array<i32>} : memref<32x512xf32, #tpu.memory_space<vmem>>, vector<16xf32>,
            %gather3A_230 = tpu.vector_load_idx %arg10[%add3A_226] : memref<40960xf32, #tpu.memory_space<vmem>>[vector<16xi32>], vector<16xf32>,
            %add3A_231 = arith.addf %gather3A_230, %get3A_229 : vector<16xf32>
            tpu.vector_store_idx %arg10[%add3A_226], %add3A_231 : memref<40960xf32, #tpu.memory_space<vmem>>[vector<16xi32>], vector<16xf32>,
            %gather3A_232 = tpu.vector_load_idx %arg8[%add3A_226] : memref<40960xf32, #tpu.memory_space<vmem>>[vector<16xi32>], vector<16xf32>,
            %max3A_233 = arith.maximumf %gather3A_232, %get3A_229 : vector<16xf32>
            tpu.vector_store_idx %arg8[%add3A_226], %max3A_233 : memref<40960xf32, #tpu.memory_space<vmem>>[vector<16xi32>], vector<16xf32>,
            %add3A_234 = arith.constant 256 : i32
            %add3A_235 = vector.broadcast %add3A_234 : i32 to vector<16xi32>
            %add3A_236 = arith.addi %add3A_74, %add3A_235 : vector<16xi32>
            %get3A_237 = arith.index_cast %add3A_59 : i32 to index
            %get3A_238 = arith.constant 256 : index
            %get3A_239 = tpu.vector_load %arg9[%get3A_237, %get3A_238] {strides = array<i32>} : memref<32x512xf32, #tpu.memory_space<vmem>>, vector<16xf32>,
            %gather3A_240 = tpu.vector_load_idx %arg10[%add3A_236] : memref<40960xf32, #tpu.memory_space<vmem>>[vector<16xi32>], vector<16xf32>,
            %add3A_241 = arith.addf %gather3A_240, %get3A_239 : vector<16xf32>
            tpu.vector_store_idx %arg10[%add3A_236], %add3A_241 : memref<40960xf32, #tpu.memory_space<vmem>>[vector<16xi32>], vector<16xf32>,
            %gather3A_242 = tpu.vector_load_idx %arg8[%add3A_236] : memref<40960xf32, #tpu.memory_space<vmem>>[vector<16xi32>], vector<16xf32>,
            %max3A_243 = arith.maximumf %gather3A_242, %get3A_239 : vector<16xf32>
            tpu.vector_store_idx %arg8[%add3A_236], %max3A_243 : memref<40960xf32, #tpu.memory_space<vmem>>[vector<16xi32>], vector<16xf32>,
            %add3A_244 = arith.constant 272 : i32
            %add3A_245 = vector.broadcast %add3A_244 : i32 to vector<16xi32>
            %add3A_246 = arith.addi %add3A_74, %add3A_245 : vector<16xi32>
            %get3A_247 = arith.index_cast %add3A_59 : i32 to index
            %get3A_248 = arith.constant 272 : index
            %get3A_249 = tpu.vector_load %arg9[%get3A_247, %get3A_248] {strides = array<i32>} : memref<32x512xf32, #tpu.memory_space<vmem>>, vector<16xf32>,
            %gather3A_250 = tpu.vector_load_idx %arg10[%add3A_246] : memref<40960xf32, #tpu.memory_space<vmem>>[vector<16xi32>], vector<16xf32>,
            %add3A_251 = arith.addf %gather3A_250, %get3A_249 : vector<16xf32>
            tpu.vector_store_idx %arg10[%add3A_246], %add3A_251 : memref<40960xf32, #tpu.memory_space<vmem>>[vector<16xi32>], vector<16xf32>,
            %gather3A_252 = tpu.vector_load_idx %arg8[%add3A_246] : memref<40960xf32, #tpu.memory_space<vmem>>[vector<16xi32>], vector<16xf32>,
            %max3A_253 = arith.maximumf %gather3A_252, %get3A_249 : vector<16xf32>
            tpu.vector_store_idx %arg8[%add3A_246], %max3A_253 : memref<40960xf32, #tpu.memory_space<vmem>>[vector<16xi32>], vector<16xf32>,
            %add3A_254 = arith.constant 288 : i32
            %add3A_255 = vector.broadcast %add3A_254 : i32 to vector<16xi32>
            %add3A_256 = arith.addi %add3A_74, %add3A_255 : vector<16xi32>
            %get3A_257 = arith.index_cast %add3A_59 : i32 to index
            %get3A_258 = arith.constant 288 : index
            %get3A_259 = tpu.vector_load %arg9[%get3A_257, %get3A_258] {strides = array<i32>} : memref<32x512xf32, #tpu.memory_space<vmem>>, vector<16xf32>,
            %gather3A_260 = tpu.vector_load_idx %arg10[%add3A_256] : memref<40960xf32, #tpu.memory_space<vmem>>[vector<16xi32>], vector<16xf32>,
            %add3A_261 = arith.addf %gather3A_260, %get3A_259 : vector<16xf32>
            tpu.vector_store_idx %arg10[%add3A_256], %add3A_261 : memref<40960xf32, #tpu.memory_space<vmem>>[vector<16xi32>], vector<16xf32>,
            %gather3A_262 = tpu.vector_load_idx %arg8[%add3A_256] : memref<40960xf32, #tpu.memory_space<vmem>>[vector<16xi32>], vector<16xf32>,
            %max3A_263 = arith.maximumf %gather3A_262, %get3A_259 : vector<16xf32>
            tpu.vector_store_idx %arg8[%add3A_256], %max3A_263 : memref<40960xf32, #tpu.memory_space<vmem>>[vector<16xi32>], vector<16xf32>,
            %add3A_264 = arith.constant 304 : i32
            %add3A_265 = vector.broadcast %add3A_264 : i32 to vector<16xi32>
            %add3A_266 = arith.addi %add3A_74, %add3A_265 : vector<16xi32>
            %get3A_267 = arith.index_cast %add3A_59 : i32 to index
            %get3A_268 = arith.constant 304 : index
            %get3A_269 = tpu.vector_load %arg9[%get3A_267, %get3A_268] {strides = array<i32>} : memref<32x512xf32, #tpu.memory_space<vmem>>, vector<16xf32>,
            %gather3A_270 = tpu.vector_load_idx %arg10[%add3A_266] : memref<40960xf32, #tpu.memory_space<vmem>>[vector<16xi32>], vector<16xf32>,
            %add3A_271 = arith.addf %gather3A_270, %get3A_269 : vector<16xf32>
            tpu.vector_store_idx %arg10[%add3A_266], %add3A_271 : memref<40960xf32, #tpu.memory_space<vmem>>[vector<16xi32>], vector<16xf32>,
            %gather3A_272 = tpu.vector_load_idx %arg8[%add3A_266] : memref<40960xf32, #tpu.memory_space<vmem>>[vector<16xi32>], vector<16xf32>,
            %max3A_273 = arith.maximumf %gather3A_272, %get3A_269 : vector<16xf32>
            tpu.vector_store_idx %arg8[%add3A_266], %max3A_273 : memref<40960xf32, #tpu.memory_space<vmem>>[vector<16xi32>], vector<16xf32>,
            %add3A_274 = arith.constant 320 : i32
            %add3A_275 = vector.broadcast %add3A_274 : i32 to vector<16xi32>
            %add3A_276 = arith.addi %add3A_74, %add3A_275 : vector<16xi32>
            %get3A_277 = arith.index_cast %add3A_59 : i32 to index
            %get3A_278 = arith.constant 320 : index
            %get3A_279 = tpu.vector_load %arg9[%get3A_277, %get3A_278] {strides = array<i32>} : memref<32x512xf32, #tpu.memory_space<vmem>>, vector<16xf32>,
            %gather3A_280 = tpu.vector_load_idx %arg10[%add3A_276] : memref<40960xf32, #tpu.memory_space<vmem>>[vector<16xi32>], vector<16xf32>,
            %add3A_281 = arith.addf %gather3A_280, %get3A_279 : vector<16xf32>
            tpu.vector_store_idx %arg10[%add3A_276], %add3A_281 : memref<40960xf32, #tpu.memory_space<vmem>>[vector<16xi32>], vector<16xf32>,
            %gather3A_282 = tpu.vector_load_idx %arg8[%add3A_276] : memref<40960xf32, #tpu.memory_space<vmem>>[vector<16xi32>], vector<16xf32>,
            %max3A_283 = arith.maximumf %gather3A_282, %get3A_279 : vector<16xf32>
            tpu.vector_store_idx %arg8[%add3A_276], %max3A_283 : memref<40960xf32, #tpu.memory_space<vmem>>[vector<16xi32>], vector<16xf32>,
            %add3A_284 = arith.constant 336 : i32
            %add3A_285 = vector.broadcast %add3A_284 : i32 to vector<16xi32>
            %add3A_286 = arith.addi %add3A_74, %add3A_285 : vector<16xi32>
            %get3A_287 = arith.index_cast %add3A_59 : i32 to index
            %get3A_288 = arith.constant 336 : index
            %get3A_289 = tpu.vector_load %arg9[%get3A_287, %get3A_288] {strides = array<i32>} : memref<32x512xf32, #tpu.memory_space<vmem>>, vector<16xf32>,
            %gather3A_290 = tpu.vector_load_idx %arg10[%add3A_286] : memref<40960xf32, #tpu.memory_space<vmem>>[vector<16xi32>], vector<16xf32>,
            %add3A_291 = arith.addf %gather3A_290, %get3A_289 : vector<16xf32>
            tpu.vector_store_idx %arg10[%add3A_286], %add3A_291 : memref<40960xf32, #tpu.memory_space<vmem>>[vector<16xi32>], vector<16xf32>,
            %gather3A_292 = tpu.vector_load_idx %arg8[%add3A_286] : memref<40960xf32, #tpu.memory_space<vmem>>[vector<16xi32>], vector<16xf32>,
            %max3A_293 = arith.maximumf %gather3A_292, %get3A_289 : vector<16xf32>
            tpu.vector_store_idx %arg8[%add3A_286], %max3A_293 : memref<40960xf32, #tpu.memory_space<vmem>>[vector<16xi32>], vector<16xf32>,
            %add3A_294 = arith.constant 352 : i32
            %add3A_295 = vector.broadcast %add3A_294 : i32 to vector<16xi32>
            %add3A_296 = arith.addi %add3A_74, %add3A_295 : vector<16xi32>
            %get3A_297 = arith.index_cast %add3A_59 : i32 to index
            %get3A_298 = arith.constant 352 : index
            %get3A_299 = tpu.vector_load %arg9[%get3A_297, %get3A_298] {strides = array<i32>} : memref<32x512xf32, #tpu.memory_space<vmem>>, vector<16xf32>,
            %gather3A_300 = tpu.vector_load_idx %arg10[%add3A_296] : memref<40960xf32, #tpu.memory_space<vmem>>[vector<16xi32>], vector<16xf32>,
            %add3A_301 = arith.addf %gather3A_300, %get3A_299 : vector<16xf32>
            tpu.vector_store_idx %arg10[%add3A_296], %add3A_301 : memref<40960xf32, #tpu.memory_space<vmem>>[vector<16xi32>], vector<16xf32>,
            %gather3A_302 = tpu.vector_load_idx %arg8[%add3A_296] : memref<40960xf32, #tpu.memory_space<vmem>>[vector<16xi32>], vector<16xf32>,
            %max3A_303 = arith.maximumf %gather3A_302, %get3A_299 : vector<16xf32>
            tpu.vector_store_idx %arg8[%add3A_296], %max3A_303 : memref<40960xf32, #tpu.memory_space<vmem>>[vector<16xi32>], vector<16xf32>,
            %add3A_304 = arith.constant 368 : i32
            %add3A_305 = vector.broadcast %add3A_304 : i32 to vector<16xi32>
            %add3A_306 = arith.addi %add3A_74, %add3A_305 : vector<16xi32>
            %get3A_307 = arith.index_cast %add3A_59 : i32 to index
            %get3A_308 = arith.constant 368 : index
            %get3A_309 = tpu.vector_load %arg9[%get3A_307, %get3A_308] {strides = array<i32>} : memref<32x512xf32, #tpu.memory_space<vmem>>, vector<16xf32>,
            %gather3A_310 = tpu.vector_load_idx %arg10[%add3A_306] : memref<40960xf32, #tpu.memory_space<vmem>>[vector<16xi32>], vector<16xf32>,
            %add3A_311 = arith.addf %gather3A_310, %get3A_309 : vector<16xf32>
            tpu.vector_store_idx %arg10[%add3A_306], %add3A_311 : memref<40960xf32, #tpu.memory_space<vmem>>[vector<16xi32>], vector<16xf32>,
            %gather3A_312 = tpu.vector_load_idx %arg8[%add3A_306] : memref<40960xf32, #tpu.memory_space<vmem>>[vector<16xi32>], vector<16xf32>,
            %max3A_313 = arith.maximumf %gather3A_312, %get3A_309 : vector<16xf32>
            tpu.vector_store_idx %arg8[%add3A_306], %max3A_313 : memref<40960xf32, #tpu.memory_space<vmem>>[vector<16xi32>], vector<16xf32>,
            %add3A_314 = arith.constant 384 : i32
            %add3A_315 = vector.broadcast %add3A_314 : i32 to vector<16xi32>
            %add3A_316 = arith.addi %add3A_74, %add3A_315 : vector<16xi32>
            %get3A_317 = arith.index_cast %add3A_59 : i32 to index
            %get3A_318 = arith.constant 384 : index
            %get3A_319 = tpu.vector_load %arg9[%get3A_317, %get3A_318] {strides = array<i32>} : memref<32x512xf32, #tpu.memory_space<vmem>>, vector<16xf32>,
            %gather3A_320 = tpu.vector_load_idx %arg10[%add3A_316] : memref<40960xf32, #tpu.memory_space<vmem>>[vector<16xi32>], vector<16xf32>,
            %add3A_321 = arith.addf %gather3A_320, %get3A_319 : vector<16xf32>
            tpu.vector_store_idx %arg10[%add3A_316], %add3A_321 : memref<40960xf32, #tpu.memory_space<vmem>>[vector<16xi32>], vector<16xf32>,
            %gather3A_322 = tpu.vector_load_idx %arg8[%add3A_316] : memref<40960xf32, #tpu.memory_space<vmem>>[vector<16xi32>], vector<16xf32>,
            %max3A_323 = arith.maximumf %gather3A_322, %get3A_319 : vector<16xf32>
            tpu.vector_store_idx %arg8[%add3A_316], %max3A_323 : memref<40960xf32, #tpu.memory_space<vmem>>[vector<16xi32>], vector<16xf32>,
            %add3A_324 = arith.constant 400 : i32
            %add3A_325 = vector.broadcast %add3A_324 : i32 to vector<16xi32>
            %add3A_326 = arith.addi %add3A_74, %add3A_325 : vector<16xi32>
            %get3A_327 = arith.index_cast %add3A_59 : i32 to index
            %get3A_328 = arith.constant 400 : index
            %get3A_329 = tpu.vector_load %arg9[%get3A_327, %get3A_328] {strides = array<i32>} : memref<32x512xf32, #tpu.memory_space<vmem>>, vector<16xf32>,
            %gather3A_330 = tpu.vector_load_idx %arg10[%add3A_326] : memref<40960xf32, #tpu.memory_space<vmem>>[vector<16xi32>], vector<16xf32>,
            %add3A_331 = arith.addf %gather3A_330, %get3A_329 : vector<16xf32>
            tpu.vector_store_idx %arg10[%add3A_326], %add3A_331 : memref<40960xf32, #tpu.memory_space<vmem>>[vector<16xi32>], vector<16xf32>,
            %gather3A_332 = tpu.vector_load_idx %arg8[%add3A_326] : memref<40960xf32, #tpu.memory_space<vmem>>[vector<16xi32>], vector<16xf32>,
            %max3A_333 = arith.maximumf %gather3A_332, %get3A_329 : vector<16xf32>
            tpu.vector_store_idx %arg8[%add3A_326], %max3A_333 : memref<40960xf32, #tpu.memory_space<vmem>>[vector<16xi32>], vector<16xf32>,
            %add3A_334 = arith.constant 416 : i32
            %add3A_335 = vector.broadcast %add3A_334 : i32 to vector<16xi32>
            %add3A_336 = arith.addi %add3A_74, %add3A_335 : vector<16xi32>
            %get3A_337 = arith.index_cast %add3A_59 : i32 to index
            %get3A_338 = arith.constant 416 : index
            %get3A_339 = tpu.vector_load %arg9[%get3A_337, %get3A_338] {strides = array<i32>} : memref<32x512xf32, #tpu.memory_space<vmem>>, vector<16xf32>,
            %gather3A_340 = tpu.vector_load_idx %arg10[%add3A_336] : memref<40960xf32, #tpu.memory_space<vmem>>[vector<16xi32>], vector<16xf32>,
            %add3A_341 = arith.addf %gather3A_340, %get3A_339 : vector<16xf32>
            tpu.vector_store_idx %arg10[%add3A_336], %add3A_341 : memref<40960xf32, #tpu.memory_space<vmem>>[vector<16xi32>], vector<16xf32>,
            %gather3A_342 = tpu.vector_load_idx %arg8[%add3A_336] : memref<40960xf32, #tpu.memory_space<vmem>>[vector<16xi32>], vector<16xf32>,
            %max3A_343 = arith.maximumf %gather3A_342, %get3A_339 : vector<16xf32>
            tpu.vector_store_idx %arg8[%add3A_336], %max3A_343 : memref<40960xf32, #tpu.memory_space<vmem>>[vector<16xi32>], vector<16xf32>,
            %add3A_344 = arith.constant 432 : i32
            %add3A_345 = vector.broadcast %add3A_344 : i32 to vector<16xi32>
            %add3A_346 = arith.addi %add3A_74, %add3A_345 : vector<16xi32>
            %get3A_347 = arith.index_cast %add3A_59 : i32 to index
            %get3A_348 = arith.constant 432 : index
            %get3A_349 = tpu.vector_load %arg9[%get3A_347, %get3A_348] {strides = array<i32>} : memref<32x512xf32, #tpu.memory_space<vmem>>, vector<16xf32>,
            %gather3A_350 = tpu.vector_load_idx %arg10[%add3A_346] : memref<40960xf32, #tpu.memory_space<vmem>>[vector<16xi32>], vector<16xf32>,
            %add3A_351 = arith.addf %gather3A_350, %get3A_349 : vector<16xf32>
            tpu.vector_store_idx %arg10[%add3A_346], %add3A_351 : memref<40960xf32, #tpu.memory_space<vmem>>[vector<16xi32>], vector<16xf32>,
            %gather3A_352 = tpu.vector_load_idx %arg8[%add3A_346] : memref<40960xf32, #tpu.memory_space<vmem>>[vector<16xi32>], vector<16xf32>,
            %max3A_353 = arith.maximumf %gather3A_352, %get3A_349 : vector<16xf32>
            tpu.vector_store_idx %arg8[%add3A_346], %max3A_353 : memref<40960xf32, #tpu.memory_space<vmem>>[vector<16xi32>], vector<16xf32>,
            %add3A_354 = arith.constant 448 : i32
            %add3A_355 = vector.broadcast %add3A_354 : i32 to vector<16xi32>
            %add3A_356 = arith.addi %add3A_74, %add3A_355 : vector<16xi32>
            %get3A_357 = arith.index_cast %add3A_59 : i32 to index
            %get3A_358 = arith.constant 448 : index
            %get3A_359 = tpu.vector_load %arg9[%get3A_357, %get3A_358] {strides = array<i32>} : memref<32x512xf32, #tpu.memory_space<vmem>>, vector<16xf32>,
            %gather3A_360 = tpu.vector_load_idx %arg10[%add3A_356] : memref<40960xf32, #tpu.memory_space<vmem>>[vector<16xi32>], vector<16xf32>,
            %add3A_361 = arith.addf %gather3A_360, %get3A_359 : vector<16xf32>
            tpu.vector_store_idx %arg10[%add3A_356], %add3A_361 : memref<40960xf32, #tpu.memory_space<vmem>>[vector<16xi32>], vector<16xf32>,
            %gather3A_362 = tpu.vector_load_idx %arg8[%add3A_356] : memref<40960xf32, #tpu.memory_space<vmem>>[vector<16xi32>], vector<16xf32>,
            %max3A_363 = arith.maximumf %gather3A_362, %get3A_359 : vector<16xf32>
            tpu.vector_store_idx %arg8[%add3A_356], %max3A_363 : memref<40960xf32, #tpu.memory_space<vmem>>[vector<16xi32>], vector<16xf32>,
            %add3A_364 = arith.constant 464 : i32
            %add3A_365 = vector.broadcast %add3A_364 : i32 to vector<16xi32>
            %add3A_366 = arith.addi %add3A_74, %add3A_365 : vector<16xi32>
            %get3A_367 = arith.index_cast %add3A_59 : i32 to index
            %get3A_368 = arith.constant 464 : index
            %get3A_369 = tpu.vector_load %arg9[%get3A_367, %get3A_368] {strides = array<i32>} : memref<32x512xf32, #tpu.memory_space<vmem>>, vector<16xf32>,
            %gather3A_370 = tpu.vector_load_idx %arg10[%add3A_366] : memref<40960xf32, #tpu.memory_space<vmem>>[vector<16xi32>], vector<16xf32>,
            %add3A_371 = arith.addf %gather3A_370, %get3A_369 : vector<16xf32>
            tpu.vector_store_idx %arg10[%add3A_366], %add3A_371 : memref<40960xf32, #tpu.memory_space<vmem>>[vector<16xi32>], vector<16xf32>,
            %gather3A_372 = tpu.vector_load_idx %arg8[%add3A_366] : memref<40960xf32, #tpu.memory_space<vmem>>[vector<16xi32>], vector<16xf32>,
            %max3A_373 = arith.maximumf %gather3A_372, %get3A_369 : vector<16xf32>
            tpu.vector_store_idx %arg8[%add3A_366], %max3A_373 : memref<40960xf32, #tpu.memory_space<vmem>>[vector<16xi32>], vector<16xf32>,
            %add3A_374 = arith.constant 480 : i32
            %add3A_375 = vector.broadcast %add3A_374 : i32 to vector<16xi32>
            %add3A_376 = arith.addi %add3A_74, %add3A_375 : vector<16xi32>
            %get3A_377 = arith.index_cast %add3A_59 : i32 to index
            %get3A_378 = arith.constant 480 : index
            %get3A_379 = tpu.vector_load %arg9[%get3A_377, %get3A_378] {strides = array<i32>} : memref<32x512xf32, #tpu.memory_space<vmem>>, vector<16xf32>,
            %gather3A_380 = tpu.vector_load_idx %arg10[%add3A_376] : memref<40960xf32, #tpu.memory_space<vmem>>[vector<16xi32>], vector<16xf32>,
            %add3A_381 = arith.addf %gather3A_380, %get3A_379 : vector<16xf32>
            tpu.vector_store_idx %arg10[%add3A_376], %add3A_381 : memref<40960xf32, #tpu.memory_space<vmem>>[vector<16xi32>], vector<16xf32>,
            %gather3A_382 = tpu.vector_load_idx %arg8[%add3A_376] : memref<40960xf32, #tpu.memory_space<vmem>>[vector<16xi32>], vector<16xf32>,
            %max3A_383 = arith.maximumf %gather3A_382, %get3A_379 : vector<16xf32>
            tpu.vector_store_idx %arg8[%add3A_376], %max3A_383 : memref<40960xf32, #tpu.memory_space<vmem>>[vector<16xi32>], vector<16xf32>,
            %add3A_384 = arith.constant 496 : i32
            %add3A_385 = vector.broadcast %add3A_384 : i32 to vector<16xi32>
            %add3A_386 = arith.addi %add3A_74, %add3A_385 : vector<16xi32>
            %get3A_387 = arith.index_cast %add3A_59 : i32 to index
            %get3A_388 = arith.constant 496 : index
            %get3A_389 = tpu.vector_load %arg9[%get3A_387, %get3A_388] {strides = array<i32>} : memref<32x512xf32, #tpu.memory_space<vmem>>, vector<16xf32>,
            %gather3A_390 = tpu.vector_load_idx %arg10[%add3A_386] : memref<40960xf32, #tpu.memory_space<vmem>>[vector<16xi32>], vector<16xf32>,
            %add3A_391 = arith.addf %gather3A_390, %get3A_389 : vector<16xf32>
            tpu.vector_store_idx %arg10[%add3A_386], %add3A_391 : memref<40960xf32, #tpu.memory_space<vmem>>[vector<16xi32>], vector<16xf32>,
            %gather3A_392 = tpu.vector_load_idx %arg8[%add3A_386] : memref<40960xf32, #tpu.memory_space<vmem>>[vector<16xi32>], vector<16xf32>,
            %max3A_393 = arith.maximumf %gather3A_392, %get3A_389 : vector<16xf32>
            tpu.vector_store_idx %arg8[%add3A_386], %max3A_393 : memref<40960xf32, #tpu.memory_space<vmem>>[vector<16xi32>], vector<16xf32>,
            %scan3A_394 = arith.constant 0 : i32
            scf.yield %scan3A_394 : i32
          }
          %scan3A_53 = arith.constant 16 : i32
          %scan3A_54 = arith.constant 0 : i32
          scf.yield %scan3A_54 : i32
        }
        %scan3A_37 = arith.constant 2 : i32
        %scan3A_38 = arith.constant 0 : i32
        scf.yield %scan3A_38 : i32
      }
      %scan3A_23 = arith.constant 20 : i32
    } else {
    }
    %mul3A = arith.constant 16 : i32
    %mul3A_14 = arith.muli %arg0, %mul3A : i32
    %add3A = arith.addi %mul3A_14, %arg1 : i32
    %mul3A_15 = arith.constant 40960 : i32
    %mul3A_16 = arith.muli %add3A, %mul3A_15 : i32
    "tpu.region"() ({
      %run_scoped3A = tpu.sem_alloc : memref<!tpu.dma_semaphore, #tpu.memory_space<semaphore_mem>>
      %dma_start3A = tpu.memref_slice %arg5[%mul3A_16] : memref<1310720xf32, #tpu.memory_space<hbm>> -> memref<40960xf32, #tpu.memory_space<hbm>>
      %dma_start3A_17 = tpu.memref_slice %arg5[%mul3A_16] : memref<1310720xf32, #tpu.memory_space<hbm>> -> memref<40960xf32, #tpu.memory_space<hbm>>
      tpu.enqueue_dma source(%arg10 : memref<40960xf32, #tpu.memory_space<vmem>>) target(%dma_start3A_17 : memref<40960xf32, #tpu.memory_space<hbm>>) target_semaphore(%run_scoped3A : memref<!tpu.dma_semaphore, #tpu.memory_space<semaphore_mem>>)
      %dma_wait3A = tpu.memref_slice %arg5[%mul3A_16] : memref<1310720xf32, #tpu.memory_space<hbm>> -> memref<40960xf32, #tpu.memory_space<hbm>>
      %dma_wait3A_18 = tpu.memref_slice %arg5[%mul3A_16] : memref<1310720xf32, #tpu.memory_space<hbm>> -> memref<40960xf32, #tpu.memory_space<hbm>>
      tpu.wait_dma2 semaphore(%run_scoped3A : memref<!tpu.dma_semaphore, #tpu.memory_space<semaphore_mem>>) src(%arg10 : memref<40960xf32, #tpu.memory_space<vmem>>) dst(%dma_wait3A_18 : memref<40960xf32, #tpu.memory_space<hbm>>)
      tpu.yield
    }) : () -> ()
    "tpu.region"() ({
      %run_scoped3A = tpu.sem_alloc : memref<!tpu.dma_semaphore, #tpu.memory_space<semaphore_mem>>
      %dma_start3A = tpu.memref_slice %arg6[%mul3A_16] : memref<1310720xf32, #tpu.memory_space<hbm>> -> memref<40960xf32, #tpu.memory_space<hbm>>
      %dma_start3A_17 = tpu.memref_slice %arg6[%mul3A_16] : memref<1310720xf32, #tpu.memory_space<hbm>> -> memref<40960xf32, #tpu.memory_space<hbm>>
      tpu.enqueue_dma source(%arg8 : memref<40960xf32, #tpu.memory_space<vmem>>) target(%dma_start3A_17 : memref<40960xf32, #tpu.memory_space<hbm>>) target_semaphore(%run_scoped3A : memref<!tpu.dma_semaphore, #tpu.memory_space<semaphore_mem>>)
      %dma_wait3A = tpu.memref_slice %arg6[%mul3A_16] : memref<1310720xf32, #tpu.memory_space<hbm>> -> memref<40960xf32, #tpu.memory_space<hbm>>
      %dma_wait3A_18 = tpu.memref_slice %arg6[%mul3A_16] : memref<1310720xf32, #tpu.memory_space<hbm>> -> memref<40960xf32, #tpu.memory_space<hbm>>
      tpu.wait_dma2 semaphore(%run_scoped3A : memref<!tpu.dma_semaphore, #tpu.memory_space<semaphore_mem>>) src(%arg8 : memref<40960xf32, #tpu.memory_space<vmem>>) dst(%dma_wait3A_18 : memref<40960xf32, #tpu.memory_space<hbm>>)
      tpu.yield
    }) : () -> ()
    return
  }
}

module attributes {stable_mosaic.version = 14 : i64} {
  func.func @_prep_body(%arg0: i32, %arg1: memref<640x128xf32, #tpu.memory_space<vmem>>, %arg2: memref<640x128xf32, #tpu.memory_space<vmem>>, %arg3: memref<640x1xf32, #tpu.memory_space<vmem>>, %arg4: memref<640x1xf32, #tpu.memory_space<vmem>>, %arg5: memref<2x640x128xf32, #tpu.memory_space<vmem>>, %arg6: memref<640x1xf32, #tpu.memory_space<vmem>>) attributes {dimension_semantics = [#tpu.dimension_semantics<arbitrary>], iteration_bounds = array<i64: 16>, scalar_prefetch = 0 : i64, scratch_operands = 0 : i64, tpu.core_type = #tpu.core_type<tc>, window_params = [{transform_indices = @transform_0, window_bounds = array<i64: 640, 128>}, {transform_indices = @transform_1, window_bounds = array<i64: 640, 128>}, {transform_indices = @transform_2, window_bounds = array<i64: 640, 1>}, {transform_indices = @transform_3, window_bounds = array<i64: 640, 1>}, {transform_indices = @transform_4, window_bounds = array<i64: 2, 640, 128>}, {transform_indices = @transform_5, window_bounds = array<i64: 640, 1>}]} {
    %get3A = arith.constant 0 : index
    %get3A_0 = arith.constant 0 : index
    %get3A_1 = vector.load %arg3[%get3A, %get3A_0] : memref<640x1xf32, #tpu.memory_space<vmem>>, vector<640x1xf32>
    %get3A_2 = arith.constant 0 : index
    %get3A_3 = arith.constant 0 : index
    %get3A_4 = vector.load %arg4[%get3A_2, %get3A_3] : memref<640x1xf32, #tpu.memory_space<vmem>>, vector<640x1xf32>
    %add3A = arith.addf %get3A_1, %get3A_4 : vector<640x1xf32>
    %add3A_5 = arith.constant 1.000000e+00 : f32
    %add3A_6 = vector.broadcast %add3A_5 : f32 to vector<640x1xf32>
    %add3A_7 = arith.addf %add3A, %add3A_6 : vector<640x1xf32>
    %rsqrt3A = math.rsqrt %add3A_7 : vector<640x1xf32>
    %swap3A = arith.constant 0 : index
    %swap3A_8 = arith.constant 0 : index
    %swap3A_9 = vector.load %arg6[%swap3A, %swap3A_8] : memref<640x1xf32, #tpu.memory_space<vmem>>, vector<640x1xf32>
    tpu.vector_store %arg6[%swap3A, %swap3A_8], %rsqrt3A {strides = array<i32>} : memref<640x1xf32, #tpu.memory_space<vmem>>, vector<640x1xf32>,
    %get3A_10 = arith.constant 0 : index
    %get3A_11 = arith.constant 0 : index
    %get3A_12 = vector.load %arg1[%get3A_10, %get3A_11] : memref<640x128xf32, #tpu.memory_space<vmem>>, vector<640x128xf32>
    %mul3A = vector.broadcast %rsqrt3A : vector<640x1xf32> to vector<640x128xf32>
    %mul3A_13 = arith.mulf %mul3A, %get3A_12 : vector<640x128xf32>
    %swap3A_14 = arith.constant 0 : index
    %swap3A_15 = arith.constant 0 : index
    %swap3A_16 = arith.constant 0 : index
    %swap3A_17 = vector.load %arg5[%swap3A_14, %swap3A_15, %swap3A_16] : memref<2x640x128xf32, #tpu.memory_space<vmem>>, vector<1x640x128xf32>
    %swap3A_18 = vector.shape_cast %swap3A_17 : vector<1x640x128xf32> to vector<640x128xf32>
    %swap3A_19 = vector.shape_cast %mul3A_13 : vector<640x128xf32> to vector<1x640x128xf32>
    tpu.vector_store %arg5[%swap3A_14, %swap3A_15, %swap3A_16], %swap3A_19 {strides = array<i32>} : memref<2x640x128xf32, #tpu.memory_space<vmem>>, vector<1x640x128xf32>,
    %get3A_20 = arith.constant 0 : index
    %get3A_21 = arith.constant 0 : index
    %get3A_22 = vector.load %arg2[%get3A_20, %get3A_21] : memref<640x128xf32, #tpu.memory_space<vmem>>, vector<640x128xf32>
    %mul3A_23 = vector.broadcast %rsqrt3A : vector<640x1xf32> to vector<640x128xf32>
    %mul3A_24 = arith.mulf %mul3A_23, %get3A_22 : vector<640x128xf32>
    %swap3A_25 = arith.constant 1 : index
    %swap3A_26 = arith.constant 0 : index
    %swap3A_27 = arith.constant 0 : index
    %swap3A_28 = vector.load %arg5[%swap3A_25, %swap3A_26, %swap3A_27] : memref<2x640x128xf32, #tpu.memory_space<vmem>>, vector<1x640x128xf32>
    %swap3A_29 = vector.shape_cast %swap3A_28 : vector<1x640x128xf32> to vector<640x128xf32>
    %swap3A_30 = vector.shape_cast %mul3A_24 : vector<640x128xf32> to vector<1x640x128xf32>
    tpu.vector_store %arg5[%swap3A_25, %swap3A_26, %swap3A_27], %swap3A_30 {strides = array<i32>} : memref<2x640x128xf32, #tpu.memory_space<vmem>>, vector<1x640x128xf32>,
    return
  }
  func.func @transform_0(%arg0: i32) -> (i32, i32) {
    %c0_i32 = arith.constant 0 : i32
    %c0_i32_0 = arith.constant 0 : i32
    return %arg0, %c0_i32 : i32, i32
  }
  func.func @transform_1(%arg0: i32) -> (i32, i32) {
    %c0_i32 = arith.constant 0 : i32
    %c0_i32_0 = arith.constant 0 : i32
    return %arg0, %c0_i32 : i32, i32
  }
  func.func @transform_2(%arg0: i32) -> (i32, i32) {
    %c0_i32 = arith.constant 0 : i32
    %c0_i32_0 = arith.constant 0 : i32
    return %arg0, %c0_i32 : i32, i32
  }
  func.func @transform_3(%arg0: i32) -> (i32, i32) {
    %c0_i32 = arith.constant 0 : i32
    %c0_i32_0 = arith.constant 0 : i32
    return %arg0, %c0_i32 : i32, i32
  }
  func.func @transform_4(%arg0: i32) -> (i32, i32, i32) {
    %c0_i32 = arith.constant 0 : i32
    %c0_i32_0 = arith.constant 0 : i32
    %c0_i32_1 = arith.constant 0 : i32
    return %c0_i32, %arg0, %c0_i32_0 : i32, i32, i32
  }
  func.func @transform_5(%arg0: i32) -> (i32, i32) {
    %c0_i32 = arith.constant 0 : i32
    %c0_i32_0 = arith.constant 0 : i32
    return %arg0, %c0_i32 : i32, i32
  }
}

module attributes {stable_mosaic.version = 14 : i64} {
  func.func @body(%arg0: i32, %arg1: memref<2x640x128xf32, #tpu.memory_space<vmem>>, %arg2: memref<2x640x128xf32, #tpu.memory_space<vmem>>, %arg3: memref<640x1xf32, #tpu.memory_space<vmem>>, %arg4: memref<128x128xf32, #tpu.memory_space<vmem>>, %arg5: memref<128x128xf32, #tpu.memory_space<vmem>>, %arg6: memref<1x128xf32, #tpu.memory_space<vmem>>, %arg7: memref<1x128xf32, #tpu.memory_space<vmem>>, %arg8: memref<2x640x128xf32, #tpu.memory_space<vmem>>) attributes {dimension_semantics = [#tpu.dimension_semantics<arbitrary>], iteration_bounds = array<i64: 16>, scalar_prefetch = 0 : i64, scratch_operands = 0 : i64, tpu.core_type = #tpu.core_type<tc>, window_params = [{transform_indices = @transform_0, window_bounds = array<i64: 2, 640, 128>}, {transform_indices = @transform_1, window_bounds = array<i64: 2, 640, 128>}, {transform_indices = @transform_2, window_bounds = array<i64: 640, 1>}, {pipeline_mode = #tpu.pipeline_mode<synchronous>, transform_indices = @transform_3, window_bounds = array<i64: 128, 128>}, {pipeline_mode = #tpu.pipeline_mode<synchronous>, transform_indices = @transform_4, window_bounds = array<i64: 128, 128>}, {pipeline_mode = #tpu.pipeline_mode<synchronous>, transform_indices = @transform_5, window_bounds = array<i64: 1, 128>}, {pipeline_mode = #tpu.pipeline_mode<synchronous>, transform_indices = @transform_6, window_bounds = array<i64: 1, 128>}, {transform_indices = @transform_7, window_bounds = array<i64: 2, 640, 128>}]} {
    %get3A = arith.constant 0 : index
    %get3A_0 = arith.constant 0 : index
    %get3A_1 = vector.load %arg3[%get3A, %get3A_0] : memref<640x1xf32, #tpu.memory_space<vmem>>, vector<640x1xf32>
    %get3A_2 = arith.constant 0 : index
    %get3A_3 = arith.constant 0 : index
    %get3A_4 = arith.constant 0 : index
    %get3A_5 = vector.load %arg1[%get3A_2, %get3A_3, %get3A_4] : memref<2x640x128xf32, #tpu.memory_space<vmem>>, vector<1x640x128xf32>
    %get3A_6 = vector.shape_cast %get3A_5 : vector<1x640x128xf32> to vector<640x128xf32>
    %get3A_7 = arith.constant 1 : index
    %get3A_8 = arith.constant 0 : index
    %get3A_9 = arith.constant 0 : index
    %get3A_10 = vector.load %arg1[%get3A_7, %get3A_8, %get3A_9] : memref<2x640x128xf32, #tpu.memory_space<vmem>>, vector<1x640x128xf32>
    %get3A_11 = vector.shape_cast %get3A_10 : vector<1x640x128xf32> to vector<640x128xf32>
    %get3A_12 = arith.constant 0 : index
    %get3A_13 = arith.constant 0 : index
    %get3A_14 = arith.constant 0 : index
    %get3A_15 = vector.load %arg2[%get3A_12, %get3A_13, %get3A_14] : memref<2x640x128xf32, #tpu.memory_space<vmem>>, vector<1x640x128xf32>
    %get3A_16 = vector.shape_cast %get3A_15 : vector<1x640x128xf32> to vector<640x128xf32>
    %get3A_17 = arith.constant 1 : index
    %get3A_18 = arith.constant 0 : index
    %get3A_19 = arith.constant 0 : index
    %get3A_20 = vector.load %arg2[%get3A_17, %get3A_18, %get3A_19] : memref<2x640x128xf32, #tpu.memory_space<vmem>>, vector<1x640x128xf32>
    %get3A_21 = vector.shape_cast %get3A_20 : vector<1x640x128xf32> to vector<640x128xf32>
    %add3A = arith.addf %get3A_6, %get3A_16 : vector<640x128xf32>
    %mul3A = vector.broadcast %get3A_1 : vector<640x1xf32> to vector<640x128xf32>
    %mul3A_22 = arith.mulf %mul3A, %add3A : vector<640x128xf32>
    %add3A_23 = arith.addf %get3A_11, %get3A_21 : vector<640x128xf32>
    %mul3A_24 = vector.broadcast %get3A_1 : vector<640x1xf32> to vector<640x128xf32>
    %mul3A_25 = arith.mulf %mul3A_24, %add3A_23 : vector<640x128xf32>
    %get3A_26 = arith.constant 0 : index
    %get3A_27 = arith.constant 0 : index
    %get3A_28 = vector.load %arg4[%get3A_26, %get3A_27] : memref<128x128xf32, #tpu.memory_space<vmem>>, vector<128x128xf32>
    %dot_general3A = arith.constant dense<0.000000e+00> : vector<640x128xf32>
    %dot_general3A_29 = tpu.matmul %mul3A_22, %get3A_28, %dot_general3A {dimension_numbers = #tpu.dot_dimension_numbers<[1], [0], [0], [1], [0, 0, 1, 1], [], []>, transpose_lhs_hint = false} : vector<640x128xf32>, vector<128x128xf32>, vector<640x128xf32> -> vector<640x128xf32>
    %get3A_30 = arith.constant 0 : index
    %get3A_31 = arith.constant 0 : index
    %get3A_32 = vector.load %arg6[%get3A_30, %get3A_31] : memref<1x128xf32, #tpu.memory_space<vmem>>, vector<1x128xf32>
    %add3A_33 = vector.broadcast %get3A_32 : vector<1x128xf32> to vector<640x128xf32>
    %add3A_34 = arith.addf %dot_general3A_29, %add3A_33 : vector<640x128xf32>
    %max3A = arith.constant 0.000000e+00 : f32
    %max3A_35 = vector.broadcast %max3A : f32 to vector<640x128xf32>
    %max3A_36 = arith.maximumf %add3A_34, %max3A_35 : vector<640x128xf32>
    %get3A_37 = arith.constant 0 : index
    %get3A_38 = arith.constant 0 : index
    %get3A_39 = vector.load %arg5[%get3A_37, %get3A_38] : memref<128x128xf32, #tpu.memory_space<vmem>>, vector<128x128xf32>
    %dot_general3A_40 = arith.constant dense<0.000000e+00> : vector<640x128xf32>
    %dot_general3A_41 = tpu.matmul %mul3A_25, %get3A_39, %dot_general3A_40 {dimension_numbers = #tpu.dot_dimension_numbers<[1], [0], [0], [1], [0, 0, 1, 1], [], []>, transpose_lhs_hint = false} : vector<640x128xf32>, vector<128x128xf32>, vector<640x128xf32> -> vector<640x128xf32>
    %get3A_42 = arith.constant 0 : index
    %get3A_43 = arith.constant 0 : index
    %get3A_44 = vector.load %arg7[%get3A_42, %get3A_43] : memref<1x128xf32, #tpu.memory_space<vmem>>, vector<1x128xf32>
    %add3A_45 = vector.broadcast %get3A_44 : vector<1x128xf32> to vector<640x128xf32>
    %add3A_46 = arith.addf %dot_general3A_41, %add3A_45 : vector<640x128xf32>
    %max3A_47 = arith.constant 0.000000e+00 : f32
    %max3A_48 = vector.broadcast %max3A_47 : f32 to vector<640x128xf32>
    %max3A_49 = arith.maximumf %add3A_46, %max3A_48 : vector<640x128xf32>
    %mul3A_50 = vector.broadcast %get3A_1 : vector<640x1xf32> to vector<640x128xf32>
    %mul3A_51 = arith.mulf %mul3A_50, %max3A_36 : vector<640x128xf32>
    %mul3A_52 = vector.broadcast %get3A_1 : vector<640x1xf32> to vector<640x128xf32>
    %mul3A_53 = arith.mulf %mul3A_52, %max3A_49 : vector<640x128xf32>
    %swap3A = arith.constant 0 : index
    %swap3A_54 = arith.constant 0 : index
    %swap3A_55 = arith.constant 0 : index
    %swap3A_56 = vector.load %arg8[%swap3A, %swap3A_54, %swap3A_55] : memref<2x640x128xf32, #tpu.memory_space<vmem>>, vector<1x640x128xf32>
    %swap3A_57 = vector.shape_cast %swap3A_56 : vector<1x640x128xf32> to vector<640x128xf32>
    %swap3A_58 = vector.shape_cast %mul3A_51 : vector<640x128xf32> to vector<1x640x128xf32>
    tpu.vector_store %arg8[%swap3A, %swap3A_54, %swap3A_55], %swap3A_58 {strides = array<i32>} : memref<2x640x128xf32, #tpu.memory_space<vmem>>, vector<1x640x128xf32>,
    %swap3A_59 = arith.constant 1 : index
    %swap3A_60 = arith.constant 0 : index
    %swap3A_61 = arith.constant 0 : index
    %swap3A_62 = vector.load %arg8[%swap3A_59, %swap3A_60, %swap3A_61] : memref<2x640x128xf32, #tpu.memory_space<vmem>>, vector<1x640x128xf32>
    %swap3A_63 = vector.shape_cast %swap3A_62 : vector<1x640x128xf32> to vector<640x128xf32>
    %swap3A_64 = vector.shape_cast %mul3A_53 : vector<640x128xf32> to vector<1x640x128xf32>
    tpu.vector_store %arg8[%swap3A_59, %swap3A_60, %swap3A_61], %swap3A_64 {strides = array<i32>} : memref<2x640x128xf32, #tpu.memory_space<vmem>>, vector<1x640x128xf32>,
    return
  }
  func.func @transform_0(%arg0: i32) -> (i32, i32, i32) {
    %c0_i32 = arith.constant 0 : i32
    %c0_i32_0 = arith.constant 0 : i32
    %c0_i32_1 = arith.constant 0 : i32
    return %c0_i32, %arg0, %c0_i32_0 : i32, i32, i32
  }
  func.func @transform_1(%arg0: i32) -> (i32, i32, i32) {
    %c0_i32 = arith.constant 0 : i32
    %c0_i32_0 = arith.constant 0 : i32
    %c0_i32_1 = arith.constant 0 : i32
    return %c0_i32, %arg0, %c0_i32_0 : i32, i32, i32
  }
  func.func @transform_2(%arg0: i32) -> (i32, i32) {
    %c0_i32 = arith.constant 0 : i32
    %c0_i32_0 = arith.constant 0 : i32
    return %arg0, %c0_i32 : i32, i32
  }
  func.func @transform_3(%arg0: i32) -> (i32, i32) {
    %c0_i32 = arith.constant 0 : i32
    %c0_i32_0 = arith.constant 0 : i32
    %c0_i32_1 = arith.constant 0 : i32
    return %c0_i32, %c0_i32_0 : i32, i32
  }
  func.func @transform_4(%arg0: i32) -> (i32, i32) {
    %c0_i32 = arith.constant 0 : i32
    %c0_i32_0 = arith.constant 0 : i32
    %c0_i32_1 = arith.constant 0 : i32
    return %c0_i32, %c0_i32_0 : i32, i32
  }
  func.func @transform_5(%arg0: i32) -> (i32, i32) {
    %c0_i32 = arith.constant 0 : i32
    %c0_i32_0 = arith.constant 0 : i32
    %c0_i32_1 = arith.constant 0 : i32
    return %c0_i32, %c0_i32_0 : i32, i32
  }
  func.func @transform_6(%arg0: i32) -> (i32, i32) {
    %c0_i32 = arith.constant 0 : i32
    %c0_i32_0 = arith.constant 0 : i32
    %c0_i32_1 = arith.constant 0 : i32
    return %c0_i32, %c0_i32_0 : i32, i32
  }
  func.func @transform_7(%arg0: i32) -> (i32, i32, i32) {
    %c0_i32 = arith.constant 0 : i32
    %c0_i32_0 = arith.constant 0 : i32
    %c0_i32_1 = arith.constant 0 : i32
    return %c0_i32, %arg0, %c0_i32_0 : i32, i32, i32
  }
}

module attributes {stable_mosaic.version = 14 : i64} {
  func.func @body(%arg0: i32, %arg1: memref<2x640x128xf32, #tpu.memory_space<vmem>>, %arg2: memref<2x640x128xf32, #tpu.memory_space<vmem>>, %arg3: memref<640x1xf32, #tpu.memory_space<vmem>>, %arg4: memref<128x256xf32, #tpu.memory_space<vmem>>, %arg5: memref<128x256xf32, #tpu.memory_space<vmem>>, %arg6: memref<1x256xf32, #tpu.memory_space<vmem>>, %arg7: memref<1x256xf32, #tpu.memory_space<vmem>>, %arg8: memref<4x640x128xf32, #tpu.memory_space<vmem>>) attributes {dimension_semantics = [#tpu.dimension_semantics<arbitrary>], iteration_bounds = array<i64: 16>, scalar_prefetch = 0 : i64, scratch_operands = 0 : i64, tpu.core_type = #tpu.core_type<tc>, window_params = [{transform_indices = @transform_0, window_bounds = array<i64: 2, 640, 128>}, {transform_indices = @transform_1, window_bounds = array<i64: 2, 640, 128>}, {transform_indices = @transform_2, window_bounds = array<i64: 640, 1>}, {pipeline_mode = #tpu.pipeline_mode<synchronous>, transform_indices = @transform_3, window_bounds = array<i64: 128, 256>}, {pipeline_mode = #tpu.pipeline_mode<synchronous>, transform_indices = @transform_4, window_bounds = array<i64: 128, 256>}, {pipeline_mode = #tpu.pipeline_mode<synchronous>, transform_indices = @transform_5, window_bounds = array<i64: 1, 256>}, {pipeline_mode = #tpu.pipeline_mode<synchronous>, transform_indices = @transform_6, window_bounds = array<i64: 1, 256>}, {transform_indices = @transform_7, window_bounds = array<i64: 4, 640, 128>}]} {
    %get3A = arith.constant 0 : index
    %get3A_0 = arith.constant 0 : index
    %get3A_1 = vector.load %arg3[%get3A, %get3A_0] : memref<640x1xf32, #tpu.memory_space<vmem>>, vector<640x1xf32>
    %get3A_2 = arith.constant 0 : index
    %get3A_3 = arith.constant 0 : index
    %get3A_4 = arith.constant 0 : index
    %get3A_5 = vector.load %arg1[%get3A_2, %get3A_3, %get3A_4] : memref<2x640x128xf32, #tpu.memory_space<vmem>>, vector<1x640x128xf32>
    %get3A_6 = vector.shape_cast %get3A_5 : vector<1x640x128xf32> to vector<640x128xf32>
    %get3A_7 = arith.constant 1 : index
    %get3A_8 = arith.constant 0 : index
    %get3A_9 = arith.constant 0 : index
    %get3A_10 = vector.load %arg1[%get3A_7, %get3A_8, %get3A_9] : memref<2x640x128xf32, #tpu.memory_space<vmem>>, vector<1x640x128xf32>
    %get3A_11 = vector.shape_cast %get3A_10 : vector<1x640x128xf32> to vector<640x128xf32>
    %get3A_12 = arith.constant 0 : index
    %get3A_13 = arith.constant 0 : index
    %get3A_14 = arith.constant 0 : index
    %get3A_15 = vector.load %arg2[%get3A_12, %get3A_13, %get3A_14] : memref<2x640x128xf32, #tpu.memory_space<vmem>>, vector<1x640x128xf32>
    %get3A_16 = vector.shape_cast %get3A_15 : vector<1x640x128xf32> to vector<640x128xf32>
    %get3A_17 = arith.constant 1 : index
    %get3A_18 = arith.constant 0 : index
    %get3A_19 = arith.constant 0 : index
    %get3A_20 = vector.load %arg2[%get3A_17, %get3A_18, %get3A_19] : memref<2x640x128xf32, #tpu.memory_space<vmem>>, vector<1x640x128xf32>
    %get3A_21 = vector.shape_cast %get3A_20 : vector<1x640x128xf32> to vector<640x128xf32>
    %add3A = arith.addf %get3A_6, %get3A_16 : vector<640x128xf32>
    %mul3A = vector.broadcast %get3A_1 : vector<640x1xf32> to vector<640x128xf32>
    %mul3A_22 = arith.mulf %mul3A, %add3A : vector<640x128xf32>
    %add3A_23 = arith.addf %get3A_11, %get3A_21 : vector<640x128xf32>
    %mul3A_24 = vector.broadcast %get3A_1 : vector<640x1xf32> to vector<640x128xf32>
    %mul3A_25 = arith.mulf %mul3A_24, %add3A_23 : vector<640x128xf32>
    %get3A_26 = arith.constant 0 : index
    %get3A_27 = arith.constant 0 : index
    %get3A_28 = vector.load %arg4[%get3A_26, %get3A_27] : memref<128x256xf32, #tpu.memory_space<vmem>>, vector<128x256xf32>
    %dot_general3A = arith.constant dense<0.000000e+00> : vector<640x256xf32>
    %dot_general3A_29 = tpu.matmul %mul3A_22, %get3A_28, %dot_general3A {dimension_numbers = #tpu.dot_dimension_numbers<[1], [0], [0], [1], [0, 0, 1, 1], [], []>, transpose_lhs_hint = false} : vector<640x128xf32>, vector<128x256xf32>, vector<640x256xf32> -> vector<640x256xf32>
    %get3A_30 = arith.constant 0 : index
    %get3A_31 = arith.constant 0 : index
    %get3A_32 = vector.load %arg6[%get3A_30, %get3A_31] : memref<1x256xf32, #tpu.memory_space<vmem>>, vector<1x256xf32>
    %add3A_33 = vector.broadcast %get3A_32 : vector<1x256xf32> to vector<640x256xf32>
    %add3A_34 = arith.addf %dot_general3A_29, %add3A_33 : vector<640x256xf32>
    %max3A = arith.constant 0.000000e+00 : f32
    %max3A_35 = vector.broadcast %max3A : f32 to vector<640x256xf32>
    %max3A_36 = arith.maximumf %add3A_34, %max3A_35 : vector<640x256xf32>
    %get3A_37 = arith.constant 0 : index
    %get3A_38 = arith.constant 0 : index
    %get3A_39 = vector.load %arg5[%get3A_37, %get3A_38] : memref<128x256xf32, #tpu.memory_space<vmem>>, vector<128x256xf32>
    %dot_general3A_40 = arith.constant dense<0.000000e+00> : vector<640x256xf32>
    %dot_general3A_41 = tpu.matmul %mul3A_25, %get3A_39, %dot_general3A_40 {dimension_numbers = #tpu.dot_dimension_numbers<[1], [0], [0], [1], [0, 0, 1, 1], [], []>, transpose_lhs_hint = false} : vector<640x128xf32>, vector<128x256xf32>, vector<640x256xf32> -> vector<640x256xf32>
    %get3A_42 = arith.constant 0 : index
    %get3A_43 = arith.constant 0 : index
    %get3A_44 = vector.load %arg7[%get3A_42, %get3A_43] : memref<1x256xf32, #tpu.memory_space<vmem>>, vector<1x256xf32>
    %add3A_45 = vector.broadcast %get3A_44 : vector<1x256xf32> to vector<640x256xf32>
    %add3A_46 = arith.addf %dot_general3A_41, %add3A_45 : vector<640x256xf32>
    %max3A_47 = arith.constant 0.000000e+00 : f32
    %max3A_48 = vector.broadcast %max3A_47 : f32 to vector<640x256xf32>
    %max3A_49 = arith.maximumf %add3A_46, %max3A_48 : vector<640x256xf32>
    %mul3A_50 = vector.broadcast %get3A_1 : vector<640x1xf32> to vector<640x256xf32>
    %mul3A_51 = arith.mulf %mul3A_50, %max3A_36 : vector<640x256xf32>
    %mul3A_52 = vector.broadcast %get3A_1 : vector<640x1xf32> to vector<640x256xf32>
    %mul3A_53 = arith.mulf %mul3A_52, %max3A_49 : vector<640x256xf32>
    %slice3A = vector.extract_strided_slice %mul3A_51 {offsets = [0, 0], sizes = [640, 128], strides = [1, 1]} : vector<640x256xf32> to vector<640x128xf32>
    %swap3A = arith.constant 0 : index
    %swap3A_54 = arith.constant 0 : index
    %swap3A_55 = arith.constant 0 : index
    %swap3A_56 = vector.load %arg8[%swap3A, %swap3A_54, %swap3A_55] : memref<4x640x128xf32, #tpu.memory_space<vmem>>, vector<1x640x128xf32>
    %swap3A_57 = vector.shape_cast %swap3A_56 : vector<1x640x128xf32> to vector<640x128xf32>
    %swap3A_58 = vector.shape_cast %slice3A : vector<640x128xf32> to vector<1x640x128xf32>
    tpu.vector_store %arg8[%swap3A, %swap3A_54, %swap3A_55], %swap3A_58 {strides = array<i32>} : memref<4x640x128xf32, #tpu.memory_space<vmem>>, vector<1x640x128xf32>,
    %slice3A_59 = vector.extract_strided_slice %mul3A_53 {offsets = [0, 0], sizes = [640, 128], strides = [1, 1]} : vector<640x256xf32> to vector<640x128xf32>
    %swap3A_60 = arith.constant 1 : index
    %swap3A_61 = arith.constant 0 : index
    %swap3A_62 = arith.constant 0 : index
    %swap3A_63 = vector.load %arg8[%swap3A_60, %swap3A_61, %swap3A_62] : memref<4x640x128xf32, #tpu.memory_space<vmem>>, vector<1x640x128xf32>
    %swap3A_64 = vector.shape_cast %swap3A_63 : vector<1x640x128xf32> to vector<640x128xf32>
    %swap3A_65 = vector.shape_cast %slice3A_59 : vector<640x128xf32> to vector<1x640x128xf32>
    tpu.vector_store %arg8[%swap3A_60, %swap3A_61, %swap3A_62], %swap3A_65 {strides = array<i32>} : memref<4x640x128xf32, #tpu.memory_space<vmem>>, vector<1x640x128xf32>,
    %slice3A_66 = vector.extract_strided_slice %mul3A_51 {offsets = [0, 128], sizes = [640, 128], strides = [1, 1]} : vector<640x256xf32> to vector<640x128xf32>
    %swap3A_67 = arith.constant 2 : index
    %swap3A_68 = arith.constant 0 : index
    %swap3A_69 = arith.constant 0 : index
    %swap3A_70 = vector.load %arg8[%swap3A_67, %swap3A_68, %swap3A_69] : memref<4x640x128xf32, #tpu.memory_space<vmem>>, vector<1x640x128xf32>
    %swap3A_71 = vector.shape_cast %swap3A_70 : vector<1x640x128xf32> to vector<640x128xf32>
    %swap3A_72 = vector.shape_cast %slice3A_66 : vector<640x128xf32> to vector<1x640x128xf32>
    tpu.vector_store %arg8[%swap3A_67, %swap3A_68, %swap3A_69], %swap3A_72 {strides = array<i32>} : memref<4x640x128xf32, #tpu.memory_space<vmem>>, vector<1x640x128xf32>,
    %slice3A_73 = vector.extract_strided_slice %mul3A_53 {offsets = [0, 128], sizes = [640, 128], strides = [1, 1]} : vector<640x256xf32> to vector<640x128xf32>
    %swap3A_74 = arith.constant 3 : index
    %swap3A_75 = arith.constant 0 : index
    %swap3A_76 = arith.constant 0 : index
    %swap3A_77 = vector.load %arg8[%swap3A_74, %swap3A_75, %swap3A_76] : memref<4x640x128xf32, #tpu.memory_space<vmem>>, vector<1x640x128xf32>
    %swap3A_78 = vector.shape_cast %swap3A_77 : vector<1x640x128xf32> to vector<640x128xf32>
    %swap3A_79 = vector.shape_cast %slice3A_73 : vector<640x128xf32> to vector<1x640x128xf32>
    tpu.vector_store %arg8[%swap3A_74, %swap3A_75, %swap3A_76], %swap3A_79 {strides = array<i32>} : memref<4x640x128xf32, #tpu.memory_space<vmem>>, vector<1x640x128xf32>,
    return
  }
  func.func @transform_0(%arg0: i32) -> (i32, i32, i32) {
    %c0_i32 = arith.constant 0 : i32
    %c0_i32_0 = arith.constant 0 : i32
    %c0_i32_1 = arith.constant 0 : i32
    return %c0_i32, %arg0, %c0_i32_0 : i32, i32, i32
  }
  func.func @transform_1(%arg0: i32) -> (i32, i32, i32) {
    %c0_i32 = arith.constant 0 : i32
    %c0_i32_0 = arith.constant 0 : i32
    %c0_i32_1 = arith.constant 0 : i32
    return %c0_i32, %arg0, %c0_i32_0 : i32, i32, i32
  }
  func.func @transform_2(%arg0: i32) -> (i32, i32) {
    %c0_i32 = arith.constant 0 : i32
    %c0_i32_0 = arith.constant 0 : i32
    return %arg0, %c0_i32 : i32, i32
  }
  func.func @transform_3(%arg0: i32) -> (i32, i32) {
    %c0_i32 = arith.constant 0 : i32
    %c0_i32_0 = arith.constant 0 : i32
    %c0_i32_1 = arith.constant 0 : i32
    return %c0_i32, %c0_i32_0 : i32, i32
  }
  func.func @transform_4(%arg0: i32) -> (i32, i32) {
    %c0_i32 = arith.constant 0 : i32
    %c0_i32_0 = arith.constant 0 : i32
    %c0_i32_1 = arith.constant 0 : i32
    return %c0_i32, %c0_i32_0 : i32, i32
  }
  func.func @transform_5(%arg0: i32) -> (i32, i32) {
    %c0_i32 = arith.constant 0 : i32
    %c0_i32_0 = arith.constant 0 : i32
    %c0_i32_1 = arith.constant 0 : i32
    return %c0_i32, %c0_i32_0 : i32, i32
  }
  func.func @transform_6(%arg0: i32) -> (i32, i32) {
    %c0_i32 = arith.constant 0 : i32
    %c0_i32_0 = arith.constant 0 : i32
    %c0_i32_1 = arith.constant 0 : i32
    return %c0_i32, %c0_i32_0 : i32, i32
  }
  func.func @transform_7(%arg0: i32) -> (i32, i32, i32) {
    %c0_i32 = arith.constant 0 : i32
    %c0_i32_0 = arith.constant 0 : i32
    %c0_i32_1 = arith.constant 0 : i32
    return %c0_i32, %arg0, %c0_i32_0 : i32, i32, i32
  }
}

module attributes {stable_mosaic.version = 14 : i64} {
  func.func @body(%arg0: i32, %arg1: memref<2x640x128xf32, #tpu.memory_space<vmem>>, %arg2: memref<2x640x128xf32, #tpu.memory_space<vmem>>, %arg3: memref<4x640x128xf32, #tpu.memory_space<vmem>>, %arg4: memref<640x1xf32, #tpu.memory_space<vmem>>, %arg5: memref<256x512xf32, #tpu.memory_space<vmem>>, %arg6: memref<256x512xf32, #tpu.memory_space<vmem>>, %arg7: memref<1x512xf32, #tpu.memory_space<vmem>>, %arg8: memref<1x512xf32, #tpu.memory_space<vmem>>, %arg9: memref<640x512xf32, #tpu.memory_space<vmem>>, %arg10: memref<640x512xf32, #tpu.memory_space<vmem>>) attributes {dimension_semantics = [#tpu.dimension_semantics<arbitrary>], iteration_bounds = array<i64: 16>, scalar_prefetch = 0 : i64, scratch_operands = 0 : i64, tpu.core_type = #tpu.core_type<tc>, window_params = [{transform_indices = @transform_0, window_bounds = array<i64: 2, 640, 128>}, {transform_indices = @transform_1, window_bounds = array<i64: 2, 640, 128>}, {transform_indices = @transform_2, window_bounds = array<i64: 4, 640, 128>}, {transform_indices = @transform_3, window_bounds = array<i64: 640, 1>}, {pipeline_mode = #tpu.pipeline_mode<synchronous>, transform_indices = @transform_4, window_bounds = array<i64: 256, 512>}, {pipeline_mode = #tpu.pipeline_mode<synchronous>, transform_indices = @transform_5, window_bounds = array<i64: 256, 512>}, {pipeline_mode = #tpu.pipeline_mode<synchronous>, transform_indices = @transform_6, window_bounds = array<i64: 1, 512>}, {pipeline_mode = #tpu.pipeline_mode<synchronous>, transform_indices = @transform_7, window_bounds = array<i64: 1, 512>}, {transform_indices = @transform_8, window_bounds = array<i64: 640, 512>}, {transform_indices = @transform_9, window_bounds = array<i64: 640, 512>}]} {
    %get3A = arith.constant 0 : index
    %get3A_0 = arith.constant 0 : index
    %get3A_1 = vector.load %arg4[%get3A, %get3A_0] : memref<640x1xf32, #tpu.memory_space<vmem>>, vector<640x1xf32>
    %get3A_2 = arith.constant 0 : index
    %get3A_3 = arith.constant 0 : index
    %get3A_4 = arith.constant 0 : index
    %get3A_5 = vector.load %arg1[%get3A_2, %get3A_3, %get3A_4] : memref<2x640x128xf32, #tpu.memory_space<vmem>>, vector<1x640x128xf32>
    %get3A_6 = vector.shape_cast %get3A_5 : vector<1x640x128xf32> to vector<640x128xf32>
    %get3A_7 = arith.constant 0 : index
    %get3A_8 = arith.constant 0 : index
    %get3A_9 = arith.constant 0 : index
    %get3A_10 = vector.load %arg2[%get3A_7, %get3A_8, %get3A_9] : memref<2x640x128xf32, #tpu.memory_space<vmem>>, vector<1x640x128xf32>
    %get3A_11 = vector.shape_cast %get3A_10 : vector<1x640x128xf32> to vector<640x128xf32>
    %concatenate3A = tpu.concatenate %get3A_6, %get3A_11 in 1 : vector<640x128xf32>, vector<640x128xf32> -> vector<640x256xf32>
    %get3A_12 = arith.constant 1 : index
    %get3A_13 = arith.constant 0 : index
    %get3A_14 = arith.constant 0 : index
    %get3A_15 = vector.load %arg1[%get3A_12, %get3A_13, %get3A_14] : memref<2x640x128xf32, #tpu.memory_space<vmem>>, vector<1x640x128xf32>
    %get3A_16 = vector.shape_cast %get3A_15 : vector<1x640x128xf32> to vector<640x128xf32>
    %get3A_17 = arith.constant 1 : index
    %get3A_18 = arith.constant 0 : index
    %get3A_19 = arith.constant 0 : index
    %get3A_20 = vector.load %arg2[%get3A_17, %get3A_18, %get3A_19] : memref<2x640x128xf32, #tpu.memory_space<vmem>>, vector<1x640x128xf32>
    %get3A_21 = vector.shape_cast %get3A_20 : vector<1x640x128xf32> to vector<640x128xf32>
    %concatenate3A_22 = tpu.concatenate %get3A_16, %get3A_21 in 1 : vector<640x128xf32>, vector<640x128xf32> -> vector<640x256xf32>
    %get3A_23 = arith.constant 0 : index
    %get3A_24 = arith.constant 0 : index
    %get3A_25 = arith.constant 0 : index
    %get3A_26 = vector.load %arg3[%get3A_23, %get3A_24, %get3A_25] : memref<4x640x128xf32, #tpu.memory_space<vmem>>, vector<1x640x128xf32>
    %get3A_27 = vector.shape_cast %get3A_26 : vector<1x640x128xf32> to vector<640x128xf32>
    %get3A_28 = arith.constant 2 : index
    %get3A_29 = arith.constant 0 : index
    %get3A_30 = arith.constant 0 : index
    %get3A_31 = vector.load %arg3[%get3A_28, %get3A_29, %get3A_30] : memref<4x640x128xf32, #tpu.memory_space<vmem>>, vector<1x640x128xf32>
    %get3A_32 = vector.shape_cast %get3A_31 : vector<1x640x128xf32> to vector<640x128xf32>
    %concatenate3A_33 = tpu.concatenate %get3A_27, %get3A_32 in 1 : vector<640x128xf32>, vector<640x128xf32> -> vector<640x256xf32>
    %get3A_34 = arith.constant 1 : index
    %get3A_35 = arith.constant 0 : index
    %get3A_36 = arith.constant 0 : index
    %get3A_37 = vector.load %arg3[%get3A_34, %get3A_35, %get3A_36] : memref<4x640x128xf32, #tpu.memory_space<vmem>>, vector<1x640x128xf32>
    %get3A_38 = vector.shape_cast %get3A_37 : vector<1x640x128xf32> to vector<640x128xf32>
    %get3A_39 = arith.constant 3 : index
    %get3A_40 = arith.constant 0 : index
    %get3A_41 = arith.constant 0 : index
    %get3A_42 = vector.load %arg3[%get3A_39, %get3A_40, %get3A_41] : memref<4x640x128xf32, #tpu.memory_space<vmem>>, vector<1x640x128xf32>
    %get3A_43 = vector.shape_cast %get3A_42 : vector<1x640x128xf32> to vector<640x128xf32>
    %concatenate3A_44 = tpu.concatenate %get3A_38, %get3A_43 in 1 : vector<640x128xf32>, vector<640x128xf32> -> vector<640x256xf32>
    %add3A = arith.addf %concatenate3A, %concatenate3A_33 : vector<640x256xf32>
    %mul3A = vector.broadcast %get3A_1 : vector<640x1xf32> to vector<640x256xf32>
    %mul3A_45 = arith.mulf %mul3A, %add3A : vector<640x256xf32>
    %add3A_46 = arith.addf %concatenate3A_22, %concatenate3A_44 : vector<640x256xf32>
    %mul3A_47 = vector.broadcast %get3A_1 : vector<640x1xf32> to vector<640x256xf32>
    %mul3A_48 = arith.mulf %mul3A_47, %add3A_46 : vector<640x256xf32>
    %get3A_49 = arith.constant 0 : index
    %get3A_50 = arith.constant 0 : index
    %get3A_51 = vector.load %arg5[%get3A_49, %get3A_50] : memref<256x512xf32, #tpu.memory_space<vmem>>, vector<256x512xf32>
    %dot_general3A = arith.constant dense<0.000000e+00> : vector<640x512xf32>
    %dot_general3A_52 = tpu.matmul %mul3A_45, %get3A_51, %dot_general3A {dimension_numbers = #tpu.dot_dimension_numbers<[1], [0], [0], [1], [0, 0, 1, 1], [], []>, transpose_lhs_hint = false} : vector<640x256xf32>, vector<256x512xf32>, vector<640x512xf32> -> vector<640x512xf32>
    %get3A_53 = arith.constant 0 : index
    %get3A_54 = arith.constant 0 : index
    %get3A_55 = vector.load %arg7[%get3A_53, %get3A_54] : memref<1x512xf32, #tpu.memory_space<vmem>>, vector<1x512xf32>
    %add3A_56 = vector.broadcast %get3A_55 : vector<1x512xf32> to vector<640x512xf32>
    %add3A_57 = arith.addf %dot_general3A_52, %add3A_56 : vector<640x512xf32>
    %max3A = arith.constant 0.000000e+00 : f32
    %max3A_58 = vector.broadcast %max3A : f32 to vector<640x512xf32>
    %max3A_59 = arith.maximumf %add3A_57, %max3A_58 : vector<640x512xf32>
    %get3A_60 = arith.constant 0 : index
    %get3A_61 = arith.constant 0 : index
    %get3A_62 = vector.load %arg6[%get3A_60, %get3A_61] : memref<256x512xf32, #tpu.memory_space<vmem>>, vector<256x512xf32>
    %dot_general3A_63 = arith.constant dense<0.000000e+00> : vector<640x512xf32>
    %dot_general3A_64 = tpu.matmul %mul3A_48, %get3A_62, %dot_general3A_63 {dimension_numbers = #tpu.dot_dimension_numbers<[1], [0], [0], [1], [0, 0, 1, 1], [], []>, transpose_lhs_hint = false} : vector<640x256xf32>, vector<256x512xf32>, vector<640x512xf32> -> vector<640x512xf32>
    %get3A_65 = arith.constant 0 : index
    %get3A_66 = arith.constant 0 : index
    %get3A_67 = vector.load %arg8[%get3A_65, %get3A_66] : memref<1x512xf32, #tpu.memory_space<vmem>>, vector<1x512xf32>
    %add3A_68 = vector.broadcast %get3A_67 : vector<1x512xf32> to vector<640x512xf32>
    %add3A_69 = arith.addf %dot_general3A_64, %add3A_68 : vector<640x512xf32>
    %max3A_70 = arith.constant 0.000000e+00 : f32
    %max3A_71 = vector.broadcast %max3A_70 : f32 to vector<640x512xf32>
    %max3A_72 = arith.maximumf %add3A_69, %max3A_71 : vector<640x512xf32>
    %swap3A = arith.constant 0 : index
    %swap3A_73 = arith.constant 0 : index
    %swap3A_74 = vector.load %arg9[%swap3A, %swap3A_73] : memref<640x512xf32, #tpu.memory_space<vmem>>, vector<640x512xf32>
    tpu.vector_store %arg9[%swap3A, %swap3A_73], %max3A_59 {strides = array<i32>} : memref<640x512xf32, #tpu.memory_space<vmem>>, vector<640x512xf32>,
    %swap3A_75 = arith.constant 0 : index
    %swap3A_76 = arith.constant 0 : index
    %swap3A_77 = vector.load %arg10[%swap3A_75, %swap3A_76] : memref<640x512xf32, #tpu.memory_space<vmem>>, vector<640x512xf32>
    tpu.vector_store %arg10[%swap3A_75, %swap3A_76], %max3A_72 {strides = array<i32>} : memref<640x512xf32, #tpu.memory_space<vmem>>, vector<640x512xf32>,
    return
  }
  func.func @transform_0(%arg0: i32) -> (i32, i32, i32) {
    %c0_i32 = arith.constant 0 : i32
    %c0_i32_0 = arith.constant 0 : i32
    %c0_i32_1 = arith.constant 0 : i32
    return %c0_i32, %arg0, %c0_i32_0 : i32, i32, i32
  }
  func.func @transform_1(%arg0: i32) -> (i32, i32, i32) {
    %c0_i32 = arith.constant 0 : i32
    %c0_i32_0 = arith.constant 0 : i32
    %c0_i32_1 = arith.constant 0 : i32
    return %c0_i32, %arg0, %c0_i32_0 : i32, i32, i32
  }
  func.func @transform_2(%arg0: i32) -> (i32, i32, i32) {
    %c0_i32 = arith.constant 0 : i32
    %c0_i32_0 = arith.constant 0 : i32
    %c0_i32_1 = arith.constant 0 : i32
    return %c0_i32, %arg0, %c0_i32_0 : i32, i32, i32
  }
  func.func @transform_3(%arg0: i32) -> (i32, i32) {
    %c0_i32 = arith.constant 0 : i32
    %c0_i32_0 = arith.constant 0 : i32
    return %arg0, %c0_i32 : i32, i32
  }
  func.func @transform_4(%arg0: i32) -> (i32, i32) {
    %c0_i32 = arith.constant 0 : i32
    %c0_i32_0 = arith.constant 0 : i32
    %c0_i32_1 = arith.constant 0 : i32
    return %c0_i32, %c0_i32_0 : i32, i32
  }
  func.func @transform_5(%arg0: i32) -> (i32, i32) {
    %c0_i32 = arith.constant 0 : i32
    %c0_i32_0 = arith.constant 0 : i32
    %c0_i32_1 = arith.constant 0 : i32
    return %c0_i32, %c0_i32_0 : i32, i32
  }
  func.func @transform_6(%arg0: i32) -> (i32, i32) {
    %c0_i32 = arith.constant 0 : i32
    %c0_i32_0 = arith.constant 0 : i32
    %c0_i32_1 = arith.constant 0 : i32
    return %c0_i32, %c0_i32_0 : i32, i32
  }
  func.func @transform_7(%arg0: i32) -> (i32, i32) {
    %c0_i32 = arith.constant 0 : i32
    %c0_i32_0 = arith.constant 0 : i32
    %c0_i32_1 = arith.constant 0 : i32
    return %c0_i32, %c0_i32_0 : i32, i32
  }
  func.func @transform_8(%arg0: i32) -> (i32, i32) {
    %c0_i32 = arith.constant 0 : i32
    %c0_i32_0 = arith.constant 0 : i32
    return %arg0, %c0_i32 : i32, i32
  }
  func.func @transform_9(%arg0: i32) -> (i32, i32) {
    %c0_i32 = arith.constant 0 : i32
    %c0_i32_0 = arith.constant 0 : i32
    return %arg0, %c0_i32 : i32, i32
  }
}

module attributes {stable_mosaic.version = 14 : i64} {
  func.func @_head_body(%arg0: memref<16x80x512xf32, #tpu.memory_space<vmem>>, %arg1: memref<16x80x512xf32, #tpu.memory_space<vmem>>, %arg2: memref<16x80x512xf32, #tpu.memory_space<vmem>>, %arg3: memref<16x80x512xf32, #tpu.memory_space<vmem>>, %arg4: memref<80x1xf32, #tpu.memory_space<vmem>>, %arg5: memref<80x1xf32, #tpu.memory_space<vmem>>, %arg6: memref<1024x1024xf32, #tpu.memory_space<vmem>>, %arg7: memref<1x1024xf32, #tpu.memory_space<vmem>>, %arg8: memref<1024x128xf32, #tpu.memory_space<vmem>>, %arg9: memref<1x128xf32, #tpu.memory_space<vmem>>, %arg10: memref<1024x1024xf32, #tpu.memory_space<vmem>>, %arg11: memref<1x1024xf32, #tpu.memory_space<vmem>>, %arg12: memref<1024x128xf32, #tpu.memory_space<vmem>>, %arg13: memref<1x128xf32, #tpu.memory_space<vmem>>, %arg14: memref<256x1024xf32, #tpu.memory_space<vmem>>, %arg15: memref<1x1024xf32, #tpu.memory_space<vmem>>, %arg16: memref<1024x512xf32, #tpu.memory_space<vmem>>, %arg17: memref<1x512xf32, #tpu.memory_space<vmem>>, %arg18: memref<512x1xf32, #tpu.memory_space<vmem>>, %arg19: memref<1x1xf32, #tpu.memory_space<vmem>>, %arg20: memref<64x1xf32, #tpu.memory_space<vmem>>) attributes {dimension_semantics = [], scalar_prefetch = 0 : i64, scratch_operands = 0 : i64, tpu.core_type = #tpu.core_type<tc>} {
    %get3A = arith.constant 0 : index
    %get3A_0 = arith.constant 0 : index
    %get3A_1 = vector.load %arg4[%get3A, %get3A_0] : memref<80x1xf32, #tpu.memory_space<vmem>>, vector<64x1xf32>
    %get3A_2 = arith.constant 0 : index
    %get3A_3 = arith.constant 0 : index
    %get3A_4 = vector.load %arg5[%get3A_2, %get3A_3] : memref<80x1xf32, #tpu.memory_space<vmem>>, vector<64x1xf32>
    %add3A = arith.addf %get3A_1, %get3A_4 : vector<64x1xf32>
    %max3A = arith.constant 1.000000e+00 : f32
    %max3A_5 = vector.broadcast %max3A : f32 to vector<64x1xf32>
    %max3A_6 = arith.maximumf %add3A, %max3A_5 : vector<64x1xf32>
    %get3A_7 = arith.constant 0 : index
    %get3A_8 = arith.constant 0 : index
    %get3A_9 = arith.constant 0 : index
    %get3A_10 = vector.load %arg0[%get3A_7, %get3A_8, %get3A_9] : memref<16x80x512xf32, #tpu.memory_space<vmem>>, vector<16x80x512xf32>
    %reduce_sum3A = arith.constant dense<0.000000e+00> : vector<80x512xf32>
    %reduce_sum3A_11 = vector.multi_reduction <add>, %get3A_10, %reduce_sum3A [0] : vector<16x80x512xf32> to vector<80x512xf32>
    %get3A_12 = arith.constant 0 : index
    %get3A_13 = arith.constant 0 : index
    %get3A_14 = arith.constant 0 : index
    %get3A_15 = vector.load %arg1[%get3A_12, %get3A_13, %get3A_14] : memref<16x80x512xf32, #tpu.memory_space<vmem>>, vector<16x80x512xf32>
    %reduce_sum3A_16 = arith.constant dense<0.000000e+00> : vector<80x512xf32>
    %reduce_sum3A_17 = vector.multi_reduction <add>, %get3A_15, %reduce_sum3A_16 [0] : vector<16x80x512xf32> to vector<80x512xf32>
    %get3A_18 = arith.constant 0 : index
    %get3A_19 = arith.constant 0 : index
    %get3A_20 = arith.constant 0 : index
    %get3A_21 = vector.load %arg2[%get3A_18, %get3A_19, %get3A_20] : memref<16x80x512xf32, #tpu.memory_space<vmem>>, vector<16x80x512xf32>
    %reduce_max3A = arith.constant dense<0xFF800000> : vector<80x512xf32>
    %reduce_max3A_22 = vector.multi_reduction <maximumf>, %get3A_21, %reduce_max3A [0] : vector<16x80x512xf32> to vector<80x512xf32>
    %get3A_23 = arith.constant 0 : index
    %get3A_24 = arith.constant 0 : index
    %get3A_25 = arith.constant 0 : index
    %get3A_26 = vector.load %arg3[%get3A_23, %get3A_24, %get3A_25] : memref<16x80x512xf32, #tpu.memory_space<vmem>>, vector<16x80x512xf32>
    %reduce_max3A_27 = arith.constant dense<0xFF800000> : vector<80x512xf32>
    %reduce_max3A_28 = vector.multi_reduction <maximumf>, %get3A_26, %reduce_max3A_27 [0] : vector<16x80x512xf32> to vector<80x512xf32>
    %slice3A = vector.extract_strided_slice %reduce_sum3A_11 {offsets = [0, 0], sizes = [64, 512], strides = [1, 1]} : vector<80x512xf32> to vector<64x512xf32>
    %div3A = vector.broadcast %max3A_6 : vector<64x1xf32> to vector<64x512xf32>
    %div3A_29 = arith.divf %slice3A, %div3A : vector<64x512xf32>
    %slice3A_30 = vector.extract_strided_slice %reduce_max3A_22 {offsets = [0, 0], sizes = [64, 512], strides = [1, 1]} : vector<80x512xf32> to vector<64x512xf32>
    %concatenate3A = tpu.concatenate %div3A_29, %slice3A_30 in 1 : vector<64x512xf32>, vector<64x512xf32> -> vector<64x1024xf32>
    %slice3A_31 = vector.extract_strided_slice %reduce_sum3A_17 {offsets = [0, 0], sizes = [64, 512], strides = [1, 1]} : vector<80x512xf32> to vector<64x512xf32>
    %div3A_32 = vector.broadcast %max3A_6 : vector<64x1xf32> to vector<64x512xf32>
    %div3A_33 = arith.divf %slice3A_31, %div3A_32 : vector<64x512xf32>
    %slice3A_34 = vector.extract_strided_slice %reduce_max3A_28 {offsets = [0, 0], sizes = [64, 512], strides = [1, 1]} : vector<80x512xf32> to vector<64x512xf32>
    %concatenate3A_35 = tpu.concatenate %div3A_33, %slice3A_34 in 1 : vector<64x512xf32>, vector<64x512xf32> -> vector<64x1024xf32>
    %get3A_36 = arith.constant 0 : index
    %get3A_37 = arith.constant 0 : index
    %get3A_38 = vector.load %arg6[%get3A_36, %get3A_37] : memref<1024x1024xf32, #tpu.memory_space<vmem>>, vector<1024x1024xf32>
    %dot_general3A = arith.constant dense<0.000000e+00> : vector<64x1024xf32>
    %dot_general3A_39 = tpu.matmul %concatenate3A, %get3A_38, %dot_general3A {dimension_numbers = #tpu.dot_dimension_numbers<[1], [0], [0], [1], [0, 0, 1, 1], [], []>, precision = #tpu.contract_precision<fp32>, transpose_lhs_hint = false} : vector<64x1024xf32>, vector<1024x1024xf32>, vector<64x1024xf32> -> vector<64x1024xf32>
    %get3A_40 = arith.constant 0 : index
    %get3A_41 = arith.constant 0 : index
    %get3A_42 = vector.load %arg7[%get3A_40, %get3A_41] : memref<1x1024xf32, #tpu.memory_space<vmem>>, vector<1x1024xf32>
    %add3A_43 = vector.broadcast %get3A_42 : vector<1x1024xf32> to vector<64x1024xf32>
    %add3A_44 = arith.addf %dot_general3A_39, %add3A_43 : vector<64x1024xf32>
    %max3A_45 = arith.constant 0.000000e+00 : f32
    %max3A_46 = vector.broadcast %max3A_45 : f32 to vector<64x1024xf32>
    %max3A_47 = arith.maximumf %add3A_44, %max3A_46 : vector<64x1024xf32>
    %get3A_48 = arith.constant 0 : index
    %get3A_49 = arith.constant 0 : index
    %get3A_50 = vector.load %arg8[%get3A_48, %get3A_49] : memref<1024x128xf32, #tpu.memory_space<vmem>>, vector<1024x128xf32>
    %dot_general3A_51 = arith.constant dense<0.000000e+00> : vector<64x128xf32>
    %dot_general3A_52 = tpu.matmul %max3A_47, %get3A_50, %dot_general3A_51 {dimension_numbers = #tpu.dot_dimension_numbers<[1], [0], [0], [1], [0, 0, 1, 1], [], []>, precision = #tpu.contract_precision<fp32>, transpose_lhs_hint = false} : vector<64x1024xf32>, vector<1024x128xf32>, vector<64x128xf32> -> vector<64x128xf32>
    %get3A_53 = arith.constant 0 : index
    %get3A_54 = arith.constant 0 : index
    %get3A_55 = vector.load %arg9[%get3A_53, %get3A_54] : memref<1x128xf32, #tpu.memory_space<vmem>>, vector<1x128xf32>
    %add3A_56 = vector.broadcast %get3A_55 : vector<1x128xf32> to vector<64x128xf32>
    %add3A_57 = arith.addf %dot_general3A_52, %add3A_56 : vector<64x128xf32>
    %max3A_58 = arith.constant 0.000000e+00 : f32
    %max3A_59 = vector.broadcast %max3A_58 : f32 to vector<64x128xf32>
    %max3A_60 = arith.maximumf %add3A_57, %max3A_59 : vector<64x128xf32>
    %get3A_61 = arith.constant 0 : index
    %get3A_62 = arith.constant 0 : index
    %get3A_63 = vector.load %arg10[%get3A_61, %get3A_62] : memref<1024x1024xf32, #tpu.memory_space<vmem>>, vector<1024x1024xf32>
    %dot_general3A_64 = arith.constant dense<0.000000e+00> : vector<64x1024xf32>
    %dot_general3A_65 = tpu.matmul %concatenate3A_35, %get3A_63, %dot_general3A_64 {dimension_numbers = #tpu.dot_dimension_numbers<[1], [0], [0], [1], [0, 0, 1, 1], [], []>, precision = #tpu.contract_precision<fp32>, transpose_lhs_hint = false} : vector<64x1024xf32>, vector<1024x1024xf32>, vector<64x1024xf32> -> vector<64x1024xf32>
    %get3A_66 = arith.constant 0 : index
    %get3A_67 = arith.constant 0 : index
    %get3A_68 = vector.load %arg11[%get3A_66, %get3A_67] : memref<1x1024xf32, #tpu.memory_space<vmem>>, vector<1x1024xf32>
    %add3A_69 = vector.broadcast %get3A_68 : vector<1x1024xf32> to vector<64x1024xf32>
    %add3A_70 = arith.addf %dot_general3A_65, %add3A_69 : vector<64x1024xf32>
    %max3A_71 = arith.constant 0.000000e+00 : f32
    %max3A_72 = vector.broadcast %max3A_71 : f32 to vector<64x1024xf32>
    %max3A_73 = arith.maximumf %add3A_70, %max3A_72 : vector<64x1024xf32>
    %get3A_74 = arith.constant 0 : index
    %get3A_75 = arith.constant 0 : index
    %get3A_76 = vector.load %arg12[%get3A_74, %get3A_75] : memref<1024x128xf32, #tpu.memory_space<vmem>>, vector<1024x128xf32>
    %dot_general3A_77 = arith.constant dense<0.000000e+00> : vector<64x128xf32>
    %dot_general3A_78 = tpu.matmul %max3A_73, %get3A_76, %dot_general3A_77 {dimension_numbers = #tpu.dot_dimension_numbers<[1], [0], [0], [1], [0, 0, 1, 1], [], []>, precision = #tpu.contract_precision<fp32>, transpose_lhs_hint = false} : vector<64x1024xf32>, vector<1024x128xf32>, vector<64x128xf32> -> vector<64x128xf32>
    %get3A_79 = arith.constant 0 : index
    %get3A_80 = arith.constant 0 : index
    %get3A_81 = vector.load %arg13[%get3A_79, %get3A_80] : memref<1x128xf32, #tpu.memory_space<vmem>>, vector<1x128xf32>
    %add3A_82 = vector.broadcast %get3A_81 : vector<1x128xf32> to vector<64x128xf32>
    %add3A_83 = arith.addf %dot_general3A_78, %add3A_82 : vector<64x128xf32>
    %max3A_84 = arith.constant 0.000000e+00 : f32
    %max3A_85 = vector.broadcast %max3A_84 : f32 to vector<64x128xf32>
    %max3A_86 = arith.maximumf %add3A_83, %max3A_85 : vector<64x128xf32>
    %concatenate3A_87 = tpu.concatenate %max3A_60, %max3A_86 in 1 : vector<64x128xf32>, vector<64x128xf32> -> vector<64x256xf32>
    %get3A_88 = arith.constant 0 : index
    %get3A_89 = arith.constant 0 : index
    %get3A_90 = vector.load %arg14[%get3A_88, %get3A_89] : memref<256x1024xf32, #tpu.memory_space<vmem>>, vector<256x1024xf32>
    %dot_general3A_91 = arith.constant dense<0.000000e+00> : vector<64x1024xf32>
    %dot_general3A_92 = tpu.matmul %concatenate3A_87, %get3A_90, %dot_general3A_91 {dimension_numbers = #tpu.dot_dimension_numbers<[1], [0], [0], [1], [0, 0, 1, 1], [], []>, precision = #tpu.contract_precision<fp32>, transpose_lhs_hint = false} : vector<64x256xf32>, vector<256x1024xf32>, vector<64x1024xf32> -> vector<64x1024xf32>
    %get3A_93 = arith.constant 0 : index
    %get3A_94 = arith.constant 0 : index
    %get3A_95 = vector.load %arg15[%get3A_93, %get3A_94] : memref<1x1024xf32, #tpu.memory_space<vmem>>, vector<1x1024xf32>
    %add3A_96 = vector.broadcast %get3A_95 : vector<1x1024xf32> to vector<64x1024xf32>
    %add3A_97 = arith.addf %dot_general3A_92, %add3A_96 : vector<64x1024xf32>
    %max3A_98 = arith.constant 0.000000e+00 : f32
    %max3A_99 = vector.broadcast %max3A_98 : f32 to vector<64x1024xf32>
    %max3A_100 = arith.maximumf %add3A_97, %max3A_99 : vector<64x1024xf32>
    %get3A_101 = arith.constant 0 : index
    %get3A_102 = arith.constant 0 : index
    %get3A_103 = vector.load %arg16[%get3A_101, %get3A_102] : memref<1024x512xf32, #tpu.memory_space<vmem>>, vector<1024x512xf32>
    %dot_general3A_104 = arith.constant dense<0.000000e+00> : vector<64x512xf32>
    %dot_general3A_105 = tpu.matmul %max3A_100, %get3A_103, %dot_general3A_104 {dimension_numbers = #tpu.dot_dimension_numbers<[1], [0], [0], [1], [0, 0, 1, 1], [], []>, precision = #tpu.contract_precision<fp32>, transpose_lhs_hint = false} : vector<64x1024xf32>, vector<1024x512xf32>, vector<64x512xf32> -> vector<64x512xf32>
    %get3A_106 = arith.constant 0 : index
    %get3A_107 = arith.constant 0 : index
    %get3A_108 = vector.load %arg17[%get3A_106, %get3A_107] : memref<1x512xf32, #tpu.memory_space<vmem>>, vector<1x512xf32>
    %add3A_109 = vector.broadcast %get3A_108 : vector<1x512xf32> to vector<64x512xf32>
    %add3A_110 = arith.addf %dot_general3A_105, %add3A_109 : vector<64x512xf32>
    %max3A_111 = arith.constant 0.000000e+00 : f32
    %max3A_112 = vector.broadcast %max3A_111 : f32 to vector<64x512xf32>
    %max3A_113 = arith.maximumf %add3A_110, %max3A_112 : vector<64x512xf32>
    %get3A_114 = arith.constant 0 : index
    %get3A_115 = arith.constant 0 : index
    %get3A_116 = vector.load %arg18[%get3A_114, %get3A_115] : memref<512x1xf32, #tpu.memory_space<vmem>>, vector<512x1xf32>
    %dot_general3A_117 = arith.constant dense<0.000000e+00> : vector<64x1xf32>
    %dot_general3A_118 = tpu.matmul %max3A_113, %get3A_116, %dot_general3A_117 {dimension_numbers = #tpu.dot_dimension_numbers<[1], [0], [0], [1], [0, 0, 1, 1], [], []>, precision = #tpu.contract_precision<fp32>, transpose_lhs_hint = false} : vector<64x512xf32>, vector<512x1xf32>, vector<64x1xf32> -> vector<64x1xf32>
    %get3A_119 = arith.constant 0 : index
    %get3A_120 = arith.constant 0 : index
    %get3A_121 = vector.load %arg19[%get3A_119, %get3A_120] : memref<1x1xf32, #tpu.memory_space<vmem>>, vector<1x1xf32>
    %add3A_122 = vector.broadcast %get3A_121 : vector<1x1xf32> to vector<64x1xf32>
    %add3A_123 = arith.addf %dot_general3A_118, %add3A_122 : vector<64x1xf32>
    %swap3A = arith.constant 0 : index
    %swap3A_124 = arith.constant 0 : index
    %swap3A_125 = vector.load %arg20[%swap3A, %swap3A_124] : memref<64x1xf32, #tpu.memory_space<vmem>>, vector<64x1xf32>
    tpu.vector_store %arg20[%swap3A, %swap3A_124], %add3A_123 {strides = array<i32>} : memref<64x1xf32, #tpu.memory_space<vmem>>, vector<64x1xf32>,
    return
  }
}

</mosaic_0001>

<sc_bundles>
// kernel: kernel.13.cloned.1.call-start
scs
__scs_entry_jumppad:
0x0: {  	(pc) =	sbr.rel $0x88, $3  }
0x1: {  	(tag) =	ssettag $0x0;
	lr =	simm.s32 $0x1  }
0x2: {  	[smem:$0x3F83] =	sst lr;
	_ =	strace $0xD0000000  }
0x3: {  	_ = 	snop  }
0x4: {  	_ = 	snop  }
0x5: {  	_ = 	snop  }
0x6: {  	_ = 	snop  }
0x7: {  	_ = 	snop  }
__scs_overlays_trampoline_lowered:
0x8: {  	[smem:$0x3F92] =	sst s0  }
0x9: {  	[smem:$0x3F93] =	sst s1  }
0xa: {  	[smem:$0x3F94] =	sst s2  }
0xb: {  	[smem:$0x3F95] =	sst s3  }
0xc: {  	[smem:$0x3F96] =	sst s4  }
0xd: {  	[smem:$0x3F97] =	sst s5  }
0xe: {  	[smem:$0x3F98] =	sst s6  }
0xf: {  	[smem:$0x3F99] =	sst s7  }
0x10: {  	[smem:$0x3F9A] =	sst s8  }
0x11: {  	[smem:$0x3F9B] =	sst s9;
	s0 =	simm.s32 @!p0 $0x0  }
0x12: {  	s1 =	sld [smem:$0x3F81];
	s0 =	simm.s32 @p0 $0x1  }
0x13: {  	[smem:$0x3F9C] =	sst s0;
	s0 =	simm.s32 @!p1 $0x0  }
0x14: {  	s2 =	sld [smem:$0x3F80];
	s0 =	simm.s32 @p1 $0x1  }
0x15: {  	[smem:$0x3F9D] =	sst s0;
	s0 =	simm.s32 @!p2 $0x0  }
0x16: {  	s3 =	sld [smem:$0x3FDB];
	s0 =	simm.s32 @p2 $0x1  }
0x17: {  	s4 =	simm.s32 $0x1BF5;
	[smem:$0x3F9F] =	sst s0  }
0x18: {  	s0 =	sld [smem:$0x3F82];
	_ =	swait.ge [sflag:s4], $0x0  }
0x19: {  	s7 =	sld [smem:$0x3F83]  }
0x1a: {  	s8 =	sadd.s32 $0xFFFFE003, lr  }
0x1b: {  	s9 =	sadd.s32 $0xFFFFFEF7, lr;
	s5 =	simm.s32 $0xFFFFFFFF;
	p2 =	slt.u32 s8, $0xFFFFF086  }
0x1c: {  	p1 =	slt.u32 s9, $0xF7A;
	s5 =	simm.s32 @!p2 $0x0  }
0x1d: {  	s5 =	simm.s32 @p1 $0x1;
	p0 =	seq.s32 s7, s2  }
0x1e: {  	s7 =	smul.u32 @!p0 $0xF7A, s2;
	p2 =	seq.s32 @!p0 s5, $0x0  }
0x1f: {  	s9 =	smul.u32 $0xF7A, s1;
	s8 =	simm.s32 @!p0 $0x1BF5;
	p2 =	por !p2, p0  }
0x20: {  	[sflag:s8] =	ssyncset.s32 @!p0 $0xFFFFF086;
	s6 =	sadd.s32 @!p0 s3, s7;
	s7 =	simm.s32 @!p0 $0x108  }
0x21: {  	s3 =	sadd.s32 s3, s9;
	s6 =	sadd.s32 @!p0 $0x88, s6;
	s7 =	simm.s32 @p2 $0x1082  }
0x22: {  	[simem:s7], [sflag:s8] =	dma.local @!p0 [hbm:s6], $0xF7A  }
0x23: {  	s9 =	sor.u32 $0xD0000000, s2;
	s6 =	simm.s32 $0x108;
	_ =	swait.ge @!p0 [sflag:s8], $0x0  }
0x24: {  	s3 =	sadd.s32 $0x88, s3;
	s6 =	simm.s32 @!p1 $0x1082;
	[sflag:s4] =	ssyncset.s32 $0xFFFFF086  }
0x25: {  	[simem:s6], [sflag:s4] =	dma.local [hbm:s3], $0xF7A  }
0x26: {  	[smem:$0x3F83] =	sst s1;
	(tag) =	ssettag s2;
	_ =	strace s9  }
0x27: {  	s1 =	sld [smem:$0x3F93]  }
0x28: {  	s2 =	sld [smem:$0x3F94]  }
0x29: {  	s4 =	sld [smem:$0x3F96]  }
0x2a: {  	p0 =	seq.s32 s5, $0x0;
	s5 =	sld [smem:$0x3F97]  }
0x2b: {  	s6 =	sld [smem:$0x3F98]  }
0x2c: {  	s7 =	sld [smem:$0x3F99]  }
0x2d: {  	s3 =	simm.s32 $0x108;
	s8 =	sld [smem:$0x3F9A]  }
0x2e: {  	s3 =	simm.s32 @!p0 $0x1082;
	s9 =	sld [smem:$0x3F9B]  }
0x2f: {  	lr =	sadd.s32 s0, s3;
	s0 =	sld [smem:$0x3F92]  }
0x30: {  	s3 =	sld [smem:$0x3F95]  }
0x31: {  	[smem:$0x3F9E] =	sst s10  }
0x32: {  	s10 =	sld [smem:$0x3F9C];
	_ =	sdelay $0x3  }
0x33: {  	p0 =	seq.s32 s10, $0x1;
	s10 =	sld [smem:$0x3F9E];
	_ =	sdelay $0x3  }
0x34: {  	[smem:$0x3F9E] =	sst s10  }
0x35: {  	s10 =	sld [smem:$0x3F9D];
	_ =	sdelay $0x3  }
0x36: {  	p1 =	seq.s32 s10, $0x1;
	s10 =	sld [smem:$0x3F9E];
	_ =	sdelay $0x3  }
0x37: {  	[smem:$0x3F9E] =	sst s10  }
0x38: {  	s10 =	sld [smem:$0x3F9F]  }
0x39: {  	_ = 	snop;
	(pc) =	sbr.ind lr, $3  }
0x3a: {  	_ = 	snop  }
0x3b: {  	_ = 	snop  }
0x3c: {  	p2 =	seq.s32 s10, $0x1;
	s10 =	sld [smem:$0x3F9E]  }
0x3d: {  	_ =	shalt  }
0x3e: {  	_ =	shalt  }
0x3f: {  	_ =	shalt  }
0x40: {  	_ =	shalt  }
0x41: {  	_ =	shalt  }
0x42: {  	_ =	shalt  }
0x43: {  	_ =	shalt  }
0x44: {  	_ =	shalt  }
0x45: {  	_ =	shalt  }
0x46: {  	_ =	shalt  }
0x47: {  	_ =	shalt  }
0x48: {  	_ =	shalt  }
0x49: {  	_ =	shalt  }
0x4a: {  	_ =	shalt  }
0x4b: {  	_ =	shalt  }
0x4c: {  	_ =	shalt  }
0x4d: {  	_ =	shalt  }
0x4e: {  	_ =	shalt  }
0x4f: {  	_ =	shalt  }
0x50: {  	_ =	shalt  }
0x51: {  	_ =	shalt  }
0x52: {  	_ =	shalt  }
0x53: {  	_ =	shalt  }
0x54: {  	_ =	shalt  }
0x55: {  	_ =	shalt  }
0x56: {  	_ =	shalt  }
0x57: {  	_ =	shalt  }
0x58: {  	_ =	shalt  }
0x59: {  	_ =	shalt  }
0x5a: {  	_ =	shalt  }
0x5b: {  	_ =	shalt  }
0x5c: {  	_ =	shalt  }
0x5d: {  	_ =	shalt  }
0x5e: {  	_ =	shalt  }
0x5f: {  	_ =	shalt  }
0x60: {  	_ =	shalt  }
0x61: {  	_ =	shalt  }
0x62: {  	_ =	shalt  }
0x63: {  	_ =	shalt  }
0x64: {  	_ =	shalt  }
0x65: {  	_ =	shalt  }
0x66: {  	_ =	shalt  }
0x67: {  	_ =	shalt  }
0x68: {  	_ =	shalt  }
0x69: {  	_ =	shalt  }
0x6a: {  	_ =	shalt  }
0x6b: {  	_ =	shalt  }
0x6c: {  	_ =	shalt  }
0x6d: {  	_ =	shalt  }
0x6e: {  	_ =	shalt  }
0x6f: {  	_ =	shalt  }
0x70: {  	_ =	shalt  }
0x71: {  	_ =	shalt  }
0x72: {  	_ =	shalt  }
0x73: {  	_ =	shalt  }
0x74: {  	_ =	shalt  }
0x75: {  	_ =	shalt  }
0x76: {  	_ =	shalt  }
0x77: {  	_ =	shalt  }
0x78: {  	_ =	shalt  }
0x79: {  	_ =	shalt  }
0x7a: {  	_ =	shalt  }
0x7b: {  	_ =	shalt  }
0x7c: {  	_ =	shalt  }
0x7d: {  	_ =	shalt  }
0x7e: {  	_ =	shalt  }
0x7f: {  	_ =	shalt  }
0x80: {  	_ =	shalt  }
0x81: {  	_ =	shalt  }
0x82: {  	_ =	shalt  }
0x83: {  	_ =	shalt  }
0x84: {  	_ =	shalt  }
0x85: {  	_ =	shalt  }
0x86: {  	_ =	shalt  }
0x87: {  	_ =	shalt  }
.Lfunc_end0:
.L_simem_size_0:
called_computation_lowered:
.L_overlay_start_0:
0x88: {  	s2 =	sld [smem:$0x3FD9]  }
0x89: {  	s3 =	sld [smem:$0x3FFE];
	_ =	sdelay $0x1  }
0x8a: {  	s1 =	srdreg.scid  }
0x8b: {  	s0 =	sand.u32 $0x1, s1  }
0x8c: {  	s16 =	sshll.u32 s0, $0xA;
	s2 =	sadd.s32 s3, s2  }
0x8d: {  	s2 =	sadd.s32 s2, s16  }
0x8e: {  	[smem:$0x3FAA] =	sst s2  }
0x8f: {  	_ = 	snop  }
0x90: {  	(tm) =	ssettm $0x1  }
0x91: {  	s17 =	sld [smem:$0x3FFB];
	_ =	sdelay $0x3  }
0x92: {  	_ =	strace s17  }
0x93: {  	s2 =	sld [smem:$0x3FFC];
	_ =	sdelay $0x3  }
0x94: {  	_ =	strace s2  }
0x95: {  	s2 =	sld [smem:$0x3FFD];
	_ =	sdelay $0x3  }
0x96: {  	_ =	strace s2  }
0x97: {  	_ =	strace $0x8FFFFFFF  }
0x98: {  	s18 =	sld [smem:$0x3FDB];
	_ =	sdelay $0x1  }
0x99: {  	s19 =	simm.s32 $_scs_section_size  }
0x9a: {  	s4 =	simm.s32 $_size__tile_overlayer_lowered;
	s5 =	simm.s32 $_tile_overlayer_lowered  }
0x9b: {  	s22 =	simm.s32 $0x1BFF;
	s21 =	sshll.u32 s5, $0x1;
	s2 =	sadd.s32 s19, s18  }
0x9c: {  	s6 =	simm.s32 $0x0;
	s20 =	sshll.u32 s4, $0x1;
	s4 =	sadd.s32 s21, s2  }
0x9d: {  	[timem:s6], [sflag:s22] =	dma.local [hbm:s4], s20  }
0x9e: {  	_ =	swait.ge [sflag:s22], s20  }
0x9f: {  	s3 =	ssub.s32 $0x0, s20;
	[sflag:s22] =	ssyncset.done $0x0  }
0xa0: {  	[sflag:s22] =	ssyncadd.s32 s3;
	_ =	sdelay $0x1  }
0xa1: {  	s23 =	simm.s32 $0x1B8B  }
0xa2: {  	_ =	swait.ge [sflag:s23], $0x1  }
0xa3: {  	[sflag:s23] =	ssyncset.done $0x0  }
0xa4: {  	s25 =	simm.s32 $0x1B8E;
	s24 =	sld [smem:$0x3FFE];
	[sflag:s23] =	ssyncadd.s32 $0xFFFFFFFF  }
0xa5: {  	s26 =	simm.s32 $execute0_lowered;
	[smem:$0x3FD2] =	sst s25  }
0xa6: {  	s4 =	sshll.u32 s26, $0x1;
	_ =	strace $0x80000046;
	[dreg:$0x1] =	wrdreg $0xFFFFFFFF  }
0xa7: {  	s28 =	simm.s32 $_size_execute0_lowered;
	s2 =	sadd.s32 s2, s4;
	[dreg:$0x0] =	wrdreg $0x0  }
0xa8: {  	s4 =	sshll.u32 s28, $0x1;
	[dreg:$0x2] =	wrdreg s2  }
0xa9: {  	[dreg:$0x3] =	wrdreg s4  }
0xaa: {  	[dreg:$0x4] =	wrdreg $0xC0  }
0xab: {  	_ =	task [dreg:s6], $0x5FFFF  }
0xac: {  	[dreg:$0x1] =	wrdreg $0xFFFFFFFF  }
0xad: {  	[dreg:$0x0] =	wrdreg $0x60  }
0xae: {  	[dreg:$0x2] =	wrdreg s24  }
0xaf: {  	[dreg:$0x3] =	wrdreg $0x4880  }
0xb0: {  	[dreg:$0x4] =	wrdreg $0x2000  }
0xb1: {  	[dreg:$0x5] =	wrdreg $0x9  }
0xb2: {  	_ =	task.clear_ibuf [dreg:s6], $0x6FFFF;
	_ =	strace $0x90000046  }
0xb3: {  	s29 =	simm.s32 $0x9;
	_ =	strace $0x80000048  }
0xb4: {  	_ =	swait.ge [sflag:s29], $0x1  }
0xb5: {  	[sflag:s29] =	ssyncadd.s32 $0xFFFFFFFF  }
0xb6: {  	_ =	strace $0x90000048  }
0xb7: {  	_ =	sfence  }
0xb8: {  	s30 =	sld [smem:$0x0];
	_ =	sdelay $0x2  }
0xb9: {  	s31 =	sshll.u32 s1, $0xD;
	s1 =	sshrl.u32 s1, $0x2  }
0xba: {  	s3 =	sand.u32 $0x4000, s31;
	s1 =	sadd.s32 s1, s30  }
0xbb: {  	s0 =	sor.u32 s3, s0;
	s1 =	sshll.u32 s1, $0x11  }
0xbc: {  	s0 =	sor.u32 s1, s0  }
0xbd: {  	s0 =	sadd.s32 $0x8F2B, s0  }
0xbe: {  	[sflag:s0] =	ssyncadd.remote.s32 $0x1  }
0xbf: {  	_ =	sfence.sel $0xFFFF  }
0xc0: {  	[dreg:$0x0] =	wrdreg $0xFFFFFFFF;
	(pc) =	sbr.abs _section_cstart, $3  }
0xc1: {  	[dreg:$0x1] =	wrdreg $0xFFFFFFFF  }
0xc2: {  	_ =	task.clear_ibuf [dreg:s6], $0x2FFFF;
	_ =	strace $0x9FFFFFFF  }
0xc3: {  	(tm) =	ssettm $0x7FFFFFFF  }
tec
execute0_lowered:
.L_overlay_start_1:
0x0: {  	(tag) =	ssettag $0x1  }
0x1: {  	s5 =	rddreg [dreg:$0x0]  }
0x2: {  	s1 =	rddreg [dreg:$0x1];
	s0 =	srdreg.scid  }
0x3: {  	s2 =	rddreg [dreg:$0x2];
	s12 =	stileid.u32  }
0x4: {  	s3 =	simm.s32 $0x0;
	s15 =	simm.s32 $0x708;
	s16 =	simm.s32 $0x80  }
0x5: {  	s17 =	simm.s32 $0x2F08;
	s18 =	simm.s32 $0x100;
	s19 =	simm.s32 $0x208  }
0x6: {  	s20 =	simm.s32 $0x0;
	s6 =	sand.u32 $0x1, s0;
	s0 =	rddreg [dreg:$0x3]  }
0x7: {  	s8 =	smul.u32 $0x280, s12;
	[smem:$0x7FF] =	sst s3;
	s31 =	sshll.u32 s12, $0x6  }
0x8: {  	p0 =	sne.s32 s12, $0x0;
	s7 =	sshll.u32 s6, $0x4;
	s9 =	smul.u32 $0x2800, s6  }
0x9: {  	_ =	strace $0x80000047;
	s6 =	ssub.s32 $0x2, s6;
	s4 =	sor.u32 s12, s7  }
0xa: {  	s13 =	sadd.s32 s7, s5;
	s30 =	sshrl.u32 s6, $0x1;
	s10 =	smul.u32 $0x500, s4  }
0xb: {  	s4 =	sshll.u32 s4, $0x6;
	s9 =	sadd.s32 s8, s9;
	s14 =	ssub.s32 s6, s30  }
0xc: {  	s6 =	sor.u32 $0x1C01, s31;
	s11 =	sadd.s32 s4, s5;
	s9 =	sshrl.u32 s9, $0x3  }
0xd: {  	s4 =	sadd.s32 $0x12A00, s5;
	s10 =	sadd.s32 s10, s5;
	s9 =	sadd.s32 s9, s5  }
0xe: {  	s5 =	sadd.s32 s8, s1;
	s8 =	sadd.s32 $0x12200, s11;
	s11 =	smax.u32 s14, $0x1  }
0xf: {  	s14 =	sshrl.u32 @!p0 s2, $0x3;
	s7 =	sadd.s32 $0x7C00, s10;
	s9 =	sadd.s32 $0x12C00, s9  }
0x10: {  	v0 =	vimm.f32 $1.000000000e+00;
	s10 =	sadd.s32 $0x13600, s13;
	s12 =	sshrl.u32 s5, $0x3;
	s13 =	simm.s32 $0x1  }
.LBB2_1:
0x11: {  	[tilespmem:$0x2F08] =	vst v0  }
0x12: {  	[tilespmem:$0x2F18] =	vst v0  }
0x13: {  	[tilespmem:$0x2F28] =	vst v0  }
0x14: {  	[tilespmem:$0x2F38] =	vst v0  }
0x15: {  	[tilespmem:$0x2F48] =	vst v0  }
0x16: {  	[tilespmem:$0x2F58] =	vst v0  }
0x17: {  	[tilespmem:$0x2F68] =	vst v0  }
0x18: {  	[tilespmem:$0x2F78] =	vst v0  }
0x19: {  	[spmem:s12], [sflag:s6] =	dma.local [hbm:s4], $0x50  }
0x1a: {  	_ =	swait.ge [sflag:s13], $0x50  }
0x1b: {  	[sflag:s13] =	ssyncset.done $0x0  }
0x1c: {  	s21 =	simm.s32 @!p0 $0x1;
	[sflag:s13] =	ssyncadd.s32 $0xFFFFFFB0  }
0x1d: {  	[spmem:s14], [sflag:s6] =	dma.local @!p0 [hbm:s4], $0x10  }
0x1e: {  	_ =	swait.ge @!p0 [sflag:s21], $0x10  }
0x1f: {  	[sflag:s21] =	ssyncset.done @!p0 $0x0  }
0x20: {  	[sflag:s21] =	ssyncadd.s32 @!p0 $0xFFFFFFF0  }
0x21: {  	[tilespmem:s15], [sflag:$0x1] =	stream.linear.gather [hbm4b:s7+s3], $0x2780, $0x38;
	[tilespmem:$0x2F88] =	vst v63  }
0x22: {  	_ =	swait.ge [sflag:s13], $0x2780  }
0x23: {  	[sflag:s13] =	ssyncset.done $0x0  }
0x24: {  	[sflag:s13] =	ssyncadd.s32 $0xFFFFD880  }
0x25: {  	[tilespmem:s3], [sflag:$0x1] =	stream.linear.gather [hbm4b:s8+s3], $0x180, $0x38;
	[tilespmem:$0x2F88] =	vst v63  }
0x26: {  	_ =	swait.ge [sflag:s13], $0x180  }
0x27: {  	[sflag:s13] =	ssyncset.done $0x0  }
0x28: {  	[sflag:s13] =	ssyncadd.s32 $0xFFFFFE80  }
0x29: {  	s31 =	simm.s32 $0x708;
	[bflag:$0x0] =	sbarrier.arrive $0xFFFF  }
0x2a: {  	[spmem:s1] =	stream.indirect.scatter.add.f32 [tilespmem:s17], [sflag:$0x1], $0x1, s31, s16, $0xb8;
	[tilespmem:$0x2F88] =	vst v63  }
0x2b: {  	s21 =	simm.s32 $0x200;
	_ =	swait.ge [sflag:s13], $0x80  }
.LBB2_2:
0x2c: {  	s22 =	sshra.s32 s21, $0x2;
	[sflag:s13] =	ssyncset.done $0x0;
	p1 =	sne.s32 s21, $0x9C00  }
.Ltmp0:
0x2d: {  	s22 =	sadd.s32 $0x708, s22;
	[sflag:s13] =	ssyncadd.s32 $0xFFFFFF80;
	(pc) =	sbr.rel @p1 .LBB2_2-.Ltmp0, $3  }
0x2e: {  	[spmem:s1] =	stream.indirect.scatter.add.f32 [tilespmem:s17], [sflag:$0x1], $0x1, s22, s16, $0xb8;
	[tilespmem:$0x2F88] =	vst v63  }
0x2f: {  	s21 =	sadd.s32 $0x200, s21;
	_ =	sdelay $0x1  }
0x30: {  	_ =	swait.ge [sflag:s13], $0x80  }
0x31: {  	[sflag:s13] =	ssyncset.done $0x0  }
0x32: {  	[sflag:s13] =	ssyncadd.s32 $0xFFFFFF80  }
0x33: {  	[spmem:s2] =	stream.indirect.scatter.add.f32 [tilespmem:s17], [sflag:$0x1], $0x1, s3, s16, $0xb8;
	[tilespmem:$0x2F88] =	vst v63  }
0x34: {  	_ =	swait.ge [sflag:s13], $0x80  }
0x35: {  	[sflag:s13] =	ssyncset.done $0x0  }
0x36: {  	[sflag:s13] =	ssyncadd.s32 $0xFFFFFF80  }
0x37: {  	[spmem:s2] =	stream.indirect.scatter.add.f32 [tilespmem:s17], [sflag:$0x1], $0x1, s16, s16, $0xb8;
	[tilespmem:$0x2F88] =	vst v63  }
0x38: {  	_ =	swait.ge [sflag:s13], $0x80  }
0x39: {  	[sflag:s13] =	ssyncset.done $0x0  }
0x3a: {  	[sflag:s13] =	ssyncadd.s32 $0xFFFFFF80  }
0x3b: {  	[spmem:s2] =	stream.indirect.scatter.add.f32 [tilespmem:s17], [sflag:$0x1], $0x1, s18, s16, $0xb8;
	[tilespmem:$0x2F88] =	vst v63  }
0x3c: {  	_ =	swait.ge [sflag:s13], $0x80  }
0x3d: {  	[sflag:s13] =	ssyncset.done $0x0  }
0x3e: {  	[sflag:s13] =	ssyncadd.s32 $0xFFFFFF80  }
0x3f: {  	[bflag:$0x0] =	sbarrier.arrive $0xFFFF  }
0x40: {  	[tilespmem:s19], [sflag:$0x1] =	stream.linear.gather [spmem:s5], $0x280, $0x38;
	[tilespmem:$0x2F88] =	vst v63  }
0x41: {  	_ =	swait.ge [sflag:s13], $0x280  }
0x42: {  	[sflag:s13] =	ssyncset.done $0x0  }
0x43: {  	[sflag:s13] =	ssyncadd.s32 $0xFFFFFD80  }
0x44: {  	[hbm4b:s9+s3] =	stream.linear.scatter [tilespmem:s19], [sflag:$0x1], $0x280, $0x38;
	[tilespmem:$0x2F88] =	vst v63  }
0x45: {  	_ =	swait.ge [sflag:s13], $0x280  }
0x46: {  	[sflag:s13] =	ssyncset.done $0x0  }
0x47: {  	s21 =	simm.s32 @!p0 $0x208;
	s22 =	simm.s32 @!p0 $0x1;
	[sflag:s13] =	ssyncadd.s32 $0xFFFFFD80  }
0x48: {  	[tilespmem:s21], [sflag:$0x1] =	stream.linear.gather @!p0 [spmem:s2], $0x80, $0x38;
	[tilespmem:$0x2F88] =	vst v63  }
0x49: {  	s20 =	sadd.s32 $0x1, s20;
	_ =	swait.ge @!p0 [sflag:s22], $0x80  }
0x4a: {  	p1 =	sne.s32 s20, s11;
	[sflag:s22] =	ssyncset.done @!p0 $0x0  }
.Ltmp1:
0x4b: {  	s23 =	simm.s32 @!p0 $0x0;
	[sflag:s22] =	ssyncadd.s32 @!p0 $0xFFFFFF80;
	(pc) =	sbr.rel @p1 .LBB2_1-.Ltmp1, $4  }
0x4c: {  	[hbm4b:s10+s23] =	stream.linear.scatter @!p0 [tilespmem:s21], [sflag:$0x1], $0x80, $0x38;
	[tilespmem:$0x2F88] =	vst v63  }
0x4d: {  	_ =	swait.ge @!p0 [sflag:s22], $0x80  }
0x4e: {  	[sflag:s22] =	ssyncset.done @!p0 $0x0  }
0x4f: {  	[sflag:s22] =	ssyncadd.s32 @!p0 $0xFFFFFF80  }
0x50: {  	_ =	sfence.sel $0x180000  }
0x51: {  	[bflag:$0x0] =	sbarrier.arrive $0xFFFF  }
0x52: {  	_ =	strace $0x90000047  }
0x53: {  	s0 =	sadd.s32 @!p0 $0x100000, s0;
	[bflag:$0x2] =	sbarrier.arrive $0xFFFF  }
0x54: {  	[sflag:s0] =	ssyncadd.tile.s32 @!p0 $0x1;
	_ =	shalt  }
.Lfunc_end2:
_tile_overlayer_lowered:
.L_overlay_start_2:
0x55: {  	(tag) =	ssettag $0x2  }
0x56: {  	s0 =	rddreg [dreg:$0x0];
	s2 =	stileid.u32  }
0x57: {  	s1 =	rddreg [dreg:$0x1];
	p0 =	sne.s32 s2, $0x0  }
0x58: {  	s3 =	rddreg [dreg:$0x2];
	[bflag:$0x3] =	sbarrier.arrive $0xFFFF;
	s2 =	simm.s32 @!p0 $0x1C01  }
0x59: {  	[timem:s3], [sflag:s2] =	dma.local @!p0 [hbm:s0], s1  }
0x5a: {  	s0 =	simm.s32 @!p0 $0x1  }
0x5b: {  	_ =	swait.ge @!p0 [sflag:s0], s1  }
0x5c: {  	s1 =	ssub.s32 @!p0 $0x0, s1;
	[sflag:s0] =	ssyncset.done @!p0 $0x0  }
0x5d: {  	[sflag:s0] =	ssyncadd.s32 @!p0 s1  }
0x5e: {  	[bflag:$0x3] =	sbarrier.arrive $0xFFFF  }
0x5f: {  	_ =	shalt  }

// kernel: kernel.16.cloned.1.call-start
scs
__scs_entry_jumppad:
0x0: {  	(pc) =	sbr.rel $0x88, $3  }
0x1: {  	(tag) =	ssettag $0x0;
	lr =	simm.s32 $0x1  }
0x2: {  	[smem:$0x3F83] =	sst lr;
	_ =	strace $0xD0000000  }
0x3: {  	_ = 	snop  }
0x4: {  	_ = 	snop  }
0x5: {  	_ = 	snop  }
0x6: {  	_ = 	snop  }
0x7: {  	_ = 	snop  }
__scs_overlays_trampoline_lowered:
0x8: {  	[smem:$0x3F92] =	sst s0  }
0x9: {  	[smem:$0x3F93] =	sst s1  }
0xa: {  	[smem:$0x3F94] =	sst s2  }
0xb: {  	[smem:$0x3F95] =	sst s3  }
0xc: {  	[smem:$0x3F96] =	sst s4  }
0xd: {  	[smem:$0x3F97] =	sst s5  }
0xe: {  	[smem:$0x3F98] =	sst s6  }
0xf: {  	[smem:$0x3F99] =	sst s7  }
0x10: {  	[smem:$0x3F9A] =	sst s8  }
0x11: {  	[smem:$0x3F9B] =	sst s9;
	s0 =	simm.s32 @!p0 $0x0  }
0x12: {  	s1 =	sld [smem:$0x3F81];
	s0 =	simm.s32 @p0 $0x1  }
0x13: {  	[smem:$0x3F9C] =	sst s0;
	s0 =	simm.s32 @!p1 $0x0  }
0x14: {  	s2 =	sld [smem:$0x3F80];
	s0 =	simm.s32 @p1 $0x1  }
0x15: {  	[smem:$0x3F9D] =	sst s0;
	s0 =	simm.s32 @!p2 $0x0  }
0x16: {  	s3 =	sld [smem:$0x3FDB];
	s0 =	simm.s32 @p2 $0x1  }
0x17: {  	s4 =	simm.s32 $0x1BF5;
	[smem:$0x3F9F] =	sst s0  }
0x18: {  	s0 =	sld [smem:$0x3F82];
	_ =	swait.ge [sflag:s4], $0x0  }
0x19: {  	s7 =	sld [smem:$0x3F83]  }
0x1a: {  	s8 =	sadd.s32 $0xFFFFE003, lr  }
0x1b: {  	s9 =	sadd.s32 $0xFFFFFEF7, lr;
	s5 =	simm.s32 $0xFFFFFFFF;
	p2 =	slt.u32 s8, $0xFFFFF086  }
0x1c: {  	p1 =	slt.u32 s9, $0xF7A;
	s5 =	simm.s32 @!p2 $0x0  }
0x1d: {  	s5 =	simm.s32 @p1 $0x1;
	p0 =	seq.s32 s7, s2  }
0x1e: {  	s7 =	smul.u32 @!p0 $0xF7A, s2;
	p2 =	seq.s32 @!p0 s5, $0x0  }
0x1f: {  	s9 =	smul.u32 $0xF7A, s1;
	s8 =	simm.s32 @!p0 $0x1BF5;
	p2 =	por !p2, p0  }
0x20: {  	[sflag:s8] =	ssyncset.s32 @!p0 $0xFFFFF086;
	s6 =	sadd.s32 @!p0 s3, s7;
	s7 =	simm.s32 @!p0 $0x108  }
0x21: {  	s3 =	sadd.s32 s3, s9;
	s6 =	sadd.s32 @!p0 $0x88, s6;
	s7 =	simm.s32 @p2 $0x1082  }
0x22: {  	[simem:s7], [sflag:s8] =	dma.local @!p0 [hbm:s6], $0xF7A  }
0x23: {  	s9 =	sor.u32 $0xD0000000, s2;
	s6 =	simm.s32 $0x108;
	_ =	swait.ge @!p0 [sflag:s8], $0x0  }
0x24: {  	s3 =	sadd.s32 $0x88, s3;
	s6 =	simm.s32 @!p1 $0x1082;
	[sflag:s4] =	ssyncset.s32 $0xFFFFF086  }
0x25: {  	[simem:s6], [sflag:s4] =	dma.local [hbm:s3], $0xF7A  }
0x26: {  	[smem:$0x3F83] =	sst s1;
	(tag) =	ssettag s2;
	_ =	strace s9  }
0x27: {  	s1 =	sld [smem:$0x3F93]  }
0x28: {  	s2 =	sld [smem:$0x3F94]  }
0x29: {  	s4 =	sld [smem:$0x3F96]  }
0x2a: {  	p0 =	seq.s32 s5, $0x0;
	s5 =	sld [smem:$0x3F97]  }
0x2b: {  	s6 =	sld [smem:$0x3F98]  }
0x2c: {  	s7 =	sld [smem:$0x3F99]  }
0x2d: {  	s3 =	simm.s32 $0x108;
	s8 =	sld [smem:$0x3F9A]  }
0x2e: {  	s3 =	simm.s32 @!p0 $0x1082;
	s9 =	sld [smem:$0x3F9B]  }
0x2f: {  	lr =	sadd.s32 s0, s3;
	s0 =	sld [smem:$0x3F92]  }
0x30: {  	s3 =	sld [smem:$0x3F95]  }
0x31: {  	[smem:$0x3F9E] =	sst s10  }
0x32: {  	s10 =	sld [smem:$0x3F9C];
	_ =	sdelay $0x3  }
0x33: {  	p0 =	seq.s32 s10, $0x1;
	s10 =	sld [smem:$0x3F9E];
	_ =	sdelay $0x3  }
0x34: {  	[smem:$0x3F9E] =	sst s10  }
0x35: {  	s10 =	sld [smem:$0x3F9D];
	_ =	sdelay $0x3  }
0x36: {  	p1 =	seq.s32 s10, $0x1;
	s10 =	sld [smem:$0x3F9E];
	_ =	sdelay $0x3  }
0x37: {  	[smem:$0x3F9E] =	sst s10  }
0x38: {  	s10 =	sld [smem:$0x3F9F]  }
0x39: {  	_ = 	snop;
	(pc) =	sbr.ind lr, $3  }
0x3a: {  	_ = 	snop  }
0x3b: {  	_ = 	snop  }
0x3c: {  	p2 =	seq.s32 s10, $0x1;
	s10 =	sld [smem:$0x3F9E]  }
0x3d: {  	_ =	shalt  }
0x3e: {  	_ =	shalt  }
0x3f: {  	_ =	shalt  }
0x40: {  	_ =	shalt  }
0x41: {  	_ =	shalt  }
0x42: {  	_ =	shalt  }
0x43: {  	_ =	shalt  }
0x44: {  	_ =	shalt  }
0x45: {  	_ =	shalt  }
0x46: {  	_ =	shalt  }
0x47: {  	_ =	shalt  }
0x48: {  	_ =	shalt  }
0x49: {  	_ =	shalt  }
0x4a: {  	_ =	shalt  }
0x4b: {  	_ =	shalt  }
0x4c: {  	_ =	shalt  }
0x4d: {  	_ =	shalt  }
0x4e: {  	_ =	shalt  }
0x4f: {  	_ =	shalt  }
0x50: {  	_ =	shalt  }
0x51: {  	_ =	shalt  }
0x52: {  	_ =	shalt  }
0x53: {  	_ =	shalt  }
0x54: {  	_ =	shalt  }
0x55: {  	_ =	shalt  }
0x56: {  	_ =	shalt  }
0x57: {  	_ =	shalt  }
0x58: {  	_ =	shalt  }
0x59: {  	_ =	shalt  }
0x5a: {  	_ =	shalt  }
0x5b: {  	_ =	shalt  }
0x5c: {  	_ =	shalt  }
0x5d: {  	_ =	shalt  }
0x5e: {  	_ =	shalt  }
0x5f: {  	_ =	shalt  }
0x60: {  	_ =	shalt  }
0x61: {  	_ =	shalt  }
0x62: {  	_ =	shalt  }
0x63: {  	_ =	shalt  }
0x64: {  	_ =	shalt  }
0x65: {  	_ =	shalt  }
0x66: {  	_ =	shalt  }
0x67: {  	_ =	shalt  }
0x68: {  	_ =	shalt  }
0x69: {  	_ =	shalt  }
0x6a: {  	_ =	shalt  }
0x6b: {  	_ =	shalt  }
0x6c: {  	_ =	shalt  }
0x6d: {  	_ =	shalt  }
0x6e: {  	_ =	shalt  }
0x6f: {  	_ =	shalt  }
0x70: {  	_ =	shalt  }
0x71: {  	_ =	shalt  }
0x72: {  	_ =	shalt  }
0x73: {  	_ =	shalt  }
0x74: {  	_ =	shalt  }
0x75: {  	_ =	shalt  }
0x76: {  	_ =	shalt  }
0x77: {  	_ =	shalt  }
0x78: {  	_ =	shalt  }
0x79: {  	_ =	shalt  }
0x7a: {  	_ =	shalt  }
0x7b: {  	_ =	shalt  }
0x7c: {  	_ =	shalt  }
0x7d: {  	_ =	shalt  }
0x7e: {  	_ =	shalt  }
0x7f: {  	_ =	shalt  }
0x80: {  	_ =	shalt  }
0x81: {  	_ =	shalt  }
0x82: {  	_ =	shalt  }
0x83: {  	_ =	shalt  }
0x84: {  	_ =	shalt  }
0x85: {  	_ =	shalt  }
0x86: {  	_ =	shalt  }
0x87: {  	_ =	shalt  }
.Lfunc_end0:
.L_simem_size_0:
called_computation.1_lowered:
.L_overlay_start_0:
0x88: {  	s2 =	sld [smem:$0x3FD9]  }
0x89: {  	s3 =	sld [smem:$0x3FFE];
	_ =	sdelay $0x1  }
0x8a: {  	s1 =	srdreg.scid  }
0x8b: {  	s0 =	sand.u32 $0x1, s1  }
0x8c: {  	s16 =	sshll.u32 s0, $0xA;
	s2 =	sadd.s32 s3, s2  }
0x8d: {  	s2 =	sadd.s32 s2, s16  }
0x8e: {  	[smem:$0x3FAA] =	sst s2  }
0x8f: {  	_ = 	snop  }
0x90: {  	(tm) =	ssettm $0x1  }
0x91: {  	s17 =	sld [smem:$0x3FFB];
	_ =	sdelay $0x3  }
0x92: {  	_ =	strace s17  }
0x93: {  	s2 =	sld [smem:$0x3FFC];
	_ =	sdelay $0x3  }
0x94: {  	_ =	strace s2  }
0x95: {  	s2 =	sld [smem:$0x3FFD];
	_ =	sdelay $0x3  }
0x96: {  	_ =	strace s2  }
0x97: {  	_ =	strace $0x8FFFFFFF  }
0x98: {  	s18 =	sld [smem:$0x3FDB];
	_ =	sdelay $0x1  }
0x99: {  	s19 =	simm.s32 $_scs_section_size  }
0x9a: {  	s4 =	simm.s32 $_size__tile_overlayer_lowered;
	s5 =	simm.s32 $_tile_overlayer_lowered  }
0x9b: {  	s22 =	simm.s32 $0x1BFF;
	s21 =	sshll.u32 s5, $0x1;
	s2 =	sadd.s32 s19, s18  }
0x9c: {  	s6 =	simm.s32 $0x0;
	s20 =	sshll.u32 s4, $0x1;
	s4 =	sadd.s32 s21, s2  }
0x9d: {  	[timem:s6], [sflag:s22] =	dma.local [hbm:s4], s20  }
0x9e: {  	_ =	swait.ge [sflag:s22], s20  }
0x9f: {  	s3 =	ssub.s32 $0x0, s20;
	[sflag:s22] =	ssyncset.done $0x0  }
0xa0: {  	[sflag:s22] =	ssyncadd.s32 s3;
	_ =	sdelay $0x1  }
0xa1: {  	s23 =	simm.s32 $0x1B8B  }
0xa2: {  	_ =	swait.ge [sflag:s23], $0x1  }
0xa3: {  	[sflag:s23] =	ssyncset.done $0x0  }
0xa4: {  	s25 =	simm.s32 $0x1B8E;
	s24 =	sld [smem:$0x3FFE];
	[sflag:s23] =	ssyncadd.s32 $0xFFFFFFFF  }
0xa5: {  	s26 =	simm.s32 $execute0_lowered;
	[smem:$0x3FD2] =	sst s25  }
0xa6: {  	s4 =	sshll.u32 s26, $0x1;
	_ =	strace $0x80000049;
	[dreg:$0x1] =	wrdreg $0xFFFFFFFF  }
0xa7: {  	s28 =	simm.s32 $_size_execute0_lowered;
	s2 =	sadd.s32 s2, s4;
	[dreg:$0x0] =	wrdreg $0x0  }
0xa8: {  	s4 =	sshll.u32 s28, $0x1;
	[dreg:$0x2] =	wrdreg s2  }
0xa9: {  	[dreg:$0x3] =	wrdreg s4  }
0xaa: {  	[dreg:$0x4] =	wrdreg $0xC0  }
0xab: {  	_ =	task [dreg:s6], $0x5FFFF  }
0xac: {  	[dreg:$0x1] =	wrdreg $0xFFFFFFFF  }
0xad: {  	[dreg:$0x0] =	wrdreg $0x60  }
0xae: {  	[dreg:$0x2] =	wrdreg s24  }
0xaf: {  	[dreg:$0x3] =	wrdreg $0x0  }
0xb0: {  	[dreg:$0x4] =	wrdreg $0x9  }
0xb1: {  	_ =	task.clear_ibuf [dreg:s6], $0x5FFFF;
	_ =	strace $0x90000049  }
0xb2: {  	s29 =	simm.s32 $0x9;
	_ =	strace $0x8000004B  }
0xb3: {  	_ =	swait.ge [sflag:s29], $0x1  }
0xb4: {  	[sflag:s29] =	ssyncadd.s32 $0xFFFFFFFF  }
0xb5: {  	_ =	strace $0x9000004B  }
0xb6: {  	_ =	sfence  }
0xb7: {  	s30 =	sld [smem:$0x0];
	_ =	sdelay $0x2  }
0xb8: {  	s31 =	sshll.u32 s1, $0xD;
	s1 =	sshrl.u32 s1, $0x2  }
0xb9: {  	s3 =	sand.u32 $0x4000, s31;
	s1 =	sadd.s32 s1, s30  }
0xba: {  	s0 =	sor.u32 s3, s0;
	s1 =	sshll.u32 s1, $0x11  }
0xbb: {  	s0 =	sor.u32 s1, s0  }
0xbc: {  	s0 =	sadd.s32 $0x8F2B, s0  }
0xbd: {  	[sflag:s0] =	ssyncadd.remote.s32 $0x1  }
0xbe: {  	_ =	sfence.sel $0xFFFF  }
0xbf: {  	[dreg:$0x0] =	wrdreg $0xFFFFFFFF;
	(pc) =	sbr.abs _section_cstart, $3  }
0xc0: {  	[dreg:$0x1] =	wrdreg $0xFFFFFFFF  }
0xc1: {  	_ =	task.clear_ibuf [dreg:s6], $0x2FFFF;
	_ =	strace $0x9FFFFFFF  }
0xc2: {  	(tm) =	ssettm $0x7FFFFFFF  }
0xc3: {  	_ =	shalt  }
tec
execute0_lowered:
.L_overlay_start_1:
0x0: {  	(tag) =	ssettag $0x1  }
0x1: {  	s6 =	rddreg [dreg:$0x0];
	s1 =	srdreg.scid  }
0x2: {  	s0 =	stileid.u32;
	s2 =	rddreg [dreg:$0x1]  }
0x3: {  	s3 =	simm.s32 $0x0;
	s28 =	simm.s32 $0x16800;
	s29 =	simm.s32 $0x0  }
0x4: {  	s7 =	sand.u32 $0x1, s1;
	s5 =	smul.u32 $0x280, s0;
	[smem:$0x7FF] =	sst s3  }
0x5: {  	s4 =	sadd.s32 $0x4F800, s6;
	s11 =	sadd.s32 $0x13800, s6;
	s9 =	smul.u32 $0x50000, s0  }
0x6: {  	s10 =	sadd.s32 $0x7C00, s6;
	s22 =	sadd.s32 $0x27800, s6;
	s25 =	smul.u32 $0x500, s0  }
0x7: {  	s30 =	sor.u32 $0x10, s0;
	s13 =	sshll.u32 s0, $0x6;
	s8 =	smul.u32 $0x2800, s7  }
0x8: {  	_ =	strace $0x8000004A;
	[dreg:$0x3] =	wrdreg s22;
	s23 =	ssub.s32 $0x2, s7  }
0x9: {  	s7 =	sshll.u32 s7, $0x5;
	s14 =	smul.u32 $0x500, s30;
	s24 =	sshrl.u32 s23, $0x1  }
0xa: {  	s26 =	sor.u32 s0, s7;
	s9 =	sshrl.u32 s9, $0x2;
	s15 =	sor.u32 s30, s7  }
0xb: {  	s7 =	sor.u32 $0x1C01, s13;
	s5 =	sadd.s32 s5, s8;
	s12 =	smul.u32 $0x500, s26  }
0xc: {  	s21 =	ssub.s32 s23, s24;
	s31 =	smul.u32 $0x500, s15;
	s23 =	simm.s32 $0x1  }
0xd: {  	s24 =	simm.s32 $0x14000;
	s26 =	simm.s32 $0x80;
	s8 =	sshll.u32 s5, $0x4  }
0xe: {  	s21 =	smax.u32 s21, $0x1;
	s20 =	sadd.s32 s8, s6;
	s6 =	sadd.s32 s9, s2  }
0xf: {  	s8 =	sadd.s32 s10, s25;
	s9 =	sadd.s32 s11, s12;
	s10 =	sadd.s32 s10, s14  }
0x10: {  	s11 =	sadd.s32 s11, s31;
	s25 =	simm.s32 $0x1A800;
	s12 =	sadd.s32 $0x9F800, s20  }
0x11: {  	s13 =	sadd.s32 $0x4000, s6;
	s14 =	sadd.s32 $0xA0000, s20;
	s15 =	sadd.s32 $0x8000, s6  }
0x12: {  	s16 =	sadd.s32 $0xA0800, s20;
	s17 =	sadd.s32 $0xC000, s6;
	s18 =	sadd.s32 $0xA1000, s20  }
0x13: {  	s19 =	sadd.s32 $0x10000, s6;
	s20 =	sadd.s32 $0xA1800, s20;
	s22 =	sshrl.u32 s6, $0x3  }
.LBB2_1:
0x14: {  	s0 =	rddreg [dreg:$0x3]  }
0x15: {  	[spmem:s22], [sflag:s7] =	dma.local [hbm:s0], $0x2800  }
0x16: {  	_ =	swait.ge [sflag:s23], $0x2800  }
0x17: {  	[sflag:s23] =	ssyncset.done $0x0  }
0x18: {  	[sflag:s23] =	ssyncadd.s32 $0xFFFFD800  }
0x19: {  	[bflag:$0x0] =	sbarrier.arrive $0xFFFF  }
0x1a: {  	[tilespmem:s24], [sflag:$0x1] =	stream.linear.gather [hbm4b:s8+s3], $0x2780, $0x38;
	[tilespmem:$0x1D000] =	vst v63  }
0x1b: {  	_ =	swait.ge [sflag:s23], $0x2780  }
0x1c: {  	[sflag:s23] =	ssyncset.done $0x0  }
0x1d: {  	[sflag:s23] =	ssyncadd.s32 $0xFFFFD880  }
0x1e: {  	[tilespmem:s25], [sflag:$0x1] =	stream.linear.gather [hbm4b:s9+s3], $0x2780, $0x38;
	[tilespmem:$0x1D000] =	vst v63  }
0x1f: {  	_ =	swait.ge [sflag:s23], $0x2780  }
0x20: {  	[sflag:s23] =	ssyncset.done $0x0  }
0x21: {  	s30 =	simm.s32 $0x1A800;
	[sflag:s23] =	ssyncadd.s32 $0xFFFFD880  }
0x22: {  	[tilespmem:s28], [sflag:$0x1] =	stream.indirect.gather [hbm4b:s4+s26], $0x80, s30, s26, $0xb8;
	[tilespmem:$0x1D000] =	vst v63  }
0x23: {  	_ =	swait.ge [sflag:s23], $0x4000  }
0x24: {  	[sflag:s23] =	ssyncset.done $0x0  }
0x25: {  	s30 =	simm.s32 $0x14000;
	[sflag:s23] =	ssyncadd.s32 $0xFFFFC000  }
0x26: {  	[spmem:s2] =	stream.indirect.scatter.add.f32 [tilespmem:s28], [sflag:$0x1], $0x80, s30, s26, $0xb8;
	[tilespmem:$0x1D000] =	vst v63  }
0x27: {  	_ =	swait.ge [sflag:s23], $0x4000  }
0x28: {  	s31 =	simm.s32 $0x400;
	s30 =	simm.s32 $0x80;
	[sflag:s23] =	ssyncset.done $0x0  }
.LBB2_2:
0x29: {  	s1 =	sadd.s32 $0x1A800, s30  }
0x2a: {  	[sflag:s23] =	ssyncadd.s32 $0xFFFFC000;
	s0 =	smov.u32 s31;
	s5 =	sadd.s32 $0x200, s31  }
0x2b: {  	[tilespmem:s28], [sflag:$0x1] =	stream.indirect.gather [hbm4b:s4+s26], $0x80, s1, s26, $0xb8;
	[tilespmem:$0x1D000] =	vst v63  }
0x2c: {  	p0 =	sne.s32 s31, $0x9C00;
	_ =	swait.ge [sflag:s23], $0x4000  }
.Ltmp0:
0x2d: {  	[sflag:s23] =	ssyncset.done $0x0;
	(pc) =	sbr.rel @p0 .LBB2_2-.Ltmp0, $4  }
0x2e: {  	s1 =	sadd.s32 $0x14000, s30;
	[sflag:s23] =	ssyncadd.s32 $0xFFFFC000  }
0x2f: {  	[spmem:s2] =	stream.indirect.scatter.add.f32 [tilespmem:s28], [sflag:$0x1], $0x80, s1, s26, $0xb8;
	[tilespmem:$0x1D000] =	vst v63  }
0x30: {  	_ =	swait.ge [sflag:s23], $0x4000  }
0x31: {  	s30 =	sshra.s32 s0, $0x2;
	s31 =	smov.u32 s5;
	[sflag:s23] =	ssyncset.done $0x0  }
0x32: {  	s0 =	sadd.s32 $0x1A800, s30;
	[sflag:s23] =	ssyncadd.s32 $0xFFFFC000  }
0x33: {  	[tilespmem:s28], [sflag:$0x1] =	stream.indirect.gather [hbm4b:s4+s26], $0x80, s0, s26, $0xb8;
	[tilespmem:$0x1D000] =	vst v63  }
0x34: {  	_ =	swait.ge [sflag:s23], $0x4000  }
0x35: {  	[sflag:s23] =	ssyncset.done $0x0  }
0x36: {  	s1 =	sadd.s32 $0x14000, s30;
	[sflag:s23] =	ssyncadd.s32 $0xFFFFC000  }
0x37: {  	[spmem:s2] =	stream.indirect.scatter.add.f32 [tilespmem:s28], [sflag:$0x1], $0x80, s1, s26, $0xb8;
	[tilespmem:$0x1D000] =	vst v63  }
0x38: {  	_ =	swait.ge [sflag:s23], $0x4000  }
0x39: {  	[sflag:s23] =	ssyncset.done $0x0  }
0x3a: {  	s5 =	simm.s32 $0x0;
	[sflag:s23] =	ssyncadd.s32 $0xFFFFC000  }
0x3b: {  	[tilespmem:s24], [sflag:$0x1] =	stream.linear.gather [hbm4b:s10+s5], $0x2780, $0x38;
	[tilespmem:$0x1D000] =	vst v63  }
0x3c: {  	_ =	swait.ge [sflag:s23], $0x2780  }
0x3d: {  	[sflag:s23] =	ssyncset.done $0x0  }
0x3e: {  	[sflag:s23] =	ssyncadd.s32 $0xFFFFD880  }
0x3f: {  	[tilespmem:s25], [sflag:$0x1] =	stream.linear.gather [hbm4b:s11+s5], $0x2780, $0x38;
	[tilespmem:$0x1D000] =	vst v63  }
0x40: {  	_ =	swait.ge [sflag:s23], $0x2780  }
0x41: {  	[sflag:s23] =	ssyncset.done $0x0  }
0x42: {  	s1 =	simm.s32 $0x1A800;
	[sflag:s23] =	ssyncadd.s32 $0xFFFFD880  }
0x43: {  	[tilespmem:s28], [sflag:$0x1] =	stream.indirect.gather [hbm4b:s4+s26], $0x80, s1, s26, $0xb8;
	[tilespmem:$0x1D000] =	vst v63  }
0x44: {  	_ =	swait.ge [sflag:s23], $0x4000  }
0x45: {  	[sflag:s23] =	ssyncset.done $0x0  }
0x46: {  	s5 =	simm.s32 $0x14000;
	[sflag:s23] =	ssyncadd.s32 $0xFFFFC000  }
0x47: {  	[spmem:s2] =	stream.indirect.scatter.add.f32 [tilespmem:s28], [sflag:$0x1], $0x80, s5, s26, $0xb8;
	[tilespmem:$0x1D000] =	vst v63  }
0x48: {  	_ =	swait.ge [sflag:s23], $0x4000  }
0x49: {  	s31 =	simm.s32 $0x400;
	s30 =	simm.s32 $0x80;
	[sflag:s23] =	ssyncset.done $0x0  }
.LBB2_4:
0x4a: {  	s0 =	sadd.s32 $0x1A800, s30  }
0x4b: {  	[sflag:s23] =	ssyncadd.s32 $0xFFFFC000;
	s1 =	smov.u32 s31;
	s5 =	sadd.s32 $0x200, s31  }
0x4c: {  	[tilespmem:s28], [sflag:$0x1] =	stream.indirect.gather [hbm4b:s4+s26], $0x80, s0, s26, $0xb8;
	[tilespmem:$0x1D000] =	vst v63  }
0x4d: {  	p0 =	sne.s32 s31, $0x9C00;
	_ =	swait.ge [sflag:s23], $0x4000  }
.Ltmp1:
0x4e: {  	[sflag:s23] =	ssyncset.done $0x0;
	(pc) =	sbr.rel @p0 .LBB2_4-.Ltmp1, $4  }
0x4f: {  	s0 =	sadd.s32 $0x14000, s30;
	[sflag:s23] =	ssyncadd.s32 $0xFFFFC000  }
0x50: {  	[spmem:s2] =	stream.indirect.scatter.add.f32 [tilespmem:s28], [sflag:$0x1], $0x80, s0, s26, $0xb8;
	[tilespmem:$0x1D000] =	vst v63  }
0x51: {  	_ =	swait.ge [sflag:s23], $0x4000  }
0x52: {  	s30 =	sshra.s32 s1, $0x2;
	s31 =	smov.u32 s5;
	[sflag:s23] =	ssyncset.done $0x0  }
0x53: {  	s0 =	sadd.s32 $0x1A800, s30;
	[sflag:s23] =	ssyncadd.s32 $0xFFFFC000  }
0x54: {  	[tilespmem:s28], [sflag:$0x1] =	stream.indirect.gather [hbm4b:s4+s26], $0x80, s0, s26, $0xb8;
	[tilespmem:$0x1D000] =	vst v63  }
0x55: {  	_ =	swait.ge [sflag:s23], $0x4000  }
0x56: {  	[sflag:s23] =	ssyncset.done $0x0  }
0x57: {  	s31 =	sadd.s32 $0x14000, s30;
	[sflag:s23] =	ssyncadd.s32 $0xFFFFC000  }
0x58: {  	[spmem:s2] =	stream.indirect.scatter.add.f32 [tilespmem:s28], [sflag:$0x1], $0x80, s31, s26, $0xb8;
	[tilespmem:$0x1D000] =	vst v63  }
0x59: {  	_ =	swait.ge [sflag:s23], $0x4000  }
0x5a: {  	[sflag:s23] =	ssyncset.done $0x0  }
0x5b: {  	[sflag:s23] =	ssyncadd.s32 $0xFFFFC000  }
0x5c: {  	[bflag:$0x0] =	sbarrier.arrive $0xFFFF  }
0x5d: {  	[tilespmem:s28], [sflag:$0x1] =	stream.linear.gather [spmem:s6], $0x4000, $0x38;
	[tilespmem:$0x1D000] =	vst v63  }
0x5e: {  	_ =	swait.ge [sflag:s23], $0x4000  }
0x5f: {  	[sflag:s23] =	ssyncset.done $0x0  }
0x60: {  	[sflag:s23] =	ssyncadd.s32 $0xFFFFC000  }
0x61: {  	[hbm4b:s12+s3] =	stream.linear.scatter [tilespmem:s28], [sflag:$0x1], $0x4000, $0x38;
	[tilespmem:$0x1D000] =	vst v63  }
0x62: {  	_ =	swait.ge [sflag:s23], $0x4000  }
0x63: {  	[sflag:s23] =	ssyncset.done $0x0  }
0x64: {  	[sflag:s23] =	ssyncadd.s32 $0xFFFFC000  }
0x65: {  	[tilespmem:s28], [sflag:$0x1] =	stream.linear.gather [spmem:s13], $0x4000, $0x38;
	[tilespmem:$0x1D000] =	vst v63  }
0x66: {  	_ =	swait.ge [sflag:s23], $0x4000  }
0x67: {  	[sflag:s23] =	ssyncset.done $0x0  }
0x68: {  	[sflag:s23] =	ssyncadd.s32 $0xFFFFC000  }
0x69: {  	[hbm4b:s14+s3] =	stream.linear.scatter [tilespmem:s28], [sflag:$0x1], $0x4000, $0x38;
	[tilespmem:$0x1D000] =	vst v63  }
0x6a: {  	_ =	swait.ge [sflag:s23], $0x4000  }
0x6b: {  	[sflag:s23] =	ssyncset.done $0x0  }
0x6c: {  	[sflag:s23] =	ssyncadd.s32 $0xFFFFC000  }
0x6d: {  	[tilespmem:s28], [sflag:$0x1] =	stream.linear.gather [spmem:s15], $0x4000, $0x38;
	[tilespmem:$0x1D000] =	vst v63  }
0x6e: {  	_ =	swait.ge [sflag:s23], $0x4000  }
0x6f: {  	[sflag:s23] =	ssyncset.done $0x0  }
0x70: {  	[sflag:s23] =	ssyncadd.s32 $0xFFFFC000  }
0x71: {  	[hbm4b:s16+s3] =	stream.linear.scatter [tilespmem:s28], [sflag:$0x1], $0x4000, $0x38;
	[tilespmem:$0x1D000] =	vst v63  }
0x72: {  	_ =	swait.ge [sflag:s23], $0x4000  }
0x73: {  	[sflag:s23] =	ssyncset.done $0x0  }
0x74: {  	[sflag:s23] =	ssyncadd.s32 $0xFFFFC000  }
0x75: {  	[tilespmem:s28], [sflag:$0x1] =	stream.linear.gather [spmem:s17], $0x4000, $0x38;
	[tilespmem:$0x1D000] =	vst v63  }
0x76: {  	_ =	swait.ge [sflag:s23], $0x4000  }
0x77: {  	[sflag:s23] =	ssyncset.done $0x0  }
0x78: {  	[sflag:s23] =	ssyncadd.s32 $0xFFFFC000  }
0x79: {  	[hbm4b:s18+s3] =	stream.linear.scatter [tilespmem:s28], [sflag:$0x1], $0x4000, $0x38;
	[tilespmem:$0x1D000] =	vst v63  }
0x7a: {  	_ =	swait.ge [sflag:s23], $0x4000  }
0x7b: {  	[sflag:s23] =	ssyncset.done $0x0  }
0x7c: {  	[sflag:s23] =	ssyncadd.s32 $0xFFFFC000  }
0x7d: {  	[tilespmem:s28], [sflag:$0x1] =	stream.linear.gather [spmem:s19], $0x4000, $0x38;
	[tilespmem:$0x1D000] =	vst v63  }
0x7e: {  	s29 =	sadd.s32 $0x1, s29;
	_ =	swait.ge [sflag:s23], $0x4000  }
0x7f: {  	p0 =	sne.s32 s29, s21;
	[sflag:s23] =	ssyncset.done $0x0  }
.Ltmp2:
0x80: {  	[sflag:s23] =	ssyncadd.s32 $0xFFFFC000;
	(pc) =	sbr.rel @p0 .LBB2_1-.Ltmp2, $4  }
0x81: {  	[hbm4b:s20+s3] =	stream.linear.scatter [tilespmem:s28], [sflag:$0x1], $0x4000, $0x38;
	[tilespmem:$0x1D000] =	vst v63  }
0x82: {  	_ =	swait.ge [sflag:s23], $0x4000  }
0x83: {  	[sflag:s23] =	ssyncset.done $0x0  }
0x84: {  	[sflag:s23] =	ssyncadd.s32 $0xFFFFC000  }
0x85: {  	_ =	sfence.sel $0x180000  }
0x86: {  	[bflag:$0x0] =	sbarrier.arrive $0xFFFF  }
0x87: {  	_ =	strace $0x9000004A  }
0x88: {  	s0 =	stileid.u32;
	[bflag:$0x2] =	sbarrier.arrive $0xFFFF  }
0x89: {  	p0 =	sne.s32 s0, $0x0;
	s0 =	rddreg [dreg:$0x2]  }
0x8a: {  	s0 =	sadd.s32 @!p0 $0x100000, s0  }
0x8b: {  	[sflag:s0] =	ssyncadd.tile.s32 @!p0 $0x1;
	_ =	shalt  }
.Lfunc_end2:
_tile_overlayer_lowered:
.L_overlay_start_2:
0x8c: {  	(tag) =	ssettag $0x2  }
0x8d: {  	s0 =	rddreg [dreg:$0x0];
	s2 =	stileid.u32  }
0x8e: {  	s1 =	rddreg [dreg:$0x1];
	p0 =	sne.s32 s2, $0x0  }
0x8f: {  	s3 =	rddreg [dreg:$0x2];
	[bflag:$0x3] =	sbarrier.arrive $0xFFFF;
	s2 =	simm.s32 @!p0 $0x1C01  }
0x90: {  	[timem:s3], [sflag:s2] =	dma.local @!p0 [hbm:s0], s1  }
0x91: {  	s0 =	simm.s32 @!p0 $0x1  }
0x92: {  	_ =	swait.ge @!p0 [sflag:s0], s1  }
0x93: {  	s1 =	ssub.s32 @!p0 $0x0, s1;
	[sflag:s0] =	ssyncset.done @!p0 $0x0  }
0x94: {  	[sflag:s0] =	ssyncadd.s32 @!p0 s1  }
0x95: {  	[bflag:$0x3] =	sbarrier.arrive $0xFFFF  }
0x96: {  	_ =	shalt  }

// kernel: kernel.19.cloned.1.call-start
scs
__scs_entry_jumppad:
0x0: {  	(pc) =	sbr.rel $0x88, $3  }
0x1: {  	(tag) =	ssettag $0x0;
	lr =	simm.s32 $0x1  }
0x2: {  	[smem:$0x3F83] =	sst lr;
	_ =	strace $0xD0000000  }
0x3: {  	_ = 	snop  }
0x4: {  	_ = 	snop  }
0x5: {  	_ = 	snop  }
0x6: {  	_ = 	snop  }
0x7: {  	_ = 	snop  }
__scs_overlays_trampoline_lowered:
0x8: {  	[smem:$0x3F92] =	sst s0  }
0x9: {  	[smem:$0x3F93] =	sst s1  }
0xa: {  	[smem:$0x3F94] =	sst s2  }
0xb: {  	[smem:$0x3F95] =	sst s3  }
0xc: {  	[smem:$0x3F96] =	sst s4  }
0xd: {  	[smem:$0x3F97] =	sst s5  }
0xe: {  	[smem:$0x3F98] =	sst s6  }
0xf: {  	[smem:$0x3F99] =	sst s7  }
0x10: {  	[smem:$0x3F9A] =	sst s8  }
0x11: {  	[smem:$0x3F9B] =	sst s9;
	s0 =	simm.s32 @!p0 $0x0  }
0x12: {  	s1 =	sld [smem:$0x3F81];
	s0 =	simm.s32 @p0 $0x1  }
0x13: {  	[smem:$0x3F9C] =	sst s0;
	s0 =	simm.s32 @!p1 $0x0  }
0x14: {  	s2 =	sld [smem:$0x3F80];
	s0 =	simm.s32 @p1 $0x1  }
0x15: {  	[smem:$0x3F9D] =	sst s0;
	s0 =	simm.s32 @!p2 $0x0  }
0x16: {  	s3 =	sld [smem:$0x3FDB];
	s0 =	simm.s32 @p2 $0x1  }
0x17: {  	s4 =	simm.s32 $0x1BF5;
	[smem:$0x3F9F] =	sst s0  }
0x18: {  	s0 =	sld [smem:$0x3F82];
	_ =	swait.ge [sflag:s4], $0x0  }
0x19: {  	s7 =	sld [smem:$0x3F83]  }
0x1a: {  	s8 =	sadd.s32 $0xFFFFE003, lr  }
0x1b: {  	s9 =	sadd.s32 $0xFFFFFEF7, lr;
	s5 =	simm.s32 $0xFFFFFFFF;
	p2 =	slt.u32 s8, $0xFFFFF086  }
0x1c: {  	p1 =	slt.u32 s9, $0xF7A;
	s5 =	simm.s32 @!p2 $0x0  }
0x1d: {  	s5 =	simm.s32 @p1 $0x1;
	p0 =	seq.s32 s7, s2  }
0x1e: {  	s7 =	smul.u32 @!p0 $0xF7A, s2;
	p2 =	seq.s32 @!p0 s5, $0x0  }
0x1f: {  	s9 =	smul.u32 $0xF7A, s1;
	s8 =	simm.s32 @!p0 $0x1BF5;
	p2 =	por !p2, p0  }
0x20: {  	[sflag:s8] =	ssyncset.s32 @!p0 $0xFFFFF086;
	s6 =	sadd.s32 @!p0 s3, s7;
	s7 =	simm.s32 @!p0 $0x108  }
0x21: {  	s3 =	sadd.s32 s3, s9;
	s6 =	sadd.s32 @!p0 $0x88, s6;
	s7 =	simm.s32 @p2 $0x1082  }
0x22: {  	[simem:s7], [sflag:s8] =	dma.local @!p0 [hbm:s6], $0xF7A  }
0x23: {  	s9 =	sor.u32 $0xD0000000, s2;
	s6 =	simm.s32 $0x108;
	_ =	swait.ge @!p0 [sflag:s8], $0x0  }
0x24: {  	s3 =	sadd.s32 $0x88, s3;
	s6 =	simm.s32 @!p1 $0x1082;
	[sflag:s4] =	ssyncset.s32 $0xFFFFF086  }
0x25: {  	[simem:s6], [sflag:s4] =	dma.local [hbm:s3], $0xF7A  }
0x26: {  	[smem:$0x3F83] =	sst s1;
	(tag) =	ssettag s2;
	_ =	strace s9  }
0x27: {  	s1 =	sld [smem:$0x3F93]  }
0x28: {  	s2 =	sld [smem:$0x3F94]  }
0x29: {  	s4 =	sld [smem:$0x3F96]  }
0x2a: {  	p0 =	seq.s32 s5, $0x0;
	s5 =	sld [smem:$0x3F97]  }
0x2b: {  	s6 =	sld [smem:$0x3F98]  }
0x2c: {  	s7 =	sld [smem:$0x3F99]  }
0x2d: {  	s3 =	simm.s32 $0x108;
	s8 =	sld [smem:$0x3F9A]  }
0x2e: {  	s3 =	simm.s32 @!p0 $0x1082;
	s9 =	sld [smem:$0x3F9B]  }
0x2f: {  	lr =	sadd.s32 s0, s3;
	s0 =	sld [smem:$0x3F92]  }
0x30: {  	s3 =	sld [smem:$0x3F95]  }
0x31: {  	[smem:$0x3F9E] =	sst s10  }
0x32: {  	s10 =	sld [smem:$0x3F9C];
	_ =	sdelay $0x3  }
0x33: {  	p0 =	seq.s32 s10, $0x1;
	s10 =	sld [smem:$0x3F9E];
	_ =	sdelay $0x3  }
0x34: {  	[smem:$0x3F9E] =	sst s10  }
0x35: {  	s10 =	sld [smem:$0x3F9D];
	_ =	sdelay $0x3  }
0x36: {  	p1 =	seq.s32 s10, $0x1;
	s10 =	sld [smem:$0x3F9E];
	_ =	sdelay $0x3  }
0x37: {  	[smem:$0x3F9E] =	sst s10  }
0x38: {  	s10 =	sld [smem:$0x3F9F]  }
0x39: {  	_ = 	snop;
	(pc) =	sbr.ind lr, $3  }
0x3a: {  	_ = 	snop  }
0x3b: {  	_ = 	snop  }
0x3c: {  	p2 =	seq.s32 s10, $0x1;
	s10 =	sld [smem:$0x3F9E]  }
0x3d: {  	_ =	shalt  }
0x3e: {  	_ =	shalt  }
0x3f: {  	_ =	shalt  }
0x40: {  	_ =	shalt  }
0x41: {  	_ =	shalt  }
0x42: {  	_ =	shalt  }
0x43: {  	_ =	shalt  }
0x44: {  	_ =	shalt  }
0x45: {  	_ =	shalt  }
0x46: {  	_ =	shalt  }
0x47: {  	_ =	shalt  }
0x48: {  	_ =	shalt  }
0x49: {  	_ =	shalt  }
0x4a: {  	_ =	shalt  }
0x4b: {  	_ =	shalt  }
0x4c: {  	_ =	shalt  }
0x4d: {  	_ =	shalt  }
0x4e: {  	_ =	shalt  }
0x4f: {  	_ =	shalt  }
0x50: {  	_ =	shalt  }
0x51: {  	_ =	shalt  }
0x52: {  	_ =	shalt  }
0x53: {  	_ =	shalt  }
0x54: {  	_ =	shalt  }
0x55: {  	_ =	shalt  }
0x56: {  	_ =	shalt  }
0x57: {  	_ =	shalt  }
0x58: {  	_ =	shalt  }
0x59: {  	_ =	shalt  }
0x5a: {  	_ =	shalt  }
0x5b: {  	_ =	shalt  }
0x5c: {  	_ =	shalt  }
0x5d: {  	_ =	shalt  }
0x5e: {  	_ =	shalt  }
0x5f: {  	_ =	shalt  }
0x60: {  	_ =	shalt  }
0x61: {  	_ =	shalt  }
0x62: {  	_ =	shalt  }
0x63: {  	_ =	shalt  }
0x64: {  	_ =	shalt  }
0x65: {  	_ =	shalt  }
0x66: {  	_ =	shalt  }
0x67: {  	_ =	shalt  }
0x68: {  	_ =	shalt  }
0x69: {  	_ =	shalt  }
0x6a: {  	_ =	shalt  }
0x6b: {  	_ =	shalt  }
0x6c: {  	_ =	shalt  }
0x6d: {  	_ =	shalt  }
0x6e: {  	_ =	shalt  }
0x6f: {  	_ =	shalt  }
0x70: {  	_ =	shalt  }
0x71: {  	_ =	shalt  }
0x72: {  	_ =	shalt  }
0x73: {  	_ =	shalt  }
0x74: {  	_ =	shalt  }
0x75: {  	_ =	shalt  }
0x76: {  	_ =	shalt  }
0x77: {  	_ =	shalt  }
0x78: {  	_ =	shalt  }
0x79: {  	_ =	shalt  }
0x7a: {  	_ =	shalt  }
0x7b: {  	_ =	shalt  }
0x7c: {  	_ =	shalt  }
0x7d: {  	_ =	shalt  }
0x7e: {  	_ =	shalt  }
0x7f: {  	_ =	shalt  }
0x80: {  	_ =	shalt  }
0x81: {  	_ =	shalt  }
0x82: {  	_ =	shalt  }
0x83: {  	_ =	shalt  }
0x84: {  	_ =	shalt  }
0x85: {  	_ =	shalt  }
0x86: {  	_ =	shalt  }
0x87: {  	_ =	shalt  }
.Lfunc_end0:
.L_simem_size_0:
called_computation.2_lowered:
.L_overlay_start_0:
0x88: {  	s2 =	sld [smem:$0x3FD9]  }
0x89: {  	s3 =	sld [smem:$0x3FFE];
	_ =	sdelay $0x1  }
0x8a: {  	s1 =	srdreg.scid  }
0x8b: {  	s0 =	sand.u32 $0x1, s1  }
0x8c: {  	s16 =	sshll.u32 s0, $0xA;
	s2 =	sadd.s32 s3, s2  }
0x8d: {  	s2 =	sadd.s32 s2, s16  }
0x8e: {  	[smem:$0x3FAA] =	sst s2  }
0x8f: {  	_ = 	snop  }
0x90: {  	(tm) =	ssettm $0x1  }
0x91: {  	s17 =	sld [smem:$0x3FFB];
	_ =	sdelay $0x3  }
0x92: {  	_ =	strace s17  }
0x93: {  	s2 =	sld [smem:$0x3FFC];
	_ =	sdelay $0x3  }
0x94: {  	_ =	strace s2  }
0x95: {  	s2 =	sld [smem:$0x3FFD];
	_ =	sdelay $0x3  }
0x96: {  	_ =	strace s2  }
0x97: {  	_ =	strace $0x8FFFFFFF  }
0x98: {  	s18 =	sld [smem:$0x3FDB];
	_ =	sdelay $0x1  }
0x99: {  	s19 =	simm.s32 $_scs_section_size  }
0x9a: {  	s4 =	simm.s32 $_size__tile_overlayer_lowered;
	s5 =	simm.s32 $_tile_overlayer_lowered  }
0x9b: {  	s22 =	simm.s32 $0x1BFF;
	s21 =	sshll.u32 s5, $0x1;
	s2 =	sadd.s32 s19, s18  }
0x9c: {  	s6 =	simm.s32 $0x0;
	s20 =	sshll.u32 s4, $0x1;
	s4 =	sadd.s32 s21, s2  }
0x9d: {  	[timem:s6], [sflag:s22] =	dma.local [hbm:s4], s20  }
0x9e: {  	_ =	swait.ge [sflag:s22], s20  }
0x9f: {  	s3 =	ssub.s32 $0x0, s20;
	[sflag:s22] =	ssyncset.done $0x0  }
0xa0: {  	[sflag:s22] =	ssyncadd.s32 s3;
	_ =	sdelay $0x1  }
0xa1: {  	s23 =	simm.s32 $0x1B8B  }
0xa2: {  	_ =	swait.ge [sflag:s23], $0x1  }
0xa3: {  	[sflag:s23] =	ssyncset.done $0x0  }
0xa4: {  	s25 =	simm.s32 $0x1B8E;
	s24 =	sld [smem:$0x3FFE];
	[sflag:s23] =	ssyncadd.s32 $0xFFFFFFFF  }
0xa5: {  	s26 =	simm.s32 $execute0_lowered;
	[smem:$0x3FD2] =	sst s25  }
0xa6: {  	s4 =	sshll.u32 s26, $0x1;
	_ =	strace $0x8000004C;
	[dreg:$0x1] =	wrdreg $0xFFFFFFFF  }
0xa7: {  	s28 =	simm.s32 $_size_execute0_lowered;
	s2 =	sadd.s32 s2, s4;
	[dreg:$0x0] =	wrdreg $0x0  }
0xa8: {  	s4 =	sshll.u32 s28, $0x1;
	[dreg:$0x2] =	wrdreg s2  }
0xa9: {  	[dreg:$0x3] =	wrdreg s4  }
0xaa: {  	[dreg:$0x4] =	wrdreg $0xC0  }
0xab: {  	_ =	task [dreg:s6], $0x5FFFF  }
0xac: {  	[dreg:$0x1] =	wrdreg $0xFFFFFFFF  }
0xad: {  	[dreg:$0x0] =	wrdreg $0x60  }
0xae: {  	[dreg:$0x2] =	wrdreg s24  }
0xaf: {  	[dreg:$0x3] =	wrdreg $0x0  }
0xb0: {  	[dreg:$0x4] =	wrdreg $0x9  }
0xb1: {  	_ =	task.clear_ibuf [dreg:s6], $0x5FFFF;
	_ =	strace $0x9000004C  }
0xb2: {  	s29 =	simm.s32 $0x9;
	_ =	strace $0x8000004E  }
0xb3: {  	_ =	swait.ge [sflag:s29], $0x1  }
0xb4: {  	[sflag:s29] =	ssyncadd.s32 $0xFFFFFFFF  }
0xb5: {  	_ =	strace $0x9000004E  }
0xb6: {  	_ =	sfence  }
0xb7: {  	s30 =	sld [smem:$0x0];
	_ =	sdelay $0x2  }
0xb8: {  	s31 =	sshll.u32 s1, $0xD;
	s1 =	sshrl.u32 s1, $0x2  }
0xb9: {  	s3 =	sand.u32 $0x4000, s31;
	s1 =	sadd.s32 s1, s30  }
0xba: {  	s0 =	sor.u32 s3, s0;
	s1 =	sshll.u32 s1, $0x11  }
0xbb: {  	s0 =	sor.u32 s1, s0  }
0xbc: {  	s0 =	sadd.s32 $0x8F2B, s0  }
0xbd: {  	[sflag:s0] =	ssyncadd.remote.s32 $0x1  }
0xbe: {  	_ =	sfence.sel $0xFFFF  }
0xbf: {  	[dreg:$0x0] =	wrdreg $0xFFFFFFFF;
	(pc) =	sbr.abs _section_cstart, $3  }
0xc0: {  	[dreg:$0x1] =	wrdreg $0xFFFFFFFF  }
0xc1: {  	_ =	task.clear_ibuf [dreg:s6], $0x2FFFF;
	_ =	strace $0x9FFFFFFF  }
0xc2: {  	(tm) =	ssettm $0x7FFFFFFF  }
0xc3: {  	_ =	shalt  }
tec
execute0_lowered:
.L_overlay_start_1:
0x0: {  	(tag) =	ssettag $0x1  }
0x1: {  	s6 =	rddreg [dreg:$0x0];
	s1 =	srdreg.scid  }
0x2: {  	s0 =	stileid.u32;
	s2 =	rddreg [dreg:$0x1]  }
0x3: {  	s3 =	simm.s32 $0x0;
	s28 =	simm.s32 $0x16800;
	s29 =	simm.s32 $0x0  }
0x4: {  	s7 =	sand.u32 $0x1, s1;
	s5 =	smul.u32 $0x280, s0;
	[smem:$0x7FF] =	sst s3  }
0x5: {  	s4 =	sadd.s32 $0x2A000, s6;
	s11 =	sadd.s32 $0x13800, s6;
	s9 =	smul.u32 $0x50000, s0  }
0x6: {  	s10 =	sadd.s32 $0x7C00, s6;
	s22 =	sadd.s32 $0x27800, s6;
	s25 =	smul.u32 $0x500, s0  }
0x7: {  	s30 =	sor.u32 $0x10, s0;
	s13 =	sshll.u32 s0, $0x6;
	s8 =	smul.u32 $0x2800, s7  }
0x8: {  	_ =	strace $0x8000004D;
	[dreg:$0x3] =	wrdreg s22;
	s23 =	ssub.s32 $0x2, s7  }
0x9: {  	s7 =	sshll.u32 s7, $0x5;
	s14 =	smul.u32 $0x500, s30;
	s24 =	sshrl.u32 s23, $0x1  }
0xa: {  	s26 =	sor.u32 s0, s7;
	s9 =	sshrl.u32 s9, $0x2;
	s15 =	sor.u32 s30, s7  }
0xb: {  	s7 =	sor.u32 $0x1C01, s13;
	s5 =	sadd.s32 s5, s8;
	s12 =	smul.u32 $0x500, s26  }
0xc: {  	s21 =	ssub.s32 s23, s24;
	s31 =	smul.u32 $0x500, s15;
	s23 =	simm.s32 $0x1  }
0xd: {  	s24 =	simm.s32 $0x14000;
	s26 =	simm.s32 $0x80;
	s8 =	sshll.u32 s5, $0x4  }
0xe: {  	s21 =	smax.u32 s21, $0x1;
	s20 =	sadd.s32 s8, s6;
	s6 =	sadd.s32 s9, s2  }
0xf: {  	s8 =	sadd.s32 s10, s25;
	s9 =	sadd.s32 s11, s12;
	s10 =	sadd.s32 s10, s14  }
0x10: {  	s11 =	sadd.s32 s11, s31;
	s25 =	simm.s32 $0x1A800;
	s12 =	sadd.s32 $0x7A000, s20  }
0x11: {  	s13 =	sadd.s32 $0x4000, s6;
	s14 =	sadd.s32 $0x7A800, s20;
	s15 =	sadd.s32 $0x8000, s6  }
0x12: {  	s16 =	sadd.s32 $0x7B000, s20;
	s17 =	sadd.s32 $0xC000, s6;
	s18 =	sadd.s32 $0x7B800, s20  }
0x13: {  	s19 =	sadd.s32 $0x10000, s6;
	s20 =	sadd.s32 $0x7C000, s20;
	s22 =	sshrl.u32 s6, $0x3  }
.LBB2_1:
0x14: {  	s0 =	rddreg [dreg:$0x3]  }
0x15: {  	[spmem:s22], [sflag:s7] =	dma.local [hbm:s0], $0x2800  }
0x16: {  	_ =	swait.ge [sflag:s23], $0x2800  }
0x17: {  	[sflag:s23] =	ssyncset.done $0x0  }
0x18: {  	[sflag:s23] =	ssyncadd.s32 $0xFFFFD800  }
0x19: {  	[bflag:$0x0] =	sbarrier.arrive $0xFFFF  }
0x1a: {  	[tilespmem:s24], [sflag:$0x1] =	stream.linear.gather [hbm4b:s8+s3], $0x2780, $0x38;
	[tilespmem:$0x1D000] =	vst v63  }
0x1b: {  	_ =	swait.ge [sflag:s23], $0x2780  }
0x1c: {  	[sflag:s23] =	ssyncset.done $0x0  }
0x1d: {  	[sflag:s23] =	ssyncadd.s32 $0xFFFFD880  }
0x1e: {  	[tilespmem:s25], [sflag:$0x1] =	stream.linear.gather [hbm4b:s9+s3], $0x2780, $0x38;
	[tilespmem:$0x1D000] =	vst v63  }
0x1f: {  	_ =	swait.ge [sflag:s23], $0x2780  }
0x20: {  	[sflag:s23] =	ssyncset.done $0x0  }
0x21: {  	s30 =	simm.s32 $0x1A800;
	[sflag:s23] =	ssyncadd.s32 $0xFFFFD880  }
0x22: {  	[tilespmem:s28], [sflag:$0x1] =	stream.indirect.gather [hbm4b:s4+s26], $0x80, s30, s26, $0xb8;
	[tilespmem:$0x1D000] =	vst v63  }
0x23: {  	_ =	swait.ge [sflag:s23], $0x4000  }
0x24: {  	[sflag:s23] =	ssyncset.done $0x0  }
0x25: {  	s30 =	simm.s32 $0x14000;
	[sflag:s23] =	ssyncadd.s32 $0xFFFFC000  }
0x26: {  	[spmem:s2] =	stream.indirect.scatter.add.f32 [tilespmem:s28], [sflag:$0x1], $0x80, s30, s26, $0xb8;
	[tilespmem:$0x1D000] =	vst v63  }
0x27: {  	_ =	swait.ge [sflag:s23], $0x4000  }
0x28: {  	s31 =	simm.s32 $0x400;
	s30 =	simm.s32 $0x80;
	[sflag:s23] =	ssyncset.done $0x0  }
.LBB2_2:
0x29: {  	s1 =	sadd.s32 $0x1A800, s30  }
0x2a: {  	[sflag:s23] =	ssyncadd.s32 $0xFFFFC000;
	s0 =	smov.u32 s31;
	s5 =	sadd.s32 $0x200, s31  }
0x2b: {  	[tilespmem:s28], [sflag:$0x1] =	stream.indirect.gather [hbm4b:s4+s26], $0x80, s1, s26, $0xb8;
	[tilespmem:$0x1D000] =	vst v63  }
0x2c: {  	p0 =	sne.s32 s31, $0x9C00;
	_ =	swait.ge [sflag:s23], $0x4000  }
.Ltmp0:
0x2d: {  	[sflag:s23] =	ssyncset.done $0x0;
	(pc) =	sbr.rel @p0 .LBB2_2-.Ltmp0, $4  }
0x2e: {  	s1 =	sadd.s32 $0x14000, s30;
	[sflag:s23] =	ssyncadd.s32 $0xFFFFC000  }
0x2f: {  	[spmem:s2] =	stream.indirect.scatter.add.f32 [tilespmem:s28], [sflag:$0x1], $0x80, s1, s26, $0xb8;
	[tilespmem:$0x1D000] =	vst v63  }
0x30: {  	_ =	swait.ge [sflag:s23], $0x4000  }
0x31: {  	s30 =	sshra.s32 s0, $0x2;
	s31 =	smov.u32 s5;
	[sflag:s23] =	ssyncset.done $0x0  }
0x32: {  	s0 =	sadd.s32 $0x1A800, s30;
	[sflag:s23] =	ssyncadd.s32 $0xFFFFC000  }
0x33: {  	[tilespmem:s28], [sflag:$0x1] =	stream.indirect.gather [hbm4b:s4+s26], $0x80, s0, s26, $0xb8;
	[tilespmem:$0x1D000] =	vst v63  }
0x34: {  	_ =	swait.ge [sflag:s23], $0x4000  }
0x35: {  	[sflag:s23] =	ssyncset.done $0x0  }
0x36: {  	s1 =	sadd.s32 $0x14000, s30;
	[sflag:s23] =	ssyncadd.s32 $0xFFFFC000  }
0x37: {  	[spmem:s2] =	stream.indirect.scatter.add.f32 [tilespmem:s28], [sflag:$0x1], $0x80, s1, s26, $0xb8;
	[tilespmem:$0x1D000] =	vst v63  }
0x38: {  	_ =	swait.ge [sflag:s23], $0x4000  }
0x39: {  	[sflag:s23] =	ssyncset.done $0x0  }
0x3a: {  	s5 =	simm.s32 $0x0;
	[sflag:s23] =	ssyncadd.s32 $0xFFFFC000  }
0x3b: {  	[tilespmem:s24], [sflag:$0x1] =	stream.linear.gather [hbm4b:s10+s5], $0x2780, $0x38;
	[tilespmem:$0x1D000] =	vst v63  }
0x3c: {  	_ =	swait.ge [sflag:s23], $0x2780  }
0x3d: {  	[sflag:s23] =	ssyncset.done $0x0  }
0x3e: {  	[sflag:s23] =	ssyncadd.s32 $0xFFFFD880  }
0x3f: {  	[tilespmem:s25], [sflag:$0x1] =	stream.linear.gather [hbm4b:s11+s5], $0x2780, $0x38;
	[tilespmem:$0x1D000] =	vst v63  }
0x40: {  	_ =	swait.ge [sflag:s23], $0x2780  }
0x41: {  	[sflag:s23] =	ssyncset.done $0x0  }
0x42: {  	s1 =	simm.s32 $0x1A800;
	[sflag:s23] =	ssyncadd.s32 $0xFFFFD880  }
0x43: {  	[tilespmem:s28], [sflag:$0x1] =	stream.indirect.gather [hbm4b:s4+s26], $0x80, s1, s26, $0xb8;
	[tilespmem:$0x1D000] =	vst v63  }
0x44: {  	_ =	swait.ge [sflag:s23], $0x4000  }
0x45: {  	[sflag:s23] =	ssyncset.done $0x0  }
0x46: {  	s5 =	simm.s32 $0x14000;
	[sflag:s23] =	ssyncadd.s32 $0xFFFFC000  }
0x47: {  	[spmem:s2] =	stream.indirect.scatter.add.f32 [tilespmem:s28], [sflag:$0x1], $0x80, s5, s26, $0xb8;
	[tilespmem:$0x1D000] =	vst v63  }
0x48: {  	_ =	swait.ge [sflag:s23], $0x4000  }
0x49: {  	s31 =	simm.s32 $0x400;
	s30 =	simm.s32 $0x80;
	[sflag:s23] =	ssyncset.done $0x0  }
.LBB2_4:
0x4a: {  	s0 =	sadd.s32 $0x1A800, s30  }
0x4b: {  	[sflag:s23] =	ssyncadd.s32 $0xFFFFC000;
	s1 =	smov.u32 s31;
	s5 =	sadd.s32 $0x200, s31  }
0x4c: {  	[tilespmem:s28], [sflag:$0x1] =	stream.indirect.gather [hbm4b:s4+s26], $0x80, s0, s26, $0xb8;
	[tilespmem:$0x1D000] =	vst v63  }
0x4d: {  	p0 =	sne.s32 s31, $0x9C00;
	_ =	swait.ge [sflag:s23], $0x4000  }
.Ltmp1:
0x4e: {  	[sflag:s23] =	ssyncset.done $0x0;
	(pc) =	sbr.rel @p0 .LBB2_4-.Ltmp1, $4  }
0x4f: {  	s0 =	sadd.s32 $0x14000, s30;
	[sflag:s23] =	ssyncadd.s32 $0xFFFFC000  }
0x50: {  	[spmem:s2] =	stream.indirect.scatter.add.f32 [tilespmem:s28], [sflag:$0x1], $0x80, s0, s26, $0xb8;
	[tilespmem:$0x1D000] =	vst v63  }
0x51: {  	_ =	swait.ge [sflag:s23], $0x4000  }
0x52: {  	s30 =	sshra.s32 s1, $0x2;
	s31 =	smov.u32 s5;
	[sflag:s23] =	ssyncset.done $0x0  }
0x53: {  	s0 =	sadd.s32 $0x1A800, s30;
	[sflag:s23] =	ssyncadd.s32 $0xFFFFC000  }
0x54: {  	[tilespmem:s28], [sflag:$0x1] =	stream.indirect.gather [hbm4b:s4+s26], $0x80, s0, s26, $0xb8;
	[tilespmem:$0x1D000] =	vst v63  }
0x55: {  	_ =	swait.ge [sflag:s23], $0x4000  }
0x56: {  	[sflag:s23] =	ssyncset.done $0x0  }
0x57: {  	s31 =	sadd.s32 $0x14000, s30;
	[sflag:s23] =	ssyncadd.s32 $0xFFFFC000  }
0x58: {  	[spmem:s2] =	stream.indirect.scatter.add.f32 [tilespmem:s28], [sflag:$0x1], $0x80, s31, s26, $0xb8;
	[tilespmem:$0x1D000] =	vst v63  }
0x59: {  	_ =	swait.ge [sflag:s23], $0x4000  }
0x5a: {  	[sflag:s23] =	ssyncset.done $0x0  }
0x5b: {  	[sflag:s23] =	ssyncadd.s32 $0xFFFFC000  }
0x5c: {  	[bflag:$0x0] =	sbarrier.arrive $0xFFFF  }
0x5d: {  	[tilespmem:s28], [sflag:$0x1] =	stream.linear.gather [spmem:s6], $0x4000, $0x38;
	[tilespmem:$0x1D000] =	vst v63  }
0x5e: {  	_ =	swait.ge [sflag:s23], $0x4000  }
0x5f: {  	[sflag:s23] =	ssyncset.done $0x0  }
0x60: {  	[sflag:s23] =	ssyncadd.s32 $0xFFFFC000  }
0x61: {  	[hbm4b:s12+s3] =	stream.linear.scatter [tilespmem:s28], [sflag:$0x1], $0x4000, $0x38;
	[tilespmem:$0x1D000] =	vst v63  }
0x62: {  	_ =	swait.ge [sflag:s23], $0x4000  }
0x63: {  	[sflag:s23] =	ssyncset.done $0x0  }
0x64: {  	[sflag:s23] =	ssyncadd.s32 $0xFFFFC000  }
0x65: {  	[tilespmem:s28], [sflag:$0x1] =	stream.linear.gather [spmem:s13], $0x4000, $0x38;
	[tilespmem:$0x1D000] =	vst v63  }
0x66: {  	_ =	swait.ge [sflag:s23], $0x4000  }
0x67: {  	[sflag:s23] =	ssyncset.done $0x0  }
0x68: {  	[sflag:s23] =	ssyncadd.s32 $0xFFFFC000  }
0x69: {  	[hbm4b:s14+s3] =	stream.linear.scatter [tilespmem:s28], [sflag:$0x1], $0x4000, $0x38;
	[tilespmem:$0x1D000] =	vst v63  }
0x6a: {  	_ =	swait.ge [sflag:s23], $0x4000  }
0x6b: {  	[sflag:s23] =	ssyncset.done $0x0  }
0x6c: {  	[sflag:s23] =	ssyncadd.s32 $0xFFFFC000  }
0x6d: {  	[tilespmem:s28], [sflag:$0x1] =	stream.linear.gather [spmem:s15], $0x4000, $0x38;
	[tilespmem:$0x1D000] =	vst v63  }
0x6e: {  	_ =	swait.ge [sflag:s23], $0x4000  }
0x6f: {  	[sflag:s23] =	ssyncset.done $0x0  }
0x70: {  	[sflag:s23] =	ssyncadd.s32 $0xFFFFC000  }
0x71: {  	[hbm4b:s16+s3] =	stream.linear.scatter [tilespmem:s28], [sflag:$0x1], $0x4000, $0x38;
	[tilespmem:$0x1D000] =	vst v63  }
0x72: {  	_ =	swait.ge [sflag:s23], $0x4000  }
0x73: {  	[sflag:s23] =	ssyncset.done $0x0  }
0x74: {  	[sflag:s23] =	ssyncadd.s32 $0xFFFFC000  }
0x75: {  	[tilespmem:s28], [sflag:$0x1] =	stream.linear.gather [spmem:s17], $0x4000, $0x38;
	[tilespmem:$0x1D000] =	vst v63  }
0x76: {  	_ =	swait.ge [sflag:s23], $0x4000  }
0x77: {  	[sflag:s23] =	ssyncset.done $0x0  }
0x78: {  	[sflag:s23] =	ssyncadd.s32 $0xFFFFC000  }
0x79: {  	[hbm4b:s18+s3] =	stream.linear.scatter [tilespmem:s28], [sflag:$0x1], $0x4000, $0x38;
	[tilespmem:$0x1D000] =	vst v63  }
0x7a: {  	_ =	swait.ge [sflag:s23], $0x4000  }
0x7b: {  	[sflag:s23] =	ssyncset.done $0x0  }
0x7c: {  	[sflag:s23] =	ssyncadd.s32 $0xFFFFC000  }
0x7d: {  	[tilespmem:s28], [sflag:$0x1] =	stream.linear.gather [spmem:s19], $0x4000, $0x38;
	[tilespmem:$0x1D000] =	vst v63  }
0x7e: {  	s29 =	sadd.s32 $0x1, s29;
	_ =	swait.ge [sflag:s23], $0x4000  }
0x7f: {  	p0 =	sne.s32 s29, s21;
	[sflag:s23] =	ssyncset.done $0x0  }
.Ltmp2:
0x80: {  	[sflag:s23] =	ssyncadd.s32 $0xFFFFC000;
	(pc) =	sbr.rel @p0 .LBB2_1-.Ltmp2, $4  }
0x81: {  	[hbm4b:s20+s3] =	stream.linear.scatter [tilespmem:s28], [sflag:$0x1], $0x4000, $0x38;
	[tilespmem:$0x1D000] =	vst v63  }
0x82: {  	_ =	swait.ge [sflag:s23], $0x4000  }
0x83: {  	[sflag:s23] =	ssyncset.done $0x0  }
0x84: {  	[sflag:s23] =	ssyncadd.s32 $0xFFFFC000  }
0x85: {  	_ =	sfence.sel $0x180000  }
0x86: {  	[bflag:$0x0] =	sbarrier.arrive $0xFFFF  }
0x87: {  	_ =	strace $0x9000004D  }
0x88: {  	s0 =	stileid.u32;
	[bflag:$0x2] =	sbarrier.arrive $0xFFFF  }
0x89: {  	p0 =	sne.s32 s0, $0x0;
	s0 =	rddreg [dreg:$0x2]  }
0x8a: {  	s0 =	sadd.s32 @!p0 $0x100000, s0  }
0x8b: {  	[sflag:s0] =	ssyncadd.tile.s32 @!p0 $0x1;
	_ =	shalt  }
.Lfunc_end2:
_tile_overlayer_lowered:
.L_overlay_start_2:
0x8c: {  	(tag) =	ssettag $0x2  }
0x8d: {  	s0 =	rddreg [dreg:$0x0];
	s2 =	stileid.u32  }
0x8e: {  	s1 =	rddreg [dreg:$0x1];
	p0 =	sne.s32 s2, $0x0  }
0x8f: {  	s3 =	rddreg [dreg:$0x2];
	[bflag:$0x3] =	sbarrier.arrive $0xFFFF;
	s2 =	simm.s32 @!p0 $0x1C01  }
0x90: {  	[timem:s3], [sflag:s2] =	dma.local @!p0 [hbm:s0], s1  }
0x91: {  	s0 =	simm.s32 @!p0 $0x1  }
0x92: {  	_ =	swait.ge @!p0 [sflag:s0], s1  }
0x93: {  	s1 =	ssub.s32 @!p0 $0x0, s1;
	[sflag:s0] =	ssyncset.done @!p0 $0x0  }
0x94: {  	[sflag:s0] =	ssyncadd.s32 @!p0 s1  }
0x95: {  	[bflag:$0x3] =	sbarrier.arrive $0xFFFF  }
0x96: {  	_ =	shalt  }

// kernel: kernel.22.cloned.1.call-start
scs
__scs_entry_jumppad:
0x0: {  	(pc) =	sbr.rel $0x88, $3  }
0x1: {  	(tag) =	ssettag $0x0;
	lr =	simm.s32 $0x1  }
0x2: {  	[smem:$0x3F83] =	sst lr;
	_ =	strace $0xD0000000  }
0x3: {  	_ = 	snop  }
0x4: {  	_ = 	snop  }
0x5: {  	_ = 	snop  }
0x6: {  	_ = 	snop  }
0x7: {  	_ = 	snop  }
__scs_overlays_trampoline_lowered:
0x8: {  	[smem:$0x3F92] =	sst s0  }
0x9: {  	[smem:$0x3F93] =	sst s1  }
0xa: {  	[smem:$0x3F94] =	sst s2  }
0xb: {  	[smem:$0x3F95] =	sst s3  }
0xc: {  	[smem:$0x3F96] =	sst s4  }
0xd: {  	[smem:$0x3F97] =	sst s5  }
0xe: {  	[smem:$0x3F98] =	sst s6  }
0xf: {  	[smem:$0x3F99] =	sst s7  }
0x10: {  	[smem:$0x3F9A] =	sst s8  }
0x11: {  	[smem:$0x3F9B] =	sst s9;
	s0 =	simm.s32 @!p0 $0x0  }
0x12: {  	s1 =	sld [smem:$0x3F81];
	s0 =	simm.s32 @p0 $0x1  }
0x13: {  	[smem:$0x3F9C] =	sst s0;
	s0 =	simm.s32 @!p1 $0x0  }
0x14: {  	s2 =	sld [smem:$0x3F80];
	s0 =	simm.s32 @p1 $0x1  }
0x15: {  	[smem:$0x3F9D] =	sst s0;
	s0 =	simm.s32 @!p2 $0x0  }
0x16: {  	s3 =	sld [smem:$0x3FDB];
	s0 =	simm.s32 @p2 $0x1  }
0x17: {  	s4 =	simm.s32 $0x1BF5;
	[smem:$0x3F9F] =	sst s0  }
0x18: {  	s0 =	sld [smem:$0x3F82];
	_ =	swait.ge [sflag:s4], $0x0  }
0x19: {  	s7 =	sld [smem:$0x3F83]  }
0x1a: {  	s8 =	sadd.s32 $0xFFFFE003, lr  }
0x1b: {  	s9 =	sadd.s32 $0xFFFFFEF7, lr;
	s5 =	simm.s32 $0xFFFFFFFF;
	p2 =	slt.u32 s8, $0xFFFFF086  }
0x1c: {  	p1 =	slt.u32 s9, $0xF7A;
	s5 =	simm.s32 @!p2 $0x0  }
0x1d: {  	s5 =	simm.s32 @p1 $0x1;
	p0 =	seq.s32 s7, s2  }
0x1e: {  	s7 =	smul.u32 @!p0 $0xF7A, s2;
	p2 =	seq.s32 @!p0 s5, $0x0  }
0x1f: {  	s9 =	smul.u32 $0xF7A, s1;
	s8 =	simm.s32 @!p0 $0x1BF5;
	p2 =	por !p2, p0  }
0x20: {  	[sflag:s8] =	ssyncset.s32 @!p0 $0xFFFFF086;
	s6 =	sadd.s32 @!p0 s3, s7;
	s7 =	simm.s32 @!p0 $0x108  }
0x21: {  	s3 =	sadd.s32 s3, s9;
	s6 =	sadd.s32 @!p0 $0x88, s6;
	s7 =	simm.s32 @p2 $0x1082  }
0x22: {  	[simem:s7], [sflag:s8] =	dma.local @!p0 [hbm:s6], $0xF7A  }
0x23: {  	s9 =	sor.u32 $0xD0000000, s2;
	s6 =	simm.s32 $0x108;
	_ =	swait.ge @!p0 [sflag:s8], $0x0  }
0x24: {  	s3 =	sadd.s32 $0x88, s3;
	s6 =	simm.s32 @!p1 $0x1082;
	[sflag:s4] =	ssyncset.s32 $0xFFFFF086  }
0x25: {  	[simem:s6], [sflag:s4] =	dma.local [hbm:s3], $0xF7A  }
0x26: {  	[smem:$0x3F83] =	sst s1;
	(tag) =	ssettag s2;
	_ =	strace s9  }
0x27: {  	s1 =	sld [smem:$0x3F93]  }
0x28: {  	s2 =	sld [smem:$0x3F94]  }
0x29: {  	s4 =	sld [smem:$0x3F96]  }
0x2a: {  	p0 =	seq.s32 s5, $0x0;
	s5 =	sld [smem:$0x3F97]  }
0x2b: {  	s6 =	sld [smem:$0x3F98]  }
0x2c: {  	s7 =	sld [smem:$0x3F99]  }
0x2d: {  	s3 =	simm.s32 $0x108;
	s8 =	sld [smem:$0x3F9A]  }
0x2e: {  	s3 =	simm.s32 @!p0 $0x1082;
	s9 =	sld [smem:$0x3F9B]  }
0x2f: {  	lr =	sadd.s32 s0, s3;
	s0 =	sld [smem:$0x3F92]  }
0x30: {  	s3 =	sld [smem:$0x3F95]  }
0x31: {  	[smem:$0x3F9E] =	sst s10  }
0x32: {  	s10 =	sld [smem:$0x3F9C];
	_ =	sdelay $0x3  }
0x33: {  	p0 =	seq.s32 s10, $0x1;
	s10 =	sld [smem:$0x3F9E];
	_ =	sdelay $0x3  }
0x34: {  	[smem:$0x3F9E] =	sst s10  }
0x35: {  	s10 =	sld [smem:$0x3F9D];
	_ =	sdelay $0x3  }
0x36: {  	p1 =	seq.s32 s10, $0x1;
	s10 =	sld [smem:$0x3F9E];
	_ =	sdelay $0x3  }
0x37: {  	[smem:$0x3F9E] =	sst s10  }
0x38: {  	s10 =	sld [smem:$0x3F9F]  }
0x39: {  	_ = 	snop;
	(pc) =	sbr.ind lr, $3  }
0x3a: {  	_ = 	snop  }
0x3b: {  	_ = 	snop  }
0x3c: {  	p2 =	seq.s32 s10, $0x1;
	s10 =	sld [smem:$0x3F9E]  }
0x3d: {  	_ =	shalt  }
0x3e: {  	_ =	shalt  }
0x3f: {  	_ =	shalt  }
0x40: {  	_ =	shalt  }
0x41: {  	_ =	shalt  }
0x42: {  	_ =	shalt  }
0x43: {  	_ =	shalt  }
0x44: {  	_ =	shalt  }
0x45: {  	_ =	shalt  }
0x46: {  	_ =	shalt  }
0x47: {  	_ =	shalt  }
0x48: {  	_ =	shalt  }
0x49: {  	_ =	shalt  }
0x4a: {  	_ =	shalt  }
0x4b: {  	_ =	shalt  }
0x4c: {  	_ =	shalt  }
0x4d: {  	_ =	shalt  }
0x4e: {  	_ =	shalt  }
0x4f: {  	_ =	shalt  }
0x50: {  	_ =	shalt  }
0x51: {  	_ =	shalt  }
0x52: {  	_ =	shalt  }
0x53: {  	_ =	shalt  }
0x54: {  	_ =	shalt  }
0x55: {  	_ =	shalt  }
0x56: {  	_ =	shalt  }
0x57: {  	_ =	shalt  }
0x58: {  	_ =	shalt  }
0x59: {  	_ =	shalt  }
0x5a: {  	_ =	shalt  }
0x5b: {  	_ =	shalt  }
0x5c: {  	_ =	shalt  }
0x5d: {  	_ =	shalt  }
0x5e: {  	_ =	shalt  }
0x5f: {  	_ =	shalt  }
0x60: {  	_ =	shalt  }
0x61: {  	_ =	shalt  }
0x62: {  	_ =	shalt  }
0x63: {  	_ =	shalt  }
0x64: {  	_ =	shalt  }
0x65: {  	_ =	shalt  }
0x66: {  	_ =	shalt  }
0x67: {  	_ =	shalt  }
0x68: {  	_ =	shalt  }
0x69: {  	_ =	shalt  }
0x6a: {  	_ =	shalt  }
0x6b: {  	_ =	shalt  }
0x6c: {  	_ =	shalt  }
0x6d: {  	_ =	shalt  }
0x6e: {  	_ =	shalt  }
0x6f: {  	_ =	shalt  }
0x70: {  	_ =	shalt  }
0x71: {  	_ =	shalt  }
0x72: {  	_ =	shalt  }
0x73: {  	_ =	shalt  }
0x74: {  	_ =	shalt  }
0x75: {  	_ =	shalt  }
0x76: {  	_ =	shalt  }
0x77: {  	_ =	shalt  }
0x78: {  	_ =	shalt  }
0x79: {  	_ =	shalt  }
0x7a: {  	_ =	shalt  }
0x7b: {  	_ =	shalt  }
0x7c: {  	_ =	shalt  }
0x7d: {  	_ =	shalt  }
0x7e: {  	_ =	shalt  }
0x7f: {  	_ =	shalt  }
0x80: {  	_ =	shalt  }
0x81: {  	_ =	shalt  }
0x82: {  	_ =	shalt  }
0x83: {  	_ =	shalt  }
0x84: {  	_ =	shalt  }
0x85: {  	_ =	shalt  }
0x86: {  	_ =	shalt  }
0x87: {  	_ =	shalt  }
.Lfunc_end0:
.L_simem_size_0:
called_computation.3_lowered:
.L_overlay_start_0:
0x88: {  	s2 =	sld [smem:$0x3FD9]  }
0x89: {  	s3 =	sld [smem:$0x3FFE];
	_ =	sdelay $0x1  }
0x8a: {  	s1 =	srdreg.scid  }
0x8b: {  	s0 =	sand.u32 $0x1, s1  }
0x8c: {  	s17 =	sshll.u32 s0, $0xA;
	s2 =	sadd.s32 s3, s2  }
0x8d: {  	s2 =	sadd.s32 s2, s17  }
0x8e: {  	[smem:$0x3FAA] =	sst s2  }
0x8f: {  	_ = 	snop  }
0x90: {  	(tm) =	ssettm $0x1  }
0x91: {  	s18 =	sld [smem:$0x3FFB];
	_ =	sdelay $0x3  }
0x92: {  	_ =	strace s18  }
0x93: {  	s2 =	sld [smem:$0x3FFC];
	_ =	sdelay $0x3  }
0x94: {  	_ =	strace s2  }
0x95: {  	s2 =	sld [smem:$0x3FFD];
	_ =	sdelay $0x3  }
0x96: {  	_ =	strace s2  }
0x97: {  	_ =	strace $0x8FFFFFFF  }
0x98: {  	s19 =	sld [smem:$0x3FDB];
	_ =	sdelay $0x1  }
0x99: {  	s20 =	simm.s32 $_scs_section_size  }
0x9a: {  	s4 =	simm.s32 $_size__tile_overlayer_lowered;
	s5 =	simm.s32 $_tile_overlayer_lowered  }
0x9b: {  	s6 =	simm.s32 $0x1BFF;
	s21 =	sshll.u32 s5, $0x1;
	s3 =	sadd.s32 s20, s19  }
0x9c: {  	s22 =	simm.s32 $0x0;
	s4 =	sshll.u32 s4, $0x1;
	s5 =	sadd.s32 s21, s3  }
0x9d: {  	[timem:s22], [sflag:s6] =	dma.local [hbm:s5], s4  }
0x9e: {  	_ =	swait.ge [sflag:s6], s4  }
0x9f: {  	s4 =	ssub.s32 $0x0, s4;
	[sflag:s6] =	ssyncset.done $0x0  }
0xa0: {  	[sflag:s6] =	ssyncadd.s32 s4;
	_ =	sdelay $0x1  }
0xa1: {  	s23 =	simm.s32 $0x1B8B  }
0xa2: {  	_ =	swait.ge [sflag:s23], $0x1  }
0xa3: {  	[sflag:s23] =	ssyncset.done $0x0  }
0xa4: {  	[sflag:s23] =	ssyncadd.s32 $0xFFFFFFFF  }
0xa5: {  	s4 =	sld [smem:$0x0]  }
0xa6: {  	s5 =	sand.u32 $0xFFFFFFFE, s1  }
0xa7: {  	p0 =	sne.s32 s1, s5  }
0xa8: {  	s5 =	sshll.u32 @p0 s5, $0xE  }
0xa9: {  	s5 =	sadd.s32 @p0 $0x11B8D, s5;
	s6 =	sshll.u32 @p0 s4, $0x11  }
0xaa: {  	s5 =	sor.u32 @p0 s6, s5  }
0xab: {  	[sflag:s5] =	ssyncadd.remote.s32 @p0 $0x1;
	_ =	sdelay $0x1  }
0xac: {  	s5 =	simm.s32 @p0 $0x1B8D  }
0xad: {  	_ =	swait.eq @p0 [sflag:s5], $0x1  }
0xae: {  	[sflag:s5] =	ssyncadd.s32 @p0 $0xFFFFFFFF  }
0xaf: {  	s6 =	sshll.u32 @!p0 s1, $0xE  }
0xb0: {  	s6 =	sor.u32 @!p0 $0x4000, s6;
	s5 =	simm.s32 @!p0 $0x1B8D  }
0xb1: {  	s4 =	sshll.u32 @!p0 s4, $0x11;
	s6 =	sadd.s32 @!p0 $0x11B8D, s6;
	_ =	swait.eq @!p0 [sflag:s5], $0x1  }
0xb2: {  	s4 =	sor.u32 @!p0 s4, s6;
	[sflag:s5] =	ssyncadd.s32 @!p0 $0xFFFFFFFF  }
0xb3: {  	s25 =	simm.s32 $0x1B8E;
	s24 =	sld [smem:$0x3FFE];
	[sflag:s4] =	ssyncadd.remote.s32 @!p0 $0x1  }
0xb4: {  	s26 =	simm.s32 $execute0_lowered;
	[smem:$0x3FD2] =	sst s25  }
0xb5: {  	s5 =	sshll.u32 s26, $0x1;
	_ =	strace $0x80000052;
	[dreg:$0x1] =	wrdreg $0xFFFFFFFF  }
0xb6: {  	s28 =	simm.s32 $_size_execute0_lowered;
	s3 =	sadd.s32 s3, s5;
	[dreg:$0x0] =	wrdreg $0x0  }
0xb7: {  	s5 =	sshll.u32 s28, $0x1;
	[dreg:$0x2] =	wrdreg s3  }
0xb8: {  	[dreg:$0x3] =	wrdreg s5  }
0xb9: {  	[dreg:$0x4] =	wrdreg $0xC0  }
0xba: {  	_ =	task [dreg:s22], $0x5FFFF  }
0xbb: {  	[dreg:$0x1] =	wrdreg $0xFFFFFFFF  }
0xbc: {  	[dreg:$0x0] =	wrdreg $0x60  }
0xbd: {  	[dreg:$0x2] =	wrdreg s24  }
0xbe: {  	[dreg:$0x3] =	wrdreg $0x0  }
0xbf: {  	[dreg:$0x4] =	wrdreg $0x9  }
0xc0: {  	_ =	task.clear_ibuf [dreg:s22], $0x5FFFF;
	_ =	strace $0x90000052  }
0xc1: {  	s29 =	simm.s32 $0x9;
	_ =	strace $0x80000054  }
0xc2: {  	_ =	swait.ge [sflag:s29], $0x1  }
0xc3: {  	[sflag:s29] =	ssyncadd.s32 $0xFFFFFFFF  }
0xc4: {  	_ =	strace $0x90000054  }
0xc5: {  	_ =	sfence  }
0xc6: {  	s30 =	sld [smem:$0x0];
	_ =	sdelay $0x2  }
0xc7: {  	s31 =	sshll.u32 s1, $0xD;
	s1 =	sshrl.u32 s1, $0x2  }
0xc8: {  	s4 =	sand.u32 $0x4000, s31;
	s1 =	sadd.s32 s1, s30  }
0xc9: {  	s0 =	sor.u32 s4, s0;
	s1 =	sshll.u32 s1, $0x11  }
0xca: {  	s0 =	sor.u32 s1, s0  }
0xcb: {  	s0 =	sadd.s32 $0x8F2B, s0  }
0xcc: {  	[sflag:s0] =	ssyncadd.remote.s32 $0x1  }
0xcd: {  	_ =	sfence.sel $0xFFFF  }
0xce: {  	[dreg:$0x0] =	wrdreg $0xFFFFFFFF;
	(pc) =	sbr.abs _section_cstart, $3  }
0xcf: {  	[dreg:$0x1] =	wrdreg $0xFFFFFFFF  }
0xd0: {  	_ =	task.clear_ibuf [dreg:s22], $0x2FFFF;
	_ =	strace $0x9FFFFFFF  }
0xd1: {  	(tm) =	ssettm $0x7FFFFFFF  }
tec
execute0_lowered:
.L_overlay_start_1:
0x0: {  	(tag) =	ssettag $0x1  }
0x1: {  	s6 =	rddreg [dreg:$0x0];
	s1 =	srdreg.scid  }
0x2: {  	s0 =	stileid.u32;
	s2 =	rddreg [dreg:$0x1]  }
0x3: {  	s3 =	simm.s32 $0x0;
	s28 =	simm.s32 $0x16800;
	s29 =	simm.s32 $0x0  }
0x4: {  	s7 =	sand.u32 $0x1, s1;
	s5 =	smul.u32 $0x280, s0;
	[smem:$0x7FF] =	sst s3  }
0x5: {  	s4 =	sadd.s32 $0xDE000, s6;
	s11 =	sadd.s32 $0x13800, s6;
	s9 =	smul.u32 $0x50000, s0  }
0x6: {  	s10 =	sadd.s32 $0x7C00, s6;
	s22 =	sadd.s32 $0x27800, s6;
	s25 =	smul.u32 $0x500, s0  }
0x7: {  	s30 =	sor.u32 $0x10, s0;
	s13 =	sshll.u32 s0, $0x6;
	s8 =	smul.u32 $0x2800, s7  }
0x8: {  	_ =	strace $0x80000053;
	[dreg:$0x3] =	wrdreg s22;
	s23 =	ssub.s32 $0x2, s7  }
0x9: {  	s7 =	sshll.u32 s7, $0x5;
	s14 =	smul.u32 $0x500, s30;
	s24 =	sshrl.u32 s23, $0x1  }
0xa: {  	s26 =	sor.u32 s0, s7;
	s9 =	sshrl.u32 s9, $0x2;
	s15 =	sor.u32 s30, s7  }
0xb: {  	s7 =	sor.u32 $0x1C01, s13;
	s5 =	sadd.s32 s5, s8;
	s12 =	smul.u32 $0x500, s26  }
0xc: {  	s21 =	ssub.s32 s23, s24;
	s31 =	smul.u32 $0x500, s15;
	s23 =	simm.s32 $0x1  }
0xd: {  	s24 =	simm.s32 $0x14000;
	s26 =	simm.s32 $0x80;
	s8 =	sshll.u32 s5, $0x4  }
0xe: {  	s21 =	smax.u32 s21, $0x1;
	s20 =	sadd.s32 s8, s6;
	s6 =	sadd.s32 s9, s2  }
0xf: {  	s8 =	sadd.s32 s10, s25;
	s9 =	sadd.s32 s11, s12;
	s10 =	sadd.s32 s10, s14  }
0x10: {  	s11 =	sadd.s32 s11, s31;
	s25 =	simm.s32 $0x1A800;
	s12 =	sadd.s32 $0x7A000, s20  }
0x11: {  	s13 =	sadd.s32 $0x4000, s6;
	s14 =	sadd.s32 $0x7A800, s20;
	s15 =	sadd.s32 $0x8000, s6  }
0x12: {  	s16 =	sadd.s32 $0x7B000, s20;
	s17 =	sadd.s32 $0xC000, s6;
	s18 =	sadd.s32 $0x7B800, s20  }
0x13: {  	s19 =	sadd.s32 $0x10000, s6;
	s20 =	sadd.s32 $0x7C000, s20;
	s22 =	sshrl.u32 s6, $0x3  }
.LBB2_1:
0x14: {  	s0 =	rddreg [dreg:$0x3]  }
0x15: {  	[spmem:s22], [sflag:s7] =	dma.local [hbm:s0], $0x2800  }
0x16: {  	_ =	swait.ge [sflag:s23], $0x2800  }
0x17: {  	[sflag:s23] =	ssyncset.done $0x0  }
0x18: {  	[sflag:s23] =	ssyncadd.s32 $0xFFFFD800  }
0x19: {  	[bflag:$0x0] =	sbarrier.arrive $0xFFFF  }
0x1a: {  	[tilespmem:s24], [sflag:$0x1] =	stream.linear.gather [hbm4b:s8+s3], $0x2780, $0x38;
	[tilespmem:$0x1D000] =	vst v63  }
0x1b: {  	_ =	swait.ge [sflag:s23], $0x2780  }
0x1c: {  	[sflag:s23] =	ssyncset.done $0x0  }
0x1d: {  	[sflag:s23] =	ssyncadd.s32 $0xFFFFD880  }
0x1e: {  	[tilespmem:s25], [sflag:$0x1] =	stream.linear.gather [hbm4b:s9+s3], $0x2780, $0x38;
	[tilespmem:$0x1D000] =	vst v63  }
0x1f: {  	_ =	swait.ge [sflag:s23], $0x2780  }
0x20: {  	[sflag:s23] =	ssyncset.done $0x0  }
0x21: {  	s30 =	simm.s32 $0x1A800;
	[sflag:s23] =	ssyncadd.s32 $0xFFFFD880  }
0x22: {  	[tilespmem:s28], [sflag:$0x1] =	stream.indirect.gather [hbm4b:s4+s26], $0x80, s30, s26, $0xb8;
	[tilespmem:$0x1D000] =	vst v63  }
0x23: {  	_ =	swait.ge [sflag:s23], $0x4000  }
0x24: {  	[sflag:s23] =	ssyncset.done $0x0  }
0x25: {  	s30 =	simm.s32 $0x14000;
	[sflag:s23] =	ssyncadd.s32 $0xFFFFC000  }
0x26: {  	[spmem:s2] =	stream.indirect.scatter.add.f32 [tilespmem:s28], [sflag:$0x1], $0x80, s30, s26, $0xb8;
	[tilespmem:$0x1D000] =	vst v63  }
0x27: {  	_ =	swait.ge [sflag:s23], $0x4000  }
0x28: {  	s31 =	simm.s32 $0x400;
	s30 =	simm.s32 $0x80;
	[sflag:s23] =	ssyncset.done $0x0  }
.LBB2_2:
0x29: {  	s1 =	sadd.s32 $0x1A800, s30  }
0x2a: {  	[sflag:s23] =	ssyncadd.s32 $0xFFFFC000;
	s0 =	smov.u32 s31;
	s5 =	sadd.s32 $0x200, s31  }
0x2b: {  	[tilespmem:s28], [sflag:$0x1] =	stream.indirect.gather [hbm4b:s4+s26], $0x80, s1, s26, $0xb8;
	[tilespmem:$0x1D000] =	vst v63  }
0x2c: {  	p0 =	sne.s32 s31, $0x9C00;
	_ =	swait.ge [sflag:s23], $0x4000  }
.Ltmp0:
0x2d: {  	[sflag:s23] =	ssyncset.done $0x0;
	(pc) =	sbr.rel @p0 .LBB2_2-.Ltmp0, $4  }
0x2e: {  	s1 =	sadd.s32 $0x14000, s30;
	[sflag:s23] =	ssyncadd.s32 $0xFFFFC000  }
0x2f: {  	[spmem:s2] =	stream.indirect.scatter.add.f32 [tilespmem:s28], [sflag:$0x1], $0x80, s1, s26, $0xb8;
	[tilespmem:$0x1D000] =	vst v63  }
0x30: {  	_ =	swait.ge [sflag:s23], $0x4000  }
0x31: {  	s30 =	sshra.s32 s0, $0x2;
	s31 =	smov.u32 s5;
	[sflag:s23] =	ssyncset.done $0x0  }
0x32: {  	s0 =	sadd.s32 $0x1A800, s30;
	[sflag:s23] =	ssyncadd.s32 $0xFFFFC000  }
0x33: {  	[tilespmem:s28], [sflag:$0x1] =	stream.indirect.gather [hbm4b:s4+s26], $0x80, s0, s26, $0xb8;
	[tilespmem:$0x1D000] =	vst v63  }
0x34: {  	_ =	swait.ge [sflag:s23], $0x4000  }
0x35: {  	[sflag:s23] =	ssyncset.done $0x0  }
0x36: {  	s1 =	sadd.s32 $0x14000, s30;
	[sflag:s23] =	ssyncadd.s32 $0xFFFFC000  }
0x37: {  	[spmem:s2] =	stream.indirect.scatter.add.f32 [tilespmem:s28], [sflag:$0x1], $0x80, s1, s26, $0xb8;
	[tilespmem:$0x1D000] =	vst v63  }
0x38: {  	_ =	swait.ge [sflag:s23], $0x4000  }
0x39: {  	[sflag:s23] =	ssyncset.done $0x0  }
0x3a: {  	s5 =	simm.s32 $0x0;
	[sflag:s23] =	ssyncadd.s32 $0xFFFFC000  }
0x3b: {  	[tilespmem:s24], [sflag:$0x1] =	stream.linear.gather [hbm4b:s10+s5], $0x2780, $0x38;
	[tilespmem:$0x1D000] =	vst v63  }
0x3c: {  	_ =	swait.ge [sflag:s23], $0x2780  }
0x3d: {  	[sflag:s23] =	ssyncset.done $0x0  }
0x3e: {  	[sflag:s23] =	ssyncadd.s32 $0xFFFFD880  }
0x3f: {  	[tilespmem:s25], [sflag:$0x1] =	stream.linear.gather [hbm4b:s11+s5], $0x2780, $0x38;
	[tilespmem:$0x1D000] =	vst v63  }
0x40: {  	_ =	swait.ge [sflag:s23], $0x2780  }
0x41: {  	[sflag:s23] =	ssyncset.done $0x0  }
0x42: {  	s1 =	simm.s32 $0x1A800;
	[sflag:s23] =	ssyncadd.s32 $0xFFFFD880  }
0x43: {  	[tilespmem:s28], [sflag:$0x1] =	stream.indirect.gather [hbm4b:s4+s26], $0x80, s1, s26, $0xb8;
	[tilespmem:$0x1D000] =	vst v63  }
0x44: {  	_ =	swait.ge [sflag:s23], $0x4000  }
0x45: {  	[sflag:s23] =	ssyncset.done $0x0  }
0x46: {  	s5 =	simm.s32 $0x14000;
	[sflag:s23] =	ssyncadd.s32 $0xFFFFC000  }
0x47: {  	[spmem:s2] =	stream.indirect.scatter.add.f32 [tilespmem:s28], [sflag:$0x1], $0x80, s5, s26, $0xb8;
	[tilespmem:$0x1D000] =	vst v63  }
0x48: {  	_ =	swait.ge [sflag:s23], $0x4000  }
0x49: {  	s31 =	simm.s32 $0x400;
	s30 =	simm.s32 $0x80;
	[sflag:s23] =	ssyncset.done $0x0  }
.LBB2_4:
0x4a: {  	s0 =	sadd.s32 $0x1A800, s30  }
0x4b: {  	[sflag:s23] =	ssyncadd.s32 $0xFFFFC000;
	s1 =	smov.u32 s31;
	s5 =	sadd.s32 $0x200, s31  }
0x4c: {  	[tilespmem:s28], [sflag:$0x1] =	stream.indirect.gather [hbm4b:s4+s26], $0x80, s0, s26, $0xb8;
	[tilespmem:$0x1D000] =	vst v63  }
0x4d: {  	p0 =	sne.s32 s31, $0x9C00;
	_ =	swait.ge [sflag:s23], $0x4000  }
.Ltmp1:
0x4e: {  	[sflag:s23] =	ssyncset.done $0x0;
	(pc) =	sbr.rel @p0 .LBB2_4-.Ltmp1, $4  }
0x4f: {  	s0 =	sadd.s32 $0x14000, s30;
	[sflag:s23] =	ssyncadd.s32 $0xFFFFC000  }
0x50: {  	[spmem:s2] =	stream.indirect.scatter.add.f32 [tilespmem:s28], [sflag:$0x1], $0x80, s0, s26, $0xb8;
	[tilespmem:$0x1D000] =	vst v63  }
0x51: {  	_ =	swait.ge [sflag:s23], $0x4000  }
0x52: {  	s30 =	sshra.s32 s1, $0x2;
	s31 =	smov.u32 s5;
	[sflag:s23] =	ssyncset.done $0x0  }
0x53: {  	s0 =	sadd.s32 $0x1A800, s30;
	[sflag:s23] =	ssyncadd.s32 $0xFFFFC000  }
0x54: {  	[tilespmem:s28], [sflag:$0x1] =	stream.indirect.gather [hbm4b:s4+s26], $0x80, s0, s26, $0xb8;
	[tilespmem:$0x1D000] =	vst v63  }
0x55: {  	_ =	swait.ge [sflag:s23], $0x4000  }
0x56: {  	[sflag:s23] =	ssyncset.done $0x0  }
0x57: {  	s31 =	sadd.s32 $0x14000, s30;
	[sflag:s23] =	ssyncadd.s32 $0xFFFFC000  }
0x58: {  	[spmem:s2] =	stream.indirect.scatter.add.f32 [tilespmem:s28], [sflag:$0x1], $0x80, s31, s26, $0xb8;
	[tilespmem:$0x1D000] =	vst v63  }
0x59: {  	_ =	swait.ge [sflag:s23], $0x4000  }
0x5a: {  	[sflag:s23] =	ssyncset.done $0x0  }
0x5b: {  	[sflag:s23] =	ssyncadd.s32 $0xFFFFC000  }
0x5c: {  	[bflag:$0x0] =	sbarrier.arrive $0xFFFF  }
0x5d: {  	[tilespmem:s28], [sflag:$0x1] =	stream.linear.gather [spmem:s6], $0x4000, $0x38;
	[tilespmem:$0x1D000] =	vst v63  }
0x5e: {  	_ =	swait.ge [sflag:s23], $0x4000  }
0x5f: {  	[sflag:s23] =	ssyncset.done $0x0  }
0x60: {  	[sflag:s23] =	ssyncadd.s32 $0xFFFFC000  }
0x61: {  	[hbm4b:s12+s3] =	stream.linear.scatter [tilespmem:s28], [sflag:$0x1], $0x4000, $0x38;
	[tilespmem:$0x1D000] =	vst v63  }
0x62: {  	_ =	swait.ge [sflag:s23], $0x4000  }
0x63: {  	[sflag:s23] =	ssyncset.done $0x0  }
0x64: {  	[sflag:s23] =	ssyncadd.s32 $0xFFFFC000  }
0x65: {  	[tilespmem:s28], [sflag:$0x1] =	stream.linear.gather [spmem:s13], $0x4000, $0x38;
	[tilespmem:$0x1D000] =	vst v63  }
0x66: {  	_ =	swait.ge [sflag:s23], $0x4000  }
0x67: {  	[sflag:s23] =	ssyncset.done $0x0  }
0x68: {  	[sflag:s23] =	ssyncadd.s32 $0xFFFFC000  }
0x69: {  	[hbm4b:s14+s3] =	stream.linear.scatter [tilespmem:s28], [sflag:$0x1], $0x4000, $0x38;
	[tilespmem:$0x1D000] =	vst v63  }
0x6a: {  	_ =	swait.ge [sflag:s23], $0x4000  }
0x6b: {  	[sflag:s23] =	ssyncset.done $0x0  }
0x6c: {  	[sflag:s23] =	ssyncadd.s32 $0xFFFFC000  }
0x6d: {  	[tilespmem:s28], [sflag:$0x1] =	stream.linear.gather [spmem:s15], $0x4000, $0x38;
	[tilespmem:$0x1D000] =	vst v63  }
0x6e: {  	_ =	swait.ge [sflag:s23], $0x4000  }
0x6f: {  	[sflag:s23] =	ssyncset.done $0x0  }
0x70: {  	[sflag:s23] =	ssyncadd.s32 $0xFFFFC000  }
0x71: {  	[hbm4b:s16+s3] =	stream.linear.scatter [tilespmem:s28], [sflag:$0x1], $0x4000, $0x38;
	[tilespmem:$0x1D000] =	vst v63  }
0x72: {  	_ =	swait.ge [sflag:s23], $0x4000  }
0x73: {  	[sflag:s23] =	ssyncset.done $0x0  }
0x74: {  	[sflag:s23] =	ssyncadd.s32 $0xFFFFC000  }
0x75: {  	[tilespmem:s28], [sflag:$0x1] =	stream.linear.gather [spmem:s17], $0x4000, $0x38;
	[tilespmem:$0x1D000] =	vst v63  }
0x76: {  	_ =	swait.ge [sflag:s23], $0x4000  }
0x77: {  	[sflag:s23] =	ssyncset.done $0x0  }
0x78: {  	[sflag:s23] =	ssyncadd.s32 $0xFFFFC000  }
0x79: {  	[hbm4b:s18+s3] =	stream.linear.scatter [tilespmem:s28], [sflag:$0x1], $0x4000, $0x38;
	[tilespmem:$0x1D000] =	vst v63  }
0x7a: {  	_ =	swait.ge [sflag:s23], $0x4000  }
0x7b: {  	[sflag:s23] =	ssyncset.done $0x0  }
0x7c: {  	[sflag:s23] =	ssyncadd.s32 $0xFFFFC000  }
0x7d: {  	[tilespmem:s28], [sflag:$0x1] =	stream.linear.gather [spmem:s19], $0x4000, $0x38;
	[tilespmem:$0x1D000] =	vst v63  }
0x7e: {  	s29 =	sadd.s32 $0x1, s29;
	_ =	swait.ge [sflag:s23], $0x4000  }
0x7f: {  	p0 =	sne.s32 s29, s21;
	[sflag:s23] =	ssyncset.done $0x0  }
.Ltmp2:
0x80: {  	[sflag:s23] =	ssyncadd.s32 $0xFFFFC000;
	(pc) =	sbr.rel @p0 .LBB2_1-.Ltmp2, $4  }
0x81: {  	[hbm4b:s20+s3] =	stream.linear.scatter [tilespmem:s28], [sflag:$0x1], $0x4000, $0x38;
	[tilespmem:$0x1D000] =	vst v63  }
0x82: {  	_ =	swait.ge [sflag:s23], $0x4000  }
0x83: {  	[sflag:s23] =	ssyncset.done $0x0  }
0x84: {  	[sflag:s23] =	ssyncadd.s32 $0xFFFFC000  }
0x85: {  	_ =	sfence.sel $0x180000  }
0x86: {  	[bflag:$0x0] =	sbarrier.arrive $0xFFFF  }
0x87: {  	_ =	strace $0x90000053  }
0x88: {  	s0 =	stileid.u32;
	[bflag:$0x2] =	sbarrier.arrive $0xFFFF  }
0x89: {  	p0 =	sne.s32 s0, $0x0;
	s0 =	rddreg [dreg:$0x2]  }
0x8a: {  	s0 =	sadd.s32 @!p0 $0x100000, s0  }
0x8b: {  	[sflag:s0] =	ssyncadd.tile.s32 @!p0 $0x1;
	_ =	shalt  }
.Lfunc_end2:
_tile_overlayer_lowered:
.L_overlay_start_2:
0x8c: {  	(tag) =	ssettag $0x2  }
0x8d: {  	s0 =	rddreg [dreg:$0x0];
	s2 =	stileid.u32  }
0x8e: {  	s1 =	rddreg [dreg:$0x1];
	p0 =	sne.s32 s2, $0x0  }
0x8f: {  	s3 =	rddreg [dreg:$0x2];
	[bflag:$0x3] =	sbarrier.arrive $0xFFFF;
	s2 =	simm.s32 @!p0 $0x1C01  }
0x90: {  	[timem:s3], [sflag:s2] =	dma.local @!p0 [hbm:s0], s1  }
0x91: {  	s0 =	simm.s32 @!p0 $0x1  }
0x92: {  	_ =	swait.ge @!p0 [sflag:s0], s1  }
0x93: {  	s1 =	ssub.s32 @!p0 $0x0, s1;
	[sflag:s0] =	ssyncset.done @!p0 $0x0  }
0x94: {  	[sflag:s0] =	ssyncadd.s32 @!p0 s1  }
0x95: {  	[bflag:$0x3] =	sbarrier.arrive $0xFFFF  }
0x96: {  	_ =	shalt  }

// kernel: kernel.25.cloned.1.call-start
scs
__scs_entry_jumppad:
0x0: {  	(pc) =	sbr.rel $0x88, $3  }
0x1: {  	(tag) =	ssettag $0x0;
	lr =	simm.s32 $0x1  }
0x2: {  	[smem:$0x3F83] =	sst lr;
	_ =	strace $0xD0000000  }
0x3: {  	_ = 	snop  }
0x4: {  	_ = 	snop  }
0x5: {  	_ = 	snop  }
0x6: {  	_ = 	snop  }
0x7: {  	_ = 	snop  }
__scs_overlays_trampoline_lowered:
0x8: {  	[smem:$0x3F92] =	sst s0  }
0x9: {  	[smem:$0x3F93] =	sst s1  }
0xa: {  	[smem:$0x3F94] =	sst s2  }
0xb: {  	[smem:$0x3F95] =	sst s3  }
0xc: {  	[smem:$0x3F96] =	sst s4  }
0xd: {  	[smem:$0x3F97] =	sst s5  }
0xe: {  	[smem:$0x3F98] =	sst s6  }
0xf: {  	[smem:$0x3F99] =	sst s7  }
0x10: {  	[smem:$0x3F9A] =	sst s8  }
0x11: {  	[smem:$0x3F9B] =	sst s9;
	s0 =	simm.s32 @!p0 $0x0  }
0x12: {  	s1 =	sld [smem:$0x3F81];
	s0 =	simm.s32 @p0 $0x1  }
0x13: {  	[smem:$0x3F9C] =	sst s0;
	s0 =	simm.s32 @!p1 $0x0  }
0x14: {  	s2 =	sld [smem:$0x3F80];
	s0 =	simm.s32 @p1 $0x1  }
0x15: {  	[smem:$0x3F9D] =	sst s0;
	s0 =	simm.s32 @!p2 $0x0  }
0x16: {  	s3 =	sld [smem:$0x3FDB];
	s0 =	simm.s32 @p2 $0x1  }
0x17: {  	s4 =	simm.s32 $0x1BF5;
	[smem:$0x3F9F] =	sst s0  }
0x18: {  	s0 =	sld [smem:$0x3F82];
	_ =	swait.ge [sflag:s4], $0x0  }
0x19: {  	s7 =	sld [smem:$0x3F83]  }
0x1a: {  	s8 =	sadd.s32 $0xFFFFE003, lr  }
0x1b: {  	s9 =	sadd.s32 $0xFFFFFEF7, lr;
	s5 =	simm.s32 $0xFFFFFFFF;
	p2 =	slt.u32 s8, $0xFFFFF086  }
0x1c: {  	p1 =	slt.u32 s9, $0xF7A;
	s5 =	simm.s32 @!p2 $0x0  }
0x1d: {  	s5 =	simm.s32 @p1 $0x1;
	p0 =	seq.s32 s7, s2  }
0x1e: {  	s7 =	smul.u32 @!p0 $0xF7A, s2;
	p2 =	seq.s32 @!p0 s5, $0x0  }
0x1f: {  	s9 =	smul.u32 $0xF7A, s1;
	s8 =	simm.s32 @!p0 $0x1BF5;
	p2 =	por !p2, p0  }
0x20: {  	[sflag:s8] =	ssyncset.s32 @!p0 $0xFFFFF086;
	s6 =	sadd.s32 @!p0 s3, s7;
	s7 =	simm.s32 @!p0 $0x108  }
0x21: {  	s3 =	sadd.s32 s3, s9;
	s6 =	sadd.s32 @!p0 $0x88, s6;
	s7 =	simm.s32 @p2 $0x1082  }
0x22: {  	[simem:s7], [sflag:s8] =	dma.local @!p0 [hbm:s6], $0xF7A  }
0x23: {  	s9 =	sor.u32 $0xD0000000, s2;
	s6 =	simm.s32 $0x108;
	_ =	swait.ge @!p0 [sflag:s8], $0x0  }
0x24: {  	s3 =	sadd.s32 $0x88, s3;
	s6 =	simm.s32 @!p1 $0x1082;
	[sflag:s4] =	ssyncset.s32 $0xFFFFF086  }
0x25: {  	[simem:s6], [sflag:s4] =	dma.local [hbm:s3], $0xF7A  }
0x26: {  	[smem:$0x3F83] =	sst s1;
	(tag) =	ssettag s2;
	_ =	strace s9  }
0x27: {  	s1 =	sld [smem:$0x3F93]  }
0x28: {  	s2 =	sld [smem:$0x3F94]  }
0x29: {  	s4 =	sld [smem:$0x3F96]  }
0x2a: {  	p0 =	seq.s32 s5, $0x0;
	s5 =	sld [smem:$0x3F97]  }
0x2b: {  	s6 =	sld [smem:$0x3F98]  }
0x2c: {  	s7 =	sld [smem:$0x3F99]  }
0x2d: {  	s3 =	simm.s32 $0x108;
	s8 =	sld [smem:$0x3F9A]  }
0x2e: {  	s3 =	simm.s32 @!p0 $0x1082;
	s9 =	sld [smem:$0x3F9B]  }
0x2f: {  	lr =	sadd.s32 s0, s3;
	s0 =	sld [smem:$0x3F92]  }
0x30: {  	s3 =	sld [smem:$0x3F95]  }
0x31: {  	[smem:$0x3F9E] =	sst s10  }
0x32: {  	s10 =	sld [smem:$0x3F9C];
	_ =	sdelay $0x3  }
0x33: {  	p0 =	seq.s32 s10, $0x1;
	s10 =	sld [smem:$0x3F9E];
	_ =	sdelay $0x3  }
0x34: {  	[smem:$0x3F9E] =	sst s10  }
0x35: {  	s10 =	sld [smem:$0x3F9D];
	_ =	sdelay $0x3  }
0x36: {  	p1 =	seq.s32 s10, $0x1;
	s10 =	sld [smem:$0x3F9E];
	_ =	sdelay $0x3  }
0x37: {  	[smem:$0x3F9E] =	sst s10  }
0x38: {  	s10 =	sld [smem:$0x3F9F]  }
0x39: {  	_ = 	snop;
	(pc) =	sbr.ind lr, $3  }
0x3a: {  	_ = 	snop  }
0x3b: {  	_ = 	snop  }
0x3c: {  	p2 =	seq.s32 s10, $0x1;
	s10 =	sld [smem:$0x3F9E]  }
0x3d: {  	_ =	shalt  }
0x3e: {  	_ =	shalt  }
0x3f: {  	_ =	shalt  }
0x40: {  	_ =	shalt  }
0x41: {  	_ =	shalt  }
0x42: {  	_ =	shalt  }
0x43: {  	_ =	shalt  }
0x44: {  	_ =	shalt  }
0x45: {  	_ =	shalt  }
0x46: {  	_ =	shalt  }
0x47: {  	_ =	shalt  }
0x48: {  	_ =	shalt  }
0x49: {  	_ =	shalt  }
0x4a: {  	_ =	shalt  }
0x4b: {  	_ =	shalt  }
0x4c: {  	_ =	shalt  }
0x4d: {  	_ =	shalt  }
0x4e: {  	_ =	shalt  }
0x4f: {  	_ =	shalt  }
0x50: {  	_ =	shalt  }
0x51: {  	_ =	shalt  }
0x52: {  	_ =	shalt  }
0x53: {  	_ =	shalt  }
0x54: {  	_ =	shalt  }
0x55: {  	_ =	shalt  }
0x56: {  	_ =	shalt  }
0x57: {  	_ =	shalt  }
0x58: {  	_ =	shalt  }
0x59: {  	_ =	shalt  }
0x5a: {  	_ =	shalt  }
0x5b: {  	_ =	shalt  }
0x5c: {  	_ =	shalt  }
0x5d: {  	_ =	shalt  }
0x5e: {  	_ =	shalt  }
0x5f: {  	_ =	shalt  }
0x60: {  	_ =	shalt  }
0x61: {  	_ =	shalt  }
0x62: {  	_ =	shalt  }
0x63: {  	_ =	shalt  }
0x64: {  	_ =	shalt  }
0x65: {  	_ =	shalt  }
0x66: {  	_ =	shalt  }
0x67: {  	_ =	shalt  }
0x68: {  	_ =	shalt  }
0x69: {  	_ =	shalt  }
0x6a: {  	_ =	shalt  }
0x6b: {  	_ =	shalt  }
0x6c: {  	_ =	shalt  }
0x6d: {  	_ =	shalt  }
0x6e: {  	_ =	shalt  }
0x6f: {  	_ =	shalt  }
0x70: {  	_ =	shalt  }
0x71: {  	_ =	shalt  }
0x72: {  	_ =	shalt  }
0x73: {  	_ =	shalt  }
0x74: {  	_ =	shalt  }
0x75: {  	_ =	shalt  }
0x76: {  	_ =	shalt  }
0x77: {  	_ =	shalt  }
0x78: {  	_ =	shalt  }
0x79: {  	_ =	shalt  }
0x7a: {  	_ =	shalt  }
0x7b: {  	_ =	shalt  }
0x7c: {  	_ =	shalt  }
0x7d: {  	_ =	shalt  }
0x7e: {  	_ =	shalt  }
0x7f: {  	_ =	shalt  }
0x80: {  	_ =	shalt  }
0x81: {  	_ =	shalt  }
0x82: {  	_ =	shalt  }
0x83: {  	_ =	shalt  }
0x84: {  	_ =	shalt  }
0x85: {  	_ =	shalt  }
0x86: {  	_ =	shalt  }
0x87: {  	_ =	shalt  }
.Lfunc_end0:
.L_simem_size_0:
called_computation.4_lowered:
.L_overlay_start_0:
0x88: {  	s2 =	sld [smem:$0x3FD9]  }
0x89: {  	s3 =	sld [smem:$0x3FFE];
	_ =	sdelay $0x1  }
0x8a: {  	s1 =	srdreg.scid  }
0x8b: {  	s0 =	sand.u32 $0x1, s1  }
0x8c: {  	s16 =	sshll.u32 s0, $0xA;
	s2 =	sadd.s32 s3, s2  }
0x8d: {  	s2 =	sadd.s32 s2, s16  }
0x8e: {  	[smem:$0x3FAA] =	sst s2  }
0x8f: {  	_ = 	snop  }
0x90: {  	(tm) =	ssettm $0x1  }
0x91: {  	s17 =	sld [smem:$0x3FFB];
	_ =	sdelay $0x3  }
0x92: {  	_ =	strace s17  }
0x93: {  	s2 =	sld [smem:$0x3FFC];
	_ =	sdelay $0x3  }
0x94: {  	_ =	strace s2  }
0x95: {  	s2 =	sld [smem:$0x3FFD];
	_ =	sdelay $0x3  }
0x96: {  	_ =	strace s2  }
0x97: {  	_ =	strace $0x8FFFFFFF  }
0x98: {  	s18 =	sld [smem:$0x3FDB];
	_ =	sdelay $0x1  }
0x99: {  	s19 =	simm.s32 $_scs_section_size  }
0x9a: {  	s4 =	simm.s32 $_size__tile_overlayer_lowered;
	s5 =	simm.s32 $_tile_overlayer_lowered  }
0x9b: {  	s22 =	simm.s32 $0x1BFF;
	s21 =	sshll.u32 s5, $0x1;
	s2 =	sadd.s32 s19, s18  }
0x9c: {  	s6 =	simm.s32 $0x0;
	s20 =	sshll.u32 s4, $0x1;
	s4 =	sadd.s32 s21, s2  }
0x9d: {  	[timem:s6], [sflag:s22] =	dma.local [hbm:s4], s20  }
0x9e: {  	_ =	swait.ge [sflag:s22], s20  }
0x9f: {  	s3 =	ssub.s32 $0x0, s20;
	[sflag:s22] =	ssyncset.done $0x0  }
0xa0: {  	[sflag:s22] =	ssyncadd.s32 s3;
	_ =	sdelay $0x1  }
0xa1: {  	s23 =	simm.s32 $0x1B8B  }
0xa2: {  	_ =	swait.ge [sflag:s23], $0x1  }
0xa3: {  	[sflag:s23] =	ssyncset.done $0x0  }
0xa4: {  	s25 =	simm.s32 $0x1B8E;
	s24 =	sld [smem:$0x3FFE];
	[sflag:s23] =	ssyncadd.s32 $0xFFFFFFFF  }
0xa5: {  	s26 =	simm.s32 $execute0_lowered;
	[smem:$0x3FD2] =	sst s25  }
0xa6: {  	s4 =	sshll.u32 s26, $0x1;
	_ =	strace $0x8000004F;
	[dreg:$0x1] =	wrdreg $0xFFFFFFFF  }
0xa7: {  	s28 =	simm.s32 $_size_execute0_lowered;
	s2 =	sadd.s32 s2, s4;
	[dreg:$0x0] =	wrdreg $0x0  }
0xa8: {  	s4 =	sshll.u32 s28, $0x1;
	[dreg:$0x2] =	wrdreg s2  }
0xa9: {  	[dreg:$0x3] =	wrdreg s4  }
0xaa: {  	[dreg:$0x4] =	wrdreg $0xC0  }
0xab: {  	_ =	task [dreg:s6], $0x5FFFF  }
0xac: {  	[dreg:$0x1] =	wrdreg $0xFFFFFFFF  }
0xad: {  	[dreg:$0x0] =	wrdreg $0x60  }
0xae: {  	[dreg:$0x2] =	wrdreg s24  }
0xaf: {  	[dreg:$0x3] =	wrdreg $0x0  }
0xb0: {  	[dreg:$0x4] =	wrdreg $0xA  }
0xb1: {  	_ =	task.clear_ibuf [dreg:s6], $0x5FFFF;
	_ =	strace $0x9000004F  }
0xb2: {  	s29 =	simm.s32 $0xA;
	_ =	strace $0x80000051  }
0xb3: {  	_ =	swait.ge [sflag:s29], $0x1  }
0xb4: {  	[sflag:s29] =	ssyncadd.s32 $0xFFFFFFFF  }
0xb5: {  	_ =	strace $0x90000051  }
0xb6: {  	_ =	sfence  }
0xb7: {  	s30 =	sld [smem:$0x0];
	_ =	sdelay $0x2  }
0xb8: {  	s31 =	sshll.u32 s1, $0xD;
	s1 =	sshrl.u32 s1, $0x2  }
0xb9: {  	s3 =	sand.u32 $0x4000, s31;
	s1 =	sadd.s32 s1, s30  }
0xba: {  	s0 =	sor.u32 s3, s0;
	s1 =	sshll.u32 s1, $0x11  }
0xbb: {  	s0 =	sor.u32 s1, s0  }
0xbc: {  	s0 =	sadd.s32 $0x8F2B, s0  }
0xbd: {  	[sflag:s0] =	ssyncadd.remote.s32 $0x1  }
0xbe: {  	_ =	sfence.sel $0xFFFF  }
0xbf: {  	[dreg:$0x0] =	wrdreg $0xFFFFFFFF;
	(pc) =	sbr.abs _section_cstart, $3  }
0xc0: {  	[dreg:$0x1] =	wrdreg $0xFFFFFFFF  }
0xc1: {  	_ =	task.clear_ibuf [dreg:s6], $0x2FFFF;
	_ =	strace $0x9FFFFFFF  }
0xc2: {  	(tm) =	ssettm $0x7FFFFFFF  }
0xc3: {  	_ =	shalt  }
tec
execute0_lowered:
.L_overlay_start_1:
0x0: {  	(tag) =	ssettag $0x1  }
0x1: {  	s6 =	rddreg [dreg:$0x0];
	s1 =	srdreg.scid  }
0x2: {  	s0 =	stileid.u32;
	s2 =	rddreg [dreg:$0x1]  }
0x3: {  	s3 =	simm.s32 $0x0;
	s28 =	simm.s32 $0x16800;
	s29 =	simm.s32 $0x0  }
0x4: {  	s7 =	sand.u32 $0x1, s1;
	s5 =	smul.u32 $0x280, s0;
	[smem:$0x7FF] =	sst s3  }
0x5: {  	s4 =	sadd.s32 $0xDE000, s6;
	s11 =	sadd.s32 $0xCA000, s6;
	s9 =	smul.u32 $0x50000, s0  }
0x6: {  	s10 =	sadd.s32 $0x7C00, s6;
	s22 =	sadd.s32 $0x27800, s6;
	s25 =	smul.u32 $0x500, s0  }
0x7: {  	s30 =	sor.u32 $0x10, s0;
	s13 =	sshll.u32 s0, $0x6;
	s8 =	smul.u32 $0x2800, s7  }
0x8: {  	_ =	strace $0x80000050;
	[dreg:$0x3] =	wrdreg s22;
	s23 =	ssub.s32 $0x2, s7  }
0x9: {  	s7 =	sshll.u32 s7, $0x5;
	s14 =	smul.u32 $0x500, s30;
	s24 =	sshrl.u32 s23, $0x1  }
0xa: {  	s26 =	sor.u32 s0, s7;
	s9 =	sshrl.u32 s9, $0x2;
	s15 =	sor.u32 s30, s7  }
0xb: {  	s7 =	sor.u32 $0x1C01, s13;
	s5 =	sadd.s32 s5, s8;
	s12 =	smul.u32 $0x500, s26  }
0xc: {  	s21 =	ssub.s32 s23, s24;
	s31 =	smul.u32 $0x500, s15;
	s23 =	simm.s32 $0x1  }
0xd: {  	s24 =	simm.s32 $0x14000;
	s26 =	simm.s32 $0x80;
	s8 =	sshll.u32 s5, $0x4  }
0xe: {  	s21 =	smax.u32 s21, $0x1;
	s20 =	sadd.s32 s8, s6;
	s6 =	sadd.s32 s9, s2  }
0xf: {  	s8 =	sadd.s32 s10, s25;
	s9 =	sadd.s32 s11, s12;
	s10 =	sadd.s32 s10, s14  }
0x10: {  	s11 =	sadd.s32 s11, s31;
	s25 =	simm.s32 $0x1A800;
	s12 =	sadd.s32 $0x2A000, s20  }
0x11: {  	s13 =	sadd.s32 $0x4000, s6;
	s14 =	sadd.s32 $0x2A800, s20;
	s15 =	sadd.s32 $0x8000, s6  }
0x12: {  	s16 =	sadd.s32 $0x2B000, s20;
	s17 =	sadd.s32 $0xC000, s6;
	s18 =	sadd.s32 $0x2B800, s20  }
0x13: {  	s19 =	sadd.s32 $0x10000, s6;
	s20 =	sadd.s32 $0x2C000, s20;
	s22 =	sshrl.u32 s6, $0x3  }
.LBB2_1:
0x14: {  	s0 =	rddreg [dreg:$0x3]  }
0x15: {  	[spmem:s22], [sflag:s7] =	dma.local [hbm:s0], $0x2800  }
0x16: {  	_ =	swait.ge [sflag:s23], $0x2800  }
0x17: {  	[sflag:s23] =	ssyncset.done $0x0  }
0x18: {  	[sflag:s23] =	ssyncadd.s32 $0xFFFFD800  }
0x19: {  	[bflag:$0x0] =	sbarrier.arrive $0xFFFF  }
0x1a: {  	[tilespmem:s24], [sflag:$0x1] =	stream.linear.gather [hbm4b:s8+s3], $0x2780, $0x38;
	[tilespmem:$0x1D000] =	vst v63  }
0x1b: {  	_ =	swait.ge [sflag:s23], $0x2780  }
0x1c: {  	[sflag:s23] =	ssyncset.done $0x0  }
0x1d: {  	[sflag:s23] =	ssyncadd.s32 $0xFFFFD880  }
0x1e: {  	[tilespmem:s25], [sflag:$0x1] =	stream.linear.gather [hbm4b:s9+s3], $0x2780, $0x38;
	[tilespmem:$0x1D000] =	vst v63  }
0x1f: {  	_ =	swait.ge [sflag:s23], $0x2780  }
0x20: {  	[sflag:s23] =	ssyncset.done $0x0  }
0x21: {  	s30 =	simm.s32 $0x1A800;
	[sflag:s23] =	ssyncadd.s32 $0xFFFFD880  }
0x22: {  	[tilespmem:s28], [sflag:$0x1] =	stream.indirect.gather [hbm4b:s4+s26], $0x80, s30, s26, $0xb8;
	[tilespmem:$0x1D000] =	vst v63  }
0x23: {  	_ =	swait.ge [sflag:s23], $0x4000  }
0x24: {  	[sflag:s23] =	ssyncset.done $0x0  }
0x25: {  	s30 =	simm.s32 $0x14000;
	[sflag:s23] =	ssyncadd.s32 $0xFFFFC000  }
0x26: {  	[spmem:s2] =	stream.indirect.scatter.add.f32 [tilespmem:s28], [sflag:$0x1], $0x80, s30, s26, $0xb8;
	[tilespmem:$0x1D000] =	vst v63  }
0x27: {  	_ =	swait.ge [sflag:s23], $0x4000  }
0x28: {  	s31 =	simm.s32 $0x400;
	s30 =	simm.s32 $0x80;
	[sflag:s23] =	ssyncset.done $0x0  }
.LBB2_2:
0x29: {  	s1 =	sadd.s32 $0x1A800, s30  }
0x2a: {  	[sflag:s23] =	ssyncadd.s32 $0xFFFFC000;
	s0 =	smov.u32 s31;
	s5 =	sadd.s32 $0x200, s31  }
0x2b: {  	[tilespmem:s28], [sflag:$0x1] =	stream.indirect.gather [hbm4b:s4+s26], $0x80, s1, s26, $0xb8;
	[tilespmem:$0x1D000] =	vst v63  }
0x2c: {  	p0 =	sne.s32 s31, $0x9C00;
	_ =	swait.ge [sflag:s23], $0x4000  }
.Ltmp0:
0x2d: {  	[sflag:s23] =	ssyncset.done $0x0;
	(pc) =	sbr.rel @p0 .LBB2_2-.Ltmp0, $4  }
0x2e: {  	s1 =	sadd.s32 $0x14000, s30;
	[sflag:s23] =	ssyncadd.s32 $0xFFFFC000  }
0x2f: {  	[spmem:s2] =	stream.indirect.scatter.add.f32 [tilespmem:s28], [sflag:$0x1], $0x80, s1, s26, $0xb8;
	[tilespmem:$0x1D000] =	vst v63  }
0x30: {  	_ =	swait.ge [sflag:s23], $0x4000  }
0x31: {  	s30 =	sshra.s32 s0, $0x2;
	s31 =	smov.u32 s5;
	[sflag:s23] =	ssyncset.done $0x0  }
0x32: {  	s0 =	sadd.s32 $0x1A800, s30;
	[sflag:s23] =	ssyncadd.s32 $0xFFFFC000  }
0x33: {  	[tilespmem:s28], [sflag:$0x1] =	stream.indirect.gather [hbm4b:s4+s26], $0x80, s0, s26, $0xb8;
	[tilespmem:$0x1D000] =	vst v63  }
0x34: {  	_ =	swait.ge [sflag:s23], $0x4000  }
0x35: {  	[sflag:s23] =	ssyncset.done $0x0  }
0x36: {  	s1 =	sadd.s32 $0x14000, s30;
	[sflag:s23] =	ssyncadd.s32 $0xFFFFC000  }
0x37: {  	[spmem:s2] =	stream.indirect.scatter.add.f32 [tilespmem:s28], [sflag:$0x1], $0x80, s1, s26, $0xb8;
	[tilespmem:$0x1D000] =	vst v63  }
0x38: {  	_ =	swait.ge [sflag:s23], $0x4000  }
0x39: {  	[sflag:s23] =	ssyncset.done $0x0  }
0x3a: {  	s5 =	simm.s32 $0x0;
	[sflag:s23] =	ssyncadd.s32 $0xFFFFC000  }
0x3b: {  	[tilespmem:s24], [sflag:$0x1] =	stream.linear.gather [hbm4b:s10+s5], $0x2780, $0x38;
	[tilespmem:$0x1D000] =	vst v63  }
0x3c: {  	_ =	swait.ge [sflag:s23], $0x2780  }
0x3d: {  	[sflag:s23] =	ssyncset.done $0x0  }
0x3e: {  	[sflag:s23] =	ssyncadd.s32 $0xFFFFD880  }
0x3f: {  	[tilespmem:s25], [sflag:$0x1] =	stream.linear.gather [hbm4b:s11+s5], $0x2780, $0x38;
	[tilespmem:$0x1D000] =	vst v63  }
0x40: {  	_ =	swait.ge [sflag:s23], $0x2780  }
0x41: {  	[sflag:s23] =	ssyncset.done $0x0  }
0x42: {  	s1 =	simm.s32 $0x1A800;
	[sflag:s23] =	ssyncadd.s32 $0xFFFFD880  }
0x43: {  	[tilespmem:s28], [sflag:$0x1] =	stream.indirect.gather [hbm4b:s4+s26], $0x80, s1, s26, $0xb8;
	[tilespmem:$0x1D000] =	vst v63  }
0x44: {  	_ =	swait.ge [sflag:s23], $0x4000  }
0x45: {  	[sflag:s23] =	ssyncset.done $0x0  }
0x46: {  	s5 =	simm.s32 $0x14000;
	[sflag:s23] =	ssyncadd.s32 $0xFFFFC000  }
0x47: {  	[spmem:s2] =	stream.indirect.scatter.add.f32 [tilespmem:s28], [sflag:$0x1], $0x80, s5, s26, $0xb8;
	[tilespmem:$0x1D000] =	vst v63  }
0x48: {  	_ =	swait.ge [sflag:s23], $0x4000  }
0x49: {  	s31 =	simm.s32 $0x400;
	s30 =	simm.s32 $0x80;
	[sflag:s23] =	ssyncset.done $0x0  }
.LBB2_4:
0x4a: {  	s0 =	sadd.s32 $0x1A800, s30  }
0x4b: {  	[sflag:s23] =	ssyncadd.s32 $0xFFFFC000;
	s1 =	smov.u32 s31;
	s5 =	sadd.s32 $0x200, s31  }
0x4c: {  	[tilespmem:s28], [sflag:$0x1] =	stream.indirect.gather [hbm4b:s4+s26], $0x80, s0, s26, $0xb8;
	[tilespmem:$0x1D000] =	vst v63  }
0x4d: {  	p0 =	sne.s32 s31, $0x9C00;
	_ =	swait.ge [sflag:s23], $0x4000  }
.Ltmp1:
0x4e: {  	[sflag:s23] =	ssyncset.done $0x0;
	(pc) =	sbr.rel @p0 .LBB2_4-.Ltmp1, $4  }
0x4f: {  	s0 =	sadd.s32 $0x14000, s30;
	[sflag:s23] =	ssyncadd.s32 $0xFFFFC000  }
0x50: {  	[spmem:s2] =	stream.indirect.scatter.add.f32 [tilespmem:s28], [sflag:$0x1], $0x80, s0, s26, $0xb8;
	[tilespmem:$0x1D000] =	vst v63  }
0x51: {  	_ =	swait.ge [sflag:s23], $0x4000  }
0x52: {  	s30 =	sshra.s32 s1, $0x2;
	s31 =	smov.u32 s5;
	[sflag:s23] =	ssyncset.done $0x0  }
0x53: {  	s0 =	sadd.s32 $0x1A800, s30;
	[sflag:s23] =	ssyncadd.s32 $0xFFFFC000  }
0x54: {  	[tilespmem:s28], [sflag:$0x1] =	stream.indirect.gather [hbm4b:s4+s26], $0x80, s0, s26, $0xb8;
	[tilespmem:$0x1D000] =	vst v63  }
0x55: {  	_ =	swait.ge [sflag:s23], $0x4000  }
0x56: {  	[sflag:s23] =	ssyncset.done $0x0  }
0x57: {  	s31 =	sadd.s32 $0x14000, s30;
	[sflag:s23] =	ssyncadd.s32 $0xFFFFC000  }
0x58: {  	[spmem:s2] =	stream.indirect.scatter.add.f32 [tilespmem:s28], [sflag:$0x1], $0x80, s31, s26, $0xb8;
	[tilespmem:$0x1D000] =	vst v63  }
0x59: {  	_ =	swait.ge [sflag:s23], $0x4000  }
0x5a: {  	[sflag:s23] =	ssyncset.done $0x0  }
0x5b: {  	[sflag:s23] =	ssyncadd.s32 $0xFFFFC000  }
0x5c: {  	[bflag:$0x0] =	sbarrier.arrive $0xFFFF  }
0x5d: {  	[tilespmem:s28], [sflag:$0x1] =	stream.linear.gather [spmem:s6], $0x4000, $0x38;
	[tilespmem:$0x1D000] =	vst v63  }
0x5e: {  	_ =	swait.ge [sflag:s23], $0x4000  }
0x5f: {  	[sflag:s23] =	ssyncset.done $0x0  }
0x60: {  	[sflag:s23] =	ssyncadd.s32 $0xFFFFC000  }
0x61: {  	[hbm4b:s12+s3] =	stream.linear.scatter [tilespmem:s28], [sflag:$0x1], $0x4000, $0x38;
	[tilespmem:$0x1D000] =	vst v63  }
0x62: {  	_ =	swait.ge [sflag:s23], $0x4000  }
0x63: {  	[sflag:s23] =	ssyncset.done $0x0  }
0x64: {  	[sflag:s23] =	ssyncadd.s32 $0xFFFFC000  }
0x65: {  	[tilespmem:s28], [sflag:$0x1] =	stream.linear.gather [spmem:s13], $0x4000, $0x38;
	[tilespmem:$0x1D000] =	vst v63  }
0x66: {  	_ =	swait.ge [sflag:s23], $0x4000  }
0x67: {  	[sflag:s23] =	ssyncset.done $0x0  }
0x68: {  	[sflag:s23] =	ssyncadd.s32 $0xFFFFC000  }
0x69: {  	[hbm4b:s14+s3] =	stream.linear.scatter [tilespmem:s28], [sflag:$0x1], $0x4000, $0x38;
	[tilespmem:$0x1D000] =	vst v63  }
0x6a: {  	_ =	swait.ge [sflag:s23], $0x4000  }
0x6b: {  	[sflag:s23] =	ssyncset.done $0x0  }
0x6c: {  	[sflag:s23] =	ssyncadd.s32 $0xFFFFC000  }
0x6d: {  	[tilespmem:s28], [sflag:$0x1] =	stream.linear.gather [spmem:s15], $0x4000, $0x38;
	[tilespmem:$0x1D000] =	vst v63  }
0x6e: {  	_ =	swait.ge [sflag:s23], $0x4000  }
0x6f: {  	[sflag:s23] =	ssyncset.done $0x0  }
0x70: {  	[sflag:s23] =	ssyncadd.s32 $0xFFFFC000  }
0x71: {  	[hbm4b:s16+s3] =	stream.linear.scatter [tilespmem:s28], [sflag:$0x1], $0x4000, $0x38;
	[tilespmem:$0x1D000] =	vst v63  }
0x72: {  	_ =	swait.ge [sflag:s23], $0x4000  }
0x73: {  	[sflag:s23] =	ssyncset.done $0x0  }
0x74: {  	[sflag:s23] =	ssyncadd.s32 $0xFFFFC000  }
0x75: {  	[tilespmem:s28], [sflag:$0x1] =	stream.linear.gather [spmem:s17], $0x4000, $0x38;
	[tilespmem:$0x1D000] =	vst v63  }
0x76: {  	_ =	swait.ge [sflag:s23], $0x4000  }
0x77: {  	[sflag:s23] =	ssyncset.done $0x0  }
0x78: {  	[sflag:s23] =	ssyncadd.s32 $0xFFFFC000  }
0x79: {  	[hbm4b:s18+s3] =	stream.linear.scatter [tilespmem:s28], [sflag:$0x1], $0x4000, $0x38;
	[tilespmem:$0x1D000] =	vst v63  }
0x7a: {  	_ =	swait.ge [sflag:s23], $0x4000  }
0x7b: {  	[sflag:s23] =	ssyncset.done $0x0  }
0x7c: {  	[sflag:s23] =	ssyncadd.s32 $0xFFFFC000  }
0x7d: {  	[tilespmem:s28], [sflag:$0x1] =	stream.linear.gather [spmem:s19], $0x4000, $0x38;
	[tilespmem:$0x1D000] =	vst v63  }
0x7e: {  	s29 =	sadd.s32 $0x1, s29;
	_ =	swait.ge [sflag:s23], $0x4000  }
0x7f: {  	p0 =	sne.s32 s29, s21;
	[sflag:s23] =	ssyncset.done $0x0  }
.Ltmp2:
0x80: {  	[sflag:s23] =	ssyncadd.s32 $0xFFFFC000;
	(pc) =	sbr.rel @p0 .LBB2_1-.Ltmp2, $4  }
0x81: {  	[hbm4b:s20+s3] =	stream.linear.scatter [tilespmem:s28], [sflag:$0x1], $0x4000, $0x38;
	[tilespmem:$0x1D000] =	vst v63  }
0x82: {  	_ =	swait.ge [sflag:s23], $0x4000  }
0x83: {  	[sflag:s23] =	ssyncset.done $0x0  }
0x84: {  	[sflag:s23] =	ssyncadd.s32 $0xFFFFC000  }
0x85: {  	_ =	sfence.sel $0x180000  }
0x86: {  	[bflag:$0x0] =	sbarrier.arrive $0xFFFF  }
0x87: {  	_ =	strace $0x90000050  }
0x88: {  	s0 =	stileid.u32;
	[bflag:$0x2] =	sbarrier.arrive $0xFFFF  }
0x89: {  	p0 =	sne.s32 s0, $0x0;
	s0 =	rddreg [dreg:$0x2]  }
0x8a: {  	s0 =	sadd.s32 @!p0 $0x100000, s0  }
0x8b: {  	[sflag:s0] =	ssyncadd.tile.s32 @!p0 $0x1;
	_ =	shalt  }
.Lfunc_end2:
_tile_overlayer_lowered:
.L_overlay_start_2:
0x8c: {  	(tag) =	ssettag $0x2  }
0x8d: {  	s0 =	rddreg [dreg:$0x0];
	s2 =	stileid.u32  }
0x8e: {  	s1 =	rddreg [dreg:$0x1];
	p0 =	sne.s32 s2, $0x0  }
0x8f: {  	s3 =	rddreg [dreg:$0x2];
	[bflag:$0x3] =	sbarrier.arrive $0xFFFF;
	s2 =	simm.s32 @!p0 $0x1C01  }
0x90: {  	[timem:s3], [sflag:s2] =	dma.local @!p0 [hbm:s0], s1  }
0x91: {  	s0 =	simm.s32 @!p0 $0x1  }
0x92: {  	_ =	swait.ge @!p0 [sflag:s0], s1  }
0x93: {  	s1 =	ssub.s32 @!p0 $0x0, s1;
	[sflag:s0] =	ssyncset.done @!p0 $0x0  }
0x94: {  	[sflag:s0] =	ssyncadd.s32 @!p0 s1  }
0x95: {  	[bflag:$0x3] =	sbarrier.arrive $0xFFFF  }
0x96: {  	_ =	shalt  }

// kernel: kernel.28.cloned.1.call-start
scs
__scs_entry_jumppad:
0x0: {  	(pc) =	sbr.rel $0x88, $3  }
0x1: {  	(tag) =	ssettag $0x0;
	lr =	simm.s32 $0x1  }
0x2: {  	[smem:$0x3F83] =	sst lr;
	_ =	strace $0xD0000000  }
0x3: {  	_ = 	snop  }
0x4: {  	_ = 	snop  }
0x5: {  	_ = 	snop  }
0x6: {  	_ = 	snop  }
0x7: {  	_ = 	snop  }
__scs_overlays_trampoline_lowered:
0x8: {  	[smem:$0x3F92] =	sst s0  }
0x9: {  	[smem:$0x3F93] =	sst s1  }
0xa: {  	[smem:$0x3F94] =	sst s2  }
0xb: {  	[smem:$0x3F95] =	sst s3  }
0xc: {  	[smem:$0x3F96] =	sst s4  }
0xd: {  	[smem:$0x3F97] =	sst s5  }
0xe: {  	[smem:$0x3F98] =	sst s6  }
0xf: {  	[smem:$0x3F99] =	sst s7  }
0x10: {  	[smem:$0x3F9A] =	sst s8  }
0x11: {  	[smem:$0x3F9B] =	sst s9;
	s0 =	simm.s32 @!p0 $0x0  }
0x12: {  	s1 =	sld [smem:$0x3F81];
	s0 =	simm.s32 @p0 $0x1  }
0x13: {  	[smem:$0x3F9C] =	sst s0;
	s0 =	simm.s32 @!p1 $0x0  }
0x14: {  	s2 =	sld [smem:$0x3F80];
	s0 =	simm.s32 @p1 $0x1  }
0x15: {  	[smem:$0x3F9D] =	sst s0;
	s0 =	simm.s32 @!p2 $0x0  }
0x16: {  	s3 =	sld [smem:$0x3FDB];
	s0 =	simm.s32 @p2 $0x1  }
0x17: {  	s4 =	simm.s32 $0x1BF5;
	[smem:$0x3F9F] =	sst s0  }
0x18: {  	s0 =	sld [smem:$0x3F82];
	_ =	swait.ge [sflag:s4], $0x0  }
0x19: {  	s7 =	sld [smem:$0x3F83]  }
0x1a: {  	s8 =	sadd.s32 $0xFFFFE003, lr  }
0x1b: {  	s9 =	sadd.s32 $0xFFFFFEF7, lr;
	s5 =	simm.s32 $0xFFFFFFFF;
	p2 =	slt.u32 s8, $0xFFFFF086  }
0x1c: {  	p1 =	slt.u32 s9, $0xF7A;
	s5 =	simm.s32 @!p2 $0x0  }
0x1d: {  	s5 =	simm.s32 @p1 $0x1;
	p0 =	seq.s32 s7, s2  }
0x1e: {  	s7 =	smul.u32 @!p0 $0xF7A, s2;
	p2 =	seq.s32 @!p0 s5, $0x0  }
0x1f: {  	s9 =	smul.u32 $0xF7A, s1;
	s8 =	simm.s32 @!p0 $0x1BF5;
	p2 =	por !p2, p0  }
0x20: {  	[sflag:s8] =	ssyncset.s32 @!p0 $0xFFFFF086;
	s6 =	sadd.s32 @!p0 s3, s7;
	s7 =	simm.s32 @!p0 $0x108  }
0x21: {  	s3 =	sadd.s32 s3, s9;
	s6 =	sadd.s32 @!p0 $0x88, s6;
	s7 =	simm.s32 @p2 $0x1082  }
0x22: {  	[simem:s7], [sflag:s8] =	dma.local @!p0 [hbm:s6], $0xF7A  }
0x23: {  	s9 =	sor.u32 $0xD0000000, s2;
	s6 =	simm.s32 $0x108;
	_ =	swait.ge @!p0 [sflag:s8], $0x0  }
0x24: {  	s3 =	sadd.s32 $0x88, s3;
	s6 =	simm.s32 @!p1 $0x1082;
	[sflag:s4] =	ssyncset.s32 $0xFFFFF086  }
0x25: {  	[simem:s6], [sflag:s4] =	dma.local [hbm:s3], $0xF7A  }
0x26: {  	[smem:$0x3F83] =	sst s1;
	(tag) =	ssettag s2;
	_ =	strace s9  }
0x27: {  	s1 =	sld [smem:$0x3F93]  }
0x28: {  	s2 =	sld [smem:$0x3F94]  }
0x29: {  	s4 =	sld [smem:$0x3F96]  }
0x2a: {  	p0 =	seq.s32 s5, $0x0;
	s5 =	sld [smem:$0x3F97]  }
0x2b: {  	s6 =	sld [smem:$0x3F98]  }
0x2c: {  	s7 =	sld [smem:$0x3F99]  }
0x2d: {  	s3 =	simm.s32 $0x108;
	s8 =	sld [smem:$0x3F9A]  }
0x2e: {  	s3 =	simm.s32 @!p0 $0x1082;
	s9 =	sld [smem:$0x3F9B]  }
0x2f: {  	lr =	sadd.s32 s0, s3;
	s0 =	sld [smem:$0x3F92]  }
0x30: {  	s3 =	sld [smem:$0x3F95]  }
0x31: {  	[smem:$0x3F9E] =	sst s10  }
0x32: {  	s10 =	sld [smem:$0x3F9C];
	_ =	sdelay $0x3  }
0x33: {  	p0 =	seq.s32 s10, $0x1;
	s10 =	sld [smem:$0x3F9E];
	_ =	sdelay $0x3  }
0x34: {  	[smem:$0x3F9E] =	sst s10  }
0x35: {  	s10 =	sld [smem:$0x3F9D];
	_ =	sdelay $0x3  }
0x36: {  	p1 =	seq.s32 s10, $0x1;
	s10 =	sld [smem:$0x3F9E];
	_ =	sdelay $0x3  }
0x37: {  	[smem:$0x3F9E] =	sst s10  }
0x38: {  	s10 =	sld [smem:$0x3F9F]  }
0x39: {  	_ = 	snop;
	(pc) =	sbr.ind lr, $3  }
0x3a: {  	_ = 	snop  }
0x3b: {  	_ = 	snop  }
0x3c: {  	p2 =	seq.s32 s10, $0x1;
	s10 =	sld [smem:$0x3F9E]  }
0x3d: {  	_ =	shalt  }
0x3e: {  	_ =	shalt  }
0x3f: {  	_ =	shalt  }
0x40: {  	_ =	shalt  }
0x41: {  	_ =	shalt  }
0x42: {  	_ =	shalt  }
0x43: {  	_ =	shalt  }
0x44: {  	_ =	shalt  }
0x45: {  	_ =	shalt  }
0x46: {  	_ =	shalt  }
0x47: {  	_ =	shalt  }
0x48: {  	_ =	shalt  }
0x49: {  	_ =	shalt  }
0x4a: {  	_ =	shalt  }
0x4b: {  	_ =	shalt  }
0x4c: {  	_ =	shalt  }
0x4d: {  	_ =	shalt  }
0x4e: {  	_ =	shalt  }
0x4f: {  	_ =	shalt  }
0x50: {  	_ =	shalt  }
0x51: {  	_ =	shalt  }
0x52: {  	_ =	shalt  }
0x53: {  	_ =	shalt  }
0x54: {  	_ =	shalt  }
0x55: {  	_ =	shalt  }
0x56: {  	_ =	shalt  }
0x57: {  	_ =	shalt  }
0x58: {  	_ =	shalt  }
0x59: {  	_ =	shalt  }
0x5a: {  	_ =	shalt  }
0x5b: {  	_ =	shalt  }
0x5c: {  	_ =	shalt  }
0x5d: {  	_ =	shalt  }
0x5e: {  	_ =	shalt  }
0x5f: {  	_ =	shalt  }
0x60: {  	_ =	shalt  }
0x61: {  	_ =	shalt  }
0x62: {  	_ =	shalt  }
0x63: {  	_ =	shalt  }
0x64: {  	_ =	shalt  }
0x65: {  	_ =	shalt  }
0x66: {  	_ =	shalt  }
0x67: {  	_ =	shalt  }
0x68: {  	_ =	shalt  }
0x69: {  	_ =	shalt  }
0x6a: {  	_ =	shalt  }
0x6b: {  	_ =	shalt  }
0x6c: {  	_ =	shalt  }
0x6d: {  	_ =	shalt  }
0x6e: {  	_ =	shalt  }
0x6f: {  	_ =	shalt  }
0x70: {  	_ =	shalt  }
0x71: {  	_ =	shalt  }
0x72: {  	_ =	shalt  }
0x73: {  	_ =	shalt  }
0x74: {  	_ =	shalt  }
0x75: {  	_ =	shalt  }
0x76: {  	_ =	shalt  }
0x77: {  	_ =	shalt  }
0x78: {  	_ =	shalt  }
0x79: {  	_ =	shalt  }
0x7a: {  	_ =	shalt  }
0x7b: {  	_ =	shalt  }
0x7c: {  	_ =	shalt  }
0x7d: {  	_ =	shalt  }
0x7e: {  	_ =	shalt  }
0x7f: {  	_ =	shalt  }
0x80: {  	_ =	shalt  }
0x81: {  	_ =	shalt  }
0x82: {  	_ =	shalt  }
0x83: {  	_ =	shalt  }
0x84: {  	_ =	shalt  }
0x85: {  	_ =	shalt  }
0x86: {  	_ =	shalt  }
0x87: {  	_ =	shalt  }
.Lfunc_end0:
.L_simem_size_0:
called_computation.5_lowered:
.L_overlay_start_0:
0x88: {  	s2 =	sld [smem:$0x3FD9]  }
0x89: {  	s3 =	sld [smem:$0x3FFE];
	_ =	sdelay $0x1  }
0x8a: {  	s1 =	srdreg.scid  }
0x8b: {  	s0 =	sand.u32 $0x1, s1  }
0x8c: {  	s16 =	sshll.u32 s0, $0xA;
	s2 =	sadd.s32 s3, s2  }
0x8d: {  	s2 =	sadd.s32 s2, s16  }
0x8e: {  	[smem:$0x3FAA] =	sst s2  }
0x8f: {  	_ = 	snop  }
0x90: {  	(tm) =	ssettm $0x1  }
0x91: {  	s17 =	sld [smem:$0x3FFB];
	_ =	sdelay $0x3  }
0x92: {  	_ =	strace s17  }
0x93: {  	s2 =	sld [smem:$0x3FFC];
	_ =	sdelay $0x3  }
0x94: {  	_ =	strace s2  }
0x95: {  	s2 =	sld [smem:$0x3FFD];
	_ =	sdelay $0x3  }
0x96: {  	_ =	strace s2  }
0x97: {  	_ =	strace $0x8FFFFFFF  }
0x98: {  	s18 =	sld [smem:$0x3FDB];
	_ =	sdelay $0x1  }
0x99: {  	s19 =	simm.s32 $_scs_section_size  }
0x9a: {  	s4 =	simm.s32 $_size__tile_overlayer_lowered;
	s5 =	simm.s32 $_tile_overlayer_lowered  }
0x9b: {  	s22 =	simm.s32 $0x1BFF;
	s21 =	sshll.u32 s5, $0x1;
	s2 =	sadd.s32 s19, s18  }
0x9c: {  	s6 =	simm.s32 $0x0;
	s20 =	sshll.u32 s4, $0x1;
	s4 =	sadd.s32 s21, s2  }
0x9d: {  	[timem:s6], [sflag:s22] =	dma.local [hbm:s4], s20  }
0x9e: {  	_ =	swait.ge [sflag:s22], s20  }
0x9f: {  	s3 =	ssub.s32 $0x0, s20;
	[sflag:s22] =	ssyncset.done $0x0  }
0xa0: {  	[sflag:s22] =	ssyncadd.s32 s3;
	_ =	sdelay $0x1  }
0xa1: {  	s23 =	simm.s32 $0x1B8B  }
0xa2: {  	_ =	swait.ge [sflag:s23], $0x1  }
0xa3: {  	[sflag:s23] =	ssyncset.done $0x0  }
0xa4: {  	s25 =	simm.s32 $0x1B8E;
	s24 =	sld [smem:$0x3FFE];
	[sflag:s23] =	ssyncadd.s32 $0xFFFFFFFF  }
0xa5: {  	s26 =	simm.s32 $execute0_lowered;
	[smem:$0x3FD2] =	sst s25  }
0xa6: {  	s4 =	sshll.u32 s26, $0x1;
	_ =	strace $0x80000055;
	[dreg:$0x1] =	wrdreg $0xFFFFFFFF  }
0xa7: {  	s28 =	simm.s32 $_size_execute0_lowered;
	s2 =	sadd.s32 s2, s4;
	[dreg:$0x0] =	wrdreg $0x0  }
0xa8: {  	s4 =	sshll.u32 s28, $0x1;
	[dreg:$0x2] =	wrdreg s2  }
0xa9: {  	[dreg:$0x3] =	wrdreg s4  }
0xaa: {  	[dreg:$0x4] =	wrdreg $0xC0  }
0xab: {  	_ =	task [dreg:s6], $0x5FFFF  }
0xac: {  	[dreg:$0x1] =	wrdreg $0xFFFFFFFF  }
0xad: {  	[dreg:$0x0] =	wrdreg $0x60  }
0xae: {  	[dreg:$0x2] =	wrdreg s24  }
0xaf: {  	[dreg:$0x3] =	wrdreg $0x9  }
0xb0: {  	_ =	task.clear_ibuf [dreg:s6], $0x4FFFF;
	_ =	strace $0x90000055  }
0xb1: {  	s29 =	simm.s32 $0x9;
	_ =	strace $0x80000057  }
0xb2: {  	_ =	swait.ge [sflag:s29], $0x1  }
0xb3: {  	[sflag:s29] =	ssyncadd.s32 $0xFFFFFFFF  }
0xb4: {  	_ =	strace $0x90000057  }
0xb5: {  	_ =	sfence  }
0xb6: {  	s30 =	sld [smem:$0x0];
	_ =	sdelay $0x2  }
0xb7: {  	s31 =	sshll.u32 s1, $0xD;
	s1 =	sshrl.u32 s1, $0x2  }
0xb8: {  	s3 =	sand.u32 $0x4000, s31;
	s1 =	sadd.s32 s1, s30  }
0xb9: {  	s0 =	sor.u32 s3, s0;
	s1 =	sshll.u32 s1, $0x11  }
0xba: {  	s0 =	sor.u32 s1, s0  }
0xbb: {  	s0 =	sadd.s32 $0x8F2B, s0  }
0xbc: {  	[sflag:s0] =	ssyncadd.remote.s32 $0x1  }
0xbd: {  	_ =	sfence.sel $0xFFFF  }
0xbe: {  	[dreg:$0x0] =	wrdreg $0xFFFFFFFF;
	(pc) =	sbr.abs _section_cstart, $3  }
0xbf: {  	[dreg:$0x1] =	wrdreg $0xFFFFFFFF  }
0xc0: {  	_ =	task.clear_ibuf [dreg:s6], $0x2FFFF;
	_ =	strace $0x9FFFFFFF  }
0xc1: {  	(tm) =	ssettm $0x7FFFFFFF  }
tec
execute0_lowered:
.L_overlay_start_1:
0x0: {  	(tag) =	ssettag $0x1  }
0x1: {  	s5 =	rddreg [dreg:$0x0]  }
0x2: {  	s0 =	rddreg [dreg:$0x1]  }
0x3: {  	s2 =	simm.s32 $0x0;
	s1 =	stileid.u32;
	v0 =	vlaneseq.u32;
	s4 =	srdreg.scid  }
0x4: {  	v1 =	vimm.f32 $0.0e+00;
	s12 =	simm.s32 $0x1;
	s13 =	simm.s32 $0xA280;
	s14 =	simm.s32 $0xE280;
	v2 =	vor.u32 $0x10, v0  }
0x5: {  	s15 =	simm.s32 $0x280;
	s16 =	simm.s32 $0x0;
	[smem:$0x7FF] =	sst s2;
	v3 =	vor.u32 $0x20, v0;
	v4 =	vor.u32 $0x30, v0;
	v5 =	vor.u32 $0x40, v0  }
0x6: {  	s3 =	sshrl.u32 s1, $0x3;
	s28 =	sshll.u32 s1, $0x7;
	s7 =	sand.u32 $0x1, s4;
	v6 =	vor.u32 $0x50, v0;
	v7 =	vor.u32 $0x60, v0;
	v8 =	vor.u32 $0x70, v0  }
0x7: {  	v9 =	vor.u32 $0x80, v0;
	v10 =	vor.u32 $0x90, v0;
	v11 =	vor.u32 $0xA0, v0;
	s6 =	smul.u32 $0x1400, s3;
	_ =	strace $0x80000056;
	s8 =	sshll.u32 s7, $0x4  }
0x8: {  	v12 =	vor.u32 $0xB0, v0;
	v13 =	vor.u32 $0xC0, v0;
	v14 =	vor.u32 $0xD0, v0;
	s29 =	sand.u32 $0x380, s28;
	s3 =	sadd.s32 $0x17E000, s5;
	s30 =	sor.u32 s1, s8  }
0x9: {  	v15 =	vor.u32 $0xE0, v0;
	v16 =	vor.u32 $0xF0, v0;
	v17 =	vor.u32 $0x100, v0;
	s9 =	ssub.s32 $0x2, s7;
	s4 =	sor.u32 s29, s6;
	s6 =	smul.u32 $0x1400, s30  }
.Ltmp0:
0xa: {  	v18 =	vor.u32 $0x110, v0;
	v19 =	vor.u32 $0x120, v0;
	v20 =	vor.u32 $0x130, v0;
	p0 =	seq.s32 s7, $0x1;
	s10 =	sshrl.u32 s9, $0x1;
	(pc) =	sbr.rel .LBB2_1-.Ltmp0, $4  }
0xb: {  	v21 =	vor.u32 $0x140, v0;
	v22 =	vor.u32 $0x150, v0;
	v23 =	vor.u32 $0x160, v0;
	s9 =	ssub.s32 s9, s10;
	s10 =	simm.s32 $0x80;
	s31 =	sshrl.u32 s4, $0x3  }
0xc: {  	v24 =	vor.u32 $0x170, v0;
	v25 =	vor.u32 $0x180, v0;
	v26 =	vor.u32 $0x190, v0;
	s4 =	sadd.s32 $0x21E000, s5;
	s9 =	smax.u32 s9, $0x1;
	s8 =	sadd.s32 s31, s5  }
0xd: {  	v27 =	vor.u32 $0x1A0, v0;
	v28 =	vor.u32 $0x1B0, v0;
	v29 =	vor.u32 $0x1C0, v0;
	s11 =	sadd.s32 s6, s5;
	s6 =	smul.u32 $0x280, s1;
	s5 =	sadd.s32 $0x11C00, s8  }
0xe: {  	v30 =	vor.u32 $0x1D0, v0;
	v31 =	vor.u32 $0x1E0, v0;
	v32 =	vor.u32 $0x1F0, v0;
	s7 =	sadd.s32 $0x13800, s11;
	s8 =	sadd.s32 $0x3B800, s11;
	s11 =	simm.s32 $0x400  }
.LBB2_14:
0xf: {  	[hbm4b:s7+s2] =	stream.linear.scatter [tilespmem:s14], [sflag:$0x1], $0xA000, $0x38;
	[tilespmem:$0x18280] =	vst v63  }
0x10: {  	s16 =	sadd.s32 $0x1, s16;
	_ =	swait.ge [sflag:s12], $0xA000  }
0x11: {  	p1 =	sne.s32 s16, s9;
	[sflag:s12] =	ssyncset.done $0x0  }
.Ltmp1:
0x12: {  	[sflag:s12] =	ssyncadd.s32 $0xFFFF6000;
	(pc) =	sbr.rel @!p1 .LBB2_15-.Ltmp1, $4  }
0x13: {  	[hbm4b:s8+s2] =	stream.linear.scatter [tilespmem:s15], [sflag:$0x1], $0xA000, $0x38;
	[tilespmem:$0x18280] =	vst v63  }
0x14: {  	_ =	swait.ge [sflag:s12], $0xA000  }
0x15: {  	[sflag:s12] =	ssyncset.done $0x0  }
0x16: {  	[sflag:s12] =	ssyncadd.s32 $0xFFFF6000  }
.LBB2_1:
0x17: {  	[tilespmem:s2], [sflag:$0x1] =	stream.strided.gather [hbm4b:s5+s10], $0x280, s11, s10, $0x38;
	[tilespmem:$0x18280] =	vst v63  }
0x18: {  	_ =	swait.ge [sflag:s12], $0x280  }
0x19: {  	[sflag:s12] =	ssyncset.done $0x0  }
0x1a: {  	s17 =	simm.s32 $0x40;
	s18 =	simm.s32 $0x0;
	[sflag:s12] =	ssyncadd.s32 $0xFFFFFD80  }
.LBB2_2:
0x1b: {  	p1 =	sne.s32 s17, $0x27FC0;
	[tilespmem:s18+$0xE280] =	vst v1;
	s19 =	smov.u32 s17;
	s17 =	sadd.s32 $0x40, s17  }
.Ltmp2:
0x1c: {  	[tilespmem:s18+$0x280] =	vst v1;
	(pc) =	sbr.rel @p1 .LBB2_2-.Ltmp2, $2  }
0x1d: {  	_ =	sdelay $0x2  }
0x1e: {  	s18 =	sshra.s32 s19, $0x2  }
.Ltmp3:
0x1f: {  	(pc) =	sbr.rel @!p0 .LBB2_4-.Ltmp3, $3  }
0x20: {  	_ =	sdelay $0x1  }
0x21: {  	[tilespmem:s18+$0xE280] =	vst v1  }
0x22: {  	[tilespmem:s18+$0x280] =	vst v1;
	s17 =	simm.s32 $0x0;
	s18 =	simm.s32 $0x0;
	s19 =	simm.s32 $0x0  }
.LBB2_9:
0x23: {  	s18 =	sshll.u32 s19, $0x5  }
0x24: {  	s20 =	sadd.s32 s6, s18  }
0x25: {  	s20 =	sshll.u32 s20, $0x6  }
0x26: {  	s20 =	sadd.s32 s4, s20  }
0x27: {  	[tilespmem:s13], [sflag:$0x1] =	stream.linear.gather [hbm4b:s20+s17], $0x4000, $0x38;
	[tilespmem:$0x18280] =	vst v63  }
0x28: {  	_ =	swait.ge [sflag:s12], $0x4000  }
0x29: {  	[sflag:s12] =	ssyncset.done $0x0  }
0x2a: {  	p2 =	por $0x1, $0x1;
	v33 =	vmov s18;
	s18 =	simm.s32 $0x0;
	[sflag:s12] =	ssyncadd.s32 $0xFFFFC000  }
.LBB2_10:
0x2b: {  	_ =	sdelay $0x3  }
0x2c: {  	v34 =	vld.idx.msk [tilespmem:v33+s18+$0x0 ss:$0x1], $0xffff;
	_ =	sdelay $0x1  }
0x2d: {  	p1 =	por p2, p2  }
0x2e: {  	s18 =	sshll.u32 s18, $0x9;
	s20 =	simm.s32 $0x0;
	s21 =	simm.s32 $0x0  }
.LBB2_11:
0x2f: {  	v35 =	vmov s21  }
0x30: {  	v35 =	vperm.xlane v34, v35;
	_ =	sdelay $0x1  }
0x31: {  	v35 =	vshll.u32 v35, $0x9  }
0x32: {  	v36 =	vor.u32 v0, v35;
	_ =	sdelay $0x1  }
0x33: {  	s22 =	sand.u32 $0x3000, s18;
	s23 =	sand.u32 $0x380, s20  }
0x34: {  	s22 =	sor.u32 s23, s22  }
0x35: {  	v37 =	vld [tilespmem:s22+$0xA280]  }
0x36: {  	v38 =	vld.idx.msk [tilespmem:v36+s14+$0x0], $0xffff;
	_ =	sdelay $0x4  }
0x37: {  	v38 =	vadd.f32 v38, v37;
	_ =	sdelay $0x1  }
0x38: {  	[tilespmem:v36+s14+$0x0] =	vst.idx.msk $0xffff, v38  }
0x39: {  	v38 =	vld.idx.msk [tilespmem:v36+s15+$0x0], $0xffff;
	_ =	sdelay $0x2  }
0x3a: {  	v39 =	vor.u32 v2, v35;
	_ =	sdelay $0x1  }
0x3b: {  	v37 =	vmax.f32 v38, v37  }
0x3c: {  	[tilespmem:v36+s15+$0x0] =	vst.idx.msk $0xffff, v37  }
0x3d: {  	v36 =	vld [tilespmem:s22+$0xA290]  }
0x3e: {  	v37 =	vld.idx.msk [tilespmem:v39+s14+$0x0], $0xffff;
	_ =	sdelay $0x4  }
0x3f: {  	v37 =	vadd.f32 v37, v36;
	_ =	sdelay $0x1  }
0x40: {  	[tilespmem:v39+s14+$0x0] =	vst.idx.msk $0xffff, v37  }
0x41: {  	v37 =	vld.idx.msk [tilespmem:v39+s15+$0x0], $0xffff;
	_ =	sdelay $0x2  }
0x42: {  	v49 =	vor.u32 v3, v35;
	_ =	sdelay $0x1  }
0x43: {  	v36 =	vmax.f32 v37, v36  }
0x44: {  	[tilespmem:v39+s15+$0x0] =	vst.idx.msk $0xffff, v36  }
0x45: {  	v36 =	vld [tilespmem:s22+$0xA2A0]  }
0x46: {  	v50 =	vld.idx.msk [tilespmem:v49+s14+$0x0], $0xffff;
	_ =	sdelay $0x4  }
0x47: {  	v37 =	vadd.f32 v50, v36;
	_ =	sdelay $0x1  }
0x48: {  	[tilespmem:v49+s14+$0x0] =	vst.idx.msk $0xffff, v37  }
0x49: {  	v37 =	vld.idx.msk [tilespmem:v49+s15+$0x0], $0xffff;
	_ =	sdelay $0x2  }
0x4a: {  	v51 =	vor.u32 v4, v35;
	_ =	sdelay $0x1  }
0x4b: {  	v36 =	vmax.f32 v37, v36  }
0x4c: {  	[tilespmem:v49+s15+$0x0] =	vst.idx.msk $0xffff, v36  }
0x4d: {  	v36 =	vld [tilespmem:s22+$0xA2B0]  }
0x4e: {  	v52 =	vld.idx.msk [tilespmem:v51+s14+$0x0], $0xffff;
	_ =	sdelay $0x4  }
0x4f: {  	v37 =	vadd.f32 v52, v36;
	_ =	sdelay $0x1  }
0x50: {  	[tilespmem:v51+s14+$0x0] =	vst.idx.msk $0xffff, v37  }
0x51: {  	v37 =	vld.idx.msk [tilespmem:v51+s15+$0x0], $0xffff;
	_ =	sdelay $0x2  }
0x52: {  	v53 =	vor.u32 v5, v35;
	_ =	sdelay $0x1  }
0x53: {  	v36 =	vmax.f32 v37, v36  }
0x54: {  	[tilespmem:v51+s15+$0x0] =	vst.idx.msk $0xffff, v36  }
0x55: {  	v36 =	vld [tilespmem:s22+$0xA2C0]  }
0x56: {  	v54 =	vld.idx.msk [tilespmem:v53+s14+$0x0], $0xffff;
	_ =	sdelay $0x4  }
0x57: {  	v37 =	vadd.f32 v54, v36;
	_ =	sdelay $0x1  }
0x58: {  	[tilespmem:v53+s14+$0x0] =	vst.idx.msk $0xffff, v37  }
0x59: {  	v37 =	vld.idx.msk [tilespmem:v53+s15+$0x0], $0xffff;
	_ =	sdelay $0x2  }
0x5a: {  	v55 =	vor.u32 v6, v35;
	_ =	sdelay $0x1  }
0x5b: {  	v36 =	vmax.f32 v37, v36  }
0x5c: {  	[tilespmem:v53+s15+$0x0] =	vst.idx.msk $0xffff, v36  }
0x5d: {  	v36 =	vld [tilespmem:s22+$0xA2D0]  }
0x5e: {  	v56 =	vld.idx.msk [tilespmem:v55+s14+$0x0], $0xffff;
	_ =	sdelay $0x4  }
0x5f: {  	v37 =	vadd.f32 v56, v36;
	_ =	sdelay $0x1  }
0x60: {  	[tilespmem:v55+s14+$0x0] =	vst.idx.msk $0xffff, v37  }
0x61: {  	v37 =	vld.idx.msk [tilespmem:v55+s15+$0x0], $0xffff;
	_ =	sdelay $0x2  }
0x62: {  	v57 =	vor.u32 v7, v35;
	_ =	sdelay $0x1  }
0x63: {  	v36 =	vmax.f32 v37, v36  }
0x64: {  	[tilespmem:v55+s15+$0x0] =	vst.idx.msk $0xffff, v36  }
0x65: {  	v36 =	vld [tilespmem:s22+$0xA2E0]  }
0x66: {  	v58 =	vld.idx.msk [tilespmem:v57+s14+$0x0], $0xffff;
	_ =	sdelay $0x4  }
0x67: {  	v37 =	vadd.f32 v58, v36;
	_ =	sdelay $0x1  }
0x68: {  	[tilespmem:v57+s14+$0x0] =	vst.idx.msk $0xffff, v37  }
0x69: {  	v37 =	vld.idx.msk [tilespmem:v57+s15+$0x0], $0xffff;
	_ =	sdelay $0x2  }
0x6a: {  	v59 =	vor.u32 v8, v35;
	_ =	sdelay $0x1  }
0x6b: {  	v36 =	vmax.f32 v37, v36  }
0x6c: {  	[tilespmem:v57+s15+$0x0] =	vst.idx.msk $0xffff, v36  }
0x6d: {  	v36 =	vld [tilespmem:s22+$0xA2F0]  }
0x6e: {  	v60 =	vld.idx.msk [tilespmem:v59+s14+$0x0], $0xffff;
	_ =	sdelay $0x4  }
0x6f: {  	v37 =	vadd.f32 v60, v36;
	_ =	sdelay $0x1  }
0x70: {  	[tilespmem:v59+s14+$0x0] =	vst.idx.msk $0xffff, v37  }
0x71: {  	v37 =	vld.idx.msk [tilespmem:v59+s15+$0x0], $0xffff;
	_ =	sdelay $0x2  }
0x72: {  	v61 =	vor.u32 v9, v35;
	_ =	sdelay $0x1  }
0x73: {  	v36 =	vmax.f32 v37, v36  }
0x74: {  	[tilespmem:v59+s15+$0x0] =	vst.idx.msk $0xffff, v36  }
0x75: {  	v36 =	vld [tilespmem:s22+$0xA680]  }
0x76: {  	v62 =	vld.idx.msk [tilespmem:v61+s14+$0x0], $0xffff;
	_ =	sdelay $0x4  }
0x77: {  	v37 =	vadd.f32 v62, v36;
	_ =	sdelay $0x1  }
0x78: {  	[tilespmem:v61+s14+$0x0] =	vst.idx.msk $0xffff, v37  }
0x79: {  	v37 =	vld.idx.msk [tilespmem:v61+s15+$0x0], $0xffff;
	_ =	sdelay $0x2  }
0x7a: {  	v63 =	vor.u32 v10, v35;
	_ =	sdelay $0x1  }
0x7b: {  	v36 =	vmax.f32 v37, v36  }
0x7c: {  	[tilespmem:v61+s15+$0x0] =	vst.idx.msk $0xffff, v36  }
0x7d: {  	v36 =	vld [tilespmem:s22+$0xA690]  }
0x7e: {  	v42 =	vld.idx.msk [tilespmem:v63+s14+$0x0], $0xffff;
	_ =	sdelay $0x4  }
0x7f: {  	v37 =	vadd.f32 v42, v36;
	_ =	sdelay $0x1  }
0x80: {  	[tilespmem:v63+s14+$0x0] =	vst.idx.msk $0xffff, v37  }
0x81: {  	v37 =	vld.idx.msk [tilespmem:v63+s15+$0x0], $0xffff;
	_ =	sdelay $0x2  }
0x82: {  	v43 =	vor.u32 v11, v35;
	_ =	sdelay $0x1  }
0x83: {  	v36 =	vmax.f32 v37, v36  }
0x84: {  	[tilespmem:v63+s15+$0x0] =	vst.idx.msk $0xffff, v36  }
0x85: {  	v36 =	vld [tilespmem:s22+$0xA6A0]  }
0x86: {  	v44 =	vld.idx.msk [tilespmem:v43+s14+$0x0], $0xffff;
	_ =	sdelay $0x4  }
0x87: {  	v37 =	vadd.f32 v44, v36;
	_ =	sdelay $0x1  }
0x88: {  	[tilespmem:v43+s14+$0x0] =	vst.idx.msk $0xffff, v37  }
0x89: {  	v37 =	vld.idx.msk [tilespmem:v43+s15+$0x0], $0xffff;
	_ =	sdelay $0x2  }
0x8a: {  	v45 =	vor.u32 v12, v35;
	_ =	sdelay $0x1  }
0x8b: {  	v36 =	vmax.f32 v37, v36  }
0x8c: {  	[tilespmem:v43+s15+$0x0] =	vst.idx.msk $0xffff, v36  }
0x8d: {  	v36 =	vld [tilespmem:s22+$0xA6B0]  }
0x8e: {  	v46 =	vld.idx.msk [tilespmem:v45+s14+$0x0], $0xffff;
	_ =	sdelay $0x4  }
0x8f: {  	v37 =	vadd.f32 v46, v36;
	_ =	sdelay $0x1  }
0x90: {  	[tilespmem:v45+s14+$0x0] =	vst.idx.msk $0xffff, v37  }
0x91: {  	v37 =	vld.idx.msk [tilespmem:v45+s15+$0x0], $0xffff;
	_ =	sdelay $0x2  }
0x92: {  	v47 =	vor.u32 v13, v35;
	_ =	sdelay $0x1  }
0x93: {  	v36 =	vmax.f32 v37, v36  }
0x94: {  	[tilespmem:v45+s15+$0x0] =	vst.idx.msk $0xffff, v36  }
0x95: {  	v36 =	vld [tilespmem:s22+$0xA6C0]  }
0x96: {  	v48 =	vld.idx.msk [tilespmem:v47+s14+$0x0], $0xffff;
	_ =	sdelay $0x4  }
0x97: {  	v37 =	vadd.f32 v48, v36;
	_ =	sdelay $0x1  }
0x98: {  	[tilespmem:v47+s14+$0x0] =	vst.idx.msk $0xffff, v37  }
0x99: {  	v37 =	vld.idx.msk [tilespmem:v47+s15+$0x0], $0xffff;
	_ =	sdelay $0x2  }
0x9a: {  	v49 =	vor.u32 v14, v35;
	_ =	sdelay $0x1  }
0x9b: {  	v36 =	vmax.f32 v37, v36  }
0x9c: {  	[tilespmem:v47+s15+$0x0] =	vst.idx.msk $0xffff, v36  }
0x9d: {  	v36 =	vld [tilespmem:s22+$0xA6D0]  }
0x9e: {  	v50 =	vld.idx.msk [tilespmem:v49+s14+$0x0], $0xffff;
	_ =	sdelay $0x4  }
0x9f: {  	v37 =	vadd.f32 v50, v36;
	_ =	sdelay $0x1  }
0xa0: {  	[tilespmem:v49+s14+$0x0] =	vst.idx.msk $0xffff, v37  }
0xa1: {  	v37 =	vld.idx.msk [tilespmem:v49+s15+$0x0], $0xffff;
	_ =	sdelay $0x2  }
0xa2: {  	v51 =	vor.u32 v15, v35;
	_ =	sdelay $0x1  }
0xa3: {  	v36 =	vmax.f32 v37, v36  }
0xa4: {  	[tilespmem:v49+s15+$0x0] =	vst.idx.msk $0xffff, v36  }
0xa5: {  	v36 =	vld [tilespmem:s22+$0xA6E0]  }
0xa6: {  	v52 =	vld.idx.msk [tilespmem:v51+s14+$0x0], $0xffff;
	_ =	sdelay $0x4  }
0xa7: {  	v37 =	vadd.f32 v52, v36;
	_ =	sdelay $0x1  }
0xa8: {  	[tilespmem:v51+s14+$0x0] =	vst.idx.msk $0xffff, v37  }
0xa9: {  	v37 =	vld.idx.msk [tilespmem:v51+s15+$0x0], $0xffff;
	_ =	sdelay $0x2  }
0xaa: {  	v53 =	vor.u32 v16, v35;
	_ =	sdelay $0x1  }
0xab: {  	v36 =	vmax.f32 v37, v36  }
0xac: {  	[tilespmem:v51+s15+$0x0] =	vst.idx.msk $0xffff, v36  }
0xad: {  	v36 =	vld [tilespmem:s22+$0xA6F0]  }
0xae: {  	v54 =	vld.idx.msk [tilespmem:v53+s14+$0x0], $0xffff;
	_ =	sdelay $0x4  }
0xaf: {  	v37 =	vadd.f32 v54, v36;
	_ =	sdelay $0x1  }
0xb0: {  	[tilespmem:v53+s14+$0x0] =	vst.idx.msk $0xffff, v37  }
0xb1: {  	v37 =	vld.idx.msk [tilespmem:v53+s15+$0x0], $0xffff;
	_ =	sdelay $0x2  }
0xb2: {  	v55 =	vor.u32 v17, v35;
	_ =	sdelay $0x1  }
0xb3: {  	v36 =	vmax.f32 v37, v36  }
0xb4: {  	[tilespmem:v53+s15+$0x0] =	vst.idx.msk $0xffff, v36  }
0xb5: {  	v36 =	vld [tilespmem:s22+$0xAA80]  }
0xb6: {  	v56 =	vld.idx.msk [tilespmem:v55+s14+$0x0], $0xffff;
	_ =	sdelay $0x4  }
0xb7: {  	v37 =	vadd.f32 v56, v36;
	_ =	sdelay $0x1  }
0xb8: {  	[tilespmem:v55+s14+$0x0] =	vst.idx.msk $0xffff, v37  }
0xb9: {  	v37 =	vld.idx.msk [tilespmem:v55+s15+$0x0], $0xffff;
	_ =	sdelay $0x2  }
0xba: {  	v57 =	vor.u32 v18, v35;
	_ =	sdelay $0x1  }
0xbb: {  	v36 =	vmax.f32 v37, v36  }
0xbc: {  	[tilespmem:v55+s15+$0x0] =	vst.idx.msk $0xffff, v36  }
0xbd: {  	v36 =	vld [tilespmem:s22+$0xAA90]  }
0xbe: {  	v58 =	vld.idx.msk [tilespmem:v57+s14+$0x0], $0xffff;
	_ =	sdelay $0x4  }
0xbf: {  	v37 =	vadd.f32 v58, v36;
	_ =	sdelay $0x1  }
0xc0: {  	[tilespmem:v57+s14+$0x0] =	vst.idx.msk $0xffff, v37  }
0xc1: {  	v37 =	vld.idx.msk [tilespmem:v57+s15+$0x0], $0xffff;
	_ =	sdelay $0x2  }
0xc2: {  	v59 =	vor.u32 v19, v35;
	_ =	sdelay $0x1  }
0xc3: {  	v36 =	vmax.f32 v37, v36  }
0xc4: {  	[tilespmem:v57+s15+$0x0] =	vst.idx.msk $0xffff, v36  }
0xc5: {  	v36 =	vld [tilespmem:s22+$0xAAA0]  }
0xc6: {  	v60 =	vld.idx.msk [tilespmem:v59+s14+$0x0], $0xffff;
	_ =	sdelay $0x4  }
0xc7: {  	v37 =	vadd.f32 v60, v36;
	_ =	sdelay $0x1  }
0xc8: {  	[tilespmem:v59+s14+$0x0] =	vst.idx.msk $0xffff, v37  }
0xc9: {  	v37 =	vld.idx.msk [tilespmem:v59+s15+$0x0], $0xffff;
	_ =	sdelay $0x2  }
0xca: {  	v61 =	vor.u32 v20, v35;
	_ =	sdelay $0x1  }
0xcb: {  	v36 =	vmax.f32 v37, v36  }
0xcc: {  	[tilespmem:v59+s15+$0x0] =	vst.idx.msk $0xffff, v36  }
0xcd: {  	v36 =	vld [tilespmem:s22+$0xAAB0]  }
0xce: {  	v62 =	vld.idx.msk [tilespmem:v61+s14+$0x0], $0xffff;
	_ =	sdelay $0x4  }
0xcf: {  	v37 =	vadd.f32 v62, v36;
	_ =	sdelay $0x1  }
0xd0: {  	[tilespmem:v61+s14+$0x0] =	vst.idx.msk $0xffff, v37  }
0xd1: {  	v37 =	vld.idx.msk [tilespmem:v61+s15+$0x0], $0xffff;
	_ =	sdelay $0x2  }
0xd2: {  	v63 =	vor.u32 v21, v35;
	_ =	sdelay $0x1  }
0xd3: {  	v36 =	vmax.f32 v37, v36  }
0xd4: {  	[tilespmem:v61+s15+$0x0] =	vst.idx.msk $0xffff, v36  }
0xd5: {  	v36 =	vld [tilespmem:s22+$0xAAC0]  }
0xd6: {  	v42 =	vld.idx.msk [tilespmem:v63+s14+$0x0], $0xffff;
	_ =	sdelay $0x4  }
0xd7: {  	v37 =	vadd.f32 v42, v36;
	_ =	sdelay $0x1  }
0xd8: {  	[tilespmem:v63+s14+$0x0] =	vst.idx.msk $0xffff, v37  }
0xd9: {  	v37 =	vld.idx.msk [tilespmem:v63+s15+$0x0], $0xffff;
	_ =	sdelay $0x2  }
0xda: {  	v43 =	vor.u32 v22, v35;
	_ =	sdelay $0x1  }
0xdb: {  	v36 =	vmax.f32 v37, v36  }
0xdc: {  	[tilespmem:v63+s15+$0x0] =	vst.idx.msk $0xffff, v36  }
0xdd: {  	v36 =	vld [tilespmem:s22+$0xAAD0]  }
0xde: {  	v44 =	vld.idx.msk [tilespmem:v43+s14+$0x0], $0xffff;
	_ =	sdelay $0x4  }
0xdf: {  	v37 =	vadd.f32 v44, v36;
	_ =	sdelay $0x1  }
0xe0: {  	[tilespmem:v43+s14+$0x0] =	vst.idx.msk $0xffff, v37  }
0xe1: {  	v37 =	vld.idx.msk [tilespmem:v43+s15+$0x0], $0xffff;
	_ =	sdelay $0x2  }
0xe2: {  	v45 =	vor.u32 v23, v35;
	_ =	sdelay $0x1  }
0xe3: {  	v36 =	vmax.f32 v37, v36  }
0xe4: {  	[tilespmem:v43+s15+$0x0] =	vst.idx.msk $0xffff, v36  }
0xe5: {  	v36 =	vld [tilespmem:s22+$0xAAE0]  }
0xe6: {  	v46 =	vld.idx.msk [tilespmem:v45+s14+$0x0], $0xffff;
	_ =	sdelay $0x4  }
0xe7: {  	v37 =	vadd.f32 v46, v36;
	_ =	sdelay $0x1  }
0xe8: {  	[tilespmem:v45+s14+$0x0] =	vst.idx.msk $0xffff, v37  }
0xe9: {  	v37 =	vld.idx.msk [tilespmem:v45+s15+$0x0], $0xffff;
	_ =	sdelay $0x2  }
0xea: {  	v47 =	vor.u32 v24, v35;
	_ =	sdelay $0x1  }
0xeb: {  	v36 =	vmax.f32 v37, v36  }
0xec: {  	[tilespmem:v45+s15+$0x0] =	vst.idx.msk $0xffff, v36  }
0xed: {  	v36 =	vld [tilespmem:s22+$0xAAF0]  }
0xee: {  	v48 =	vld.idx.msk [tilespmem:v47+s14+$0x0], $0xffff;
	_ =	sdelay $0x4  }
0xef: {  	v37 =	vadd.f32 v48, v36;
	_ =	sdelay $0x1  }
0xf0: {  	[tilespmem:v47+s14+$0x0] =	vst.idx.msk $0xffff, v37  }
0xf1: {  	v37 =	vld.idx.msk [tilespmem:v47+s15+$0x0], $0xffff;
	_ =	sdelay $0x2  }
0xf2: {  	v49 =	vor.u32 v25, v35;
	_ =	sdelay $0x1  }
0xf3: {  	v36 =	vmax.f32 v37, v36  }
0xf4: {  	[tilespmem:v47+s15+$0x0] =	vst.idx.msk $0xffff, v36  }
0xf5: {  	v36 =	vld [tilespmem:s22+$0xAE80]  }
0xf6: {  	v50 =	vld.idx.msk [tilespmem:v49+s14+$0x0], $0xffff;
	_ =	sdelay $0x4  }
0xf7: {  	v37 =	vadd.f32 v50, v36;
	_ =	sdelay $0x1  }
0xf8: {  	[tilespmem:v49+s14+$0x0] =	vst.idx.msk $0xffff, v37  }
0xf9: {  	v37 =	vld.idx.msk [tilespmem:v49+s15+$0x0], $0xffff;
	_ =	sdelay $0x2  }
0xfa: {  	v51 =	vor.u32 v26, v35;
	_ =	sdelay $0x1  }
0xfb: {  	v36 =	vmax.f32 v37, v36  }
0xfc: {  	[tilespmem:v49+s15+$0x0] =	vst.idx.msk $0xffff, v36  }
0xfd: {  	v36 =	vld [tilespmem:s22+$0xAE90]  }
0xfe: {  	v52 =	vld.idx.msk [tilespmem:v51+s14+$0x0], $0xffff;
	_ =	sdelay $0x4  }
0xff: {  	v37 =	vadd.f32 v52, v36;
	_ =	sdelay $0x1  }
0x100: {  	[tilespmem:v51+s14+$0x0] =	vst.idx.msk $0xffff, v37  }
0x101: {  	v37 =	vld.idx.msk [tilespmem:v51+s15+$0x0], $0xffff;
	_ =	sdelay $0x2  }
0x102: {  	v53 =	vor.u32 v27, v35;
	_ =	sdelay $0x1  }
0x103: {  	v36 =	vmax.f32 v37, v36  }
0x104: {  	[tilespmem:v51+s15+$0x0] =	vst.idx.msk $0xffff, v36  }
0x105: {  	v36 =	vld [tilespmem:s22+$0xAEA0]  }
0x106: {  	v54 =	vld.idx.msk [tilespmem:v53+s14+$0x0], $0xffff;
	_ =	sdelay $0x4  }
0x107: {  	v37 =	vadd.f32 v54, v36;
	_ =	sdelay $0x1  }
0x108: {  	[tilespmem:v53+s14+$0x0] =	vst.idx.msk $0xffff, v37  }
0x109: {  	v37 =	vld.idx.msk [tilespmem:v53+s15+$0x0], $0xffff;
	_ =	sdelay $0x2  }
0x10a: {  	v55 =	vor.u32 v28, v35;
	_ =	sdelay $0x1  }
0x10b: {  	v36 =	vmax.f32 v37, v36  }
0x10c: {  	[tilespmem:v53+s15+$0x0] =	vst.idx.msk $0xffff, v36  }
0x10d: {  	v36 =	vld [tilespmem:s22+$0xAEB0]  }
0x10e: {  	v56 =	vld.idx.msk [tilespmem:v55+s14+$0x0], $0xffff;
	_ =	sdelay $0x4  }
0x10f: {  	v37 =	vadd.f32 v56, v36;
	_ =	sdelay $0x1  }
0x110: {  	[tilespmem:v55+s14+$0x0] =	vst.idx.msk $0xffff, v37  }
0x111: {  	v37 =	vld.idx.msk [tilespmem:v55+s15+$0x0], $0xffff;
	_ =	sdelay $0x2  }
0x112: {  	v57 =	vor.u32 v29, v35;
	_ =	sdelay $0x1  }
0x113: {  	v36 =	vmax.f32 v37, v36  }
0x114: {  	[tilespmem:v55+s15+$0x0] =	vst.idx.msk $0xffff, v36  }
0x115: {  	v36 =	vld [tilespmem:s22+$0xAEC0]  }
0x116: {  	v58 =	vld.idx.msk [tilespmem:v57+s14+$0x0], $0xffff;
	_ =	sdelay $0x4  }
0x117: {  	v37 =	vadd.f32 v58, v36;
	_ =	sdelay $0x1  }
0x118: {  	[tilespmem:v57+s14+$0x0] =	vst.idx.msk $0xffff, v37  }
0x119: {  	v37 =	vld.idx.msk [tilespmem:v57+s15+$0x0], $0xffff;
	_ =	sdelay $0x2  }
0x11a: {  	v59 =	vor.u32 v30, v35;
	_ =	sdelay $0x1  }
0x11b: {  	v36 =	vmax.f32 v37, v36  }
0x11c: {  	[tilespmem:v57+s15+$0x0] =	vst.idx.msk $0xffff, v36  }
0x11d: {  	v36 =	vld [tilespmem:s22+$0xAED0]  }
0x11e: {  	v60 =	vld.idx.msk [tilespmem:v59+s14+$0x0], $0xffff;
	_ =	sdelay $0x4  }
0x11f: {  	v37 =	vadd.f32 v60, v36;
	_ =	sdelay $0x1  }
0x120: {  	[tilespmem:v59+s14+$0x0] =	vst.idx.msk $0xffff, v37  }
0x121: {  	v37 =	vld.idx.msk [tilespmem:v59+s15+$0x0], $0xffff;
	_ =	sdelay $0x2  }
0x122: {  	v61 =	vor.u32 v31, v35;
	_ =	sdelay $0x1  }
0x123: {  	v36 =	vmax.f32 v37, v36  }
0x124: {  	[tilespmem:v59+s15+$0x0] =	vst.idx.msk $0xffff, v36  }
0x125: {  	v36 =	vld [tilespmem:s22+$0xAEE0]  }
0x126: {  	v62 =	vld.idx.msk [tilespmem:v61+s14+$0x0], $0xffff;
	_ =	sdelay $0x4  }
0x127: {  	v37 =	vadd.f32 v62, v36;
	_ =	sdelay $0x1  }
0x128: {  	[tilespmem:v61+s14+$0x0] =	vst.idx.msk $0xffff, v37  }
0x129: {  	v37 =	vld.idx.msk [tilespmem:v61+s15+$0x0], $0xffff;
	_ =	sdelay $0x2  }
0x12a: {  	v35 =	vor.u32 v32, v35;
	_ =	sdelay $0x1  }
0x12b: {  	v36 =	vmax.f32 v37, v36  }
0x12c: {  	[tilespmem:v61+s15+$0x0] =	vst.idx.msk $0xffff, v36  }
0x12d: {  	v36 =	vld [tilespmem:s22+$0xAEF0]  }
0x12e: {  	v63 =	vld.idx.msk [tilespmem:v35+s14+$0x0], $0xffff;
	_ =	sdelay $0x4  }
0x12f: {  	v37 =	vadd.f32 v63, v36;
	_ =	sdelay $0x1  }
0x130: {  	[tilespmem:v35+s14+$0x0] =	vst.idx.msk $0xffff, v37  }
0x131: {  	v37 =	vld.idx.msk [tilespmem:v35+s15+$0x0], $0xffff  }
0x132: {  	p2 =	sne.s32 s21, $0xF  }
.Ltmp4:
0x133: {  	_ = 	snop;
	(pc) =	sbr.rel @p2 .LBB2_11-.Ltmp4, $3  }
0x134: {  	_ =	sdelay $0x1  }
0x135: {  	v36 =	vmax.f32 v37, v36  }
0x136: {  	s20 =	sadd.s32 $0x80, s20;
	s18 =	sadd.s32 $0x200, s18;
	s21 =	sadd.s32 $0x1, s21;
	[tilespmem:v35+s15+$0x0] =	vst.idx.msk $0xffff, v36  }
.Ltmp5:
0x137: {  	(pc) =	sbr.rel @p1 .LBB2_10-.Ltmp5, $2  }
0x138: {  	_ =	sdelay $0x2  }
0x139: {  	s18 =	simm.s32 $0x10;
	p2 =	por $0x0, $0x0  }
0x13a: {  	s19 =	sadd.s32 $0x1, s19  }
0x13b: {  	p1 =	sne.s32 s19, $0x14  }
.Ltmp6:
0x13c: {  	_ = 	snop;
	(pc) =	sbr.rel @p1 .LBB2_9-.Ltmp6, $4  }
.Ltmp7:
0x13d: {  	_ = 	snop;
	(pc) =	sbr.rel @!p1 .LBB2_14-.Ltmp7, $4  }
0x13e: {  	_ = 	snop  }
0x13f: {  	_ = 	snop  }
0x140: {  	_ = 	snop  }
0x141: {  	_ = 	snop  }
.LBB2_4:
0x142: {  	s19 =	sshll.u32 s18, $0x5  }
0x143: {  	s20 =	sadd.s32 s6, s19  }
0x144: {  	s20 =	sshll.u32 s20, $0x6  }
0x145: {  	s20 =	sadd.s32 s3, s20  }
0x146: {  	[tilespmem:s13], [sflag:$0x1] =	stream.linear.gather [hbm4b:s20+s17], $0x4000, $0x38;
	[tilespmem:$0x18280] =	vst v63  }
0x147: {  	_ =	swait.ge [sflag:s12], $0x4000  }
0x148: {  	[sflag:s12] =	ssyncset.done $0x0  }
0x149: {  	p2 =	por $0x1, $0x1;
	v33 =	vmov s19;
	s19 =	simm.s32 $0x0;
	[sflag:s12] =	ssyncadd.s32 $0xFFFFC000  }
.LBB2_5:
0x14a: {  	_ =	sdelay $0x3  }
0x14b: {  	v34 =	vld.idx.msk [tilespmem:v33+s19+$0x0 ss:$0x1], $0xffff;
	_ =	sdelay $0x1  }
0x14c: {  	p1 =	por p2, p2  }
0x14d: {  	s19 =	sshll.u32 s19, $0x9;
	s20 =	simm.s32 $0x0;
	s21 =	simm.s32 $0x0  }
.LBB2_6:
0x14e: {  	v35 =	vmov s21  }
0x14f: {  	v35 =	vperm.xlane v34, v35;
	_ =	sdelay $0x1  }
0x150: {  	v35 =	vshll.u32 v35, $0x9  }
0x151: {  	v36 =	vor.u32 v0, v35;
	_ =	sdelay $0x1  }
0x152: {  	s22 =	sand.u32 $0x3000, s19;
	s23 =	sand.u32 $0x380, s20  }
0x153: {  	s22 =	sor.u32 s23, s22  }
0x154: {  	v37 =	vld [tilespmem:s22+$0xA280]  }
0x155: {  	v38 =	vld.idx.msk [tilespmem:v36+s14+$0x0], $0xffff;
	_ =	sdelay $0x4  }
0x156: {  	v38 =	vadd.f32 v38, v37;
	_ =	sdelay $0x1  }
0x157: {  	[tilespmem:v36+s14+$0x0] =	vst.idx.msk $0xffff, v38  }
0x158: {  	v38 =	vld.idx.msk [tilespmem:v36+s15+$0x0], $0xffff;
	_ =	sdelay $0x2  }
0x159: {  	v39 =	vor.u32 v2, v35;
	_ =	sdelay $0x1  }
0x15a: {  	v37 =	vmax.f32 v38, v37  }
0x15b: {  	[tilespmem:v36+s15+$0x0] =	vst.idx.msk $0xffff, v37  }
0x15c: {  	v36 =	vld [tilespmem:s22+$0xA290]  }
0x15d: {  	v37 =	vld.idx.msk [tilespmem:v39+s14+$0x0], $0xffff;
	_ =	sdelay $0x4  }
0x15e: {  	v37 =	vadd.f32 v37, v36;
	_ =	sdelay $0x1  }
0x15f: {  	[tilespmem:v39+s14+$0x0] =	vst.idx.msk $0xffff, v37  }
0x160: {  	v37 =	vld.idx.msk [tilespmem:v39+s15+$0x0], $0xffff;
	_ =	sdelay $0x2  }
0x161: {  	v49 =	vor.u32 v3, v35;
	_ =	sdelay $0x1  }
0x162: {  	v36 =	vmax.f32 v37, v36  }
0x163: {  	[tilespmem:v39+s15+$0x0] =	vst.idx.msk $0xffff, v36  }
0x164: {  	v36 =	vld [tilespmem:s22+$0xA2A0]  }
0x165: {  	v50 =	vld.idx.msk [tilespmem:v49+s14+$0x0], $0xffff;
	_ =	sdelay $0x4  }
0x166: {  	v37 =	vadd.f32 v50, v36;
	_ =	sdelay $0x1  }
0x167: {  	[tilespmem:v49+s14+$0x0] =	vst.idx.msk $0xffff, v37  }
0x168: {  	v37 =	vld.idx.msk [tilespmem:v49+s15+$0x0], $0xffff;
	_ =	sdelay $0x2  }
0x169: {  	v51 =	vor.u32 v4, v35;
	_ =	sdelay $0x1  }
0x16a: {  	v36 =	vmax.f32 v37, v36  }
0x16b: {  	[tilespmem:v49+s15+$0x0] =	vst.idx.msk $0xffff, v36  }
0x16c: {  	v36 =	vld [tilespmem:s22+$0xA2B0]  }
0x16d: {  	v52 =	vld.idx.msk [tilespmem:v51+s14+$0x0], $0xffff;
	_ =	sdelay $0x4  }
0x16e: {  	v37 =	vadd.f32 v52, v36;
	_ =	sdelay $0x1  }
0x16f: {  	[tilespmem:v51+s14+$0x0] =	vst.idx.msk $0xffff, v37  }
0x170: {  	v37 =	vld.idx.msk [tilespmem:v51+s15+$0x0], $0xffff;
	_ =	sdelay $0x2  }
0x171: {  	v53 =	vor.u32 v5, v35;
	_ =	sdelay $0x1  }
0x172: {  	v36 =	vmax.f32 v37, v36  }
0x173: {  	[tilespmem:v51+s15+$0x0] =	vst.idx.msk $0xffff, v36  }
0x174: {  	v36 =	vld [tilespmem:s22+$0xA2C0]  }
0x175: {  	v54 =	vld.idx.msk [tilespmem:v53+s14+$0x0], $0xffff;
	_ =	sdelay $0x4  }
0x176: {  	v37 =	vadd.f32 v54, v36;
	_ =	sdelay $0x1  }
0x177: {  	[tilespmem:v53+s14+$0x0] =	vst.idx.msk $0xffff, v37  }
0x178: {  	v37 =	vld.idx.msk [tilespmem:v53+s15+$0x0], $0xffff;
	_ =	sdelay $0x2  }
0x179: {  	v55 =	vor.u32 v6, v35;
	_ =	sdelay $0x1  }
0x17a: {  	v36 =	vmax.f32 v37, v36  }
0x17b: {  	[tilespmem:v53+s15+$0x0] =	vst.idx.msk $0xffff, v36  }
0x17c: {  	v36 =	vld [tilespmem:s22+$0xA2D0]  }
0x17d: {  	v56 =	vld.idx.msk [tilespmem:v55+s14+$0x0], $0xffff;
	_ =	sdelay $0x4  }
0x17e: {  	v37 =	vadd.f32 v56, v36;
	_ =	sdelay $0x1  }
0x17f: {  	[tilespmem:v55+s14+$0x0] =	vst.idx.msk $0xffff, v37  }
0x180: {  	v37 =	vld.idx.msk [tilespmem:v55+s15+$0x0], $0xffff;
	_ =	sdelay $0x2  }
0x181: {  	v57 =	vor.u32 v7, v35;
	_ =	sdelay $0x1  }
0x182: {  	v36 =	vmax.f32 v37, v36  }
0x183: {  	[tilespmem:v55+s15+$0x0] =	vst.idx.msk $0xffff, v36  }
0x184: {  	v36 =	vld [tilespmem:s22+$0xA2E0]  }
0x185: {  	v58 =	vld.idx.msk [tilespmem:v57+s14+$0x0], $0xffff;
	_ =	sdelay $0x4  }
0x186: {  	v37 =	vadd.f32 v58, v36;
	_ =	sdelay $0x1  }
0x187: {  	[tilespmem:v57+s14+$0x0] =	vst.idx.msk $0xffff, v37  }
0x188: {  	v37 =	vld.idx.msk [tilespmem:v57+s15+$0x0], $0xffff;
	_ =	sdelay $0x2  }
0x189: {  	v59 =	vor.u32 v8, v35;
	_ =	sdelay $0x1  }
0x18a: {  	v36 =	vmax.f32 v37, v36  }
0x18b: {  	[tilespmem:v57+s15+$0x0] =	vst.idx.msk $0xffff, v36  }
0x18c: {  	v36 =	vld [tilespmem:s22+$0xA2F0]  }
0x18d: {  	v60 =	vld.idx.msk [tilespmem:v59+s14+$0x0], $0xffff;
	_ =	sdelay $0x4  }
0x18e: {  	v37 =	vadd.f32 v60, v36;
	_ =	sdelay $0x1  }
0x18f: {  	[tilespmem:v59+s14+$0x0] =	vst.idx.msk $0xffff, v37  }
0x190: {  	v37 =	vld.idx.msk [tilespmem:v59+s15+$0x0], $0xffff;
	_ =	sdelay $0x2  }
0x191: {  	v61 =	vor.u32 v9, v35;
	_ =	sdelay $0x1  }
0x192: {  	v36 =	vmax.f32 v37, v36  }
0x193: {  	[tilespmem:v59+s15+$0x0] =	vst.idx.msk $0xffff, v36  }
0x194: {  	v36 =	vld [tilespmem:s22+$0xA680]  }
0x195: {  	v62 =	vld.idx.msk [tilespmem:v61+s14+$0x0], $0xffff;
	_ =	sdelay $0x4  }
0x196: {  	v37 =	vadd.f32 v62, v36;
	_ =	sdelay $0x1  }
0x197: {  	[tilespmem:v61+s14+$0x0] =	vst.idx.msk $0xffff, v37  }
0x198: {  	v37 =	vld.idx.msk [tilespmem:v61+s15+$0x0], $0xffff;
	_ =	sdelay $0x2  }
0x199: {  	v63 =	vor.u32 v10, v35;
	_ =	sdelay $0x1  }
0x19a: {  	v36 =	vmax.f32 v37, v36  }
0x19b: {  	[tilespmem:v61+s15+$0x0] =	vst.idx.msk $0xffff, v36  }
0x19c: {  	v36 =	vld [tilespmem:s22+$0xA690]  }
0x19d: {  	v42 =	vld.idx.msk [tilespmem:v63+s14+$0x0], $0xffff;
	_ =	sdelay $0x4  }
0x19e: {  	v37 =	vadd.f32 v42, v36;
	_ =	sdelay $0x1  }
0x19f: {  	[tilespmem:v63+s14+$0x0] =	vst.idx.msk $0xffff, v37  }
0x1a0: {  	v37 =	vld.idx.msk [tilespmem:v63+s15+$0x0], $0xffff;
	_ =	sdelay $0x2  }
0x1a1: {  	v43 =	vor.u32 v11, v35;
	_ =	sdelay $0x1  }
0x1a2: {  	v36 =	vmax.f32 v37, v36  }
0x1a3: {  	[tilespmem:v63+s15+$0x0] =	vst.idx.msk $0xffff, v36  }
0x1a4: {  	v36 =	vld [tilespmem:s22+$0xA6A0]  }
0x1a5: {  	v44 =	vld.idx.msk [tilespmem:v43+s14+$0x0], $0xffff;
	_ =	sdelay $0x4  }
0x1a6: {  	v37 =	vadd.f32 v44, v36;
	_ =	sdelay $0x1  }
0x1a7: {  	[tilespmem:v43+s14+$0x0] =	vst.idx.msk $0xffff, v37  }
0x1a8: {  	v37 =	vld.idx.msk [tilespmem:v43+s15+$0x0], $0xffff;
	_ =	sdelay $0x2  }
0x1a9: {  	v45 =	vor.u32 v12, v35;
	_ =	sdelay $0x1  }
0x1aa: {  	v36 =	vmax.f32 v37, v36  }
0x1ab: {  	[tilespmem:v43+s15+$0x0] =	vst.idx.msk $0xffff, v36  }
0x1ac: {  	v36 =	vld [tilespmem:s22+$0xA6B0]  }
0x1ad: {  	v46 =	vld.idx.msk [tilespmem:v45+s14+$0x0], $0xffff;
	_ =	sdelay $0x4  }
0x1ae: {  	v37 =	vadd.f32 v46, v36;
	_ =	sdelay $0x1  }
0x1af: {  	[tilespmem:v45+s14+$0x0] =	vst.idx.msk $0xffff, v37  }
0x1b0: {  	v37 =	vld.idx.msk [tilespmem:v45+s15+$0x0], $0xffff;
	_ =	sdelay $0x2  }
0x1b1: {  	v47 =	vor.u32 v13, v35;
	_ =	sdelay $0x1  }
0x1b2: {  	v36 =	vmax.f32 v37, v36  }
0x1b3: {  	[tilespmem:v45+s15+$0x0] =	vst.idx.msk $0xffff, v36  }
0x1b4: {  	v36 =	vld [tilespmem:s22+$0xA6C0]  }
0x1b5: {  	v48 =	vld.idx.msk [tilespmem:v47+s14+$0x0], $0xffff;
	_ =	sdelay $0x4  }
0x1b6: {  	v37 =	vadd.f32 v48, v36;
	_ =	sdelay $0x1  }
0x1b7: {  	[tilespmem:v47+s14+$0x0] =	vst.idx.msk $0xffff, v37  }
0x1b8: {  	v37 =	vld.idx.msk [tilespmem:v47+s15+$0x0], $0xffff;
	_ =	sdelay $0x2  }
0x1b9: {  	v49 =	vor.u32 v14, v35;
	_ =	sdelay $0x1  }
0x1ba: {  	v36 =	vmax.f32 v37, v36  }
0x1bb: {  	[tilespmem:v47+s15+$0x0] =	vst.idx.msk $0xffff, v36  }
0x1bc: {  	v36 =	vld [tilespmem:s22+$0xA6D0]  }
0x1bd: {  	v50 =	vld.idx.msk [tilespmem:v49+s14+$0x0], $0xffff;
	_ =	sdelay $0x4  }
0x1be: {  	v37 =	vadd.f32 v50, v36;
	_ =	sdelay $0x1  }
0x1bf: {  	[tilespmem:v49+s14+$0x0] =	vst.idx.msk $0xffff, v37  }
0x1c0: {  	v37 =	vld.idx.msk [tilespmem:v49+s15+$0x0], $0xffff;
	_ =	sdelay $0x2  }
0x1c1: {  	v51 =	vor.u32 v15, v35;
	_ =	sdelay $0x1  }
0x1c2: {  	v36 =	vmax.f32 v37, v36  }
0x1c3: {  	[tilespmem:v49+s15+$0x0] =	vst.idx.msk $0xffff, v36  }
0x1c4: {  	v36 =	vld [tilespmem:s22+$0xA6E0]  }
0x1c5: {  	v52 =	vld.idx.msk [tilespmem:v51+s14+$0x0], $0xffff;
	_ =	sdelay $0x4  }
0x1c6: {  	v37 =	vadd.f32 v52, v36;
	_ =	sdelay $0x1  }
0x1c7: {  	[tilespmem:v51+s14+$0x0] =	vst.idx.msk $0xffff, v37  }
0x1c8: {  	v37 =	vld.idx.msk [tilespmem:v51+s15+$0x0], $0xffff;
	_ =	sdelay $0x2  }
0x1c9: {  	v53 =	vor.u32 v16, v35;
	_ =	sdelay $0x1  }
0x1ca: {  	v36 =	vmax.f32 v37, v36  }
0x1cb: {  	[tilespmem:v51+s15+$0x0] =	vst.idx.msk $0xffff, v36  }
0x1cc: {  	v36 =	vld [tilespmem:s22+$0xA6F0]  }
0x1cd: {  	v54 =	vld.idx.msk [tilespmem:v53+s14+$0x0], $0xffff;
	_ =	sdelay $0x4  }
0x1ce: {  	v37 =	vadd.f32 v54, v36;
	_ =	sdelay $0x1  }
0x1cf: {  	[tilespmem:v53+s14+$0x0] =	vst.idx.msk $0xffff, v37  }
0x1d0: {  	v37 =	vld.idx.msk [tilespmem:v53+s15+$0x0], $0xffff;
	_ =	sdelay $0x2  }
0x1d1: {  	v55 =	vor.u32 v17, v35;
	_ =	sdelay $0x1  }
0x1d2: {  	v36 =	vmax.f32 v37, v36  }
0x1d3: {  	[tilespmem:v53+s15+$0x0] =	vst.idx.msk $0xffff, v36  }
0x1d4: {  	v36 =	vld [tilespmem:s22+$0xAA80]  }
0x1d5: {  	v56 =	vld.idx.msk [tilespmem:v55+s14+$0x0], $0xffff;
	_ =	sdelay $0x4  }
0x1d6: {  	v37 =	vadd.f32 v56, v36;
	_ =	sdelay $0x1  }
0x1d7: {  	[tilespmem:v55+s14+$0x0] =	vst.idx.msk $0xffff, v37  }
0x1d8: {  	v37 =	vld.idx.msk [tilespmem:v55+s15+$0x0], $0xffff;
	_ =	sdelay $0x2  }
0x1d9: {  	v57 =	vor.u32 v18, v35;
	_ =	sdelay $0x1  }
0x1da: {  	v36 =	vmax.f32 v37, v36  }
0x1db: {  	[tilespmem:v55+s15+$0x0] =	vst.idx.msk $0xffff, v36  }
0x1dc: {  	v36 =	vld [tilespmem:s22+$0xAA90]  }
0x1dd: {  	v58 =	vld.idx.msk [tilespmem:v57+s14+$0x0], $0xffff;
	_ =	sdelay $0x4  }
0x1de: {  	v37 =	vadd.f32 v58, v36;
	_ =	sdelay $0x1  }
0x1df: {  	[tilespmem:v57+s14+$0x0] =	vst.idx.msk $0xffff, v37  }
0x1e0: {  	v37 =	vld.idx.msk [tilespmem:v57+s15+$0x0], $0xffff;
	_ =	sdelay $0x2  }
0x1e1: {  	v59 =	vor.u32 v19, v35;
	_ =	sdelay $0x1  }
0x1e2: {  	v36 =	vmax.f32 v37, v36  }
0x1e3: {  	[tilespmem:v57+s15+$0x0] =	vst.idx.msk $0xffff, v36  }
0x1e4: {  	v36 =	vld [tilespmem:s22+$0xAAA0]  }
0x1e5: {  	v60 =	vld.idx.msk [tilespmem:v59+s14+$0x0], $0xffff;
	_ =	sdelay $0x4  }
0x1e6: {  	v37 =	vadd.f32 v60, v36;
	_ =	sdelay $0x1  }
0x1e7: {  	[tilespmem:v59+s14+$0x0] =	vst.idx.msk $0xffff, v37  }
0x1e8: {  	v37 =	vld.idx.msk [tilespmem:v59+s15+$0x0], $0xffff;
	_ =	sdelay $0x2  }
0x1e9: {  	v61 =	vor.u32 v20, v35;
	_ =	sdelay $0x1  }
0x1ea: {  	v36 =	vmax.f32 v37, v36  }
0x1eb: {  	[tilespmem:v59+s15+$0x0] =	vst.idx.msk $0xffff, v36  }
0x1ec: {  	v36 =	vld [tilespmem:s22+$0xAAB0]  }
0x1ed: {  	v62 =	vld.idx.msk [tilespmem:v61+s14+$0x0], $0xffff;
	_ =	sdelay $0x4  }
0x1ee: {  	v37 =	vadd.f32 v62, v36;
	_ =	sdelay $0x1  }
0x1ef: {  	[tilespmem:v61+s14+$0x0] =	vst.idx.msk $0xffff, v37  }
0x1f0: {  	v37 =	vld.idx.msk [tilespmem:v61+s15+$0x0], $0xffff;
	_ =	sdelay $0x2  }
0x1f1: {  	v63 =	vor.u32 v21, v35;
	_ =	sdelay $0x1  }
0x1f2: {  	v36 =	vmax.f32 v37, v36  }
0x1f3: {  	[tilespmem:v61+s15+$0x0] =	vst.idx.msk $0xffff, v36  }
0x1f4: {  	v36 =	vld [tilespmem:s22+$0xAAC0]  }
0x1f5: {  	v42 =	vld.idx.msk [tilespmem:v63+s14+$0x0], $0xffff;
	_ =	sdelay $0x4  }
0x1f6: {  	v37 =	vadd.f32 v42, v36;
	_ =	sdelay $0x1  }
0x1f7: {  	[tilespmem:v63+s14+$0x0] =	vst.idx.msk $0xffff, v37  }
0x1f8: {  	v37 =	vld.idx.msk [tilespmem:v63+s15+$0x0], $0xffff;
	_ =	sdelay $0x2  }
0x1f9: {  	v43 =	vor.u32 v22, v35;
	_ =	sdelay $0x1  }
0x1fa: {  	v36 =	vmax.f32 v37, v36  }
0x1fb: {  	[tilespmem:v63+s15+$0x0] =	vst.idx.msk $0xffff, v36  }
0x1fc: {  	v36 =	vld [tilespmem:s22+$0xAAD0]  }
0x1fd: {  	v44 =	vld.idx.msk [tilespmem:v43+s14+$0x0], $0xffff;
	_ =	sdelay $0x4  }
0x1fe: {  	v37 =	vadd.f32 v44, v36;
	_ =	sdelay $0x1  }
0x1ff: {  	[tilespmem:v43+s14+$0x0] =	vst.idx.msk $0xffff, v37  }
0x200: {  	v37 =	vld.idx.msk [tilespmem:v43+s15+$0x0], $0xffff;
	_ =	sdelay $0x2  }
0x201: {  	v45 =	vor.u32 v23, v35;
	_ =	sdelay $0x1  }
0x202: {  	v36 =	vmax.f32 v37, v36  }
0x203: {  	[tilespmem:v43+s15+$0x0] =	vst.idx.msk $0xffff, v36  }
0x204: {  	v36 =	vld [tilespmem:s22+$0xAAE0]  }
0x205: {  	v46 =	vld.idx.msk [tilespmem:v45+s14+$0x0], $0xffff;
	_ =	sdelay $0x4  }
0x206: {  	v37 =	vadd.f32 v46, v36;
	_ =	sdelay $0x1  }
0x207: {  	[tilespmem:v45+s14+$0x0] =	vst.idx.msk $0xffff, v37  }
0x208: {  	v37 =	vld.idx.msk [tilespmem:v45+s15+$0x0], $0xffff;
	_ =	sdelay $0x2  }
0x209: {  	v47 =	vor.u32 v24, v35;
	_ =	sdelay $0x1  }
0x20a: {  	v36 =	vmax.f32 v37, v36  }
0x20b: {  	[tilespmem:v45+s15+$0x0] =	vst.idx.msk $0xffff, v36  }
0x20c: {  	v36 =	vld [tilespmem:s22+$0xAAF0]  }
0x20d: {  	v48 =	vld.idx.msk [tilespmem:v47+s14+$0x0], $0xffff;
	_ =	sdelay $0x4  }
0x20e: {  	v37 =	vadd.f32 v48, v36;
	_ =	sdelay $0x1  }
0x20f: {  	[tilespmem:v47+s14+$0x0] =	vst.idx.msk $0xffff, v37  }
0x210: {  	v37 =	vld.idx.msk [tilespmem:v47+s15+$0x0], $0xffff;
	_ =	sdelay $0x2  }
0x211: {  	v49 =	vor.u32 v25, v35;
	_ =	sdelay $0x1  }
0x212: {  	v36 =	vmax.f32 v37, v36  }
0x213: {  	[tilespmem:v47+s15+$0x0] =	vst.idx.msk $0xffff, v36  }
0x214: {  	v36 =	vld [tilespmem:s22+$0xAE80]  }
0x215: {  	v50 =	vld.idx.msk [tilespmem:v49+s14+$0x0], $0xffff;
	_ =	sdelay $0x4  }
0x216: {  	v37 =	vadd.f32 v50, v36;
	_ =	sdelay $0x1  }
0x217: {  	[tilespmem:v49+s14+$0x0] =	vst.idx.msk $0xffff, v37  }
0x218: {  	v37 =	vld.idx.msk [tilespmem:v49+s15+$0x0], $0xffff;
	_ =	sdelay $0x2  }
0x219: {  	v51 =	vor.u32 v26, v35;
	_ =	sdelay $0x1  }
0x21a: {  	v36 =	vmax.f32 v37, v36  }
0x21b: {  	[tilespmem:v49+s15+$0x0] =	vst.idx.msk $0xffff, v36  }
0x21c: {  	v36 =	vld [tilespmem:s22+$0xAE90]  }
0x21d: {  	v52 =	vld.idx.msk [tilespmem:v51+s14+$0x0], $0xffff;
	_ =	sdelay $0x4  }
0x21e: {  	v37 =	vadd.f32 v52, v36;
	_ =	sdelay $0x1  }
0x21f: {  	[tilespmem:v51+s14+$0x0] =	vst.idx.msk $0xffff, v37  }
0x220: {  	v37 =	vld.idx.msk [tilespmem:v51+s15+$0x0], $0xffff;
	_ =	sdelay $0x2  }
0x221: {  	v53 =	vor.u32 v27, v35;
	_ =	sdelay $0x1  }
0x222: {  	v36 =	vmax.f32 v37, v36  }
0x223: {  	[tilespmem:v51+s15+$0x0] =	vst.idx.msk $0xffff, v36  }
0x224: {  	v36 =	vld [tilespmem:s22+$0xAEA0]  }
0x225: {  	v54 =	vld.idx.msk [tilespmem:v53+s14+$0x0], $0xffff;
	_ =	sdelay $0x4  }
0x226: {  	v37 =	vadd.f32 v54, v36;
	_ =	sdelay $0x1  }
0x227: {  	[tilespmem:v53+s14+$0x0] =	vst.idx.msk $0xffff, v37  }
0x228: {  	v37 =	vld.idx.msk [tilespmem:v53+s15+$0x0], $0xffff;
	_ =	sdelay $0x2  }
0x229: {  	v55 =	vor.u32 v28, v35;
	_ =	sdelay $0x1  }
0x22a: {  	v36 =	vmax.f32 v37, v36  }
0x22b: {  	[tilespmem:v53+s15+$0x0] =	vst.idx.msk $0xffff, v36  }
0x22c: {  	v36 =	vld [tilespmem:s22+$0xAEB0]  }
0x22d: {  	v56 =	vld.idx.msk [tilespmem:v55+s14+$0x0], $0xffff;
	_ =	sdelay $0x4  }
0x22e: {  	v37 =	vadd.f32 v56, v36;
	_ =	sdelay $0x1  }
0x22f: {  	[tilespmem:v55+s14+$0x0] =	vst.idx.msk $0xffff, v37  }
0x230: {  	v37 =	vld.idx.msk [tilespmem:v55+s15+$0x0], $0xffff;
	_ =	sdelay $0x2  }
0x231: {  	v57 =	vor.u32 v29, v35;
	_ =	sdelay $0x1  }
0x232: {  	v36 =	vmax.f32 v37, v36  }
0x233: {  	[tilespmem:v55+s15+$0x0] =	vst.idx.msk $0xffff, v36  }
0x234: {  	v36 =	vld [tilespmem:s22+$0xAEC0]  }
0x235: {  	v58 =	vld.idx.msk [tilespmem:v57+s14+$0x0], $0xffff;
	_ =	sdelay $0x4  }
0x236: {  	v37 =	vadd.f32 v58, v36;
	_ =	sdelay $0x1  }
0x237: {  	[tilespmem:v57+s14+$0x0] =	vst.idx.msk $0xffff, v37  }
0x238: {  	v37 =	vld.idx.msk [tilespmem:v57+s15+$0x0], $0xffff;
	_ =	sdelay $0x2  }
0x239: {  	v59 =	vor.u32 v30, v35;
	_ =	sdelay $0x1  }
0x23a: {  	v36 =	vmax.f32 v37, v36  }
0x23b: {  	[tilespmem:v57+s15+$0x0] =	vst.idx.msk $0xffff, v36  }
0x23c: {  	v36 =	vld [tilespmem:s22+$0xAED0]  }
0x23d: {  	v60 =	vld.idx.msk [tilespmem:v59+s14+$0x0], $0xffff;
	_ =	sdelay $0x4  }
0x23e: {  	v37 =	vadd.f32 v60, v36;
	_ =	sdelay $0x1  }
0x23f: {  	[tilespmem:v59+s14+$0x0] =	vst.idx.msk $0xffff, v37  }
0x240: {  	v37 =	vld.idx.msk [tilespmem:v59+s15+$0x0], $0xffff;
	_ =	sdelay $0x2  }
0x241: {  	v61 =	vor.u32 v31, v35;
	_ =	sdelay $0x1  }
0x242: {  	v36 =	vmax.f32 v37, v36  }
0x243: {  	[tilespmem:v59+s15+$0x0] =	vst.idx.msk $0xffff, v36  }
0x244: {  	v36 =	vld [tilespmem:s22+$0xAEE0]  }
0x245: {  	v62 =	vld.idx.msk [tilespmem:v61+s14+$0x0], $0xffff;
	_ =	sdelay $0x4  }
0x246: {  	v37 =	vadd.f32 v62, v36;
	_ =	sdelay $0x1  }
0x247: {  	[tilespmem:v61+s14+$0x0] =	vst.idx.msk $0xffff, v37  }
0x248: {  	v37 =	vld.idx.msk [tilespmem:v61+s15+$0x0], $0xffff;
	_ =	sdelay $0x2  }
0x249: {  	v35 =	vor.u32 v32, v35;
	_ =	sdelay $0x1  }
0x24a: {  	v36 =	vmax.f32 v37, v36  }
0x24b: {  	[tilespmem:v61+s15+$0x0] =	vst.idx.msk $0xffff, v36  }
0x24c: {  	v36 =	vld [tilespmem:s22+$0xAEF0]  }
0x24d: {  	v63 =	vld.idx.msk [tilespmem:v35+s14+$0x0], $0xffff;
	_ =	sdelay $0x4  }
0x24e: {  	v37 =	vadd.f32 v63, v36;
	_ =	sdelay $0x1  }
0x24f: {  	[tilespmem:v35+s14+$0x0] =	vst.idx.msk $0xffff, v37  }
0x250: {  	v37 =	vld.idx.msk [tilespmem:v35+s15+$0x0], $0xffff  }
0x251: {  	p2 =	sne.s32 s21, $0xF  }
.Ltmp8:
0x252: {  	_ = 	snop;
	(pc) =	sbr.rel @p2 .LBB2_6-.Ltmp8, $3  }
0x253: {  	_ =	sdelay $0x1  }
0x254: {  	v36 =	vmax.f32 v37, v36  }
0x255: {  	s20 =	sadd.s32 $0x80, s20;
	s19 =	sadd.s32 $0x200, s19;
	s21 =	sadd.s32 $0x1, s21;
	[tilespmem:v35+s15+$0x0] =	vst.idx.msk $0xffff, v36  }
.Ltmp9:
0x256: {  	(pc) =	sbr.rel @p1 .LBB2_5-.Ltmp9, $2  }
0x257: {  	_ =	sdelay $0x2  }
0x258: {  	s19 =	simm.s32 $0x10;
	p2 =	por $0x0, $0x0  }
0x259: {  	s18 =	sadd.s32 $0x1, s18  }
0x25a: {  	p1 =	seq.s32 s18, $0x14  }
.Ltmp10:
0x25b: {  	_ = 	snop;
	(pc) =	sbr.rel @!p1 .LBB2_4-.Ltmp10, $4  }
.Ltmp11:
0x25c: {  	_ = 	snop;
	(pc) =	sbr.rel @p1 .LBB2_14-.Ltmp11, $4  }
0x25d: {  	_ = 	snop  }
0x25e: {  	_ = 	snop  }
0x25f: {  	_ = 	snop  }
0x260: {  	_ = 	snop  }
.LBB2_15:
0x261: {  	_ =	sfence.sel $0x180000  }
0x262: {  	[bflag:$0x0] =	sbarrier.arrive $0xFFFF  }
0x263: {  	p0 =	sne.s32 s1, $0x0;
	_ =	strace $0x90000056  }
0x264: {  	s0 =	sadd.s32 @!p0 $0x100000, s0;
	[bflag:$0x2] =	sbarrier.arrive $0xFFFF  }
0x265: {  	[sflag:s0] =	ssyncadd.tile.s32 @!p0 $0x1;
	_ =	shalt  }
.Lfunc_end2:
_tile_overlayer_lowered:
.L_overlay_start_2:
0x266: {  	(tag) =	ssettag $0x2  }
0x267: {  	s0 =	rddreg [dreg:$0x0];
	s2 =	stileid.u32  }
0x268: {  	s1 =	rddreg [dreg:$0x1];
	p0 =	sne.s32 s2, $0x0  }
0x269: {  	s3 =	rddreg [dreg:$0x2];
	[bflag:$0x3] =	sbarrier.arrive $0xFFFF;
	s2 =	simm.s32 @!p0 $0x1C01  }
0x26a: {  	[timem:s3], [sflag:s2] =	dma.local @!p0 [hbm:s0], s1  }
0x26b: {  	s0 =	simm.s32 @!p0 $0x1  }
0x26c: {  	_ =	swait.ge @!p0 [sflag:s0], s1  }
0x26d: {  	s1 =	ssub.s32 @!p0 $0x0, s1;
	[sflag:s0] =	ssyncset.done @!p0 $0x0  }
0x26e: {  	[sflag:s0] =	ssyncadd.s32 @!p0 s1  }
0x26f: {  	[bflag:$0x3] =	sbarrier.arrive $0xFFFF  }
0x270: {  	_ =	shalt  }

</sc_bundles>
